<compile_context>
chip_gen: v7x
topology: tpu7x:2x2x1
jax: 0.10.2.dev20260603
libtpu: 0.0.44.dev20260713+nightly
codegen_flags: <defaults>
</compile_context>

<pallas_src>
import functools

import jax
import jax.numpy as jnp
from jax import lax
from jax.experimental import pallas as pl
from jax.experimental.pallas import tpu as pltpu
from jax.experimental.pallas import tpu_sc as plsc

B = 4096
L = 200
D = 32
V = 1000000
NC = 2
NS = 16
NW = NC * NS
SEQ_PER_W = B // NW
C0, C1 = 104, 96
UNROLL = 8

VCH = 512
RP = 40
NTILECH = V // VCH
VTAIL = V - NTILECH * VCH


def _fmt_body(tblT_hbm, tail_hbm, out_hbm, in0, in1, outb0, outb1,
              isem0, isem1, osem0, osem1):
    wid = lax.axis_index("s") * NC + lax.axis_index("c")

    lane = lax.iota(jnp.int32, 16)
    lane32 = lane * D

    in_bufs = (in0, in1)
    out_bufs = (outb0, outb1)
    isems = (isem0, isem1)
    osems = (osem0, osem1)

    def issue_read(c, inb, isem):
        v0 = c * VCH
        for dblk in range(4):
            for vblk in range(VCH // 128):
                pltpu.async_copy(
                    tblT_hbm.at[pl.ds(dblk * 8, 8),
                                pl.ds(v0 + vblk * 128, 128)],
                    inb.at[pl.ds(dblk * 8, 8), pl.ds(vblk * 128, 128)],
                    isem)

    def wait_read(inb, isem):
        for _ in range(4 * (VCH // 128)):
            pltpu.make_async_copy(
                tblT_hbm.at[pl.ds(0, 8), pl.ds(0, 128)],
                inb.at[pl.ds(0, 8), pl.ds(0, 128)], isem).wait()

    lane_rp = lane * RP

    def transpose_chunk(inb, outb):
        def tbody(g, carry):
            base = g * 16
            idx = lane_rp + base * RP
            for d in range(D):
                vals = inb[d, pl.ds(base, 16)]
                plsc.store_scatter(outb, [idx + d], vals)
            return carry
        lax.fori_loop(0, VCH // 16, tbody, 0)

    issue_read(wid, in0, isem0)
    issue_read(NW + wid, in1, isem1)

    def round_body(k, carry):
        for p in range(2):
            c = (2 * k + p) * NW + wid
            inb, outb = in_bufs[p], out_bufs[p]
            isem, osem = isems[p], osems[p]

            @pl.when(c < NTILECH)
            def _():
                wait_read(inb, isem)

                @pl.when(k > 0)
                def _():
                    pltpu.make_async_copy(
                        outb, out_hbm.at[pl.ds(0, VCH * RP)], osem).wait()

                transpose_chunk(inb, outb)
                pltpu.async_copy(outb, out_hbm.at[pl.ds(c * VCH * RP,
                                                        VCH * RP)], osem)

                @pl.when(c + 2 * NW < NTILECH)
                def _():
                    issue_read(c + 2 * NW, inb, isem)
        return carry

    nrounds = (NTILECH + 2 * NW - 1) // (2 * NW)
    lax.fori_loop(0, nrounds, round_body, 0)

    for p in range(2):
        pltpu.make_async_copy(out_bufs[p], out_hbm.at[pl.ds(0, VCH * RP)],
                              osems[p]).wait()

    @pl.when(wid == 0)
    def _():
        pltpu.sync_copy(tail_hbm, outb1.at[pl.ds(0, VTAIL * D)])

        def tailb(t, carry):
            for j in range(8):
                v = t * 8 + j
                outb0[pl.ds(v * RP, 16)] = outb1[pl.ds(v * D, 16)]
                outb0[pl.ds(v * RP + 16, 16)] = outb1[pl.ds(v * D + 16,
                                                            16)]
            return carry
        lax.fori_loop(0, VTAIL // 8, tailb, 0)
        pltpu.sync_copy(outb0.at[pl.ds(0, VTAIL * RP)],
                        out_hbm.at[pl.ds(NTILECH * VCH * RP, VTAIL * RP)])


@functools.partial(
    pl.kernel,
    out_type=jax.ShapeDtypeStruct((V * RP,), jnp.float32),
    mesh=plsc.VectorSubcoreMesh(core_axis_name="c", subcore_axis_name="s",
                                num_cores=NC, num_subcores=NS),
    compiler_params=pltpu.CompilerParams(needs_layout_passes=False,
                                         use_tc_tiling_on_sc=True),
    scratch_types=[
        pltpu.VMEM((D, VCH), jnp.float32),
        pltpu.VMEM((D, VCH), jnp.float32),
        pltpu.VMEM((VCH * RP,), jnp.float32),
        pltpu.VMEM((VCH * RP,), jnp.float32),
        pltpu.SemaphoreType.DMA,
        pltpu.SemaphoreType.DMA,
        pltpu.SemaphoreType.DMA,
        pltpu.SemaphoreType.DMA,
    ],
)
def _table_to_rowmajor(tblT_hbm, tail_hbm, out_hbm, *rest):
    _fmt_body(tblT_hbm, tail_hbm, out_hbm, *rest)


def _sc_body(x_hbm, table_hbm, emb_hbm, len_hbm,
             idx_v, rows0, rows1, outt0, outt1, len_v,
             gsem0, gsem1, osem0, osem1):
    wid = lax.axis_index("s") * NC + lax.axis_index("c")
    seq_base = wid * SEQ_PER_W

    pltpu.sync_copy(x_hbm.at[pl.ds(seq_base, SEQ_PER_W)], idx_v)

    lane = lax.iota(jnp.int32, 16)
    lane0 = lane == 0
    tail_mask = lane >= 8

    rows_bufs = (rows0, rows1)
    outt_bufs = (outt0, outt1)
    gsems = (gsem0, gsem1)
    osems = (osem0, osem1)

    def issue_gather(s_local, rows, gsem):
        pltpu.async_copy(table_hbm.at[idx_v.at[s_local, pl.ds(0, C0)]],
                         rows.at[pl.ds(0, C0)], gsem)
        pltpu.async_copy(table_hbm.at[idx_v.at[s_local, pl.ds(C0, C1)]],
                         rows.at[pl.ds(C0, C1)], gsem)

    def transpose_seq(rows, outt):
        def tbody(t, carry):
            for j in range(UNROLL):
                l = t * UNROLL + j
                v0 = rows[l, pl.ds(0, 16)]
                v1 = rows[l, pl.ds(16, 16)]
                lsplat = jnp.full((16,), l, jnp.int32)
                plsc.store_scatter(outt, [lane, lsplat], v0)
                plsc.store_scatter(outt, [lane + 16, lsplat], v1)
            return carry
        lax.fori_loop(0, L // UNROLL, tbody, 0)

    def count_seq(s_local):
        cnt = jnp.zeros((16,), jnp.int32)
        for j in range(12):
            v = idx_v[s_local, pl.ds(j * 16, 16)]
            cnt = cnt + (v != 0).astype(jnp.int32)
        v = idx_v[s_local, pl.ds(184, 16)]
        cnt = cnt + ((v != 0) & tail_mask).astype(jnp.int32)
        total = jnp.sum(cnt)
        plsc.store_scatter(len_v, [jnp.full((16,), s_local, jnp.int32)],
                           jnp.full((16,), total, jnp.int32), mask=lane0)

    issue_gather(0, rows0, gsem0)
    issue_gather(1, rows1, gsem1)

    def body(i, carry):
        for k in range(2):
            s = i * 2 + k
            rows, outt = rows_bufs[k], outt_bufs[k]
            gsem, osem = gsems[k], osems[k]

            pltpu.make_async_copy(table_hbm.at[pl.ds(0, L)], rows,
                                  gsem).wait()

            @pl.when(i > 0)
            def _():
                pltpu.make_async_copy(outt, emb_hbm.at[0], osem).wait()

            transpose_seq(rows, outt)
            count_seq(s)

            pltpu.async_copy(outt, emb_hbm.at[seq_base + s], osem)

            @pl.when(s + 2 < SEQ_PER_W)
            def _():
                issue_gather(s + 2, rows, gsem)
        return carry

    lax.fori_loop(0, SEQ_PER_W // 2, body, 0)

    for k in range(2):
        pltpu.make_async_copy(outt_bufs[k], emb_hbm.at[0], osems[k]).wait()
    pltpu.sync_copy(len_v, len_hbm.at[pl.ds(seq_base, SEQ_PER_W)])


@functools.partial(
    pl.kernel,
    out_type=(jax.ShapeDtypeStruct((B, D, L), jnp.float32),
              jax.ShapeDtypeStruct((B,), jnp.int32)),
    mesh=plsc.VectorSubcoreMesh(core_axis_name="c", subcore_axis_name="s",
                                num_cores=NC, num_subcores=NS),
    compiler_params=pltpu.CompilerParams(needs_layout_passes=False,
                                         use_tc_tiling_on_sc=False),
    scratch_types=[
        pltpu.VMEM((SEQ_PER_W, L), jnp.int32),
        pltpu.VMEM((L, RP), jnp.float32),
        pltpu.VMEM((L, RP), jnp.float32),
        pltpu.VMEM((D, L), jnp.float32),
        pltpu.VMEM((D, L), jnp.float32),
        pltpu.VMEM((SEQ_PER_W,), jnp.int32),
        pltpu.SemaphoreType.DMA,
        pltpu.SemaphoreType.DMA,
        pltpu.SemaphoreType.DMA,
        pltpu.SemaphoreType.DMA,
    ],
)
def _embedding_sc(x_hbm, table_hbm, emb_hbm, len_hbm, *rest):
    _sc_body(x_hbm, table_hbm, emb_hbm, len_hbm, *rest)


def kernel(x, table):
    tail = table[NTILECH * VCH:].reshape(-1)
    tbl_flat = _table_to_rowmajor(table.T, tail)
    return _embedding_sc(x, tbl_flat.reshape(V, RP))

# --- scband reference (transcript-rebuilt; emitter-appended) ---
"""Pipeline reference for scband-embedding-model-24550033064387 (READ-ONLY COPY).

The authoritative reference and input builder live on the scoring server;
editing this copy changes nothing except your own understanding.
"""

import jax, jax.numpy as jnp
import numpy as np

VOCAB = 1000000
D_MODEL = 32
PADDING_IDX = 0

def setup_inputs(seed: int = 0) -> dict:
    key = jax.random.key(seed)
    k1, k2 = jax.random.split(key)
    x = jax.random.randint(k1, (4096, 200), 0, VOCAB, dtype=jnp.int64 if jax.config.jax_enable_x64 else jnp.int32).astype(jnp.int32)
    table = jax.random.normal(k2, (VOCAB, D_MODEL), dtype=jnp.float32)
    # nn.Embedding with padding_idx zeros that row at init
    table = table.at[PADDING_IDX].set(0.0)
    return {"x": x, "table": table}

def reference(x, table):
    # lengths: count of non-padding tokens per sequence
    non_padding_mask = (x != PADDING_IDX)
    lengths = non_padding_mask.sum(axis=-1)
    # embedding lookup (gather)
    emb = jnp.take(table, x, axis=0)  # (B, L, D)
    # permute (0, 2, 1) -> (B, D, L)
    emb = jnp.transpose(emb, (0, 2, 1))
    return (emb, lengths)

if __name__ == "__main__":
    import jax
    _d = setup_inputs()
    print(jax.jit(kernel)(*tuple(_d.values())))

</pallas_src>

<mosaic_0001>
#map = affine_map<(d0, d1) -> (0, 0)>
#map1 = affine_map<(d0, d1) -> (0, 0, 0)>
#map2 = affine_map<(d0, d1) -> (0)>
module attributes {stable_mosaic.version = 14 : i64} {
  func.func @_embedding_sc(%arg0: i32, %arg1: i32, %arg2: memref<4096x200xi32, #tpu.memory_space<hbm>>, %arg3: memref<1000000x40xf32, #tpu.memory_space<hbm>>, %arg4: memref<4096x32x200xf32, #tpu.memory_space<hbm>>, %arg5: memref<4096xi32, #tpu.memory_space<hbm>>, %arg6: memref<128x200xi32, #tpu.memory_space<vmem>>, %arg7: memref<200x40xf32, #tpu.memory_space<vmem>>, %arg8: memref<200x40xf32, #tpu.memory_space<vmem>>, %arg9: memref<32x200xf32, #tpu.memory_space<vmem>>, %arg10: memref<32x200xf32, #tpu.memory_space<vmem>>, %arg11: memref<128xi32, #tpu.memory_space<vmem>>, %arg12: memref<!tpu.dma_semaphore, #tpu.memory_space<semaphore_mem>>, %arg13: memref<!tpu.dma_semaphore, #tpu.memory_space<semaphore_mem>>, %arg14: memref<!tpu.dma_semaphore, #tpu.memory_space<semaphore_mem>>, %arg15: memref<!tpu.dma_semaphore, #tpu.memory_space<semaphore_mem>>) attributes {dimension_semantics = [#tpu.dimension_semantics<core_parallel>, #tpu.dimension_semantics<subcore_parallel>], iteration_bounds = array<i64: 2, 16>, scalar_prefetch = 0 : i64, scratch_operands = 10 : i64, tpu.core_type = #tpu.core_type<sc_vector_subcore>, window_params = [{transform_indices = #map}, {transform_indices = #map}, {transform_indices = #map1}, {transform_indices = #map2}]} {
    %mul3A = arith.constant 2 : i32
    %mul3A_0 = arith.muli %arg1, %mul3A : i32
    %add3A = arith.addi %mul3A_0, %arg0 : i32
    %mul3A_1 = arith.constant 128 : i32
    %mul3A_2 = arith.muli %add3A, %mul3A_1 : i32
    "tpu.region"() ({
      %run_scoped3A = tpu.sem_alloc : memref<!tpu.dma_semaphore, #tpu.memory_space<semaphore_mem>>
      %dma_start3A_68 = arith.constant 0 : i32
      %dma_start3A_69 = tpu.memref_slice %arg2[%mul3A_2, %dma_start3A_68] : memref<4096x200xi32, #tpu.memory_space<hbm>> -> memref<128x200xi32, #tpu.memory_space<hbm>>
      %dma_start3A_70 = arith.constant 0 : i32
      %dma_start3A_71 = tpu.memref_slice %arg2[%mul3A_2, %dma_start3A_70] : memref<4096x200xi32, #tpu.memory_space<hbm>> -> memref<128x200xi32, #tpu.memory_space<hbm>>
      tpu.enqueue_dma source(%dma_start3A_71 : memref<128x200xi32, #tpu.memory_space<hbm>>) target(%arg6 : memref<128x200xi32, #tpu.memory_space<vmem>>) target_semaphore(%run_scoped3A : memref<!tpu.dma_semaphore, #tpu.memory_space<semaphore_mem>>)
      %dma_wait3A_72 = arith.constant 0 : i32
      %dma_wait3A_73 = tpu.memref_slice %arg2[%mul3A_2, %dma_wait3A_72] : memref<4096x200xi32, #tpu.memory_space<hbm>> -> memref<128x200xi32, #tpu.memory_space<hbm>>
      %dma_wait3A_74 = arith.constant 0 : i32
      %dma_wait3A_75 = tpu.memref_slice %arg2[%mul3A_2, %dma_wait3A_74] : memref<4096x200xi32, #tpu.memory_space<hbm>> -> memref<128x200xi32, #tpu.memory_space<hbm>>
      tpu.wait_dma2 semaphore(%run_scoped3A : memref<!tpu.dma_semaphore, #tpu.memory_space<semaphore_mem>>) src(%dma_wait3A_75 : memref<128x200xi32, #tpu.memory_space<hbm>>) dst(%arg6 : memref<128x200xi32, #tpu.memory_space<vmem>>)
      tpu.yield
    }) : () -> ()
    %iota3A = tpu.iota {dimensions = array<i32: 0>} : vector<16xi32>
    %eq3A = arith.constant 0 : i32
    %eq3A_3 = vector.broadcast %eq3A : i32 to vector<16xi32>
    %eq3A_4 = arith.cmpi eq, %iota3A, %eq3A_3 : vector<16xi32>
    %ge3A = arith.constant 8 : i32
    %ge3A_5 = vector.broadcast %ge3A : i32 to vector<16xi32>
    %ge3A_6 = arith.cmpi sge, %iota3A, %ge3A_5 : vector<16xi32>
    %dma_start3A = arith.constant 0 : i32
    %dma_start3A_7 = arith.constant 0 : i32
    %dma_start3A_8 = arith.constant 0 : i32
    %dma_start3A_9 = tpu.memref_slice %arg7[%dma_start3A_7, %dma_start3A_8] : memref<200x40xf32, #tpu.memory_space<vmem>> -> memref<104x40xf32, #tpu.memory_space<vmem>>
    %dma_start3A_10 = arith.constant 0 : i32
    %dma_start3A_11 = tpu.memref_slice %arg6[%dma_start3A, %dma_start3A_10] : memref<128x200xi32, #tpu.memory_space<vmem>> -> memref<1x104xi32, #tpu.memory_space<vmem>>
    %dma_start3A_12 = tpu.memref_squeeze %dma_start3A_11 : memref<1x104xi32, #tpu.memory_space<vmem>> -> memref<104xi32, #tpu.memory_space<vmem>>
    %dma_start3A_13 = arith.constant 0 : i32
    %dma_start3A_14 = arith.constant 0 : i32
    %dma_start3A_15 = tpu.memref_slice %arg3[%dma_start3A_13, %dma_start3A_14] : memref<1000000x40xf32, #tpu.memory_space<hbm>> -> memref<1000000x40xf32, #tpu.memory_space<hbm>>
    tpu.enqueue_indirect_dma source(%dma_start3A_15 : memref<1000000x40xf32, #tpu.memory_space<hbm>>) target(%dma_start3A_9 : memref<104x40xf32, #tpu.memory_space<vmem>>) offsets(%dma_start3A_12 : memref<104xi32, #tpu.memory_space<vmem>>) semaphore(%arg12 : memref<!tpu.dma_semaphore, #tpu.memory_space<semaphore_mem>>)
    %dma_start3A_16 = arith.constant 0 : i32
    %dma_start3A_17 = arith.constant 104 : i32
    %dma_start3A_18 = arith.constant 0 : i32
    %dma_start3A_19 = tpu.memref_slice %arg7[%dma_start3A_17, %dma_start3A_18] : memref<200x40xf32, #tpu.memory_space<vmem>> -> memref<96x40xf32, #tpu.memory_space<vmem>>
    %dma_start3A_20 = arith.constant 104 : i32
    %dma_start3A_21 = tpu.memref_slice %arg6[%dma_start3A_16, %dma_start3A_20] : memref<128x200xi32, #tpu.memory_space<vmem>> -> memref<1x96xi32, #tpu.memory_space<vmem>>
    %dma_start3A_22 = tpu.memref_squeeze %dma_start3A_21 : memref<1x96xi32, #tpu.memory_space<vmem>> -> memref<96xi32, #tpu.memory_space<vmem>>
    %dma_start3A_23 = arith.constant 0 : i32
    %dma_start3A_24 = arith.constant 0 : i32
    %dma_start3A_25 = tpu.memref_slice %arg3[%dma_start3A_23, %dma_start3A_24] : memref<1000000x40xf32, #tpu.memory_space<hbm>> -> memref<1000000x40xf32, #tpu.memory_space<hbm>>
    tpu.enqueue_indirect_dma source(%dma_start3A_25 : memref<1000000x40xf32, #tpu.memory_space<hbm>>) target(%dma_start3A_19 : memref<96x40xf32, #tpu.memory_space<vmem>>) offsets(%dma_start3A_22 : memref<96xi32, #tpu.memory_space<vmem>>) semaphore(%arg12 : memref<!tpu.dma_semaphore, #tpu.memory_space<semaphore_mem>>)
    %dma_start3A_26 = arith.constant 1 : i32
    %dma_start3A_27 = arith.constant 0 : i32
    %dma_start3A_28 = arith.constant 0 : i32
    %dma_start3A_29 = tpu.memref_slice %arg8[%dma_start3A_27, %dma_start3A_28] : memref<200x40xf32, #tpu.memory_space<vmem>> -> memref<104x40xf32, #tpu.memory_space<vmem>>
    %dma_start3A_30 = arith.constant 0 : i32
    %dma_start3A_31 = tpu.memref_slice %arg6[%dma_start3A_26, %dma_start3A_30] : memref<128x200xi32, #tpu.memory_space<vmem>> -> memref<1x104xi32, #tpu.memory_space<vmem>>
    %dma_start3A_32 = tpu.memref_squeeze %dma_start3A_31 : memref<1x104xi32, #tpu.memory_space<vmem>> -> memref<104xi32, #tpu.memory_space<vmem>>
    %dma_start3A_33 = arith.constant 0 : i32
    %dma_start3A_34 = arith.constant 0 : i32
    %dma_start3A_35 = tpu.memref_slice %arg3[%dma_start3A_33, %dma_start3A_34] : memref<1000000x40xf32, #tpu.memory_space<hbm>> -> memref<1000000x40xf32, #tpu.memory_space<hbm>>
    tpu.enqueue_indirect_dma source(%dma_start3A_35 : memref<1000000x40xf32, #tpu.memory_space<hbm>>) target(%dma_start3A_29 : memref<104x40xf32, #tpu.memory_space<vmem>>) offsets(%dma_start3A_32 : memref<104xi32, #tpu.memory_space<vmem>>) semaphore(%arg13 : memref<!tpu.dma_semaphore, #tpu.memory_space<semaphore_mem>>)
    %dma_start3A_36 = arith.constant 1 : i32
    %dma_start3A_37 = arith.constant 104 : i32
    %dma_start3A_38 = arith.constant 0 : i32
    %dma_start3A_39 = tpu.memref_slice %arg8[%dma_start3A_37, %dma_start3A_38] : memref<200x40xf32, #tpu.memory_space<vmem>> -> memref<96x40xf32, #tpu.memory_space<vmem>>
    %dma_start3A_40 = arith.constant 104 : i32
    %dma_start3A_41 = tpu.memref_slice %arg6[%dma_start3A_36, %dma_start3A_40] : memref<128x200xi32, #tpu.memory_space<vmem>> -> memref<1x96xi32, #tpu.memory_space<vmem>>
    %dma_start3A_42 = tpu.memref_squeeze %dma_start3A_41 : memref<1x96xi32, #tpu.memory_space<vmem>> -> memref<96xi32, #tpu.memory_space<vmem>>
    %dma_start3A_43 = arith.constant 0 : i32
    %dma_start3A_44 = arith.constant 0 : i32
    %dma_start3A_45 = tpu.memref_slice %arg3[%dma_start3A_43, %dma_start3A_44] : memref<1000000x40xf32, #tpu.memory_space<hbm>> -> memref<1000000x40xf32, #tpu.memory_space<hbm>>
    tpu.enqueue_indirect_dma source(%dma_start3A_45 : memref<1000000x40xf32, #tpu.memory_space<hbm>>) target(%dma_start3A_39 : memref<96x40xf32, #tpu.memory_space<vmem>>) offsets(%dma_start3A_42 : memref<96xi32, #tpu.memory_space<vmem>>) semaphore(%arg13 : memref<!tpu.dma_semaphore, #tpu.memory_space<semaphore_mem>>)
    %scan3A = arith.constant 0 : i32
    %scan3A_46 = arith.constant 0 : i32
    %scan3A_47 = arith.constant 64 : i32
    %scan3A_48 = arith.addi %scan3A_46, %scan3A_47 : i32
    %scan3A_49 = arith.constant 1 : i32
    scf.for %scan3A_68 = %scan3A_46 to %scan3A_48 step %scan3A_49  : i32 {
      %mul3A_69 = arith.constant 2 : i32
      %mul3A_70 = arith.muli %scan3A_68, %mul3A_69 : i32
      %add3A_71 = arith.constant 0 : i32
      %add3A_72 = arith.addi %mul3A_70, %add3A_71 : i32
      %dma_wait3A_73 = arith.constant 0 : i32
      %dma_wait3A_74 = arith.constant 0 : i32
      %dma_wait3A_75 = tpu.memref_slice %arg3[%dma_wait3A_73, %dma_wait3A_74] : memref<1000000x40xf32, #tpu.memory_space<hbm>> -> memref<200x40xf32, #tpu.memory_space<hbm>>
      %dma_wait3A_76 = arith.constant 0 : i32
      %dma_wait3A_77 = arith.constant 0 : i32
      %dma_wait3A_78 = tpu.memref_slice %arg3[%dma_wait3A_76, %dma_wait3A_77] : memref<1000000x40xf32, #tpu.memory_space<hbm>> -> memref<200x40xf32, #tpu.memory_space<hbm>>
      tpu.wait_dma2 semaphore(%arg12 : memref<!tpu.dma_semaphore, #tpu.memory_space<semaphore_mem>>) src(%dma_wait3A_78 : memref<200x40xf32, #tpu.memory_space<hbm>>) dst(%arg7 : memref<200x40xf32, #tpu.memory_space<vmem>>)
      %gt3A = arith.constant 0 : i32
      %gt3A_79 = arith.cmpi sgt, %scan3A_68, %gt3A : i32
      %convert_element_type3A = arith.extui %gt3A_79 : i1 to i32
      %cond3A = arith.constant 0 : i32
      %cond3A_80 = arith.cmpi ne, %convert_element_type3A, %cond3A : i32
      scf.if %cond3A_80 {
        %dma_wait3A_360 = arith.constant 0 : i32
        %dma_wait3A_361 = arith.constant 0 : i32
        %dma_wait3A_362 = arith.constant 0 : i32
        %dma_wait3A_363 = tpu.memref_slice %arg4[%dma_wait3A_360, %dma_wait3A_361, %dma_wait3A_362] : memref<4096x32x200xf32, #tpu.memory_space<hbm>> -> memref<1x32x200xf32, #tpu.memory_space<hbm>>
        %dma_wait3A_364 = tpu.memref_squeeze %dma_wait3A_363 : memref<1x32x200xf32, #tpu.memory_space<hbm>> -> memref<32x200xf32, #tpu.memory_space<hbm>>
        %dma_wait3A_365 = arith.constant 0 : i32
        %dma_wait3A_366 = arith.constant 0 : i32
        %dma_wait3A_367 = tpu.memref_slice %arg4[%dma_wait3A_360, %dma_wait3A_365, %dma_wait3A_366] : memref<4096x32x200xf32, #tpu.memory_space<hbm>> -> memref<1x32x200xf32, #tpu.memory_space<hbm>>
        %dma_wait3A_368 = tpu.memref_squeeze %dma_wait3A_367 : memref<1x32x200xf32, #tpu.memory_space<hbm>> -> memref<32x200xf32, #tpu.memory_space<hbm>>
        tpu.wait_dma2 semaphore(%arg14 : memref<!tpu.dma_semaphore, #tpu.memory_space<semaphore_mem>>) src(%arg9 : memref<32x200xf32, #tpu.memory_space<vmem>>) dst(%dma_wait3A_368 : memref<32x200xf32, #tpu.memory_space<hbm>>)
      } else {
      }
      %scan3A_81 = arith.constant 0 : i32
      %scan3A_82 = arith.constant 0 : i32
      %scan3A_83 = arith.constant 25 : i32
      %scan3A_84 = arith.addi %scan3A_82, %scan3A_83 : i32
      %scan3A_85 = arith.constant 1 : i32
      scf.for %scan3A_360 = %scan3A_82 to %scan3A_84 step %scan3A_85  : i32 {
        %mul3A_361 = arith.constant 8 : i32
        %mul3A_362 = arith.muli %scan3A_360, %mul3A_361 : i32
        %add3A_363 = arith.constant 0 : i32
        %add3A_364 = arith.addi %mul3A_362, %add3A_363 : i32
        %get3A_365 = arith.index_cast %add3A_364 : i32 to index
        %get3A_366 = arith.constant 0 : index
        %get3A_367 = tpu.vector_load %arg7[%get3A_365, %get3A_366] {strides = array<i32>} : memref<200x40xf32, #tpu.memory_space<vmem>>, vector<16xf32>,
        %get3A_368 = arith.index_cast %add3A_364 : i32 to index
        %get3A_369 = arith.constant 16 : index
        %get3A_370 = tpu.vector_load %arg7[%get3A_368, %get3A_369] {strides = array<i32>} : memref<200x40xf32, #tpu.memory_space<vmem>>, vector<16xf32>,
        %broadcast_in_dim3A_371 = vector.broadcast %add3A_364 : i32 to vector<16xi32>
        tpu.vector_store_idx %arg9[%iota3A, %broadcast_in_dim3A_371], %get3A_367 : memref<32x200xf32, #tpu.memory_space<vmem>>[vector<16xi32>, vector<16xi32>], vector<16xf32>,
        %add3A_372 = arith.constant 16 : i32
        %add3A_373 = vector.broadcast %add3A_372 : i32 to vector<16xi32>
        %add3A_374 = arith.addi %iota3A, %add3A_373 : vector<16xi32>
        tpu.vector_store_idx %arg9[%add3A_374, %broadcast_in_dim3A_371], %get3A_370 : memref<32x200xf32, #tpu.memory_space<vmem>>[vector<16xi32>, vector<16xi32>], vector<16xf32>,
        %mul3A_375 = arith.constant 8 : i32
        %mul3A_376 = arith.muli %scan3A_360, %mul3A_375 : i32
        %add3A_377 = arith.constant 1 : i32
        %add3A_378 = arith.addi %mul3A_376, %add3A_377 : i32
        %get3A_379 = arith.index_cast %add3A_378 : i32 to index
        %get3A_380 = arith.constant 0 : index
        %get3A_381 = tpu.vector_load %arg7[%get3A_379, %get3A_380] {strides = array<i32>} : memref<200x40xf32, #tpu.memory_space<vmem>>, vector<16xf32>,
        %get3A_382 = arith.index_cast %add3A_378 : i32 to index
        %get3A_383 = arith.constant 16 : index
        %get3A_384 = tpu.vector_load %arg7[%get3A_382, %get3A_383] {strides = array<i32>} : memref<200x40xf32, #tpu.memory_space<vmem>>, vector<16xf32>,
        %broadcast_in_dim3A_385 = vector.broadcast %add3A_378 : i32 to vector<16xi32>
        tpu.vector_store_idx %arg9[%iota3A, %broadcast_in_dim3A_385], %get3A_381 : memref<32x200xf32, #tpu.memory_space<vmem>>[vector<16xi32>, vector<16xi32>], vector<16xf32>,
        %add3A_386 = arith.constant 16 : i32
        %add3A_387 = vector.broadcast %add3A_386 : i32 to vector<16xi32>
        %add3A_388 = arith.addi %iota3A, %add3A_387 : vector<16xi32>
        tpu.vector_store_idx %arg9[%add3A_388, %broadcast_in_dim3A_385], %get3A_384 : memref<32x200xf32, #tpu.memory_space<vmem>>[vector<16xi32>, vector<16xi32>], vector<16xf32>,
        %mul3A_389 = arith.constant 8 : i32
        %mul3A_390 = arith.muli %scan3A_360, %mul3A_389 : i32
        %add3A_391 = arith.constant 2 : i32
        %add3A_392 = arith.addi %mul3A_390, %add3A_391 : i32
        %get3A_393 = arith.index_cast %add3A_392 : i32 to index
        %get3A_394 = arith.constant 0 : index
        %get3A_395 = tpu.vector_load %arg7[%get3A_393, %get3A_394] {strides = array<i32>} : memref<200x40xf32, #tpu.memory_space<vmem>>, vector<16xf32>,
        %get3A_396 = arith.index_cast %add3A_392 : i32 to index
        %get3A_397 = arith.constant 16 : index
        %get3A_398 = tpu.vector_load %arg7[%get3A_396, %get3A_397] {strides = array<i32>} : memref<200x40xf32, #tpu.memory_space<vmem>>, vector<16xf32>,
        %broadcast_in_dim3A_399 = vector.broadcast %add3A_392 : i32 to vector<16xi32>
        tpu.vector_store_idx %arg9[%iota3A, %broadcast_in_dim3A_399], %get3A_395 : memref<32x200xf32, #tpu.memory_space<vmem>>[vector<16xi32>, vector<16xi32>], vector<16xf32>,
        %add3A_400 = arith.constant 16 : i32
        %add3A_401 = vector.broadcast %add3A_400 : i32 to vector<16xi32>
        %add3A_402 = arith.addi %iota3A, %add3A_401 : vector<16xi32>
        tpu.vector_store_idx %arg9[%add3A_402, %broadcast_in_dim3A_399], %get3A_398 : memref<32x200xf32, #tpu.memory_space<vmem>>[vector<16xi32>, vector<16xi32>], vector<16xf32>,
        %mul3A_403 = arith.constant 8 : i32
        %mul3A_404 = arith.muli %scan3A_360, %mul3A_403 : i32
        %add3A_405 = arith.constant 3 : i32
        %add3A_406 = arith.addi %mul3A_404, %add3A_405 : i32
        %get3A_407 = arith.index_cast %add3A_406 : i32 to index
        %get3A_408 = arith.constant 0 : index
        %get3A_409 = tpu.vector_load %arg7[%get3A_407, %get3A_408] {strides = array<i32>} : memref<200x40xf32, #tpu.memory_space<vmem>>, vector<16xf32>,
        %get3A_410 = arith.index_cast %add3A_406 : i32 to index
        %get3A_411 = arith.constant 16 : index
        %get3A_412 = tpu.vector_load %arg7[%get3A_410, %get3A_411] {strides = array<i32>} : memref<200x40xf32, #tpu.memory_space<vmem>>, vector<16xf32>,
        %broadcast_in_dim3A_413 = vector.broadcast %add3A_406 : i32 to vector<16xi32>
        tpu.vector_store_idx %arg9[%iota3A, %broadcast_in_dim3A_413], %get3A_409 : memref<32x200xf32, #tpu.memory_space<vmem>>[vector<16xi32>, vector<16xi32>], vector<16xf32>,
        %add3A_414 = arith.constant 16 : i32
        %add3A_415 = vector.broadcast %add3A_414 : i32 to vector<16xi32>
        %add3A_416 = arith.addi %iota3A, %add3A_415 : vector<16xi32>
        tpu.vector_store_idx %arg9[%add3A_416, %broadcast_in_dim3A_413], %get3A_412 : memref<32x200xf32, #tpu.memory_space<vmem>>[vector<16xi32>, vector<16xi32>], vector<16xf32>,
        %mul3A_417 = arith.constant 8 : i32
        %mul3A_418 = arith.muli %scan3A_360, %mul3A_417 : i32
        %add3A_419 = arith.constant 4 : i32
        %add3A_420 = arith.addi %mul3A_418, %add3A_419 : i32
        %get3A_421 = arith.index_cast %add3A_420 : i32 to index
        %get3A_422 = arith.constant 0 : index
        %get3A_423 = tpu.vector_load %arg7[%get3A_421, %get3A_422] {strides = array<i32>} : memref<200x40xf32, #tpu.memory_space<vmem>>, vector<16xf32>,
        %get3A_424 = arith.index_cast %add3A_420 : i32 to index
        %get3A_425 = arith.constant 16 : index
        %get3A_426 = tpu.vector_load %arg7[%get3A_424, %get3A_425] {strides = array<i32>} : memref<200x40xf32, #tpu.memory_space<vmem>>, vector<16xf32>,
        %broadcast_in_dim3A_427 = vector.broadcast %add3A_420 : i32 to vector<16xi32>
        tpu.vector_store_idx %arg9[%iota3A, %broadcast_in_dim3A_427], %get3A_423 : memref<32x200xf32, #tpu.memory_space<vmem>>[vector<16xi32>, vector<16xi32>], vector<16xf32>,
        %add3A_428 = arith.constant 16 : i32
        %add3A_429 = vector.broadcast %add3A_428 : i32 to vector<16xi32>
        %add3A_430 = arith.addi %iota3A, %add3A_429 : vector<16xi32>
        tpu.vector_store_idx %arg9[%add3A_430, %broadcast_in_dim3A_427], %get3A_426 : memref<32x200xf32, #tpu.memory_space<vmem>>[vector<16xi32>, vector<16xi32>], vector<16xf32>,
        %mul3A_431 = arith.constant 8 : i32
        %mul3A_432 = arith.muli %scan3A_360, %mul3A_431 : i32
        %add3A_433 = arith.constant 5 : i32
        %add3A_434 = arith.addi %mul3A_432, %add3A_433 : i32
        %get3A_435 = arith.index_cast %add3A_434 : i32 to index
        %get3A_436 = arith.constant 0 : index
        %get3A_437 = tpu.vector_load %arg7[%get3A_435, %get3A_436] {strides = array<i32>} : memref<200x40xf32, #tpu.memory_space<vmem>>, vector<16xf32>,
        %get3A_438 = arith.index_cast %add3A_434 : i32 to index
        %get3A_439 = arith.constant 16 : index
        %get3A_440 = tpu.vector_load %arg7[%get3A_438, %get3A_439] {strides = array<i32>} : memref<200x40xf32, #tpu.memory_space<vmem>>, vector<16xf32>,
        %broadcast_in_dim3A_441 = vector.broadcast %add3A_434 : i32 to vector<16xi32>
        tpu.vector_store_idx %arg9[%iota3A, %broadcast_in_dim3A_441], %get3A_437 : memref<32x200xf32, #tpu.memory_space<vmem>>[vector<16xi32>, vector<16xi32>], vector<16xf32>,
        %add3A_442 = arith.constant 16 : i32
        %add3A_443 = vector.broadcast %add3A_442 : i32 to vector<16xi32>
        %add3A_444 = arith.addi %iota3A, %add3A_443 : vector<16xi32>
        tpu.vector_store_idx %arg9[%add3A_444, %broadcast_in_dim3A_441], %get3A_440 : memref<32x200xf32, #tpu.memory_space<vmem>>[vector<16xi32>, vector<16xi32>], vector<16xf32>,
        %mul3A_445 = arith.constant 8 : i32
        %mul3A_446 = arith.muli %scan3A_360, %mul3A_445 : i32
        %add3A_447 = arith.constant 6 : i32
        %add3A_448 = arith.addi %mul3A_446, %add3A_447 : i32
        %get3A_449 = arith.index_cast %add3A_448 : i32 to index
        %get3A_450 = arith.constant 0 : index
        %get3A_451 = tpu.vector_load %arg7[%get3A_449, %get3A_450] {strides = array<i32>} : memref<200x40xf32, #tpu.memory_space<vmem>>, vector<16xf32>,
        %get3A_452 = arith.index_cast %add3A_448 : i32 to index
        %get3A_453 = arith.constant 16 : index
        %get3A_454 = tpu.vector_load %arg7[%get3A_452, %get3A_453] {strides = array<i32>} : memref<200x40xf32, #tpu.memory_space<vmem>>, vector<16xf32>,
        %broadcast_in_dim3A_455 = vector.broadcast %add3A_448 : i32 to vector<16xi32>
        tpu.vector_store_idx %arg9[%iota3A, %broadcast_in_dim3A_455], %get3A_451 : memref<32x200xf32, #tpu.memory_space<vmem>>[vector<16xi32>, vector<16xi32>], vector<16xf32>,
        %add3A_456 = arith.constant 16 : i32
        %add3A_457 = vector.broadcast %add3A_456 : i32 to vector<16xi32>
        %add3A_458 = arith.addi %iota3A, %add3A_457 : vector<16xi32>
        tpu.vector_store_idx %arg9[%add3A_458, %broadcast_in_dim3A_455], %get3A_454 : memref<32x200xf32, #tpu.memory_space<vmem>>[vector<16xi32>, vector<16xi32>], vector<16xf32>,
        %mul3A_459 = arith.constant 8 : i32
        %mul3A_460 = arith.muli %scan3A_360, %mul3A_459 : i32
        %add3A_461 = arith.constant 7 : i32
        %add3A_462 = arith.addi %mul3A_460, %add3A_461 : i32
        %get3A_463 = arith.index_cast %add3A_462 : i32 to index
        %get3A_464 = arith.constant 0 : index
        %get3A_465 = tpu.vector_load %arg7[%get3A_463, %get3A_464] {strides = array<i32>} : memref<200x40xf32, #tpu.memory_space<vmem>>, vector<16xf32>,
        %get3A_466 = arith.index_cast %add3A_462 : i32 to index
        %get3A_467 = arith.constant 16 : index
        %get3A_468 = tpu.vector_load %arg7[%get3A_466, %get3A_467] {strides = array<i32>} : memref<200x40xf32, #tpu.memory_space<vmem>>, vector<16xf32>,
        %broadcast_in_dim3A_469 = vector.broadcast %add3A_462 : i32 to vector<16xi32>
        tpu.vector_store_idx %arg9[%iota3A, %broadcast_in_dim3A_469], %get3A_465 : memref<32x200xf32, #tpu.memory_space<vmem>>[vector<16xi32>, vector<16xi32>], vector<16xf32>,
        %add3A_470 = arith.constant 16 : i32
        %add3A_471 = vector.broadcast %add3A_470 : i32 to vector<16xi32>
        %add3A_472 = arith.addi %iota3A, %add3A_471 : vector<16xi32>
        tpu.vector_store_idx %arg9[%add3A_472, %broadcast_in_dim3A_469], %get3A_468 : memref<32x200xf32, #tpu.memory_space<vmem>>[vector<16xi32>, vector<16xi32>], vector<16xf32>,
      }
      %scan3A_86 = arith.constant 25 : i32
      %broadcast_in_dim3A = arith.constant 0 : i32
      %broadcast_in_dim3A_87 = vector.broadcast %broadcast_in_dim3A : i32 to vector<16xi32>
      %get3A = arith.index_cast %add3A_72 : i32 to index
      %get3A_88 = arith.constant 0 : index
      %get3A_89 = tpu.vector_load %arg6[%get3A, %get3A_88] {strides = array<i32>} : memref<128x200xi32, #tpu.memory_space<vmem>>, vector<16xi32>,
      %ne3A = arith.constant 0 : i32
      %ne3A_90 = vector.broadcast %ne3A : i32 to vector<16xi32>
      %ne3A_91 = arith.cmpi ne, %get3A_89, %ne3A_90 : vector<16xi32>
      %convert_element_type3A_92 = arith.extui %ne3A_91 : vector<16xi1> to vector<16xi32>
      %add3A_93 = arith.addi %broadcast_in_dim3A_87, %convert_element_type3A_92 : vector<16xi32>
      %get3A_94 = arith.index_cast %add3A_72 : i32 to index
      %get3A_95 = arith.constant 16 : index
      %get3A_96 = tpu.vector_load %arg6[%get3A_94, %get3A_95] {strides = array<i32>} : memref<128x200xi32, #tpu.memory_space<vmem>>, vector<16xi32>,
      %ne3A_97 = arith.constant 0 : i32
      %ne3A_98 = vector.broadcast %ne3A_97 : i32 to vector<16xi32>
      %ne3A_99 = arith.cmpi ne, %get3A_96, %ne3A_98 : vector<16xi32>
      %convert_element_type3A_100 = arith.extui %ne3A_99 : vector<16xi1> to vector<16xi32>
      %add3A_101 = arith.addi %add3A_93, %convert_element_type3A_100 : vector<16xi32>
      %get3A_102 = arith.index_cast %add3A_72 : i32 to index
      %get3A_103 = arith.constant 32 : index
      %get3A_104 = tpu.vector_load %arg6[%get3A_102, %get3A_103] {strides = array<i32>} : memref<128x200xi32, #tpu.memory_space<vmem>>, vector<16xi32>,
      %ne3A_105 = arith.constant 0 : i32
      %ne3A_106 = vector.broadcast %ne3A_105 : i32 to vector<16xi32>
      %ne3A_107 = arith.cmpi ne, %get3A_104, %ne3A_106 : vector<16xi32>
      %convert_element_type3A_108 = arith.extui %ne3A_107 : vector<16xi1> to vector<16xi32>
      %add3A_109 = arith.addi %add3A_101, %convert_element_type3A_108 : vector<16xi32>
      %get3A_110 = arith.index_cast %add3A_72 : i32 to index
      %get3A_111 = arith.constant 48 : index
      %get3A_112 = tpu.vector_load %arg6[%get3A_110, %get3A_111] {strides = array<i32>} : memref<128x200xi32, #tpu.memory_space<vmem>>, vector<16xi32>,
      %ne3A_113 = arith.constant 0 : i32
      %ne3A_114 = vector.broadcast %ne3A_113 : i32 to vector<16xi32>
      %ne3A_115 = arith.cmpi ne, %get3A_112, %ne3A_114 : vector<16xi32>
      %convert_element_type3A_116 = arith.extui %ne3A_115 : vector<16xi1> to vector<16xi32>
      %add3A_117 = arith.addi %add3A_109, %convert_element_type3A_116 : vector<16xi32>
      %get3A_118 = arith.index_cast %add3A_72 : i32 to index
      %get3A_119 = arith.constant 64 : index
      %get3A_120 = tpu.vector_load %arg6[%get3A_118, %get3A_119] {strides = array<i32>} : memref<128x200xi32, #tpu.memory_space<vmem>>, vector<16xi32>,
      %ne3A_121 = arith.constant 0 : i32
      %ne3A_122 = vector.broadcast %ne3A_121 : i32 to vector<16xi32>
      %ne3A_123 = arith.cmpi ne, %get3A_120, %ne3A_122 : vector<16xi32>
      %convert_element_type3A_124 = arith.extui %ne3A_123 : vector<16xi1> to vector<16xi32>
      %add3A_125 = arith.addi %add3A_117, %convert_element_type3A_124 : vector<16xi32>
      %get3A_126 = arith.index_cast %add3A_72 : i32 to index
      %get3A_127 = arith.constant 80 : index
      %get3A_128 = tpu.vector_load %arg6[%get3A_126, %get3A_127] {strides = array<i32>} : memref<128x200xi32, #tpu.memory_space<vmem>>, vector<16xi32>,
      %ne3A_129 = arith.constant 0 : i32
      %ne3A_130 = vector.broadcast %ne3A_129 : i32 to vector<16xi32>
      %ne3A_131 = arith.cmpi ne, %get3A_128, %ne3A_130 : vector<16xi32>
      %convert_element_type3A_132 = arith.extui %ne3A_131 : vector<16xi1> to vector<16xi32>
      %add3A_133 = arith.addi %add3A_125, %convert_element_type3A_132 : vector<16xi32>
      %get3A_134 = arith.index_cast %add3A_72 : i32 to index
      %get3A_135 = arith.constant 96 : index
      %get3A_136 = tpu.vector_load %arg6[%get3A_134, %get3A_135] {strides = array<i32>} : memref<128x200xi32, #tpu.memory_space<vmem>>, vector<16xi32>,
      %ne3A_137 = arith.constant 0 : i32
      %ne3A_138 = vector.broadcast %ne3A_137 : i32 to vector<16xi32>
      %ne3A_139 = arith.cmpi ne, %get3A_136, %ne3A_138 : vector<16xi32>
      %convert_element_type3A_140 = arith.extui %ne3A_139 : vector<16xi1> to vector<16xi32>
      %add3A_141 = arith.addi %add3A_133, %convert_element_type3A_140 : vector<16xi32>
      %get3A_142 = arith.index_cast %add3A_72 : i32 to index
      %get3A_143 = arith.constant 112 : index
      %get3A_144 = tpu.vector_load %arg6[%get3A_142, %get3A_143] {strides = array<i32>} : memref<128x200xi32, #tpu.memory_space<vmem>>, vector<16xi32>,
      %ne3A_145 = arith.constant 0 : i32
      %ne3A_146 = vector.broadcast %ne3A_145 : i32 to vector<16xi32>
      %ne3A_147 = arith.cmpi ne, %get3A_144, %ne3A_146 : vector<16xi32>
      %convert_element_type3A_148 = arith.extui %ne3A_147 : vector<16xi1> to vector<16xi32>
      %add3A_149 = arith.addi %add3A_141, %convert_element_type3A_148 : vector<16xi32>
      %get3A_150 = arith.index_cast %add3A_72 : i32 to index
      %get3A_151 = arith.constant 128 : index
      %get3A_152 = tpu.vector_load %arg6[%get3A_150, %get3A_151] {strides = array<i32>} : memref<128x200xi32, #tpu.memory_space<vmem>>, vector<16xi32>,
      %ne3A_153 = arith.constant 0 : i32
      %ne3A_154 = vector.broadcast %ne3A_153 : i32 to vector<16xi32>
      %ne3A_155 = arith.cmpi ne, %get3A_152, %ne3A_154 : vector<16xi32>
      %convert_element_type3A_156 = arith.extui %ne3A_155 : vector<16xi1> to vector<16xi32>
      %add3A_157 = arith.addi %add3A_149, %convert_element_type3A_156 : vector<16xi32>
      %get3A_158 = arith.index_cast %add3A_72 : i32 to index
      %get3A_159 = arith.constant 144 : index
      %get3A_160 = tpu.vector_load %arg6[%get3A_158, %get3A_159] {strides = array<i32>} : memref<128x200xi32, #tpu.memory_space<vmem>>, vector<16xi32>,
      %ne3A_161 = arith.constant 0 : i32
      %ne3A_162 = vector.broadcast %ne3A_161 : i32 to vector<16xi32>
      %ne3A_163 = arith.cmpi ne, %get3A_160, %ne3A_162 : vector<16xi32>
      %convert_element_type3A_164 = arith.extui %ne3A_163 : vector<16xi1> to vector<16xi32>
      %add3A_165 = arith.addi %add3A_157, %convert_element_type3A_164 : vector<16xi32>
      %get3A_166 = arith.index_cast %add3A_72 : i32 to index
      %get3A_167 = arith.constant 160 : index
      %get3A_168 = tpu.vector_load %arg6[%get3A_166, %get3A_167] {strides = array<i32>} : memref<128x200xi32, #tpu.memory_space<vmem>>, vector<16xi32>,
      %ne3A_169 = arith.constant 0 : i32
      %ne3A_170 = vector.broadcast %ne3A_169 : i32 to vector<16xi32>
      %ne3A_171 = arith.cmpi ne, %get3A_168, %ne3A_170 : vector<16xi32>
      %convert_element_type3A_172 = arith.extui %ne3A_171 : vector<16xi1> to vector<16xi32>
      %add3A_173 = arith.addi %add3A_165, %convert_element_type3A_172 : vector<16xi32>
      %get3A_174 = arith.index_cast %add3A_72 : i32 to index
      %get3A_175 = arith.constant 176 : index
      %get3A_176 = tpu.vector_load %arg6[%get3A_174, %get3A_175] {strides = array<i32>} : memref<128x200xi32, #tpu.memory_space<vmem>>, vector<16xi32>,
      %ne3A_177 = arith.constant 0 : i32
      %ne3A_178 = vector.broadcast %ne3A_177 : i32 to vector<16xi32>
      %ne3A_179 = arith.cmpi ne, %get3A_176, %ne3A_178 : vector<16xi32>
      %convert_element_type3A_180 = arith.extui %ne3A_179 : vector<16xi1> to vector<16xi32>
      %add3A_181 = arith.addi %add3A_173, %convert_element_type3A_180 : vector<16xi32>
      %get3A_182 = arith.index_cast %add3A_72 : i32 to index
      %get3A_183 = arith.constant 184 : index
      %get3A_184 = tpu.vector_load %arg6[%get3A_182, %get3A_183] {strides = array<i32>} : memref<128x200xi32, #tpu.memory_space<vmem>>, vector<16xi32>,
      %ne3A_185 = arith.constant 0 : i32
      %ne3A_186 = vector.broadcast %ne3A_185 : i32 to vector<16xi32>
      %ne3A_187 = arith.cmpi ne, %get3A_184, %ne3A_186 : vector<16xi32>
      %and3A = arith.andi %ne3A_187, %ge3A_6 : vector<16xi1>
      %convert_element_type3A_188 = arith.extui %and3A : vector<16xi1> to vector<16xi32>
      %add3A_189 = arith.addi %add3A_181, %convert_element_type3A_188 : vector<16xi32>
      %reduce_sum3A = arith.constant true
      %reduce_sum3A_190 = vector.broadcast %reduce_sum3A : i1 to vector<16xi1>
      %reduce_sum3A_191 = tpu.scan <sum>, %add3A_189 masked %reduce_sum3A_190 : vector<16xi32>, vector<16xi1> -> vector<16xi32>
      %reduce_sum3A_192 = vector.extract %reduce_sum3A_191[15] : i32 from vector<16xi32>
      %broadcast_in_dim3A_193 = vector.broadcast %add3A_72 : i32 to vector<16xi32>
      %broadcast_in_dim3A_194 = vector.broadcast %reduce_sum3A_192 : i32 to vector<16xi32>
      tpu.vector_store_idx %arg11[%broadcast_in_dim3A_193], %broadcast_in_dim3A_194 masked %eq3A_4 : memref<128xi32, #tpu.memory_space<vmem>>[vector<16xi32>], vector<16xi32>, vector<16xi1>
      %add3A_195 = arith.addi %mul3A_2, %add3A_72 : i32
      %dma_start3A_196 = arith.constant 0 : i32
      %dma_start3A_197 = arith.constant 0 : i32
      %dma_start3A_198 = tpu.memref_slice %arg4[%add3A_195, %dma_start3A_196, %dma_start3A_197] : memref<4096x32x200xf32, #tpu.memory_space<hbm>> -> memref<1x32x200xf32, #tpu.memory_space<hbm>>
      %dma_start3A_199 = tpu.memref_squeeze %dma_start3A_198 : memref<1x32x200xf32, #tpu.memory_space<hbm>> -> memref<32x200xf32, #tpu.memory_space<hbm>>
      %dma_start3A_200 = arith.constant 0 : i32
      %dma_start3A_201 = arith.constant 0 : i32
      %dma_start3A_202 = tpu.memref_slice %arg4[%add3A_195, %dma_start3A_200, %dma_start3A_201] : memref<4096x32x200xf32, #tpu.memory_space<hbm>> -> memref<1x32x200xf32, #tpu.memory_space<hbm>>
      %dma_start3A_203 = tpu.memref_squeeze %dma_start3A_202 : memref<1x32x200xf32, #tpu.memory_space<hbm>> -> memref<32x200xf32, #tpu.memory_space<hbm>>
      tpu.enqueue_dma source(%arg9 : memref<32x200xf32, #tpu.memory_space<vmem>>) target(%dma_start3A_203 : memref<32x200xf32, #tpu.memory_space<hbm>>) target_semaphore(%arg14 : memref<!tpu.dma_semaphore, #tpu.memory_space<semaphore_mem>>)
      %add3A_204 = arith.constant 2 : i32
      %add3A_205 = arith.addi %add3A_72, %add3A_204 : i32
      %lt3A = arith.constant 128 : i32
      %lt3A_206 = arith.cmpi slt, %add3A_205, %lt3A : i32
      %convert_element_type3A_207 = arith.extui %lt3A_206 : i1 to i32
      %cond3A_208 = arith.constant 0 : i32
      %cond3A_209 = arith.cmpi ne, %convert_element_type3A_207, %cond3A_208 : i32
      scf.if %cond3A_209 {
        %add3A_360 = arith.constant 2 : i32
        %add3A_361 = arith.addi %add3A_72, %add3A_360 : i32
        %dma_start3A_362 = arith.constant 0 : i32
        %dma_start3A_363 = arith.constant 0 : i32
        %dma_start3A_364 = tpu.memref_slice %arg7[%dma_start3A_362, %dma_start3A_363] : memref<200x40xf32, #tpu.memory_space<vmem>> -> memref<104x40xf32, #tpu.memory_space<vmem>>
        %dma_start3A_365 = arith.constant 0 : i32
        %dma_start3A_366 = tpu.memref_slice %arg6[%add3A_361, %dma_start3A_365] : memref<128x200xi32, #tpu.memory_space<vmem>> -> memref<1x104xi32, #tpu.memory_space<vmem>>
        %dma_start3A_367 = tpu.memref_squeeze %dma_start3A_366 : memref<1x104xi32, #tpu.memory_space<vmem>> -> memref<104xi32, #tpu.memory_space<vmem>>
        %dma_start3A_368 = arith.constant 0 : i32
        %dma_start3A_369 = arith.constant 0 : i32
        %dma_start3A_370 = tpu.memref_slice %arg3[%dma_start3A_368, %dma_start3A_369] : memref<1000000x40xf32, #tpu.memory_space<hbm>> -> memref<1000000x40xf32, #tpu.memory_space<hbm>>
        tpu.enqueue_indirect_dma source(%dma_start3A_370 : memref<1000000x40xf32, #tpu.memory_space<hbm>>) target(%dma_start3A_364 : memref<104x40xf32, #tpu.memory_space<vmem>>) offsets(%dma_start3A_367 : memref<104xi32, #tpu.memory_space<vmem>>) semaphore(%arg12 : memref<!tpu.dma_semaphore, #tpu.memory_space<semaphore_mem>>)
        %dma_start3A_371 = arith.constant 104 : i32
        %dma_start3A_372 = arith.constant 0 : i32
        %dma_start3A_373 = tpu.memref_slice %arg7[%dma_start3A_371, %dma_start3A_372] : memref<200x40xf32, #tpu.memory_space<vmem>> -> memref<96x40xf32, #tpu.memory_space<vmem>>
        %dma_start3A_374 = arith.constant 104 : i32
        %dma_start3A_375 = tpu.memref_slice %arg6[%add3A_361, %dma_start3A_374] : memref<128x200xi32, #tpu.memory_space<vmem>> -> memref<1x96xi32, #tpu.memory_space<vmem>>
        %dma_start3A_376 = tpu.memref_squeeze %dma_start3A_375 : memref<1x96xi32, #tpu.memory_space<vmem>> -> memref<96xi32, #tpu.memory_space<vmem>>
        %dma_start3A_377 = arith.constant 0 : i32
        %dma_start3A_378 = arith.constant 0 : i32
        %dma_start3A_379 = tpu.memref_slice %arg3[%dma_start3A_377, %dma_start3A_378] : memref<1000000x40xf32, #tpu.memory_space<hbm>> -> memref<1000000x40xf32, #tpu.memory_space<hbm>>
        tpu.enqueue_indirect_dma source(%dma_start3A_379 : memref<1000000x40xf32, #tpu.memory_space<hbm>>) target(%dma_start3A_373 : memref<96x40xf32, #tpu.memory_space<vmem>>) offsets(%dma_start3A_376 : memref<96xi32, #tpu.memory_space<vmem>>) semaphore(%arg12 : memref<!tpu.dma_semaphore, #tpu.memory_space<semaphore_mem>>)
      } else {
      }
      %mul3A_210 = arith.constant 2 : i32
      %mul3A_211 = arith.muli %scan3A_68, %mul3A_210 : i32
      %add3A_212 = arith.constant 1 : i32
      %add3A_213 = arith.addi %mul3A_211, %add3A_212 : i32
      %dma_wait3A_214 = arith.constant 0 : i32
      %dma_wait3A_215 = arith.constant 0 : i32
      %dma_wait3A_216 = tpu.memref_slice %arg3[%dma_wait3A_214, %dma_wait3A_215] : memref<1000000x40xf32, #tpu.memory_space<hbm>> -> memref<200x40xf32, #tpu.memory_space<hbm>>
      %dma_wait3A_217 = arith.constant 0 : i32
      %dma_wait3A_218 = arith.constant 0 : i32
      %dma_wait3A_219 = tpu.memref_slice %arg3[%dma_wait3A_217, %dma_wait3A_218] : memref<1000000x40xf32, #tpu.memory_space<hbm>> -> memref<200x40xf32, #tpu.memory_space<hbm>>
      tpu.wait_dma2 semaphore(%arg13 : memref<!tpu.dma_semaphore, #tpu.memory_space<semaphore_mem>>) src(%dma_wait3A_219 : memref<200x40xf32, #tpu.memory_space<hbm>>) dst(%arg8 : memref<200x40xf32, #tpu.memory_space<vmem>>)
      %gt3A_220 = arith.constant 0 : i32
      %gt3A_221 = arith.cmpi sgt, %scan3A_68, %gt3A_220 : i32
      %convert_element_type3A_222 = arith.extui %gt3A_221 : i1 to i32
      %cond3A_223 = arith.constant 0 : i32
      %cond3A_224 = arith.cmpi ne, %convert_element_type3A_222, %cond3A_223 : i32
      scf.if %cond3A_224 {
        %dma_wait3A_360 = arith.constant 0 : i32
        %dma_wait3A_361 = arith.constant 0 : i32
        %dma_wait3A_362 = arith.constant 0 : i32
        %dma_wait3A_363 = tpu.memref_slice %arg4[%dma_wait3A_360, %dma_wait3A_361, %dma_wait3A_362] : memref<4096x32x200xf32, #tpu.memory_space<hbm>> -> memref<1x32x200xf32, #tpu.memory_space<hbm>>
        %dma_wait3A_364 = tpu.memref_squeeze %dma_wait3A_363 : memref<1x32x200xf32, #tpu.memory_space<hbm>> -> memref<32x200xf32, #tpu.memory_space<hbm>>
        %dma_wait3A_365 = arith.constant 0 : i32
        %dma_wait3A_366 = arith.constant 0 : i32
        %dma_wait3A_367 = tpu.memref_slice %arg4[%dma_wait3A_360, %dma_wait3A_365, %dma_wait3A_366] : memref<4096x32x200xf32, #tpu.memory_space<hbm>> -> memref<1x32x200xf32, #tpu.memory_space<hbm>>
        %dma_wait3A_368 = tpu.memref_squeeze %dma_wait3A_367 : memref<1x32x200xf32, #tpu.memory_space<hbm>> -> memref<32x200xf32, #tpu.memory_space<hbm>>
        tpu.wait_dma2 semaphore(%arg15 : memref<!tpu.dma_semaphore, #tpu.memory_space<semaphore_mem>>) src(%arg10 : memref<32x200xf32, #tpu.memory_space<vmem>>) dst(%dma_wait3A_368 : memref<32x200xf32, #tpu.memory_space<hbm>>)
      } else {
      }
      %scan3A_225 = arith.constant 0 : i32
      %scan3A_226 = arith.constant 0 : i32
      %scan3A_227 = arith.constant 25 : i32
      %scan3A_228 = arith.addi %scan3A_226, %scan3A_227 : i32
      %scan3A_229 = arith.constant 1 : i32
      scf.for %scan3A_360 = %scan3A_226 to %scan3A_228 step %scan3A_229  : i32 {
        %mul3A_361 = arith.constant 8 : i32
        %mul3A_362 = arith.muli %scan3A_360, %mul3A_361 : i32
        %add3A_363 = arith.constant 0 : i32
        %add3A_364 = arith.addi %mul3A_362, %add3A_363 : i32
        %get3A_365 = arith.index_cast %add3A_364 : i32 to index
        %get3A_366 = arith.constant 0 : index
        %get3A_367 = tpu.vector_load %arg8[%get3A_365, %get3A_366] {strides = array<i32>} : memref<200x40xf32, #tpu.memory_space<vmem>>, vector<16xf32>,
        %get3A_368 = arith.index_cast %add3A_364 : i32 to index
        %get3A_369 = arith.constant 16 : index
        %get3A_370 = tpu.vector_load %arg8[%get3A_368, %get3A_369] {strides = array<i32>} : memref<200x40xf32, #tpu.memory_space<vmem>>, vector<16xf32>,
        %broadcast_in_dim3A_371 = vector.broadcast %add3A_364 : i32 to vector<16xi32>
        tpu.vector_store_idx %arg10[%iota3A, %broadcast_in_dim3A_371], %get3A_367 : memref<32x200xf32, #tpu.memory_space<vmem>>[vector<16xi32>, vector<16xi32>], vector<16xf32>,
        %add3A_372 = arith.constant 16 : i32
        %add3A_373 = vector.broadcast %add3A_372 : i32 to vector<16xi32>
        %add3A_374 = arith.addi %iota3A, %add3A_373 : vector<16xi32>
        tpu.vector_store_idx %arg10[%add3A_374, %broadcast_in_dim3A_371], %get3A_370 : memref<32x200xf32, #tpu.memory_space<vmem>>[vector<16xi32>, vector<16xi32>], vector<16xf32>,
        %mul3A_375 = arith.constant 8 : i32
        %mul3A_376 = arith.muli %scan3A_360, %mul3A_375 : i32
        %add3A_377 = arith.constant 1 : i32
        %add3A_378 = arith.addi %mul3A_376, %add3A_377 : i32
        %get3A_379 = arith.index_cast %add3A_378 : i32 to index
        %get3A_380 = arith.constant 0 : index
        %get3A_381 = tpu.vector_load %arg8[%get3A_379, %get3A_380] {strides = array<i32>} : memref<200x40xf32, #tpu.memory_space<vmem>>, vector<16xf32>,
        %get3A_382 = arith.index_cast %add3A_378 : i32 to index
        %get3A_383 = arith.constant 16 : index
        %get3A_384 = tpu.vector_load %arg8[%get3A_382, %get3A_383] {strides = array<i32>} : memref<200x40xf32, #tpu.memory_space<vmem>>, vector<16xf32>,
        %broadcast_in_dim3A_385 = vector.broadcast %add3A_378 : i32 to vector<16xi32>
        tpu.vector_store_idx %arg10[%iota3A, %broadcast_in_dim3A_385], %get3A_381 : memref<32x200xf32, #tpu.memory_space<vmem>>[vector<16xi32>, vector<16xi32>], vector<16xf32>,
        %add3A_386 = arith.constant 16 : i32
        %add3A_387 = vector.broadcast %add3A_386 : i32 to vector<16xi32>
        %add3A_388 = arith.addi %iota3A, %add3A_387 : vector<16xi32>
        tpu.vector_store_idx %arg10[%add3A_388, %broadcast_in_dim3A_385], %get3A_384 : memref<32x200xf32, #tpu.memory_space<vmem>>[vector<16xi32>, vector<16xi32>], vector<16xf32>,
        %mul3A_389 = arith.constant 8 : i32
        %mul3A_390 = arith.muli %scan3A_360, %mul3A_389 : i32
        %add3A_391 = arith.constant 2 : i32
        %add3A_392 = arith.addi %mul3A_390, %add3A_391 : i32
        %get3A_393 = arith.index_cast %add3A_392 : i32 to index
        %get3A_394 = arith.constant 0 : index
        %get3A_395 = tpu.vector_load %arg8[%get3A_393, %get3A_394] {strides = array<i32>} : memref<200x40xf32, #tpu.memory_space<vmem>>, vector<16xf32>,
        %get3A_396 = arith.index_cast %add3A_392 : i32 to index
        %get3A_397 = arith.constant 16 : index
        %get3A_398 = tpu.vector_load %arg8[%get3A_396, %get3A_397] {strides = array<i32>} : memref<200x40xf32, #tpu.memory_space<vmem>>, vector<16xf32>,
        %broadcast_in_dim3A_399 = vector.broadcast %add3A_392 : i32 to vector<16xi32>
        tpu.vector_store_idx %arg10[%iota3A, %broadcast_in_dim3A_399], %get3A_395 : memref<32x200xf32, #tpu.memory_space<vmem>>[vector<16xi32>, vector<16xi32>], vector<16xf32>,
        %add3A_400 = arith.constant 16 : i32
        %add3A_401 = vector.broadcast %add3A_400 : i32 to vector<16xi32>
        %add3A_402 = arith.addi %iota3A, %add3A_401 : vector<16xi32>
        tpu.vector_store_idx %arg10[%add3A_402, %broadcast_in_dim3A_399], %get3A_398 : memref<32x200xf32, #tpu.memory_space<vmem>>[vector<16xi32>, vector<16xi32>], vector<16xf32>,
        %mul3A_403 = arith.constant 8 : i32
        %mul3A_404 = arith.muli %scan3A_360, %mul3A_403 : i32
        %add3A_405 = arith.constant 3 : i32
        %add3A_406 = arith.addi %mul3A_404, %add3A_405 : i32
        %get3A_407 = arith.index_cast %add3A_406 : i32 to index
        %get3A_408 = arith.constant 0 : index
        %get3A_409 = tpu.vector_load %arg8[%get3A_407, %get3A_408] {strides = array<i32>} : memref<200x40xf32, #tpu.memory_space<vmem>>, vector<16xf32>,
        %get3A_410 = arith.index_cast %add3A_406 : i32 to index
        %get3A_411 = arith.constant 16 : index
        %get3A_412 = tpu.vector_load %arg8[%get3A_410, %get3A_411] {strides = array<i32>} : memref<200x40xf32, #tpu.memory_space<vmem>>, vector<16xf32>,
        %broadcast_in_dim3A_413 = vector.broadcast %add3A_406 : i32 to vector<16xi32>
        tpu.vector_store_idx %arg10[%iota3A, %broadcast_in_dim3A_413], %get3A_409 : memref<32x200xf32, #tpu.memory_space<vmem>>[vector<16xi32>, vector<16xi32>], vector<16xf32>,
        %add3A_414 = arith.constant 16 : i32
        %add3A_415 = vector.broadcast %add3A_414 : i32 to vector<16xi32>
        %add3A_416 = arith.addi %iota3A, %add3A_415 : vector<16xi32>
        tpu.vector_store_idx %arg10[%add3A_416, %broadcast_in_dim3A_413], %get3A_412 : memref<32x200xf32, #tpu.memory_space<vmem>>[vector<16xi32>, vector<16xi32>], vector<16xf32>,
        %mul3A_417 = arith.constant 8 : i32
        %mul3A_418 = arith.muli %scan3A_360, %mul3A_417 : i32
        %add3A_419 = arith.constant 4 : i32
        %add3A_420 = arith.addi %mul3A_418, %add3A_419 : i32
        %get3A_421 = arith.index_cast %add3A_420 : i32 to index
        %get3A_422 = arith.constant 0 : index
        %get3A_423 = tpu.vector_load %arg8[%get3A_421, %get3A_422] {strides = array<i32>} : memref<200x40xf32, #tpu.memory_space<vmem>>, vector<16xf32>,
        %get3A_424 = arith.index_cast %add3A_420 : i32 to index
        %get3A_425 = arith.constant 16 : index
        %get3A_426 = tpu.vector_load %arg8[%get3A_424, %get3A_425] {strides = array<i32>} : memref<200x40xf32, #tpu.memory_space<vmem>>, vector<16xf32>,
        %broadcast_in_dim3A_427 = vector.broadcast %add3A_420 : i32 to vector<16xi32>
        tpu.vector_store_idx %arg10[%iota3A, %broadcast_in_dim3A_427], %get3A_423 : memref<32x200xf32, #tpu.memory_space<vmem>>[vector<16xi32>, vector<16xi32>], vector<16xf32>,
        %add3A_428 = arith.constant 16 : i32
        %add3A_429 = vector.broadcast %add3A_428 : i32 to vector<16xi32>
        %add3A_430 = arith.addi %iota3A, %add3A_429 : vector<16xi32>
        tpu.vector_store_idx %arg10[%add3A_430, %broadcast_in_dim3A_427], %get3A_426 : memref<32x200xf32, #tpu.memory_space<vmem>>[vector<16xi32>, vector<16xi32>], vector<16xf32>,
        %mul3A_431 = arith.constant 8 : i32
        %mul3A_432 = arith.muli %scan3A_360, %mul3A_431 : i32
        %add3A_433 = arith.constant 5 : i32
        %add3A_434 = arith.addi %mul3A_432, %add3A_433 : i32
        %get3A_435 = arith.index_cast %add3A_434 : i32 to index
        %get3A_436 = arith.constant 0 : index
        %get3A_437 = tpu.vector_load %arg8[%get3A_435, %get3A_436] {strides = array<i32>} : memref<200x40xf32, #tpu.memory_space<vmem>>, vector<16xf32>,
        %get3A_438 = arith.index_cast %add3A_434 : i32 to index
        %get3A_439 = arith.constant 16 : index
        %get3A_440 = tpu.vector_load %arg8[%get3A_438, %get3A_439] {strides = array<i32>} : memref<200x40xf32, #tpu.memory_space<vmem>>, vector<16xf32>,
        %broadcast_in_dim3A_441 = vector.broadcast %add3A_434 : i32 to vector<16xi32>
        tpu.vector_store_idx %arg10[%iota3A, %broadcast_in_dim3A_441], %get3A_437 : memref<32x200xf32, #tpu.memory_space<vmem>>[vector<16xi32>, vector<16xi32>], vector<16xf32>,
        %add3A_442 = arith.constant 16 : i32
        %add3A_443 = vector.broadcast %add3A_442 : i32 to vector<16xi32>
        %add3A_444 = arith.addi %iota3A, %add3A_443 : vector<16xi32>
        tpu.vector_store_idx %arg10[%add3A_444, %broadcast_in_dim3A_441], %get3A_440 : memref<32x200xf32, #tpu.memory_space<vmem>>[vector<16xi32>, vector<16xi32>], vector<16xf32>,
        %mul3A_445 = arith.constant 8 : i32
        %mul3A_446 = arith.muli %scan3A_360, %mul3A_445 : i32
        %add3A_447 = arith.constant 6 : i32
        %add3A_448 = arith.addi %mul3A_446, %add3A_447 : i32
        %get3A_449 = arith.index_cast %add3A_448 : i32 to index
        %get3A_450 = arith.constant 0 : index
        %get3A_451 = tpu.vector_load %arg8[%get3A_449, %get3A_450] {strides = array<i32>} : memref<200x40xf32, #tpu.memory_space<vmem>>, vector<16xf32>,
        %get3A_452 = arith.index_cast %add3A_448 : i32 to index
        %get3A_453 = arith.constant 16 : index
        %get3A_454 = tpu.vector_load %arg8[%get3A_452, %get3A_453] {strides = array<i32>} : memref<200x40xf32, #tpu.memory_space<vmem>>, vector<16xf32>,
        %broadcast_in_dim3A_455 = vector.broadcast %add3A_448 : i32 to vector<16xi32>
        tpu.vector_store_idx %arg10[%iota3A, %broadcast_in_dim3A_455], %get3A_451 : memref<32x200xf32, #tpu.memory_space<vmem>>[vector<16xi32>, vector<16xi32>], vector<16xf32>,
        %add3A_456 = arith.constant 16 : i32
        %add3A_457 = vector.broadcast %add3A_456 : i32 to vector<16xi32>
        %add3A_458 = arith.addi %iota3A, %add3A_457 : vector<16xi32>
        tpu.vector_store_idx %arg10[%add3A_458, %broadcast_in_dim3A_455], %get3A_454 : memref<32x200xf32, #tpu.memory_space<vmem>>[vector<16xi32>, vector<16xi32>], vector<16xf32>,
        %mul3A_459 = arith.constant 8 : i32
        %mul3A_460 = arith.muli %scan3A_360, %mul3A_459 : i32
        %add3A_461 = arith.constant 7 : i32
        %add3A_462 = arith.addi %mul3A_460, %add3A_461 : i32
        %get3A_463 = arith.index_cast %add3A_462 : i32 to index
        %get3A_464 = arith.constant 0 : index
        %get3A_465 = tpu.vector_load %arg8[%get3A_463, %get3A_464] {strides = array<i32>} : memref<200x40xf32, #tpu.memory_space<vmem>>, vector<16xf32>,
        %get3A_466 = arith.index_cast %add3A_462 : i32 to index
        %get3A_467 = arith.constant 16 : index
        %get3A_468 = tpu.vector_load %arg8[%get3A_466, %get3A_467] {strides = array<i32>} : memref<200x40xf32, #tpu.memory_space<vmem>>, vector<16xf32>,
        %broadcast_in_dim3A_469 = vector.broadcast %add3A_462 : i32 to vector<16xi32>
        tpu.vector_store_idx %arg10[%iota3A, %broadcast_in_dim3A_469], %get3A_465 : memref<32x200xf32, #tpu.memory_space<vmem>>[vector<16xi32>, vector<16xi32>], vector<16xf32>,
        %add3A_470 = arith.constant 16 : i32
        %add3A_471 = vector.broadcast %add3A_470 : i32 to vector<16xi32>
        %add3A_472 = arith.addi %iota3A, %add3A_471 : vector<16xi32>
        tpu.vector_store_idx %arg10[%add3A_472, %broadcast_in_dim3A_469], %get3A_468 : memref<32x200xf32, #tpu.memory_space<vmem>>[vector<16xi32>, vector<16xi32>], vector<16xf32>,
      }
      %scan3A_230 = arith.constant 25 : i32
      %broadcast_in_dim3A_231 = arith.constant 0 : i32
      %broadcast_in_dim3A_232 = vector.broadcast %broadcast_in_dim3A_231 : i32 to vector<16xi32>
      %get3A_233 = arith.index_cast %add3A_213 : i32 to index
      %get3A_234 = arith.constant 0 : index
      %get3A_235 = tpu.vector_load %arg6[%get3A_233, %get3A_234] {strides = array<i32>} : memref<128x200xi32, #tpu.memory_space<vmem>>, vector<16xi32>,
      %ne3A_236 = arith.constant 0 : i32
      %ne3A_237 = vector.broadcast %ne3A_236 : i32 to vector<16xi32>
      %ne3A_238 = arith.cmpi ne, %get3A_235, %ne3A_237 : vector<16xi32>
      %convert_element_type3A_239 = arith.extui %ne3A_238 : vector<16xi1> to vector<16xi32>
      %add3A_240 = arith.addi %broadcast_in_dim3A_232, %convert_element_type3A_239 : vector<16xi32>
      %get3A_241 = arith.index_cast %add3A_213 : i32 to index
      %get3A_242 = arith.constant 16 : index
      %get3A_243 = tpu.vector_load %arg6[%get3A_241, %get3A_242] {strides = array<i32>} : memref<128x200xi32, #tpu.memory_space<vmem>>, vector<16xi32>,
      %ne3A_244 = arith.constant 0 : i32
      %ne3A_245 = vector.broadcast %ne3A_244 : i32 to vector<16xi32>
      %ne3A_246 = arith.cmpi ne, %get3A_243, %ne3A_245 : vector<16xi32>
      %convert_element_type3A_247 = arith.extui %ne3A_246 : vector<16xi1> to vector<16xi32>
      %add3A_248 = arith.addi %add3A_240, %convert_element_type3A_247 : vector<16xi32>
      %get3A_249 = arith.index_cast %add3A_213 : i32 to index
      %get3A_250 = arith.constant 32 : index
      %get3A_251 = tpu.vector_load %arg6[%get3A_249, %get3A_250] {strides = array<i32>} : memref<128x200xi32, #tpu.memory_space<vmem>>, vector<16xi32>,
      %ne3A_252 = arith.constant 0 : i32
      %ne3A_253 = vector.broadcast %ne3A_252 : i32 to vector<16xi32>
      %ne3A_254 = arith.cmpi ne, %get3A_251, %ne3A_253 : vector<16xi32>
      %convert_element_type3A_255 = arith.extui %ne3A_254 : vector<16xi1> to vector<16xi32>
      %add3A_256 = arith.addi %add3A_248, %convert_element_type3A_255 : vector<16xi32>
      %get3A_257 = arith.index_cast %add3A_213 : i32 to index
      %get3A_258 = arith.constant 48 : index
      %get3A_259 = tpu.vector_load %arg6[%get3A_257, %get3A_258] {strides = array<i32>} : memref<128x200xi32, #tpu.memory_space<vmem>>, vector<16xi32>,
      %ne3A_260 = arith.constant 0 : i32
      %ne3A_261 = vector.broadcast %ne3A_260 : i32 to vector<16xi32>
      %ne3A_262 = arith.cmpi ne, %get3A_259, %ne3A_261 : vector<16xi32>
      %convert_element_type3A_263 = arith.extui %ne3A_262 : vector<16xi1> to vector<16xi32>
      %add3A_264 = arith.addi %add3A_256, %convert_element_type3A_263 : vector<16xi32>
      %get3A_265 = arith.index_cast %add3A_213 : i32 to index
      %get3A_266 = arith.constant 64 : index
      %get3A_267 = tpu.vector_load %arg6[%get3A_265, %get3A_266] {strides = array<i32>} : memref<128x200xi32, #tpu.memory_space<vmem>>, vector<16xi32>,
      %ne3A_268 = arith.constant 0 : i32
      %ne3A_269 = vector.broadcast %ne3A_268 : i32 to vector<16xi32>
      %ne3A_270 = arith.cmpi ne, %get3A_267, %ne3A_269 : vector<16xi32>
      %convert_element_type3A_271 = arith.extui %ne3A_270 : vector<16xi1> to vector<16xi32>
      %add3A_272 = arith.addi %add3A_264, %convert_element_type3A_271 : vector<16xi32>
      %get3A_273 = arith.index_cast %add3A_213 : i32 to index
      %get3A_274 = arith.constant 80 : index
      %get3A_275 = tpu.vector_load %arg6[%get3A_273, %get3A_274] {strides = array<i32>} : memref<128x200xi32, #tpu.memory_space<vmem>>, vector<16xi32>,
      %ne3A_276 = arith.constant 0 : i32
      %ne3A_277 = vector.broadcast %ne3A_276 : i32 to vector<16xi32>
      %ne3A_278 = arith.cmpi ne, %get3A_275, %ne3A_277 : vector<16xi32>
      %convert_element_type3A_279 = arith.extui %ne3A_278 : vector<16xi1> to vector<16xi32>
      %add3A_280 = arith.addi %add3A_272, %convert_element_type3A_279 : vector<16xi32>
      %get3A_281 = arith.index_cast %add3A_213 : i32 to index
      %get3A_282 = arith.constant 96 : index
      %get3A_283 = tpu.vector_load %arg6[%get3A_281, %get3A_282] {strides = array<i32>} : memref<128x200xi32, #tpu.memory_space<vmem>>, vector<16xi32>,
      %ne3A_284 = arith.constant 0 : i32
      %ne3A_285 = vector.broadcast %ne3A_284 : i32 to vector<16xi32>
      %ne3A_286 = arith.cmpi ne, %get3A_283, %ne3A_285 : vector<16xi32>
      %convert_element_type3A_287 = arith.extui %ne3A_286 : vector<16xi1> to vector<16xi32>
      %add3A_288 = arith.addi %add3A_280, %convert_element_type3A_287 : vector<16xi32>
      %get3A_289 = arith.index_cast %add3A_213 : i32 to index
      %get3A_290 = arith.constant 112 : index
      %get3A_291 = tpu.vector_load %arg6[%get3A_289, %get3A_290] {strides = array<i32>} : memref<128x200xi32, #tpu.memory_space<vmem>>, vector<16xi32>,
      %ne3A_292 = arith.constant 0 : i32
      %ne3A_293 = vector.broadcast %ne3A_292 : i32 to vector<16xi32>
      %ne3A_294 = arith.cmpi ne, %get3A_291, %ne3A_293 : vector<16xi32>
      %convert_element_type3A_295 = arith.extui %ne3A_294 : vector<16xi1> to vector<16xi32>
      %add3A_296 = arith.addi %add3A_288, %convert_element_type3A_295 : vector<16xi32>
      %get3A_297 = arith.index_cast %add3A_213 : i32 to index
      %get3A_298 = arith.constant 128 : index
      %get3A_299 = tpu.vector_load %arg6[%get3A_297, %get3A_298] {strides = array<i32>} : memref<128x200xi32, #tpu.memory_space<vmem>>, vector<16xi32>,
      %ne3A_300 = arith.constant 0 : i32
      %ne3A_301 = vector.broadcast %ne3A_300 : i32 to vector<16xi32>
      %ne3A_302 = arith.cmpi ne, %get3A_299, %ne3A_301 : vector<16xi32>
      %convert_element_type3A_303 = arith.extui %ne3A_302 : vector<16xi1> to vector<16xi32>
      %add3A_304 = arith.addi %add3A_296, %convert_element_type3A_303 : vector<16xi32>
      %get3A_305 = arith.index_cast %add3A_213 : i32 to index
      %get3A_306 = arith.constant 144 : index
      %get3A_307 = tpu.vector_load %arg6[%get3A_305, %get3A_306] {strides = array<i32>} : memref<128x200xi32, #tpu.memory_space<vmem>>, vector<16xi32>,
      %ne3A_308 = arith.constant 0 : i32
      %ne3A_309 = vector.broadcast %ne3A_308 : i32 to vector<16xi32>
      %ne3A_310 = arith.cmpi ne, %get3A_307, %ne3A_309 : vector<16xi32>
      %convert_element_type3A_311 = arith.extui %ne3A_310 : vector<16xi1> to vector<16xi32>
      %add3A_312 = arith.addi %add3A_304, %convert_element_type3A_311 : vector<16xi32>
      %get3A_313 = arith.index_cast %add3A_213 : i32 to index
      %get3A_314 = arith.constant 160 : index
      %get3A_315 = tpu.vector_load %arg6[%get3A_313, %get3A_314] {strides = array<i32>} : memref<128x200xi32, #tpu.memory_space<vmem>>, vector<16xi32>,
      %ne3A_316 = arith.constant 0 : i32
      %ne3A_317 = vector.broadcast %ne3A_316 : i32 to vector<16xi32>
      %ne3A_318 = arith.cmpi ne, %get3A_315, %ne3A_317 : vector<16xi32>
      %convert_element_type3A_319 = arith.extui %ne3A_318 : vector<16xi1> to vector<16xi32>
      %add3A_320 = arith.addi %add3A_312, %convert_element_type3A_319 : vector<16xi32>
      %get3A_321 = arith.index_cast %add3A_213 : i32 to index
      %get3A_322 = arith.constant 176 : index
      %get3A_323 = tpu.vector_load %arg6[%get3A_321, %get3A_322] {strides = array<i32>} : memref<128x200xi32, #tpu.memory_space<vmem>>, vector<16xi32>,
      %ne3A_324 = arith.constant 0 : i32
      %ne3A_325 = vector.broadcast %ne3A_324 : i32 to vector<16xi32>
      %ne3A_326 = arith.cmpi ne, %get3A_323, %ne3A_325 : vector<16xi32>
      %convert_element_type3A_327 = arith.extui %ne3A_326 : vector<16xi1> to vector<16xi32>
      %add3A_328 = arith.addi %add3A_320, %convert_element_type3A_327 : vector<16xi32>
      %get3A_329 = arith.index_cast %add3A_213 : i32 to index
      %get3A_330 = arith.constant 184 : index
      %get3A_331 = tpu.vector_load %arg6[%get3A_329, %get3A_330] {strides = array<i32>} : memref<128x200xi32, #tpu.memory_space<vmem>>, vector<16xi32>,
      %ne3A_332 = arith.constant 0 : i32
      %ne3A_333 = vector.broadcast %ne3A_332 : i32 to vector<16xi32>
      %ne3A_334 = arith.cmpi ne, %get3A_331, %ne3A_333 : vector<16xi32>
      %and3A_335 = arith.andi %ne3A_334, %ge3A_6 : vector<16xi1>
      %convert_element_type3A_336 = arith.extui %and3A_335 : vector<16xi1> to vector<16xi32>
      %add3A_337 = arith.addi %add3A_328, %convert_element_type3A_336 : vector<16xi32>
      %reduce_sum3A_338 = arith.constant true
      %reduce_sum3A_339 = vector.broadcast %reduce_sum3A_338 : i1 to vector<16xi1>
      %reduce_sum3A_340 = tpu.scan <sum>, %add3A_337 masked %reduce_sum3A_339 : vector<16xi32>, vector<16xi1> -> vector<16xi32>
      %reduce_sum3A_341 = vector.extract %reduce_sum3A_340[15] : i32 from vector<16xi32>
      %broadcast_in_dim3A_342 = vector.broadcast %add3A_213 : i32 to vector<16xi32>
      %broadcast_in_dim3A_343 = vector.broadcast %reduce_sum3A_341 : i32 to vector<16xi32>
      tpu.vector_store_idx %arg11[%broadcast_in_dim3A_342], %broadcast_in_dim3A_343 masked %eq3A_4 : memref<128xi32, #tpu.memory_space<vmem>>[vector<16xi32>], vector<16xi32>, vector<16xi1>
      %add3A_344 = arith.addi %mul3A_2, %add3A_213 : i32
      %dma_start3A_345 = arith.constant 0 : i32
      %dma_start3A_346 = arith.constant 0 : i32
      %dma_start3A_347 = tpu.memref_slice %arg4[%add3A_344, %dma_start3A_345, %dma_start3A_346] : memref<4096x32x200xf32, #tpu.memory_space<hbm>> -> memref<1x32x200xf32, #tpu.memory_space<hbm>>
      %dma_start3A_348 = tpu.memref_squeeze %dma_start3A_347 : memref<1x32x200xf32, #tpu.memory_space<hbm>> -> memref<32x200xf32, #tpu.memory_space<hbm>>
      %dma_start3A_349 = arith.constant 0 : i32
      %dma_start3A_350 = arith.constant 0 : i32
      %dma_start3A_351 = tpu.memref_slice %arg4[%add3A_344, %dma_start3A_349, %dma_start3A_350] : memref<4096x32x200xf32, #tpu.memory_space<hbm>> -> memref<1x32x200xf32, #tpu.memory_space<hbm>>
      %dma_start3A_352 = tpu.memref_squeeze %dma_start3A_351 : memref<1x32x200xf32, #tpu.memory_space<hbm>> -> memref<32x200xf32, #tpu.memory_space<hbm>>
      tpu.enqueue_dma source(%arg10 : memref<32x200xf32, #tpu.memory_space<vmem>>) target(%dma_start3A_352 : memref<32x200xf32, #tpu.memory_space<hbm>>) target_semaphore(%arg15 : memref<!tpu.dma_semaphore, #tpu.memory_space<semaphore_mem>>)
      %add3A_353 = arith.constant 2 : i32
      %add3A_354 = arith.addi %add3A_213, %add3A_353 : i32
      %lt3A_355 = arith.constant 128 : i32
      %lt3A_356 = arith.cmpi slt, %add3A_354, %lt3A_355 : i32
      %convert_element_type3A_357 = arith.extui %lt3A_356 : i1 to i32
      %cond3A_358 = arith.constant 0 : i32
      %cond3A_359 = arith.cmpi ne, %convert_element_type3A_357, %cond3A_358 : i32
      scf.if %cond3A_359 {
        %add3A_360 = arith.constant 2 : i32
        %add3A_361 = arith.addi %add3A_213, %add3A_360 : i32
        %dma_start3A_362 = arith.constant 0 : i32
        %dma_start3A_363 = arith.constant 0 : i32
        %dma_start3A_364 = tpu.memref_slice %arg8[%dma_start3A_362, %dma_start3A_363] : memref<200x40xf32, #tpu.memory_space<vmem>> -> memref<104x40xf32, #tpu.memory_space<vmem>>
        %dma_start3A_365 = arith.constant 0 : i32
        %dma_start3A_366 = tpu.memref_slice %arg6[%add3A_361, %dma_start3A_365] : memref<128x200xi32, #tpu.memory_space<vmem>> -> memref<1x104xi32, #tpu.memory_space<vmem>>
        %dma_start3A_367 = tpu.memref_squeeze %dma_start3A_366 : memref<1x104xi32, #tpu.memory_space<vmem>> -> memref<104xi32, #tpu.memory_space<vmem>>
        %dma_start3A_368 = arith.constant 0 : i32
        %dma_start3A_369 = arith.constant 0 : i32
        %dma_start3A_370 = tpu.memref_slice %arg3[%dma_start3A_368, %dma_start3A_369] : memref<1000000x40xf32, #tpu.memory_space<hbm>> -> memref<1000000x40xf32, #tpu.memory_space<hbm>>
        tpu.enqueue_indirect_dma source(%dma_start3A_370 : memref<1000000x40xf32, #tpu.memory_space<hbm>>) target(%dma_start3A_364 : memref<104x40xf32, #tpu.memory_space<vmem>>) offsets(%dma_start3A_367 : memref<104xi32, #tpu.memory_space<vmem>>) semaphore(%arg13 : memref<!tpu.dma_semaphore, #tpu.memory_space<semaphore_mem>>)
        %dma_start3A_371 = arith.constant 104 : i32
        %dma_start3A_372 = arith.constant 0 : i32
        %dma_start3A_373 = tpu.memref_slice %arg8[%dma_start3A_371, %dma_start3A_372] : memref<200x40xf32, #tpu.memory_space<vmem>> -> memref<96x40xf32, #tpu.memory_space<vmem>>
        %dma_start3A_374 = arith.constant 104 : i32
        %dma_start3A_375 = tpu.memref_slice %arg6[%add3A_361, %dma_start3A_374] : memref<128x200xi32, #tpu.memory_space<vmem>> -> memref<1x96xi32, #tpu.memory_space<vmem>>
        %dma_start3A_376 = tpu.memref_squeeze %dma_start3A_375 : memref<1x96xi32, #tpu.memory_space<vmem>> -> memref<96xi32, #tpu.memory_space<vmem>>
        %dma_start3A_377 = arith.constant 0 : i32
        %dma_start3A_378 = arith.constant 0 : i32
        %dma_start3A_379 = tpu.memref_slice %arg3[%dma_start3A_377, %dma_start3A_378] : memref<1000000x40xf32, #tpu.memory_space<hbm>> -> memref<1000000x40xf32, #tpu.memory_space<hbm>>
        tpu.enqueue_indirect_dma source(%dma_start3A_379 : memref<1000000x40xf32, #tpu.memory_space<hbm>>) target(%dma_start3A_373 : memref<96x40xf32, #tpu.memory_space<vmem>>) offsets(%dma_start3A_376 : memref<96xi32, #tpu.memory_space<vmem>>) semaphore(%arg13 : memref<!tpu.dma_semaphore, #tpu.memory_space<semaphore_mem>>)
      } else {
      }
    }
    %scan3A_50 = arith.constant 64 : i32
    %dma_wait3A = arith.constant 0 : i32
    %dma_wait3A_51 = arith.constant 0 : i32
    %dma_wait3A_52 = arith.constant 0 : i32
    %dma_wait3A_53 = tpu.memref_slice %arg4[%dma_wait3A, %dma_wait3A_51, %dma_wait3A_52] : memref<4096x32x200xf32, #tpu.memory_space<hbm>> -> memref<1x32x200xf32, #tpu.memory_space<hbm>>
    %dma_wait3A_54 = tpu.memref_squeeze %dma_wait3A_53 : memref<1x32x200xf32, #tpu.memory_space<hbm>> -> memref<32x200xf32, #tpu.memory_space<hbm>>
    %dma_wait3A_55 = arith.constant 0 : i32
    %dma_wait3A_56 = arith.constant 0 : i32
    %dma_wait3A_57 = tpu.memref_slice %arg4[%dma_wait3A, %dma_wait3A_55, %dma_wait3A_56] : memref<4096x32x200xf32, #tpu.memory_space<hbm>> -> memref<1x32x200xf32, #tpu.memory_space<hbm>>
    %dma_wait3A_58 = tpu.memref_squeeze %dma_wait3A_57 : memref<1x32x200xf32, #tpu.memory_space<hbm>> -> memref<32x200xf32, #tpu.memory_space<hbm>>
    tpu.wait_dma2 semaphore(%arg14 : memref<!tpu.dma_semaphore, #tpu.memory_space<semaphore_mem>>) src(%arg9 : memref<32x200xf32, #tpu.memory_space<vmem>>) dst(%dma_wait3A_58 : memref<32x200xf32, #tpu.memory_space<hbm>>)
    %dma_wait3A_59 = arith.constant 0 : i32
    %dma_wait3A_60 = arith.constant 0 : i32
    %dma_wait3A_61 = arith.constant 0 : i32
    %dma_wait3A_62 = tpu.memref_slice %arg4[%dma_wait3A_59, %dma_wait3A_60, %dma_wait3A_61] : memref<4096x32x200xf32, #tpu.memory_space<hbm>> -> memref<1x32x200xf32, #tpu.memory_space<hbm>>
    %dma_wait3A_63 = tpu.memref_squeeze %dma_wait3A_62 : memref<1x32x200xf32, #tpu.memory_space<hbm>> -> memref<32x200xf32, #tpu.memory_space<hbm>>
    %dma_wait3A_64 = arith.constant 0 : i32
    %dma_wait3A_65 = arith.constant 0 : i32
    %dma_wait3A_66 = tpu.memref_slice %arg4[%dma_wait3A_59, %dma_wait3A_64, %dma_wait3A_65] : memref<4096x32x200xf32, #tpu.memory_space<hbm>> -> memref<1x32x200xf32, #tpu.memory_space<hbm>>
    %dma_wait3A_67 = tpu.memref_squeeze %dma_wait3A_66 : memref<1x32x200xf32, #tpu.memory_space<hbm>> -> memref<32x200xf32, #tpu.memory_space<hbm>>
    tpu.wait_dma2 semaphore(%arg15 : memref<!tpu.dma_semaphore, #tpu.memory_space<semaphore_mem>>) src(%arg10 : memref<32x200xf32, #tpu.memory_space<vmem>>) dst(%dma_wait3A_67 : memref<32x200xf32, #tpu.memory_space<hbm>>)
    "tpu.region"() ({
      %run_scoped3A = tpu.sem_alloc : memref<!tpu.dma_semaphore, #tpu.memory_space<semaphore_mem>>
      %dma_start3A_68 = tpu.memref_slice %arg5[%mul3A_2] : memref<4096xi32, #tpu.memory_space<hbm>> -> memref<128xi32, #tpu.memory_space<hbm>>
      %dma_start3A_69 = tpu.memref_slice %arg5[%mul3A_2] : memref<4096xi32, #tpu.memory_space<hbm>> -> memref<128xi32, #tpu.memory_space<hbm>>
      tpu.enqueue_dma source(%arg11 : memref<128xi32, #tpu.memory_space<vmem>>) target(%dma_start3A_69 : memref<128xi32, #tpu.memory_space<hbm>>) target_semaphore(%run_scoped3A : memref<!tpu.dma_semaphore, #tpu.memory_space<semaphore_mem>>)
      %dma_wait3A_70 = tpu.memref_slice %arg5[%mul3A_2] : memref<4096xi32, #tpu.memory_space<hbm>> -> memref<128xi32, #tpu.memory_space<hbm>>
      %dma_wait3A_71 = tpu.memref_slice %arg5[%mul3A_2] : memref<4096xi32, #tpu.memory_space<hbm>> -> memref<128xi32, #tpu.memory_space<hbm>>
      tpu.wait_dma2 semaphore(%run_scoped3A : memref<!tpu.dma_semaphore, #tpu.memory_space<semaphore_mem>>) src(%arg11 : memref<128xi32, #tpu.memory_space<vmem>>) dst(%dma_wait3A_71 : memref<128xi32, #tpu.memory_space<hbm>>)
      tpu.yield
    }) : () -> ()
    return
  }
}

#map = affine_map<(d0, d1) -> (0, 0)>
#map1 = affine_map<(d0, d1) -> (0)>
module attributes {stable_mosaic.version = 14 : i64} {
  func.func @_table_to_rowmajor(%arg0: i32, %arg1: i32, %arg2: memref<32x1000000xf32, #tpu.memory_space<hbm>>, %arg3: memref<2048xf32, #tpu.memory_space<hbm>>, %arg4: memref<40000000xf32, #tpu.memory_space<hbm>>, %arg5: memref<32x512xf32, #tpu.memory_space<vmem>>, %arg6: memref<32x512xf32, #tpu.memory_space<vmem>>, %arg7: memref<20480xf32, #tpu.memory_space<vmem>>, %arg8: memref<20480xf32, #tpu.memory_space<vmem>>, %arg9: memref<!tpu.dma_semaphore, #tpu.memory_space<semaphore_mem>>, %arg10: memref<!tpu.dma_semaphore, #tpu.memory_space<semaphore_mem>>, %arg11: memref<!tpu.dma_semaphore, #tpu.memory_space<semaphore_mem>>, %arg12: memref<!tpu.dma_semaphore, #tpu.memory_space<semaphore_mem>>) attributes {dimension_semantics = [#tpu.dimension_semantics<core_parallel>, #tpu.dimension_semantics<subcore_parallel>], iteration_bounds = array<i64: 2, 16>, scalar_prefetch = 0 : i64, scratch_operands = 8 : i64, tpu.core_type = #tpu.core_type<sc_vector_subcore>, window_params = [{transform_indices = #map}, {transform_indices = #map1}, {transform_indices = #map1}]} {
    %mul3A = arith.constant 2 : i32
    %mul3A_0 = arith.muli %arg1, %mul3A : i32
    %add3A = arith.addi %mul3A_0, %arg0 : i32
    %iota3A = tpu.iota {dimensions = array<i32: 0>} : vector<16xi32>
    %mul3A_1 = arith.constant 32 : i32
    %mul3A_2 = vector.broadcast %mul3A_1 : i32 to vector<16xi32>
    %mul3A_3 = arith.muli %iota3A, %mul3A_2 : vector<16xi32>
    %mul3A_4 = arith.constant 40 : i32
    %mul3A_5 = vector.broadcast %mul3A_4 : i32 to vector<16xi32>
    %mul3A_6 = arith.muli %iota3A, %mul3A_5 : vector<16xi32>
    %mul3A_7 = arith.constant 512 : i32
    %mul3A_8 = arith.muli %add3A, %mul3A_7 : i32
    %add3A_9 = arith.constant 0 : i32
    %add3A_10 = arith.addi %mul3A_8, %add3A_9 : i32
    %dma_start3A = arith.constant 0 : i32
    %dma_start3A_11 = arith.constant 0 : i32
    %dma_start3A_12 = tpu.memref_slice %arg5[%dma_start3A, %dma_start3A_11] : memref<32x512xf32, #tpu.memory_space<vmem>> -> memref<8x128xf32, #tpu.memory_space<vmem>>
    %dma_start3A_13 = arith.constant 0 : i32
    %dma_start3A_14 = tpu.memref_slice %arg2[%dma_start3A_13, %add3A_10] : memref<32x1000000xf32, #tpu.memory_space<hbm>> -> memref<8x128xf32, #tpu.memory_space<hbm>>
    %dma_start3A_15 = arith.constant 0 : i32
    %dma_start3A_16 = arith.constant 0 : i32
    %dma_start3A_17 = tpu.memref_slice %arg5[%dma_start3A_15, %dma_start3A_16] : memref<32x512xf32, #tpu.memory_space<vmem>> -> memref<8x128xf32, #tpu.memory_space<vmem>>
    %dma_start3A_18 = arith.constant 0 : i32
    %dma_start3A_19 = tpu.memref_slice %arg2[%dma_start3A_18, %add3A_10] : memref<32x1000000xf32, #tpu.memory_space<hbm>> -> memref<8x128xf32, #tpu.memory_space<hbm>>
    tpu.enqueue_dma source(%dma_start3A_19 : memref<8x128xf32, #tpu.memory_space<hbm>>) target(%dma_start3A_17 : memref<8x128xf32, #tpu.memory_space<vmem>>) target_semaphore(%arg9 : memref<!tpu.dma_semaphore, #tpu.memory_space<semaphore_mem>>)
    %add3A_20 = arith.constant 128 : i32
    %add3A_21 = arith.addi %mul3A_8, %add3A_20 : i32
    %dma_start3A_22 = arith.constant 0 : i32
    %dma_start3A_23 = arith.constant 128 : i32
    %dma_start3A_24 = tpu.memref_slice %arg5[%dma_start3A_22, %dma_start3A_23] : memref<32x512xf32, #tpu.memory_space<vmem>> -> memref<8x128xf32, #tpu.memory_space<vmem>>
    %dma_start3A_25 = arith.constant 0 : i32
    %dma_start3A_26 = tpu.memref_slice %arg2[%dma_start3A_25, %add3A_21] : memref<32x1000000xf32, #tpu.memory_space<hbm>> -> memref<8x128xf32, #tpu.memory_space<hbm>>
    %dma_start3A_27 = arith.constant 0 : i32
    %dma_start3A_28 = arith.constant 128 : i32
    %dma_start3A_29 = tpu.memref_slice %arg5[%dma_start3A_27, %dma_start3A_28] : memref<32x512xf32, #tpu.memory_space<vmem>> -> memref<8x128xf32, #tpu.memory_space<vmem>>
    %dma_start3A_30 = arith.constant 0 : i32
    %dma_start3A_31 = tpu.memref_slice %arg2[%dma_start3A_30, %add3A_21] : memref<32x1000000xf32, #tpu.memory_space<hbm>> -> memref<8x128xf32, #tpu.memory_space<hbm>>
    tpu.enqueue_dma source(%dma_start3A_31 : memref<8x128xf32, #tpu.memory_space<hbm>>) target(%dma_start3A_29 : memref<8x128xf32, #tpu.memory_space<vmem>>) target_semaphore(%arg9 : memref<!tpu.dma_semaphore, #tpu.memory_space<semaphore_mem>>)
    %add3A_32 = arith.constant 256 : i32
    %add3A_33 = arith.addi %mul3A_8, %add3A_32 : i32
    %dma_start3A_34 = arith.constant 0 : i32
    %dma_start3A_35 = arith.constant 256 : i32
    %dma_start3A_36 = tpu.memref_slice %arg5[%dma_start3A_34, %dma_start3A_35] : memref<32x512xf32, #tpu.memory_space<vmem>> -> memref<8x128xf32, #tpu.memory_space<vmem>>
    %dma_start3A_37 = arith.constant 0 : i32
    %dma_start3A_38 = tpu.memref_slice %arg2[%dma_start3A_37, %add3A_33] : memref<32x1000000xf32, #tpu.memory_space<hbm>> -> memref<8x128xf32, #tpu.memory_space<hbm>>
    %dma_start3A_39 = arith.constant 0 : i32
    %dma_start3A_40 = arith.constant 256 : i32
    %dma_start3A_41 = tpu.memref_slice %arg5[%dma_start3A_39, %dma_start3A_40] : memref<32x512xf32, #tpu.memory_space<vmem>> -> memref<8x128xf32, #tpu.memory_space<vmem>>
    %dma_start3A_42 = arith.constant 0 : i32
    %dma_start3A_43 = tpu.memref_slice %arg2[%dma_start3A_42, %add3A_33] : memref<32x1000000xf32, #tpu.memory_space<hbm>> -> memref<8x128xf32, #tpu.memory_space<hbm>>
    tpu.enqueue_dma source(%dma_start3A_43 : memref<8x128xf32, #tpu.memory_space<hbm>>) target(%dma_start3A_41 : memref<8x128xf32, #tpu.memory_space<vmem>>) target_semaphore(%arg9 : memref<!tpu.dma_semaphore, #tpu.memory_space<semaphore_mem>>)
    %add3A_44 = arith.constant 384 : i32
    %add3A_45 = arith.addi %mul3A_8, %add3A_44 : i32
    %dma_start3A_46 = arith.constant 0 : i32
    %dma_start3A_47 = arith.constant 384 : i32
    %dma_start3A_48 = tpu.memref_slice %arg5[%dma_start3A_46, %dma_start3A_47] : memref<32x512xf32, #tpu.memory_space<vmem>> -> memref<8x128xf32, #tpu.memory_space<vmem>>
    %dma_start3A_49 = arith.constant 0 : i32
    %dma_start3A_50 = tpu.memref_slice %arg2[%dma_start3A_49, %add3A_45] : memref<32x1000000xf32, #tpu.memory_space<hbm>> -> memref<8x128xf32, #tpu.memory_space<hbm>>
    %dma_start3A_51 = arith.constant 0 : i32
    %dma_start3A_52 = arith.constant 384 : i32
    %dma_start3A_53 = tpu.memref_slice %arg5[%dma_start3A_51, %dma_start3A_52] : memref<32x512xf32, #tpu.memory_space<vmem>> -> memref<8x128xf32, #tpu.memory_space<vmem>>
    %dma_start3A_54 = arith.constant 0 : i32
    %dma_start3A_55 = tpu.memref_slice %arg2[%dma_start3A_54, %add3A_45] : memref<32x1000000xf32, #tpu.memory_space<hbm>> -> memref<8x128xf32, #tpu.memory_space<hbm>>
    tpu.enqueue_dma source(%dma_start3A_55 : memref<8x128xf32, #tpu.memory_space<hbm>>) target(%dma_start3A_53 : memref<8x128xf32, #tpu.memory_space<vmem>>) target_semaphore(%arg9 : memref<!tpu.dma_semaphore, #tpu.memory_space<semaphore_mem>>)
    %add3A_56 = arith.constant 0 : i32
    %add3A_57 = arith.addi %mul3A_8, %add3A_56 : i32
    %dma_start3A_58 = arith.constant 8 : i32
    %dma_start3A_59 = arith.constant 0 : i32
    %dma_start3A_60 = tpu.memref_slice %arg5[%dma_start3A_58, %dma_start3A_59] : memref<32x512xf32, #tpu.memory_space<vmem>> -> memref<8x128xf32, #tpu.memory_space<vmem>>
    %dma_start3A_61 = arith.constant 8 : i32
    %dma_start3A_62 = tpu.memref_slice %arg2[%dma_start3A_61, %add3A_57] : memref<32x1000000xf32, #tpu.memory_space<hbm>> -> memref<8x128xf32, #tpu.memory_space<hbm>>
    %dma_start3A_63 = arith.constant 8 : i32
    %dma_start3A_64 = arith.constant 0 : i32
    %dma_start3A_65 = tpu.memref_slice %arg5[%dma_start3A_63, %dma_start3A_64] : memref<32x512xf32, #tpu.memory_space<vmem>> -> memref<8x128xf32, #tpu.memory_space<vmem>>
    %dma_start3A_66 = arith.constant 8 : i32
    %dma_start3A_67 = tpu.memref_slice %arg2[%dma_start3A_66, %add3A_57] : memref<32x1000000xf32, #tpu.memory_space<hbm>> -> memref<8x128xf32, #tpu.memory_space<hbm>>
    tpu.enqueue_dma source(%dma_start3A_67 : memref<8x128xf32, #tpu.memory_space<hbm>>) target(%dma_start3A_65 : memref<8x128xf32, #tpu.memory_space<vmem>>) target_semaphore(%arg9 : memref<!tpu.dma_semaphore, #tpu.memory_space<semaphore_mem>>)
    %add3A_68 = arith.constant 128 : i32
    %add3A_69 = arith.addi %mul3A_8, %add3A_68 : i32
    %dma_start3A_70 = arith.constant 8 : i32
    %dma_start3A_71 = arith.constant 128 : i32
    %dma_start3A_72 = tpu.memref_slice %arg5[%dma_start3A_70, %dma_start3A_71] : memref<32x512xf32, #tpu.memory_space<vmem>> -> memref<8x128xf32, #tpu.memory_space<vmem>>
    %dma_start3A_73 = arith.constant 8 : i32
    %dma_start3A_74 = tpu.memref_slice %arg2[%dma_start3A_73, %add3A_69] : memref<32x1000000xf32, #tpu.memory_space<hbm>> -> memref<8x128xf32, #tpu.memory_space<hbm>>
    %dma_start3A_75 = arith.constant 8 : i32
    %dma_start3A_76 = arith.constant 128 : i32
    %dma_start3A_77 = tpu.memref_slice %arg5[%dma_start3A_75, %dma_start3A_76] : memref<32x512xf32, #tpu.memory_space<vmem>> -> memref<8x128xf32, #tpu.memory_space<vmem>>
    %dma_start3A_78 = arith.constant 8 : i32
    %dma_start3A_79 = tpu.memref_slice %arg2[%dma_start3A_78, %add3A_69] : memref<32x1000000xf32, #tpu.memory_space<hbm>> -> memref<8x128xf32, #tpu.memory_space<hbm>>
    tpu.enqueue_dma source(%dma_start3A_79 : memref<8x128xf32, #tpu.memory_space<hbm>>) target(%dma_start3A_77 : memref<8x128xf32, #tpu.memory_space<vmem>>) target_semaphore(%arg9 : memref<!tpu.dma_semaphore, #tpu.memory_space<semaphore_mem>>)
    %add3A_80 = arith.constant 256 : i32
    %add3A_81 = arith.addi %mul3A_8, %add3A_80 : i32
    %dma_start3A_82 = arith.constant 8 : i32
    %dma_start3A_83 = arith.constant 256 : i32
    %dma_start3A_84 = tpu.memref_slice %arg5[%dma_start3A_82, %dma_start3A_83] : memref<32x512xf32, #tpu.memory_space<vmem>> -> memref<8x128xf32, #tpu.memory_space<vmem>>
    %dma_start3A_85 = arith.constant 8 : i32
    %dma_start3A_86 = tpu.memref_slice %arg2[%dma_start3A_85, %add3A_81] : memref<32x1000000xf32, #tpu.memory_space<hbm>> -> memref<8x128xf32, #tpu.memory_space<hbm>>
    %dma_start3A_87 = arith.constant 8 : i32
    %dma_start3A_88 = arith.constant 256 : i32
    %dma_start3A_89 = tpu.memref_slice %arg5[%dma_start3A_87, %dma_start3A_88] : memref<32x512xf32, #tpu.memory_space<vmem>> -> memref<8x128xf32, #tpu.memory_space<vmem>>
    %dma_start3A_90 = arith.constant 8 : i32
    %dma_start3A_91 = tpu.memref_slice %arg2[%dma_start3A_90, %add3A_81] : memref<32x1000000xf32, #tpu.memory_space<hbm>> -> memref<8x128xf32, #tpu.memory_space<hbm>>
    tpu.enqueue_dma source(%dma_start3A_91 : memref<8x128xf32, #tpu.memory_space<hbm>>) target(%dma_start3A_89 : memref<8x128xf32, #tpu.memory_space<vmem>>) target_semaphore(%arg9 : memref<!tpu.dma_semaphore, #tpu.memory_space<semaphore_mem>>)
    %add3A_92 = arith.constant 384 : i32
    %add3A_93 = arith.addi %mul3A_8, %add3A_92 : i32
    %dma_start3A_94 = arith.constant 8 : i32
    %dma_start3A_95 = arith.constant 384 : i32
    %dma_start3A_96 = tpu.memref_slice %arg5[%dma_start3A_94, %dma_start3A_95] : memref<32x512xf32, #tpu.memory_space<vmem>> -> memref<8x128xf32, #tpu.memory_space<vmem>>
    %dma_start3A_97 = arith.constant 8 : i32
    %dma_start3A_98 = tpu.memref_slice %arg2[%dma_start3A_97, %add3A_93] : memref<32x1000000xf32, #tpu.memory_space<hbm>> -> memref<8x128xf32, #tpu.memory_space<hbm>>
    %dma_start3A_99 = arith.constant 8 : i32
    %dma_start3A_100 = arith.constant 384 : i32
    %dma_start3A_101 = tpu.memref_slice %arg5[%dma_start3A_99, %dma_start3A_100] : memref<32x512xf32, #tpu.memory_space<vmem>> -> memref<8x128xf32, #tpu.memory_space<vmem>>
    %dma_start3A_102 = arith.constant 8 : i32
    %dma_start3A_103 = tpu.memref_slice %arg2[%dma_start3A_102, %add3A_93] : memref<32x1000000xf32, #tpu.memory_space<hbm>> -> memref<8x128xf32, #tpu.memory_space<hbm>>
    tpu.enqueue_dma source(%dma_start3A_103 : memref<8x128xf32, #tpu.memory_space<hbm>>) target(%dma_start3A_101 : memref<8x128xf32, #tpu.memory_space<vmem>>) target_semaphore(%arg9 : memref<!tpu.dma_semaphore, #tpu.memory_space<semaphore_mem>>)
    %add3A_104 = arith.constant 0 : i32
    %add3A_105 = arith.addi %mul3A_8, %add3A_104 : i32
    %dma_start3A_106 = arith.constant 16 : i32
    %dma_start3A_107 = arith.constant 0 : i32
    %dma_start3A_108 = tpu.memref_slice %arg5[%dma_start3A_106, %dma_start3A_107] : memref<32x512xf32, #tpu.memory_space<vmem>> -> memref<8x128xf32, #tpu.memory_space<vmem>>
    %dma_start3A_109 = arith.constant 16 : i32
    %dma_start3A_110 = tpu.memref_slice %arg2[%dma_start3A_109, %add3A_105] : memref<32x1000000xf32, #tpu.memory_space<hbm>> -> memref<8x128xf32, #tpu.memory_space<hbm>>
    %dma_start3A_111 = arith.constant 16 : i32
    %dma_start3A_112 = arith.constant 0 : i32
    %dma_start3A_113 = tpu.memref_slice %arg5[%dma_start3A_111, %dma_start3A_112] : memref<32x512xf32, #tpu.memory_space<vmem>> -> memref<8x128xf32, #tpu.memory_space<vmem>>
    %dma_start3A_114 = arith.constant 16 : i32
    %dma_start3A_115 = tpu.memref_slice %arg2[%dma_start3A_114, %add3A_105] : memref<32x1000000xf32, #tpu.memory_space<hbm>> -> memref<8x128xf32, #tpu.memory_space<hbm>>
    tpu.enqueue_dma source(%dma_start3A_115 : memref<8x128xf32, #tpu.memory_space<hbm>>) target(%dma_start3A_113 : memref<8x128xf32, #tpu.memory_space<vmem>>) target_semaphore(%arg9 : memref<!tpu.dma_semaphore, #tpu.memory_space<semaphore_mem>>)
    %add3A_116 = arith.constant 128 : i32
    %add3A_117 = arith.addi %mul3A_8, %add3A_116 : i32
    %dma_start3A_118 = arith.constant 16 : i32
    %dma_start3A_119 = arith.constant 128 : i32
    %dma_start3A_120 = tpu.memref_slice %arg5[%dma_start3A_118, %dma_start3A_119] : memref<32x512xf32, #tpu.memory_space<vmem>> -> memref<8x128xf32, #tpu.memory_space<vmem>>
    %dma_start3A_121 = arith.constant 16 : i32
    %dma_start3A_122 = tpu.memref_slice %arg2[%dma_start3A_121, %add3A_117] : memref<32x1000000xf32, #tpu.memory_space<hbm>> -> memref<8x128xf32, #tpu.memory_space<hbm>>
    %dma_start3A_123 = arith.constant 16 : i32
    %dma_start3A_124 = arith.constant 128 : i32
    %dma_start3A_125 = tpu.memref_slice %arg5[%dma_start3A_123, %dma_start3A_124] : memref<32x512xf32, #tpu.memory_space<vmem>> -> memref<8x128xf32, #tpu.memory_space<vmem>>
    %dma_start3A_126 = arith.constant 16 : i32
    %dma_start3A_127 = tpu.memref_slice %arg2[%dma_start3A_126, %add3A_117] : memref<32x1000000xf32, #tpu.memory_space<hbm>> -> memref<8x128xf32, #tpu.memory_space<hbm>>
    tpu.enqueue_dma source(%dma_start3A_127 : memref<8x128xf32, #tpu.memory_space<hbm>>) target(%dma_start3A_125 : memref<8x128xf32, #tpu.memory_space<vmem>>) target_semaphore(%arg9 : memref<!tpu.dma_semaphore, #tpu.memory_space<semaphore_mem>>)
    %add3A_128 = arith.constant 256 : i32
    %add3A_129 = arith.addi %mul3A_8, %add3A_128 : i32
    %dma_start3A_130 = arith.constant 16 : i32
    %dma_start3A_131 = arith.constant 256 : i32
    %dma_start3A_132 = tpu.memref_slice %arg5[%dma_start3A_130, %dma_start3A_131] : memref<32x512xf32, #tpu.memory_space<vmem>> -> memref<8x128xf32, #tpu.memory_space<vmem>>
    %dma_start3A_133 = arith.constant 16 : i32
    %dma_start3A_134 = tpu.memref_slice %arg2[%dma_start3A_133, %add3A_129] : memref<32x1000000xf32, #tpu.memory_space<hbm>> -> memref<8x128xf32, #tpu.memory_space<hbm>>
    %dma_start3A_135 = arith.constant 16 : i32
    %dma_start3A_136 = arith.constant 256 : i32
    %dma_start3A_137 = tpu.memref_slice %arg5[%dma_start3A_135, %dma_start3A_136] : memref<32x512xf32, #tpu.memory_space<vmem>> -> memref<8x128xf32, #tpu.memory_space<vmem>>
    %dma_start3A_138 = arith.constant 16 : i32
    %dma_start3A_139 = tpu.memref_slice %arg2[%dma_start3A_138, %add3A_129] : memref<32x1000000xf32, #tpu.memory_space<hbm>> -> memref<8x128xf32, #tpu.memory_space<hbm>>
    tpu.enqueue_dma source(%dma_start3A_139 : memref<8x128xf32, #tpu.memory_space<hbm>>) target(%dma_start3A_137 : memref<8x128xf32, #tpu.memory_space<vmem>>) target_semaphore(%arg9 : memref<!tpu.dma_semaphore, #tpu.memory_space<semaphore_mem>>)
    %add3A_140 = arith.constant 384 : i32
    %add3A_141 = arith.addi %mul3A_8, %add3A_140 : i32
    %dma_start3A_142 = arith.constant 16 : i32
    %dma_start3A_143 = arith.constant 384 : i32
    %dma_start3A_144 = tpu.memref_slice %arg5[%dma_start3A_142, %dma_start3A_143] : memref<32x512xf32, #tpu.memory_space<vmem>> -> memref<8x128xf32, #tpu.memory_space<vmem>>
    %dma_start3A_145 = arith.constant 16 : i32
    %dma_start3A_146 = tpu.memref_slice %arg2[%dma_start3A_145, %add3A_141] : memref<32x1000000xf32, #tpu.memory_space<hbm>> -> memref<8x128xf32, #tpu.memory_space<hbm>>
    %dma_start3A_147 = arith.constant 16 : i32
    %dma_start3A_148 = arith.constant 384 : i32
    %dma_start3A_149 = tpu.memref_slice %arg5[%dma_start3A_147, %dma_start3A_148] : memref<32x512xf32, #tpu.memory_space<vmem>> -> memref<8x128xf32, #tpu.memory_space<vmem>>
    %dma_start3A_150 = arith.constant 16 : i32
    %dma_start3A_151 = tpu.memref_slice %arg2[%dma_start3A_150, %add3A_141] : memref<32x1000000xf32, #tpu.memory_space<hbm>> -> memref<8x128xf32, #tpu.memory_space<hbm>>
    tpu.enqueue_dma source(%dma_start3A_151 : memref<8x128xf32, #tpu.memory_space<hbm>>) target(%dma_start3A_149 : memref<8x128xf32, #tpu.memory_space<vmem>>) target_semaphore(%arg9 : memref<!tpu.dma_semaphore, #tpu.memory_space<semaphore_mem>>)
    %add3A_152 = arith.constant 0 : i32
    %add3A_153 = arith.addi %mul3A_8, %add3A_152 : i32
    %dma_start3A_154 = arith.constant 24 : i32
    %dma_start3A_155 = arith.constant 0 : i32
    %dma_start3A_156 = tpu.memref_slice %arg5[%dma_start3A_154, %dma_start3A_155] : memref<32x512xf32, #tpu.memory_space<vmem>> -> memref<8x128xf32, #tpu.memory_space<vmem>>
    %dma_start3A_157 = arith.constant 24 : i32
    %dma_start3A_158 = tpu.memref_slice %arg2[%dma_start3A_157, %add3A_153] : memref<32x1000000xf32, #tpu.memory_space<hbm>> -> memref<8x128xf32, #tpu.memory_space<hbm>>
    %dma_start3A_159 = arith.constant 24 : i32
    %dma_start3A_160 = arith.constant 0 : i32
    %dma_start3A_161 = tpu.memref_slice %arg5[%dma_start3A_159, %dma_start3A_160] : memref<32x512xf32, #tpu.memory_space<vmem>> -> memref<8x128xf32, #tpu.memory_space<vmem>>
    %dma_start3A_162 = arith.constant 24 : i32
    %dma_start3A_163 = tpu.memref_slice %arg2[%dma_start3A_162, %add3A_153] : memref<32x1000000xf32, #tpu.memory_space<hbm>> -> memref<8x128xf32, #tpu.memory_space<hbm>>
    tpu.enqueue_dma source(%dma_start3A_163 : memref<8x128xf32, #tpu.memory_space<hbm>>) target(%dma_start3A_161 : memref<8x128xf32, #tpu.memory_space<vmem>>) target_semaphore(%arg9 : memref<!tpu.dma_semaphore, #tpu.memory_space<semaphore_mem>>)
    %add3A_164 = arith.constant 128 : i32
    %add3A_165 = arith.addi %mul3A_8, %add3A_164 : i32
    %dma_start3A_166 = arith.constant 24 : i32
    %dma_start3A_167 = arith.constant 128 : i32
    %dma_start3A_168 = tpu.memref_slice %arg5[%dma_start3A_166, %dma_start3A_167] : memref<32x512xf32, #tpu.memory_space<vmem>> -> memref<8x128xf32, #tpu.memory_space<vmem>>
    %dma_start3A_169 = arith.constant 24 : i32
    %dma_start3A_170 = tpu.memref_slice %arg2[%dma_start3A_169, %add3A_165] : memref<32x1000000xf32, #tpu.memory_space<hbm>> -> memref<8x128xf32, #tpu.memory_space<hbm>>
    %dma_start3A_171 = arith.constant 24 : i32
    %dma_start3A_172 = arith.constant 128 : i32
    %dma_start3A_173 = tpu.memref_slice %arg5[%dma_start3A_171, %dma_start3A_172] : memref<32x512xf32, #tpu.memory_space<vmem>> -> memref<8x128xf32, #tpu.memory_space<vmem>>
    %dma_start3A_174 = arith.constant 24 : i32
    %dma_start3A_175 = tpu.memref_slice %arg2[%dma_start3A_174, %add3A_165] : memref<32x1000000xf32, #tpu.memory_space<hbm>> -> memref<8x128xf32, #tpu.memory_space<hbm>>
    tpu.enqueue_dma source(%dma_start3A_175 : memref<8x128xf32, #tpu.memory_space<hbm>>) target(%dma_start3A_173 : memref<8x128xf32, #tpu.memory_space<vmem>>) target_semaphore(%arg9 : memref<!tpu.dma_semaphore, #tpu.memory_space<semaphore_mem>>)
    %add3A_176 = arith.constant 256 : i32
    %add3A_177 = arith.addi %mul3A_8, %add3A_176 : i32
    %dma_start3A_178 = arith.constant 24 : i32
    %dma_start3A_179 = arith.constant 256 : i32
    %dma_start3A_180 = tpu.memref_slice %arg5[%dma_start3A_178, %dma_start3A_179] : memref<32x512xf32, #tpu.memory_space<vmem>> -> memref<8x128xf32, #tpu.memory_space<vmem>>
    %dma_start3A_181 = arith.constant 24 : i32
    %dma_start3A_182 = tpu.memref_slice %arg2[%dma_start3A_181, %add3A_177] : memref<32x1000000xf32, #tpu.memory_space<hbm>> -> memref<8x128xf32, #tpu.memory_space<hbm>>
    %dma_start3A_183 = arith.constant 24 : i32
    %dma_start3A_184 = arith.constant 256 : i32
    %dma_start3A_185 = tpu.memref_slice %arg5[%dma_start3A_183, %dma_start3A_184] : memref<32x512xf32, #tpu.memory_space<vmem>> -> memref<8x128xf32, #tpu.memory_space<vmem>>
    %dma_start3A_186 = arith.constant 24 : i32
    %dma_start3A_187 = tpu.memref_slice %arg2[%dma_start3A_186, %add3A_177] : memref<32x1000000xf32, #tpu.memory_space<hbm>> -> memref<8x128xf32, #tpu.memory_space<hbm>>
    tpu.enqueue_dma source(%dma_start3A_187 : memref<8x128xf32, #tpu.memory_space<hbm>>) target(%dma_start3A_185 : memref<8x128xf32, #tpu.memory_space<vmem>>) target_semaphore(%arg9 : memref<!tpu.dma_semaphore, #tpu.memory_space<semaphore_mem>>)
    %add3A_188 = arith.constant 384 : i32
    %add3A_189 = arith.addi %mul3A_8, %add3A_188 : i32
    %dma_start3A_190 = arith.constant 24 : i32
    %dma_start3A_191 = arith.constant 384 : i32
    %dma_start3A_192 = tpu.memref_slice %arg5[%dma_start3A_190, %dma_start3A_191] : memref<32x512xf32, #tpu.memory_space<vmem>> -> memref<8x128xf32, #tpu.memory_space<vmem>>
    %dma_start3A_193 = arith.constant 24 : i32
    %dma_start3A_194 = tpu.memref_slice %arg2[%dma_start3A_193, %add3A_189] : memref<32x1000000xf32, #tpu.memory_space<hbm>> -> memref<8x128xf32, #tpu.memory_space<hbm>>
    %dma_start3A_195 = arith.constant 24 : i32
    %dma_start3A_196 = arith.constant 384 : i32
    %dma_start3A_197 = tpu.memref_slice %arg5[%dma_start3A_195, %dma_start3A_196] : memref<32x512xf32, #tpu.memory_space<vmem>> -> memref<8x128xf32, #tpu.memory_space<vmem>>
    %dma_start3A_198 = arith.constant 24 : i32
    %dma_start3A_199 = tpu.memref_slice %arg2[%dma_start3A_198, %add3A_189] : memref<32x1000000xf32, #tpu.memory_space<hbm>> -> memref<8x128xf32, #tpu.memory_space<hbm>>
    tpu.enqueue_dma source(%dma_start3A_199 : memref<8x128xf32, #tpu.memory_space<hbm>>) target(%dma_start3A_197 : memref<8x128xf32, #tpu.memory_space<vmem>>) target_semaphore(%arg9 : memref<!tpu.dma_semaphore, #tpu.memory_space<semaphore_mem>>)
    %add3A_200 = arith.constant 32 : i32
    %add3A_201 = arith.addi %add3A_200, %add3A : i32
    %mul3A_202 = arith.constant 512 : i32
    %mul3A_203 = arith.muli %add3A_201, %mul3A_202 : i32
    %add3A_204 = arith.constant 0 : i32
    %add3A_205 = arith.addi %mul3A_203, %add3A_204 : i32
    %dma_start3A_206 = arith.constant 0 : i32
    %dma_start3A_207 = arith.constant 0 : i32
    %dma_start3A_208 = tpu.memref_slice %arg6[%dma_start3A_206, %dma_start3A_207] : memref<32x512xf32, #tpu.memory_space<vmem>> -> memref<8x128xf32, #tpu.memory_space<vmem>>
    %dma_start3A_209 = arith.constant 0 : i32
    %dma_start3A_210 = tpu.memref_slice %arg2[%dma_start3A_209, %add3A_205] : memref<32x1000000xf32, #tpu.memory_space<hbm>> -> memref<8x128xf32, #tpu.memory_space<hbm>>
    %dma_start3A_211 = arith.constant 0 : i32
    %dma_start3A_212 = arith.constant 0 : i32
    %dma_start3A_213 = tpu.memref_slice %arg6[%dma_start3A_211, %dma_start3A_212] : memref<32x512xf32, #tpu.memory_space<vmem>> -> memref<8x128xf32, #tpu.memory_space<vmem>>
    %dma_start3A_214 = arith.constant 0 : i32
    %dma_start3A_215 = tpu.memref_slice %arg2[%dma_start3A_214, %add3A_205] : memref<32x1000000xf32, #tpu.memory_space<hbm>> -> memref<8x128xf32, #tpu.memory_space<hbm>>
    tpu.enqueue_dma source(%dma_start3A_215 : memref<8x128xf32, #tpu.memory_space<hbm>>) target(%dma_start3A_213 : memref<8x128xf32, #tpu.memory_space<vmem>>) target_semaphore(%arg10 : memref<!tpu.dma_semaphore, #tpu.memory_space<semaphore_mem>>)
    %add3A_216 = arith.constant 128 : i32
    %add3A_217 = arith.addi %mul3A_203, %add3A_216 : i32
    %dma_start3A_218 = arith.constant 0 : i32
    %dma_start3A_219 = arith.constant 128 : i32
    %dma_start3A_220 = tpu.memref_slice %arg6[%dma_start3A_218, %dma_start3A_219] : memref<32x512xf32, #tpu.memory_space<vmem>> -> memref<8x128xf32, #tpu.memory_space<vmem>>
    %dma_start3A_221 = arith.constant 0 : i32
    %dma_start3A_222 = tpu.memref_slice %arg2[%dma_start3A_221, %add3A_217] : memref<32x1000000xf32, #tpu.memory_space<hbm>> -> memref<8x128xf32, #tpu.memory_space<hbm>>
    %dma_start3A_223 = arith.constant 0 : i32
    %dma_start3A_224 = arith.constant 128 : i32
    %dma_start3A_225 = tpu.memref_slice %arg6[%dma_start3A_223, %dma_start3A_224] : memref<32x512xf32, #tpu.memory_space<vmem>> -> memref<8x128xf32, #tpu.memory_space<vmem>>
    %dma_start3A_226 = arith.constant 0 : i32
    %dma_start3A_227 = tpu.memref_slice %arg2[%dma_start3A_226, %add3A_217] : memref<32x1000000xf32, #tpu.memory_space<hbm>> -> memref<8x128xf32, #tpu.memory_space<hbm>>
    tpu.enqueue_dma source(%dma_start3A_227 : memref<8x128xf32, #tpu.memory_space<hbm>>) target(%dma_start3A_225 : memref<8x128xf32, #tpu.memory_space<vmem>>) target_semaphore(%arg10 : memref<!tpu.dma_semaphore, #tpu.memory_space<semaphore_mem>>)
    %add3A_228 = arith.constant 256 : i32
    %add3A_229 = arith.addi %mul3A_203, %add3A_228 : i32
    %dma_start3A_230 = arith.constant 0 : i32
    %dma_start3A_231 = arith.constant 256 : i32
    %dma_start3A_232 = tpu.memref_slice %arg6[%dma_start3A_230, %dma_start3A_231] : memref<32x512xf32, #tpu.memory_space<vmem>> -> memref<8x128xf32, #tpu.memory_space<vmem>>
    %dma_start3A_233 = arith.constant 0 : i32
    %dma_start3A_234 = tpu.memref_slice %arg2[%dma_start3A_233, %add3A_229] : memref<32x1000000xf32, #tpu.memory_space<hbm>> -> memref<8x128xf32, #tpu.memory_space<hbm>>
    %dma_start3A_235 = arith.constant 0 : i32
    %dma_start3A_236 = arith.constant 256 : i32
    %dma_start3A_237 = tpu.memref_slice %arg6[%dma_start3A_235, %dma_start3A_236] : memref<32x512xf32, #tpu.memory_space<vmem>> -> memref<8x128xf32, #tpu.memory_space<vmem>>
    %dma_start3A_238 = arith.constant 0 : i32
    %dma_start3A_239 = tpu.memref_slice %arg2[%dma_start3A_238, %add3A_229] : memref<32x1000000xf32, #tpu.memory_space<hbm>> -> memref<8x128xf32, #tpu.memory_space<hbm>>
    tpu.enqueue_dma source(%dma_start3A_239 : memref<8x128xf32, #tpu.memory_space<hbm>>) target(%dma_start3A_237 : memref<8x128xf32, #tpu.memory_space<vmem>>) target_semaphore(%arg10 : memref<!tpu.dma_semaphore, #tpu.memory_space<semaphore_mem>>)
    %add3A_240 = arith.constant 384 : i32
    %add3A_241 = arith.addi %mul3A_203, %add3A_240 : i32
    %dma_start3A_242 = arith.constant 0 : i32
    %dma_start3A_243 = arith.constant 384 : i32
    %dma_start3A_244 = tpu.memref_slice %arg6[%dma_start3A_242, %dma_start3A_243] : memref<32x512xf32, #tpu.memory_space<vmem>> -> memref<8x128xf32, #tpu.memory_space<vmem>>
    %dma_start3A_245 = arith.constant 0 : i32
    %dma_start3A_246 = tpu.memref_slice %arg2[%dma_start3A_245, %add3A_241] : memref<32x1000000xf32, #tpu.memory_space<hbm>> -> memref<8x128xf32, #tpu.memory_space<hbm>>
    %dma_start3A_247 = arith.constant 0 : i32
    %dma_start3A_248 = arith.constant 384 : i32
    %dma_start3A_249 = tpu.memref_slice %arg6[%dma_start3A_247, %dma_start3A_248] : memref<32x512xf32, #tpu.memory_space<vmem>> -> memref<8x128xf32, #tpu.memory_space<vmem>>
    %dma_start3A_250 = arith.constant 0 : i32
    %dma_start3A_251 = tpu.memref_slice %arg2[%dma_start3A_250, %add3A_241] : memref<32x1000000xf32, #tpu.memory_space<hbm>> -> memref<8x128xf32, #tpu.memory_space<hbm>>
    tpu.enqueue_dma source(%dma_start3A_251 : memref<8x128xf32, #tpu.memory_space<hbm>>) target(%dma_start3A_249 : memref<8x128xf32, #tpu.memory_space<vmem>>) target_semaphore(%arg10 : memref<!tpu.dma_semaphore, #tpu.memory_space<semaphore_mem>>)
    %add3A_252 = arith.constant 0 : i32
    %add3A_253 = arith.addi %mul3A_203, %add3A_252 : i32
    %dma_start3A_254 = arith.constant 8 : i32
    %dma_start3A_255 = arith.constant 0 : i32
    %dma_start3A_256 = tpu.memref_slice %arg6[%dma_start3A_254, %dma_start3A_255] : memref<32x512xf32, #tpu.memory_space<vmem>> -> memref<8x128xf32, #tpu.memory_space<vmem>>
    %dma_start3A_257 = arith.constant 8 : i32
    %dma_start3A_258 = tpu.memref_slice %arg2[%dma_start3A_257, %add3A_253] : memref<32x1000000xf32, #tpu.memory_space<hbm>> -> memref<8x128xf32, #tpu.memory_space<hbm>>
    %dma_start3A_259 = arith.constant 8 : i32
    %dma_start3A_260 = arith.constant 0 : i32
    %dma_start3A_261 = tpu.memref_slice %arg6[%dma_start3A_259, %dma_start3A_260] : memref<32x512xf32, #tpu.memory_space<vmem>> -> memref<8x128xf32, #tpu.memory_space<vmem>>
    %dma_start3A_262 = arith.constant 8 : i32
    %dma_start3A_263 = tpu.memref_slice %arg2[%dma_start3A_262, %add3A_253] : memref<32x1000000xf32, #tpu.memory_space<hbm>> -> memref<8x128xf32, #tpu.memory_space<hbm>>
    tpu.enqueue_dma source(%dma_start3A_263 : memref<8x128xf32, #tpu.memory_space<hbm>>) target(%dma_start3A_261 : memref<8x128xf32, #tpu.memory_space<vmem>>) target_semaphore(%arg10 : memref<!tpu.dma_semaphore, #tpu.memory_space<semaphore_mem>>)
    %add3A_264 = arith.constant 128 : i32
    %add3A_265 = arith.addi %mul3A_203, %add3A_264 : i32
    %dma_start3A_266 = arith.constant 8 : i32
    %dma_start3A_267 = arith.constant 128 : i32
    %dma_start3A_268 = tpu.memref_slice %arg6[%dma_start3A_266, %dma_start3A_267] : memref<32x512xf32, #tpu.memory_space<vmem>> -> memref<8x128xf32, #tpu.memory_space<vmem>>
    %dma_start3A_269 = arith.constant 8 : i32
    %dma_start3A_270 = tpu.memref_slice %arg2[%dma_start3A_269, %add3A_265] : memref<32x1000000xf32, #tpu.memory_space<hbm>> -> memref<8x128xf32, #tpu.memory_space<hbm>>
    %dma_start3A_271 = arith.constant 8 : i32
    %dma_start3A_272 = arith.constant 128 : i32
    %dma_start3A_273 = tpu.memref_slice %arg6[%dma_start3A_271, %dma_start3A_272] : memref<32x512xf32, #tpu.memory_space<vmem>> -> memref<8x128xf32, #tpu.memory_space<vmem>>
    %dma_start3A_274 = arith.constant 8 : i32
    %dma_start3A_275 = tpu.memref_slice %arg2[%dma_start3A_274, %add3A_265] : memref<32x1000000xf32, #tpu.memory_space<hbm>> -> memref<8x128xf32, #tpu.memory_space<hbm>>
    tpu.enqueue_dma source(%dma_start3A_275 : memref<8x128xf32, #tpu.memory_space<hbm>>) target(%dma_start3A_273 : memref<8x128xf32, #tpu.memory_space<vmem>>) target_semaphore(%arg10 : memref<!tpu.dma_semaphore, #tpu.memory_space<semaphore_mem>>)
    %add3A_276 = arith.constant 256 : i32
    %add3A_277 = arith.addi %mul3A_203, %add3A_276 : i32
    %dma_start3A_278 = arith.constant 8 : i32
    %dma_start3A_279 = arith.constant 256 : i32
    %dma_start3A_280 = tpu.memref_slice %arg6[%dma_start3A_278, %dma_start3A_279] : memref<32x512xf32, #tpu.memory_space<vmem>> -> memref<8x128xf32, #tpu.memory_space<vmem>>
    %dma_start3A_281 = arith.constant 8 : i32
    %dma_start3A_282 = tpu.memref_slice %arg2[%dma_start3A_281, %add3A_277] : memref<32x1000000xf32, #tpu.memory_space<hbm>> -> memref<8x128xf32, #tpu.memory_space<hbm>>
    %dma_start3A_283 = arith.constant 8 : i32
    %dma_start3A_284 = arith.constant 256 : i32
    %dma_start3A_285 = tpu.memref_slice %arg6[%dma_start3A_283, %dma_start3A_284] : memref<32x512xf32, #tpu.memory_space<vmem>> -> memref<8x128xf32, #tpu.memory_space<vmem>>
    %dma_start3A_286 = arith.constant 8 : i32
    %dma_start3A_287 = tpu.memref_slice %arg2[%dma_start3A_286, %add3A_277] : memref<32x1000000xf32, #tpu.memory_space<hbm>> -> memref<8x128xf32, #tpu.memory_space<hbm>>
    tpu.enqueue_dma source(%dma_start3A_287 : memref<8x128xf32, #tpu.memory_space<hbm>>) target(%dma_start3A_285 : memref<8x128xf32, #tpu.memory_space<vmem>>) target_semaphore(%arg10 : memref<!tpu.dma_semaphore, #tpu.memory_space<semaphore_mem>>)
    %add3A_288 = arith.constant 384 : i32
    %add3A_289 = arith.addi %mul3A_203, %add3A_288 : i32
    %dma_start3A_290 = arith.constant 8 : i32
    %dma_start3A_291 = arith.constant 384 : i32
    %dma_start3A_292 = tpu.memref_slice %arg6[%dma_start3A_290, %dma_start3A_291] : memref<32x512xf32, #tpu.memory_space<vmem>> -> memref<8x128xf32, #tpu.memory_space<vmem>>
    %dma_start3A_293 = arith.constant 8 : i32
    %dma_start3A_294 = tpu.memref_slice %arg2[%dma_start3A_293, %add3A_289] : memref<32x1000000xf32, #tpu.memory_space<hbm>> -> memref<8x128xf32, #tpu.memory_space<hbm>>
    %dma_start3A_295 = arith.constant 8 : i32
    %dma_start3A_296 = arith.constant 384 : i32
    %dma_start3A_297 = tpu.memref_slice %arg6[%dma_start3A_295, %dma_start3A_296] : memref<32x512xf32, #tpu.memory_space<vmem>> -> memref<8x128xf32, #tpu.memory_space<vmem>>
    %dma_start3A_298 = arith.constant 8 : i32
    %dma_start3A_299 = tpu.memref_slice %arg2[%dma_start3A_298, %add3A_289] : memref<32x1000000xf32, #tpu.memory_space<hbm>> -> memref<8x128xf32, #tpu.memory_space<hbm>>
    tpu.enqueue_dma source(%dma_start3A_299 : memref<8x128xf32, #tpu.memory_space<hbm>>) target(%dma_start3A_297 : memref<8x128xf32, #tpu.memory_space<vmem>>) target_semaphore(%arg10 : memref<!tpu.dma_semaphore, #tpu.memory_space<semaphore_mem>>)
    %add3A_300 = arith.constant 0 : i32
    %add3A_301 = arith.addi %mul3A_203, %add3A_300 : i32
    %dma_start3A_302 = arith.constant 16 : i32
    %dma_start3A_303 = arith.constant 0 : i32
    %dma_start3A_304 = tpu.memref_slice %arg6[%dma_start3A_302, %dma_start3A_303] : memref<32x512xf32, #tpu.memory_space<vmem>> -> memref<8x128xf32, #tpu.memory_space<vmem>>
    %dma_start3A_305 = arith.constant 16 : i32
    %dma_start3A_306 = tpu.memref_slice %arg2[%dma_start3A_305, %add3A_301] : memref<32x1000000xf32, #tpu.memory_space<hbm>> -> memref<8x128xf32, #tpu.memory_space<hbm>>
    %dma_start3A_307 = arith.constant 16 : i32
    %dma_start3A_308 = arith.constant 0 : i32
    %dma_start3A_309 = tpu.memref_slice %arg6[%dma_start3A_307, %dma_start3A_308] : memref<32x512xf32, #tpu.memory_space<vmem>> -> memref<8x128xf32, #tpu.memory_space<vmem>>
    %dma_start3A_310 = arith.constant 16 : i32
    %dma_start3A_311 = tpu.memref_slice %arg2[%dma_start3A_310, %add3A_301] : memref<32x1000000xf32, #tpu.memory_space<hbm>> -> memref<8x128xf32, #tpu.memory_space<hbm>>
    tpu.enqueue_dma source(%dma_start3A_311 : memref<8x128xf32, #tpu.memory_space<hbm>>) target(%dma_start3A_309 : memref<8x128xf32, #tpu.memory_space<vmem>>) target_semaphore(%arg10 : memref<!tpu.dma_semaphore, #tpu.memory_space<semaphore_mem>>)
    %add3A_312 = arith.constant 128 : i32
    %add3A_313 = arith.addi %mul3A_203, %add3A_312 : i32
    %dma_start3A_314 = arith.constant 16 : i32
    %dma_start3A_315 = arith.constant 128 : i32
    %dma_start3A_316 = tpu.memref_slice %arg6[%dma_start3A_314, %dma_start3A_315] : memref<32x512xf32, #tpu.memory_space<vmem>> -> memref<8x128xf32, #tpu.memory_space<vmem>>
    %dma_start3A_317 = arith.constant 16 : i32
    %dma_start3A_318 = tpu.memref_slice %arg2[%dma_start3A_317, %add3A_313] : memref<32x1000000xf32, #tpu.memory_space<hbm>> -> memref<8x128xf32, #tpu.memory_space<hbm>>
    %dma_start3A_319 = arith.constant 16 : i32
    %dma_start3A_320 = arith.constant 128 : i32
    %dma_start3A_321 = tpu.memref_slice %arg6[%dma_start3A_319, %dma_start3A_320] : memref<32x512xf32, #tpu.memory_space<vmem>> -> memref<8x128xf32, #tpu.memory_space<vmem>>
    %dma_start3A_322 = arith.constant 16 : i32
    %dma_start3A_323 = tpu.memref_slice %arg2[%dma_start3A_322, %add3A_313] : memref<32x1000000xf32, #tpu.memory_space<hbm>> -> memref<8x128xf32, #tpu.memory_space<hbm>>
    tpu.enqueue_dma source(%dma_start3A_323 : memref<8x128xf32, #tpu.memory_space<hbm>>) target(%dma_start3A_321 : memref<8x128xf32, #tpu.memory_space<vmem>>) target_semaphore(%arg10 : memref<!tpu.dma_semaphore, #tpu.memory_space<semaphore_mem>>)
    %add3A_324 = arith.constant 256 : i32
    %add3A_325 = arith.addi %mul3A_203, %add3A_324 : i32
    %dma_start3A_326 = arith.constant 16 : i32
    %dma_start3A_327 = arith.constant 256 : i32
    %dma_start3A_328 = tpu.memref_slice %arg6[%dma_start3A_326, %dma_start3A_327] : memref<32x512xf32, #tpu.memory_space<vmem>> -> memref<8x128xf32, #tpu.memory_space<vmem>>
    %dma_start3A_329 = arith.constant 16 : i32
    %dma_start3A_330 = tpu.memref_slice %arg2[%dma_start3A_329, %add3A_325] : memref<32x1000000xf32, #tpu.memory_space<hbm>> -> memref<8x128xf32, #tpu.memory_space<hbm>>
    %dma_start3A_331 = arith.constant 16 : i32
    %dma_start3A_332 = arith.constant 256 : i32
    %dma_start3A_333 = tpu.memref_slice %arg6[%dma_start3A_331, %dma_start3A_332] : memref<32x512xf32, #tpu.memory_space<vmem>> -> memref<8x128xf32, #tpu.memory_space<vmem>>
    %dma_start3A_334 = arith.constant 16 : i32
    %dma_start3A_335 = tpu.memref_slice %arg2[%dma_start3A_334, %add3A_325] : memref<32x1000000xf32, #tpu.memory_space<hbm>> -> memref<8x128xf32, #tpu.memory_space<hbm>>
    tpu.enqueue_dma source(%dma_start3A_335 : memref<8x128xf32, #tpu.memory_space<hbm>>) target(%dma_start3A_333 : memref<8x128xf32, #tpu.memory_space<vmem>>) target_semaphore(%arg10 : memref<!tpu.dma_semaphore, #tpu.memory_space<semaphore_mem>>)
    %add3A_336 = arith.constant 384 : i32
    %add3A_337 = arith.addi %mul3A_203, %add3A_336 : i32
    %dma_start3A_338 = arith.constant 16 : i32
    %dma_start3A_339 = arith.constant 384 : i32
    %dma_start3A_340 = tpu.memref_slice %arg6[%dma_start3A_338, %dma_start3A_339] : memref<32x512xf32, #tpu.memory_space<vmem>> -> memref<8x128xf32, #tpu.memory_space<vmem>>
    %dma_start3A_341 = arith.constant 16 : i32
    %dma_start3A_342 = tpu.memref_slice %arg2[%dma_start3A_341, %add3A_337] : memref<32x1000000xf32, #tpu.memory_space<hbm>> -> memref<8x128xf32, #tpu.memory_space<hbm>>
    %dma_start3A_343 = arith.constant 16 : i32
    %dma_start3A_344 = arith.constant 384 : i32
    %dma_start3A_345 = tpu.memref_slice %arg6[%dma_start3A_343, %dma_start3A_344] : memref<32x512xf32, #tpu.memory_space<vmem>> -> memref<8x128xf32, #tpu.memory_space<vmem>>
    %dma_start3A_346 = arith.constant 16 : i32
    %dma_start3A_347 = tpu.memref_slice %arg2[%dma_start3A_346, %add3A_337] : memref<32x1000000xf32, #tpu.memory_space<hbm>> -> memref<8x128xf32, #tpu.memory_space<hbm>>
    tpu.enqueue_dma source(%dma_start3A_347 : memref<8x128xf32, #tpu.memory_space<hbm>>) target(%dma_start3A_345 : memref<8x128xf32, #tpu.memory_space<vmem>>) target_semaphore(%arg10 : memref<!tpu.dma_semaphore, #tpu.memory_space<semaphore_mem>>)
    %add3A_348 = arith.constant 0 : i32
    %add3A_349 = arith.addi %mul3A_203, %add3A_348 : i32
    %dma_start3A_350 = arith.constant 24 : i32
    %dma_start3A_351 = arith.constant 0 : i32
    %dma_start3A_352 = tpu.memref_slice %arg6[%dma_start3A_350, %dma_start3A_351] : memref<32x512xf32, #tpu.memory_space<vmem>> -> memref<8x128xf32, #tpu.memory_space<vmem>>
    %dma_start3A_353 = arith.constant 24 : i32
    %dma_start3A_354 = tpu.memref_slice %arg2[%dma_start3A_353, %add3A_349] : memref<32x1000000xf32, #tpu.memory_space<hbm>> -> memref<8x128xf32, #tpu.memory_space<hbm>>
    %dma_start3A_355 = arith.constant 24 : i32
    %dma_start3A_356 = arith.constant 0 : i32
    %dma_start3A_357 = tpu.memref_slice %arg6[%dma_start3A_355, %dma_start3A_356] : memref<32x512xf32, #tpu.memory_space<vmem>> -> memref<8x128xf32, #tpu.memory_space<vmem>>
    %dma_start3A_358 = arith.constant 24 : i32
    %dma_start3A_359 = tpu.memref_slice %arg2[%dma_start3A_358, %add3A_349] : memref<32x1000000xf32, #tpu.memory_space<hbm>> -> memref<8x128xf32, #tpu.memory_space<hbm>>
    tpu.enqueue_dma source(%dma_start3A_359 : memref<8x128xf32, #tpu.memory_space<hbm>>) target(%dma_start3A_357 : memref<8x128xf32, #tpu.memory_space<vmem>>) target_semaphore(%arg10 : memref<!tpu.dma_semaphore, #tpu.memory_space<semaphore_mem>>)
    %add3A_360 = arith.constant 128 : i32
    %add3A_361 = arith.addi %mul3A_203, %add3A_360 : i32
    %dma_start3A_362 = arith.constant 24 : i32
    %dma_start3A_363 = arith.constant 128 : i32
    %dma_start3A_364 = tpu.memref_slice %arg6[%dma_start3A_362, %dma_start3A_363] : memref<32x512xf32, #tpu.memory_space<vmem>> -> memref<8x128xf32, #tpu.memory_space<vmem>>
    %dma_start3A_365 = arith.constant 24 : i32
    %dma_start3A_366 = tpu.memref_slice %arg2[%dma_start3A_365, %add3A_361] : memref<32x1000000xf32, #tpu.memory_space<hbm>> -> memref<8x128xf32, #tpu.memory_space<hbm>>
    %dma_start3A_367 = arith.constant 24 : i32
    %dma_start3A_368 = arith.constant 128 : i32
    %dma_start3A_369 = tpu.memref_slice %arg6[%dma_start3A_367, %dma_start3A_368] : memref<32x512xf32, #tpu.memory_space<vmem>> -> memref<8x128xf32, #tpu.memory_space<vmem>>
    %dma_start3A_370 = arith.constant 24 : i32
    %dma_start3A_371 = tpu.memref_slice %arg2[%dma_start3A_370, %add3A_361] : memref<32x1000000xf32, #tpu.memory_space<hbm>> -> memref<8x128xf32, #tpu.memory_space<hbm>>
    tpu.enqueue_dma source(%dma_start3A_371 : memref<8x128xf32, #tpu.memory_space<hbm>>) target(%dma_start3A_369 : memref<8x128xf32, #tpu.memory_space<vmem>>) target_semaphore(%arg10 : memref<!tpu.dma_semaphore, #tpu.memory_space<semaphore_mem>>)
    %add3A_372 = arith.constant 256 : i32
    %add3A_373 = arith.addi %mul3A_203, %add3A_372 : i32
    %dma_start3A_374 = arith.constant 24 : i32
    %dma_start3A_375 = arith.constant 256 : i32
    %dma_start3A_376 = tpu.memref_slice %arg6[%dma_start3A_374, %dma_start3A_375] : memref<32x512xf32, #tpu.memory_space<vmem>> -> memref<8x128xf32, #tpu.memory_space<vmem>>
    %dma_start3A_377 = arith.constant 24 : i32
    %dma_start3A_378 = tpu.memref_slice %arg2[%dma_start3A_377, %add3A_373] : memref<32x1000000xf32, #tpu.memory_space<hbm>> -> memref<8x128xf32, #tpu.memory_space<hbm>>
    %dma_start3A_379 = arith.constant 24 : i32
    %dma_start3A_380 = arith.constant 256 : i32
    %dma_start3A_381 = tpu.memref_slice %arg6[%dma_start3A_379, %dma_start3A_380] : memref<32x512xf32, #tpu.memory_space<vmem>> -> memref<8x128xf32, #tpu.memory_space<vmem>>
    %dma_start3A_382 = arith.constant 24 : i32
    %dma_start3A_383 = tpu.memref_slice %arg2[%dma_start3A_382, %add3A_373] : memref<32x1000000xf32, #tpu.memory_space<hbm>> -> memref<8x128xf32, #tpu.memory_space<hbm>>
    tpu.enqueue_dma source(%dma_start3A_383 : memref<8x128xf32, #tpu.memory_space<hbm>>) target(%dma_start3A_381 : memref<8x128xf32, #tpu.memory_space<vmem>>) target_semaphore(%arg10 : memref<!tpu.dma_semaphore, #tpu.memory_space<semaphore_mem>>)
    %add3A_384 = arith.constant 384 : i32
    %add3A_385 = arith.addi %mul3A_203, %add3A_384 : i32
    %dma_start3A_386 = arith.constant 24 : i32
    %dma_start3A_387 = arith.constant 384 : i32
    %dma_start3A_388 = tpu.memref_slice %arg6[%dma_start3A_386, %dma_start3A_387] : memref<32x512xf32, #tpu.memory_space<vmem>> -> memref<8x128xf32, #tpu.memory_space<vmem>>
    %dma_start3A_389 = arith.constant 24 : i32
    %dma_start3A_390 = tpu.memref_slice %arg2[%dma_start3A_389, %add3A_385] : memref<32x1000000xf32, #tpu.memory_space<hbm>> -> memref<8x128xf32, #tpu.memory_space<hbm>>
    %dma_start3A_391 = arith.constant 24 : i32
    %dma_start3A_392 = arith.constant 384 : i32
    %dma_start3A_393 = tpu.memref_slice %arg6[%dma_start3A_391, %dma_start3A_392] : memref<32x512xf32, #tpu.memory_space<vmem>> -> memref<8x128xf32, #tpu.memory_space<vmem>>
    %dma_start3A_394 = arith.constant 24 : i32
    %dma_start3A_395 = tpu.memref_slice %arg2[%dma_start3A_394, %add3A_385] : memref<32x1000000xf32, #tpu.memory_space<hbm>> -> memref<8x128xf32, #tpu.memory_space<hbm>>
    tpu.enqueue_dma source(%dma_start3A_395 : memref<8x128xf32, #tpu.memory_space<hbm>>) target(%dma_start3A_393 : memref<8x128xf32, #tpu.memory_space<vmem>>) target_semaphore(%arg10 : memref<!tpu.dma_semaphore, #tpu.memory_space<semaphore_mem>>)
    %scan3A = arith.constant 0 : i32
    %scan3A_396 = arith.constant 0 : i32
    %scan3A_397 = arith.constant 31 : i32
    %scan3A_398 = arith.addi %scan3A_396, %scan3A_397 : i32
    %scan3A_399 = arith.constant 1 : i32
    scf.for %scan3A_410 = %scan3A_396 to %scan3A_398 step %scan3A_399  : i32 {
      %mul3A_411 = arith.constant 2 : i32
      %mul3A_412 = arith.muli %mul3A_411, %scan3A_410 : i32
      %add3A_413 = arith.constant 0 : i32
      %add3A_414 = arith.addi %mul3A_412, %add3A_413 : i32
      %mul3A_415 = arith.constant 32 : i32
      %mul3A_416 = arith.muli %add3A_414, %mul3A_415 : i32
      %add3A_417 = arith.addi %mul3A_416, %add3A : i32
      %lt3A = arith.constant 1953 : i32
      %lt3A_418 = arith.cmpi slt, %add3A_417, %lt3A : i32
      %convert_element_type3A_419 = arith.extui %lt3A_418 : i1 to i32
      %cond3A_420 = arith.constant 0 : i32
      %cond3A_421 = arith.cmpi ne, %convert_element_type3A_419, %cond3A_420 : i32
      scf.if %cond3A_421 {
        %dma_wait3A_434 = arith.constant 0 : i32
        %dma_wait3A_435 = arith.constant 0 : i32
        %dma_wait3A_436 = tpu.memref_slice %arg5[%dma_wait3A_434, %dma_wait3A_435] : memref<32x512xf32, #tpu.memory_space<vmem>> -> memref<8x128xf32, #tpu.memory_space<vmem>>
        %dma_wait3A_437 = arith.constant 0 : i32
        %dma_wait3A_438 = arith.constant 0 : i32
        %dma_wait3A_439 = tpu.memref_slice %arg2[%dma_wait3A_437, %dma_wait3A_438] : memref<32x1000000xf32, #tpu.memory_space<hbm>> -> memref<8x128xf32, #tpu.memory_space<hbm>>
        %dma_wait3A_440 = arith.constant 0 : i32
        %dma_wait3A_441 = arith.constant 0 : i32
        %dma_wait3A_442 = tpu.memref_slice %arg5[%dma_wait3A_440, %dma_wait3A_441] : memref<32x512xf32, #tpu.memory_space<vmem>> -> memref<8x128xf32, #tpu.memory_space<vmem>>
        %dma_wait3A_443 = arith.constant 0 : i32
        %dma_wait3A_444 = arith.constant 0 : i32
        %dma_wait3A_445 = tpu.memref_slice %arg2[%dma_wait3A_443, %dma_wait3A_444] : memref<32x1000000xf32, #tpu.memory_space<hbm>> -> memref<8x128xf32, #tpu.memory_space<hbm>>
        tpu.wait_dma2 semaphore(%arg9 : memref<!tpu.dma_semaphore, #tpu.memory_space<semaphore_mem>>) src(%dma_wait3A_445 : memref<8x128xf32, #tpu.memory_space<hbm>>) dst(%dma_wait3A_442 : memref<8x128xf32, #tpu.memory_space<vmem>>)
        %dma_wait3A_446 = arith.constant 0 : i32
        %dma_wait3A_447 = arith.constant 0 : i32
        %dma_wait3A_448 = tpu.memref_slice %arg5[%dma_wait3A_446, %dma_wait3A_447] : memref<32x512xf32, #tpu.memory_space<vmem>> -> memref<8x128xf32, #tpu.memory_space<vmem>>
        %dma_wait3A_449 = arith.constant 0 : i32
        %dma_wait3A_450 = arith.constant 0 : i32
        %dma_wait3A_451 = tpu.memref_slice %arg2[%dma_wait3A_449, %dma_wait3A_450] : memref<32x1000000xf32, #tpu.memory_space<hbm>> -> memref<8x128xf32, #tpu.memory_space<hbm>>
        %dma_wait3A_452 = arith.constant 0 : i32
        %dma_wait3A_453 = arith.constant 0 : i32
        %dma_wait3A_454 = tpu.memref_slice %arg5[%dma_wait3A_452, %dma_wait3A_453] : memref<32x512xf32, #tpu.memory_space<vmem>> -> memref<8x128xf32, #tpu.memory_space<vmem>>
        %dma_wait3A_455 = arith.constant 0 : i32
        %dma_wait3A_456 = arith.constant 0 : i32
        %dma_wait3A_457 = tpu.memref_slice %arg2[%dma_wait3A_455, %dma_wait3A_456] : memref<32x1000000xf32, #tpu.memory_space<hbm>> -> memref<8x128xf32, #tpu.memory_space<hbm>>
        tpu.wait_dma2 semaphore(%arg9 : memref<!tpu.dma_semaphore, #tpu.memory_space<semaphore_mem>>) src(%dma_wait3A_457 : memref<8x128xf32, #tpu.memory_space<hbm>>) dst(%dma_wait3A_454 : memref<8x128xf32, #tpu.memory_space<vmem>>)
        %dma_wait3A_458 = arith.constant 0 : i32
        %dma_wait3A_459 = arith.constant 0 : i32
        %dma_wait3A_460 = tpu.memref_slice %arg5[%dma_wait3A_458, %dma_wait3A_459] : memref<32x512xf32, #tpu.memory_space<vmem>> -> memref<8x128xf32, #tpu.memory_space<vmem>>
        %dma_wait3A_461 = arith.constant 0 : i32
        %dma_wait3A_462 = arith.constant 0 : i32
        %dma_wait3A_463 = tpu.memref_slice %arg2[%dma_wait3A_461, %dma_wait3A_462] : memref<32x1000000xf32, #tpu.memory_space<hbm>> -> memref<8x128xf32, #tpu.memory_space<hbm>>
        %dma_wait3A_464 = arith.constant 0 : i32
        %dma_wait3A_465 = arith.constant 0 : i32
        %dma_wait3A_466 = tpu.memref_slice %arg5[%dma_wait3A_464, %dma_wait3A_465] : memref<32x512xf32, #tpu.memory_space<vmem>> -> memref<8x128xf32, #tpu.memory_space<vmem>>
        %dma_wait3A_467 = arith.constant 0 : i32
        %dma_wait3A_468 = arith.constant 0 : i32
        %dma_wait3A_469 = tpu.memref_slice %arg2[%dma_wait3A_467, %dma_wait3A_468] : memref<32x1000000xf32, #tpu.memory_space<hbm>> -> memref<8x128xf32, #tpu.memory_space<hbm>>
        tpu.wait_dma2 semaphore(%arg9 : memref<!tpu.dma_semaphore, #tpu.memory_space<semaphore_mem>>) src(%dma_wait3A_469 : memref<8x128xf32, #tpu.memory_space<hbm>>) dst(%dma_wait3A_466 : memref<8x128xf32, #tpu.memory_space<vmem>>)
        %dma_wait3A_470 = arith.constant 0 : i32
        %dma_wait3A_471 = arith.constant 0 : i32
        %dma_wait3A_472 = tpu.memref_slice %arg5[%dma_wait3A_470, %dma_wait3A_471] : memref<32x512xf32, #tpu.memory_space<vmem>> -> memref<8x128xf32, #tpu.memory_space<vmem>>
        %dma_wait3A_473 = arith.constant 0 : i32
        %dma_wait3A_474 = arith.constant 0 : i32
        %dma_wait3A_475 = tpu.memref_slice %arg2[%dma_wait3A_473, %dma_wait3A_474] : memref<32x1000000xf32, #tpu.memory_space<hbm>> -> memref<8x128xf32, #tpu.memory_space<hbm>>
        %dma_wait3A_476 = arith.constant 0 : i32
        %dma_wait3A_477 = arith.constant 0 : i32
        %dma_wait3A_478 = tpu.memref_slice %arg5[%dma_wait3A_476, %dma_wait3A_477] : memref<32x512xf32, #tpu.memory_space<vmem>> -> memref<8x128xf32, #tpu.memory_space<vmem>>
        %dma_wait3A_479 = arith.constant 0 : i32
        %dma_wait3A_480 = arith.constant 0 : i32
        %dma_wait3A_481 = tpu.memref_slice %arg2[%dma_wait3A_479, %dma_wait3A_480] : memref<32x1000000xf32, #tpu.memory_space<hbm>> -> memref<8x128xf32, #tpu.memory_space<hbm>>
        tpu.wait_dma2 semaphore(%arg9 : memref<!tpu.dma_semaphore, #tpu.memory_space<semaphore_mem>>) src(%dma_wait3A_481 : memref<8x128xf32, #tpu.memory_space<hbm>>) dst(%dma_wait3A_478 : memref<8x128xf32, #tpu.memory_space<vmem>>)
        %dma_wait3A_482 = arith.constant 0 : i32
        %dma_wait3A_483 = arith.constant 0 : i32
        %dma_wait3A_484 = tpu.memref_slice %arg5[%dma_wait3A_482, %dma_wait3A_483] : memref<32x512xf32, #tpu.memory_space<vmem>> -> memref<8x128xf32, #tpu.memory_space<vmem>>
        %dma_wait3A_485 = arith.constant 0 : i32
        %dma_wait3A_486 = arith.constant 0 : i32
        %dma_wait3A_487 = tpu.memref_slice %arg2[%dma_wait3A_485, %dma_wait3A_486] : memref<32x1000000xf32, #tpu.memory_space<hbm>> -> memref<8x128xf32, #tpu.memory_space<hbm>>
        %dma_wait3A_488 = arith.constant 0 : i32
        %dma_wait3A_489 = arith.constant 0 : i32
        %dma_wait3A_490 = tpu.memref_slice %arg5[%dma_wait3A_488, %dma_wait3A_489] : memref<32x512xf32, #tpu.memory_space<vmem>> -> memref<8x128xf32, #tpu.memory_space<vmem>>
        %dma_wait3A_491 = arith.constant 0 : i32
        %dma_wait3A_492 = arith.constant 0 : i32
        %dma_wait3A_493 = tpu.memref_slice %arg2[%dma_wait3A_491, %dma_wait3A_492] : memref<32x1000000xf32, #tpu.memory_space<hbm>> -> memref<8x128xf32, #tpu.memory_space<hbm>>
        tpu.wait_dma2 semaphore(%arg9 : memref<!tpu.dma_semaphore, #tpu.memory_space<semaphore_mem>>) src(%dma_wait3A_493 : memref<8x128xf32, #tpu.memory_space<hbm>>) dst(%dma_wait3A_490 : memref<8x128xf32, #tpu.memory_space<vmem>>)
        %dma_wait3A_494 = arith.constant 0 : i32
        %dma_wait3A_495 = arith.constant 0 : i32
        %dma_wait3A_496 = tpu.memref_slice %arg5[%dma_wait3A_494, %dma_wait3A_495] : memref<32x512xf32, #tpu.memory_space<vmem>> -> memref<8x128xf32, #tpu.memory_space<vmem>>
        %dma_wait3A_497 = arith.constant 0 : i32
        %dma_wait3A_498 = arith.constant 0 : i32
        %dma_wait3A_499 = tpu.memref_slice %arg2[%dma_wait3A_497, %dma_wait3A_498] : memref<32x1000000xf32, #tpu.memory_space<hbm>> -> memref<8x128xf32, #tpu.memory_space<hbm>>
        %dma_wait3A_500 = arith.constant 0 : i32
        %dma_wait3A_501 = arith.constant 0 : i32
        %dma_wait3A_502 = tpu.memref_slice %arg5[%dma_wait3A_500, %dma_wait3A_501] : memref<32x512xf32, #tpu.memory_space<vmem>> -> memref<8x128xf32, #tpu.memory_space<vmem>>
        %dma_wait3A_503 = arith.constant 0 : i32
        %dma_wait3A_504 = arith.constant 0 : i32
        %dma_wait3A_505 = tpu.memref_slice %arg2[%dma_wait3A_503, %dma_wait3A_504] : memref<32x1000000xf32, #tpu.memory_space<hbm>> -> memref<8x128xf32, #tpu.memory_space<hbm>>
        tpu.wait_dma2 semaphore(%arg9 : memref<!tpu.dma_semaphore, #tpu.memory_space<semaphore_mem>>) src(%dma_wait3A_505 : memref<8x128xf32, #tpu.memory_space<hbm>>) dst(%dma_wait3A_502 : memref<8x128xf32, #tpu.memory_space<vmem>>)
        %dma_wait3A_506 = arith.constant 0 : i32
        %dma_wait3A_507 = arith.constant 0 : i32
        %dma_wait3A_508 = tpu.memref_slice %arg5[%dma_wait3A_506, %dma_wait3A_507] : memref<32x512xf32, #tpu.memory_space<vmem>> -> memref<8x128xf32, #tpu.memory_space<vmem>>
        %dma_wait3A_509 = arith.constant 0 : i32
        %dma_wait3A_510 = arith.constant 0 : i32
        %dma_wait3A_511 = tpu.memref_slice %arg2[%dma_wait3A_509, %dma_wait3A_510] : memref<32x1000000xf32, #tpu.memory_space<hbm>> -> memref<8x128xf32, #tpu.memory_space<hbm>>
        %dma_wait3A_512 = arith.constant 0 : i32
        %dma_wait3A_513 = arith.constant 0 : i32
        %dma_wait3A_514 = tpu.memref_slice %arg5[%dma_wait3A_512, %dma_wait3A_513] : memref<32x512xf32, #tpu.memory_space<vmem>> -> memref<8x128xf32, #tpu.memory_space<vmem>>
        %dma_wait3A_515 = arith.constant 0 : i32
        %dma_wait3A_516 = arith.constant 0 : i32
        %dma_wait3A_517 = tpu.memref_slice %arg2[%dma_wait3A_515, %dma_wait3A_516] : memref<32x1000000xf32, #tpu.memory_space<hbm>> -> memref<8x128xf32, #tpu.memory_space<hbm>>
        tpu.wait_dma2 semaphore(%arg9 : memref<!tpu.dma_semaphore, #tpu.memory_space<semaphore_mem>>) src(%dma_wait3A_517 : memref<8x128xf32, #tpu.memory_space<hbm>>) dst(%dma_wait3A_514 : memref<8x128xf32, #tpu.memory_space<vmem>>)
        %dma_wait3A_518 = arith.constant 0 : i32
        %dma_wait3A_519 = arith.constant 0 : i32
        %dma_wait3A_520 = tpu.memref_slice %arg5[%dma_wait3A_518, %dma_wait3A_519] : memref<32x512xf32, #tpu.memory_space<vmem>> -> memref<8x128xf32, #tpu.memory_space<vmem>>
        %dma_wait3A_521 = arith.constant 0 : i32
        %dma_wait3A_522 = arith.constant 0 : i32
        %dma_wait3A_523 = tpu.memref_slice %arg2[%dma_wait3A_521, %dma_wait3A_522] : memref<32x1000000xf32, #tpu.memory_space<hbm>> -> memref<8x128xf32, #tpu.memory_space<hbm>>
        %dma_wait3A_524 = arith.constant 0 : i32
        %dma_wait3A_525 = arith.constant 0 : i32
        %dma_wait3A_526 = tpu.memref_slice %arg5[%dma_wait3A_524, %dma_wait3A_525] : memref<32x512xf32, #tpu.memory_space<vmem>> -> memref<8x128xf32, #tpu.memory_space<vmem>>
        %dma_wait3A_527 = arith.constant 0 : i32
        %dma_wait3A_528 = arith.constant 0 : i32
        %dma_wait3A_529 = tpu.memref_slice %arg2[%dma_wait3A_527, %dma_wait3A_528] : memref<32x1000000xf32, #tpu.memory_space<hbm>> -> memref<8x128xf32, #tpu.memory_space<hbm>>
        tpu.wait_dma2 semaphore(%arg9 : memref<!tpu.dma_semaphore, #tpu.memory_space<semaphore_mem>>) src(%dma_wait3A_529 : memref<8x128xf32, #tpu.memory_space<hbm>>) dst(%dma_wait3A_526 : memref<8x128xf32, #tpu.memory_space<vmem>>)
        %dma_wait3A_530 = arith.constant 0 : i32
        %dma_wait3A_531 = arith.constant 0 : i32
        %dma_wait3A_532 = tpu.memref_slice %arg5[%dma_wait3A_530, %dma_wait3A_531] : memref<32x512xf32, #tpu.memory_space<vmem>> -> memref<8x128xf32, #tpu.memory_space<vmem>>
        %dma_wait3A_533 = arith.constant 0 : i32
        %dma_wait3A_534 = arith.constant 0 : i32
        %dma_wait3A_535 = tpu.memref_slice %arg2[%dma_wait3A_533, %dma_wait3A_534] : memref<32x1000000xf32, #tpu.memory_space<hbm>> -> memref<8x128xf32, #tpu.memory_space<hbm>>
        %dma_wait3A_536 = arith.constant 0 : i32
        %dma_wait3A_537 = arith.constant 0 : i32
        %dma_wait3A_538 = tpu.memref_slice %arg5[%dma_wait3A_536, %dma_wait3A_537] : memref<32x512xf32, #tpu.memory_space<vmem>> -> memref<8x128xf32, #tpu.memory_space<vmem>>
        %dma_wait3A_539 = arith.constant 0 : i32
        %dma_wait3A_540 = arith.constant 0 : i32
        %dma_wait3A_541 = tpu.memref_slice %arg2[%dma_wait3A_539, %dma_wait3A_540] : memref<32x1000000xf32, #tpu.memory_space<hbm>> -> memref<8x128xf32, #tpu.memory_space<hbm>>
        tpu.wait_dma2 semaphore(%arg9 : memref<!tpu.dma_semaphore, #tpu.memory_space<semaphore_mem>>) src(%dma_wait3A_541 : memref<8x128xf32, #tpu.memory_space<hbm>>) dst(%dma_wait3A_538 : memref<8x128xf32, #tpu.memory_space<vmem>>)
        %dma_wait3A_542 = arith.constant 0 : i32
        %dma_wait3A_543 = arith.constant 0 : i32
        %dma_wait3A_544 = tpu.memref_slice %arg5[%dma_wait3A_542, %dma_wait3A_543] : memref<32x512xf32, #tpu.memory_space<vmem>> -> memref<8x128xf32, #tpu.memory_space<vmem>>
        %dma_wait3A_545 = arith.constant 0 : i32
        %dma_wait3A_546 = arith.constant 0 : i32
        %dma_wait3A_547 = tpu.memref_slice %arg2[%dma_wait3A_545, %dma_wait3A_546] : memref<32x1000000xf32, #tpu.memory_space<hbm>> -> memref<8x128xf32, #tpu.memory_space<hbm>>
        %dma_wait3A_548 = arith.constant 0 : i32
        %dma_wait3A_549 = arith.constant 0 : i32
        %dma_wait3A_550 = tpu.memref_slice %arg5[%dma_wait3A_548, %dma_wait3A_549] : memref<32x512xf32, #tpu.memory_space<vmem>> -> memref<8x128xf32, #tpu.memory_space<vmem>>
        %dma_wait3A_551 = arith.constant 0 : i32
        %dma_wait3A_552 = arith.constant 0 : i32
        %dma_wait3A_553 = tpu.memref_slice %arg2[%dma_wait3A_551, %dma_wait3A_552] : memref<32x1000000xf32, #tpu.memory_space<hbm>> -> memref<8x128xf32, #tpu.memory_space<hbm>>
        tpu.wait_dma2 semaphore(%arg9 : memref<!tpu.dma_semaphore, #tpu.memory_space<semaphore_mem>>) src(%dma_wait3A_553 : memref<8x128xf32, #tpu.memory_space<hbm>>) dst(%dma_wait3A_550 : memref<8x128xf32, #tpu.memory_space<vmem>>)
        %dma_wait3A_554 = arith.constant 0 : i32
        %dma_wait3A_555 = arith.constant 0 : i32
        %dma_wait3A_556 = tpu.memref_slice %arg5[%dma_wait3A_554, %dma_wait3A_555] : memref<32x512xf32, #tpu.memory_space<vmem>> -> memref<8x128xf32, #tpu.memory_space<vmem>>
        %dma_wait3A_557 = arith.constant 0 : i32
        %dma_wait3A_558 = arith.constant 0 : i32
        %dma_wait3A_559 = tpu.memref_slice %arg2[%dma_wait3A_557, %dma_wait3A_558] : memref<32x1000000xf32, #tpu.memory_space<hbm>> -> memref<8x128xf32, #tpu.memory_space<hbm>>
        %dma_wait3A_560 = arith.constant 0 : i32
        %dma_wait3A_561 = arith.constant 0 : i32
        %dma_wait3A_562 = tpu.memref_slice %arg5[%dma_wait3A_560, %dma_wait3A_561] : memref<32x512xf32, #tpu.memory_space<vmem>> -> memref<8x128xf32, #tpu.memory_space<vmem>>
        %dma_wait3A_563 = arith.constant 0 : i32
        %dma_wait3A_564 = arith.constant 0 : i32
        %dma_wait3A_565 = tpu.memref_slice %arg2[%dma_wait3A_563, %dma_wait3A_564] : memref<32x1000000xf32, #tpu.memory_space<hbm>> -> memref<8x128xf32, #tpu.memory_space<hbm>>
        tpu.wait_dma2 semaphore(%arg9 : memref<!tpu.dma_semaphore, #tpu.memory_space<semaphore_mem>>) src(%dma_wait3A_565 : memref<8x128xf32, #tpu.memory_space<hbm>>) dst(%dma_wait3A_562 : memref<8x128xf32, #tpu.memory_space<vmem>>)
        %dma_wait3A_566 = arith.constant 0 : i32
        %dma_wait3A_567 = arith.constant 0 : i32
        %dma_wait3A_568 = tpu.memref_slice %arg5[%dma_wait3A_566, %dma_wait3A_567] : memref<32x512xf32, #tpu.memory_space<vmem>> -> memref<8x128xf32, #tpu.memory_space<vmem>>
        %dma_wait3A_569 = arith.constant 0 : i32
        %dma_wait3A_570 = arith.constant 0 : i32
        %dma_wait3A_571 = tpu.memref_slice %arg2[%dma_wait3A_569, %dma_wait3A_570] : memref<32x1000000xf32, #tpu.memory_space<hbm>> -> memref<8x128xf32, #tpu.memory_space<hbm>>
        %dma_wait3A_572 = arith.constant 0 : i32
        %dma_wait3A_573 = arith.constant 0 : i32
        %dma_wait3A_574 = tpu.memref_slice %arg5[%dma_wait3A_572, %dma_wait3A_573] : memref<32x512xf32, #tpu.memory_space<vmem>> -> memref<8x128xf32, #tpu.memory_space<vmem>>
        %dma_wait3A_575 = arith.constant 0 : i32
        %dma_wait3A_576 = arith.constant 0 : i32
        %dma_wait3A_577 = tpu.memref_slice %arg2[%dma_wait3A_575, %dma_wait3A_576] : memref<32x1000000xf32, #tpu.memory_space<hbm>> -> memref<8x128xf32, #tpu.memory_space<hbm>>
        tpu.wait_dma2 semaphore(%arg9 : memref<!tpu.dma_semaphore, #tpu.memory_space<semaphore_mem>>) src(%dma_wait3A_577 : memref<8x128xf32, #tpu.memory_space<hbm>>) dst(%dma_wait3A_574 : memref<8x128xf32, #tpu.memory_space<vmem>>)
        %dma_wait3A_578 = arith.constant 0 : i32
        %dma_wait3A_579 = arith.constant 0 : i32
        %dma_wait3A_580 = tpu.memref_slice %arg5[%dma_wait3A_578, %dma_wait3A_579] : memref<32x512xf32, #tpu.memory_space<vmem>> -> memref<8x128xf32, #tpu.memory_space<vmem>>
        %dma_wait3A_581 = arith.constant 0 : i32
        %dma_wait3A_582 = arith.constant 0 : i32
        %dma_wait3A_583 = tpu.memref_slice %arg2[%dma_wait3A_581, %dma_wait3A_582] : memref<32x1000000xf32, #tpu.memory_space<hbm>> -> memref<8x128xf32, #tpu.memory_space<hbm>>
        %dma_wait3A_584 = arith.constant 0 : i32
        %dma_wait3A_585 = arith.constant 0 : i32
        %dma_wait3A_586 = tpu.memref_slice %arg5[%dma_wait3A_584, %dma_wait3A_585] : memref<32x512xf32, #tpu.memory_space<vmem>> -> memref<8x128xf32, #tpu.memory_space<vmem>>
        %dma_wait3A_587 = arith.constant 0 : i32
        %dma_wait3A_588 = arith.constant 0 : i32
        %dma_wait3A_589 = tpu.memref_slice %arg2[%dma_wait3A_587, %dma_wait3A_588] : memref<32x1000000xf32, #tpu.memory_space<hbm>> -> memref<8x128xf32, #tpu.memory_space<hbm>>
        tpu.wait_dma2 semaphore(%arg9 : memref<!tpu.dma_semaphore, #tpu.memory_space<semaphore_mem>>) src(%dma_wait3A_589 : memref<8x128xf32, #tpu.memory_space<hbm>>) dst(%dma_wait3A_586 : memref<8x128xf32, #tpu.memory_space<vmem>>)
        %dma_wait3A_590 = arith.constant 0 : i32
        %dma_wait3A_591 = arith.constant 0 : i32
        %dma_wait3A_592 = tpu.memref_slice %arg5[%dma_wait3A_590, %dma_wait3A_591] : memref<32x512xf32, #tpu.memory_space<vmem>> -> memref<8x128xf32, #tpu.memory_space<vmem>>
        %dma_wait3A_593 = arith.constant 0 : i32
        %dma_wait3A_594 = arith.constant 0 : i32
        %dma_wait3A_595 = tpu.memref_slice %arg2[%dma_wait3A_593, %dma_wait3A_594] : memref<32x1000000xf32, #tpu.memory_space<hbm>> -> memref<8x128xf32, #tpu.memory_space<hbm>>
        %dma_wait3A_596 = arith.constant 0 : i32
        %dma_wait3A_597 = arith.constant 0 : i32
        %dma_wait3A_598 = tpu.memref_slice %arg5[%dma_wait3A_596, %dma_wait3A_597] : memref<32x512xf32, #tpu.memory_space<vmem>> -> memref<8x128xf32, #tpu.memory_space<vmem>>
        %dma_wait3A_599 = arith.constant 0 : i32
        %dma_wait3A_600 = arith.constant 0 : i32
        %dma_wait3A_601 = tpu.memref_slice %arg2[%dma_wait3A_599, %dma_wait3A_600] : memref<32x1000000xf32, #tpu.memory_space<hbm>> -> memref<8x128xf32, #tpu.memory_space<hbm>>
        tpu.wait_dma2 semaphore(%arg9 : memref<!tpu.dma_semaphore, #tpu.memory_space<semaphore_mem>>) src(%dma_wait3A_601 : memref<8x128xf32, #tpu.memory_space<hbm>>) dst(%dma_wait3A_598 : memref<8x128xf32, #tpu.memory_space<vmem>>)
        %dma_wait3A_602 = arith.constant 0 : i32
        %dma_wait3A_603 = arith.constant 0 : i32
        %dma_wait3A_604 = tpu.memref_slice %arg5[%dma_wait3A_602, %dma_wait3A_603] : memref<32x512xf32, #tpu.memory_space<vmem>> -> memref<8x128xf32, #tpu.memory_space<vmem>>
        %dma_wait3A_605 = arith.constant 0 : i32
        %dma_wait3A_606 = arith.constant 0 : i32
        %dma_wait3A_607 = tpu.memref_slice %arg2[%dma_wait3A_605, %dma_wait3A_606] : memref<32x1000000xf32, #tpu.memory_space<hbm>> -> memref<8x128xf32, #tpu.memory_space<hbm>>
        %dma_wait3A_608 = arith.constant 0 : i32
        %dma_wait3A_609 = arith.constant 0 : i32
        %dma_wait3A_610 = tpu.memref_slice %arg5[%dma_wait3A_608, %dma_wait3A_609] : memref<32x512xf32, #tpu.memory_space<vmem>> -> memref<8x128xf32, #tpu.memory_space<vmem>>
        %dma_wait3A_611 = arith.constant 0 : i32
        %dma_wait3A_612 = arith.constant 0 : i32
        %dma_wait3A_613 = tpu.memref_slice %arg2[%dma_wait3A_611, %dma_wait3A_612] : memref<32x1000000xf32, #tpu.memory_space<hbm>> -> memref<8x128xf32, #tpu.memory_space<hbm>>
        tpu.wait_dma2 semaphore(%arg9 : memref<!tpu.dma_semaphore, #tpu.memory_space<semaphore_mem>>) src(%dma_wait3A_613 : memref<8x128xf32, #tpu.memory_space<hbm>>) dst(%dma_wait3A_610 : memref<8x128xf32, #tpu.memory_space<vmem>>)
        %dma_wait3A_614 = arith.constant 0 : i32
        %dma_wait3A_615 = arith.constant 0 : i32
        %dma_wait3A_616 = tpu.memref_slice %arg5[%dma_wait3A_614, %dma_wait3A_615] : memref<32x512xf32, #tpu.memory_space<vmem>> -> memref<8x128xf32, #tpu.memory_space<vmem>>
        %dma_wait3A_617 = arith.constant 0 : i32
        %dma_wait3A_618 = arith.constant 0 : i32
        %dma_wait3A_619 = tpu.memref_slice %arg2[%dma_wait3A_617, %dma_wait3A_618] : memref<32x1000000xf32, #tpu.memory_space<hbm>> -> memref<8x128xf32, #tpu.memory_space<hbm>>
        %dma_wait3A_620 = arith.constant 0 : i32
        %dma_wait3A_621 = arith.constant 0 : i32
        %dma_wait3A_622 = tpu.memref_slice %arg5[%dma_wait3A_620, %dma_wait3A_621] : memref<32x512xf32, #tpu.memory_space<vmem>> -> memref<8x128xf32, #tpu.memory_space<vmem>>
        %dma_wait3A_623 = arith.constant 0 : i32
        %dma_wait3A_624 = arith.constant 0 : i32
        %dma_wait3A_625 = tpu.memref_slice %arg2[%dma_wait3A_623, %dma_wait3A_624] : memref<32x1000000xf32, #tpu.memory_space<hbm>> -> memref<8x128xf32, #tpu.memory_space<hbm>>
        tpu.wait_dma2 semaphore(%arg9 : memref<!tpu.dma_semaphore, #tpu.memory_space<semaphore_mem>>) src(%dma_wait3A_625 : memref<8x128xf32, #tpu.memory_space<hbm>>) dst(%dma_wait3A_622 : memref<8x128xf32, #tpu.memory_space<vmem>>)
        %gt3A = arith.constant 0 : i32
        %gt3A_626 = arith.cmpi sgt, %scan3A_410, %gt3A : i32
        %convert_element_type3A_627 = arith.extui %gt3A_626 : i1 to i32
        %cond3A_628 = arith.constant 0 : i32
        %cond3A_629 = arith.cmpi ne, %convert_element_type3A_627, %cond3A_628 : i32
        scf.if %cond3A_629 {
          %dma_wait3A_649 = arith.constant 0 : i32
          %dma_wait3A_650 = tpu.memref_slice %arg4[%dma_wait3A_649] : memref<40000000xf32, #tpu.memory_space<hbm>> -> memref<20480xf32, #tpu.memory_space<hbm>>
          %dma_wait3A_651 = arith.constant 0 : i32
          %dma_wait3A_652 = tpu.memref_slice %arg4[%dma_wait3A_651] : memref<40000000xf32, #tpu.memory_space<hbm>> -> memref<20480xf32, #tpu.memory_space<hbm>>
          tpu.wait_dma2 semaphore(%arg11 : memref<!tpu.dma_semaphore, #tpu.memory_space<semaphore_mem>>) src(%arg7 : memref<20480xf32, #tpu.memory_space<vmem>>) dst(%dma_wait3A_652 : memref<20480xf32, #tpu.memory_space<hbm>>)
        } else {
        }
        %scan3A_630 = arith.constant 0 : i32
        %scan3A_631 = arith.constant 0 : i32
        %scan3A_632 = arith.constant 32 : i32
        %scan3A_633 = arith.addi %scan3A_631, %scan3A_632 : i32
        %scan3A_634 = arith.constant 1 : i32
        scf.for %scan3A_649 = %scan3A_631 to %scan3A_633 step %scan3A_634  : i32 {
          %mul3A_650 = arith.constant 16 : i32
          %mul3A_651 = arith.muli %scan3A_649, %mul3A_650 : i32
          %mul3A_652 = arith.constant 40 : i32
          %mul3A_653 = arith.muli %mul3A_651, %mul3A_652 : i32
          %add3A_654 = vector.broadcast %mul3A_653 : i32 to vector<16xi32>
          %add3A_655 = arith.addi %mul3A_6, %add3A_654 : vector<16xi32>
          %get3A = arith.constant 0 : i32
          %get3A_656 = arith.index_cast %get3A : i32 to index
          %get3A_657 = arith.index_cast %mul3A_651 : i32 to index
          %get3A_658 = tpu.vector_load %arg5[%get3A_656, %get3A_657] {strides = array<i32>} : memref<32x512xf32, #tpu.memory_space<vmem>>, vector<16xf32>,
          %add3A_659 = arith.constant 0 : i32
          %add3A_660 = vector.broadcast %add3A_659 : i32 to vector<16xi32>
          %add3A_661 = arith.addi %add3A_655, %add3A_660 : vector<16xi32>
          tpu.vector_store_idx %arg7[%add3A_661], %get3A_658 : memref<20480xf32, #tpu.memory_space<vmem>>[vector<16xi32>], vector<16xf32>,
          %get3A_662 = arith.constant 1 : i32
          %get3A_663 = arith.index_cast %get3A_662 : i32 to index
          %get3A_664 = arith.index_cast %mul3A_651 : i32 to index
          %get3A_665 = tpu.vector_load %arg5[%get3A_663, %get3A_664] {strides = array<i32>} : memref<32x512xf32, #tpu.memory_space<vmem>>, vector<16xf32>,
          %add3A_666 = arith.constant 1 : i32
          %add3A_667 = vector.broadcast %add3A_666 : i32 to vector<16xi32>
          %add3A_668 = arith.addi %add3A_655, %add3A_667 : vector<16xi32>
          tpu.vector_store_idx %arg7[%add3A_668], %get3A_665 : memref<20480xf32, #tpu.memory_space<vmem>>[vector<16xi32>], vector<16xf32>,
          %get3A_669 = arith.constant 2 : i32
          %get3A_670 = arith.index_cast %get3A_669 : i32 to index
          %get3A_671 = arith.index_cast %mul3A_651 : i32 to index
          %get3A_672 = tpu.vector_load %arg5[%get3A_670, %get3A_671] {strides = array<i32>} : memref<32x512xf32, #tpu.memory_space<vmem>>, vector<16xf32>,
          %add3A_673 = arith.constant 2 : i32
          %add3A_674 = vector.broadcast %add3A_673 : i32 to vector<16xi32>
          %add3A_675 = arith.addi %add3A_655, %add3A_674 : vector<16xi32>
          tpu.vector_store_idx %arg7[%add3A_675], %get3A_672 : memref<20480xf32, #tpu.memory_space<vmem>>[vector<16xi32>], vector<16xf32>,
          %get3A_676 = arith.constant 3 : i32
          %get3A_677 = arith.index_cast %get3A_676 : i32 to index
          %get3A_678 = arith.index_cast %mul3A_651 : i32 to index
          %get3A_679 = tpu.vector_load %arg5[%get3A_677, %get3A_678] {strides = array<i32>} : memref<32x512xf32, #tpu.memory_space<vmem>>, vector<16xf32>,
          %add3A_680 = arith.constant 3 : i32
          %add3A_681 = vector.broadcast %add3A_680 : i32 to vector<16xi32>
          %add3A_682 = arith.addi %add3A_655, %add3A_681 : vector<16xi32>
          tpu.vector_store_idx %arg7[%add3A_682], %get3A_679 : memref<20480xf32, #tpu.memory_space<vmem>>[vector<16xi32>], vector<16xf32>,
          %get3A_683 = arith.constant 4 : i32
          %get3A_684 = arith.index_cast %get3A_683 : i32 to index
          %get3A_685 = arith.index_cast %mul3A_651 : i32 to index
          %get3A_686 = tpu.vector_load %arg5[%get3A_684, %get3A_685] {strides = array<i32>} : memref<32x512xf32, #tpu.memory_space<vmem>>, vector<16xf32>,
          %add3A_687 = arith.constant 4 : i32
          %add3A_688 = vector.broadcast %add3A_687 : i32 to vector<16xi32>
          %add3A_689 = arith.addi %add3A_655, %add3A_688 : vector<16xi32>
          tpu.vector_store_idx %arg7[%add3A_689], %get3A_686 : memref<20480xf32, #tpu.memory_space<vmem>>[vector<16xi32>], vector<16xf32>,
          %get3A_690 = arith.constant 5 : i32
          %get3A_691 = arith.index_cast %get3A_690 : i32 to index
          %get3A_692 = arith.index_cast %mul3A_651 : i32 to index
          %get3A_693 = tpu.vector_load %arg5[%get3A_691, %get3A_692] {strides = array<i32>} : memref<32x512xf32, #tpu.memory_space<vmem>>, vector<16xf32>,
          %add3A_694 = arith.constant 5 : i32
          %add3A_695 = vector.broadcast %add3A_694 : i32 to vector<16xi32>
          %add3A_696 = arith.addi %add3A_655, %add3A_695 : vector<16xi32>
          tpu.vector_store_idx %arg7[%add3A_696], %get3A_693 : memref<20480xf32, #tpu.memory_space<vmem>>[vector<16xi32>], vector<16xf32>,
          %get3A_697 = arith.constant 6 : i32
          %get3A_698 = arith.index_cast %get3A_697 : i32 to index
          %get3A_699 = arith.index_cast %mul3A_651 : i32 to index
          %get3A_700 = tpu.vector_load %arg5[%get3A_698, %get3A_699] {strides = array<i32>} : memref<32x512xf32, #tpu.memory_space<vmem>>, vector<16xf32>,
          %add3A_701 = arith.constant 6 : i32
          %add3A_702 = vector.broadcast %add3A_701 : i32 to vector<16xi32>
          %add3A_703 = arith.addi %add3A_655, %add3A_702 : vector<16xi32>
          tpu.vector_store_idx %arg7[%add3A_703], %get3A_700 : memref<20480xf32, #tpu.memory_space<vmem>>[vector<16xi32>], vector<16xf32>,
          %get3A_704 = arith.constant 7 : i32
          %get3A_705 = arith.index_cast %get3A_704 : i32 to index
          %get3A_706 = arith.index_cast %mul3A_651 : i32 to index
          %get3A_707 = tpu.vector_load %arg5[%get3A_705, %get3A_706] {strides = array<i32>} : memref<32x512xf32, #tpu.memory_space<vmem>>, vector<16xf32>,
          %add3A_708 = arith.constant 7 : i32
          %add3A_709 = vector.broadcast %add3A_708 : i32 to vector<16xi32>
          %add3A_710 = arith.addi %add3A_655, %add3A_709 : vector<16xi32>
          tpu.vector_store_idx %arg7[%add3A_710], %get3A_707 : memref<20480xf32, #tpu.memory_space<vmem>>[vector<16xi32>], vector<16xf32>,
          %get3A_711 = arith.constant 8 : i32
          %get3A_712 = arith.index_cast %get3A_711 : i32 to index
          %get3A_713 = arith.index_cast %mul3A_651 : i32 to index
          %get3A_714 = tpu.vector_load %arg5[%get3A_712, %get3A_713] {strides = array<i32>} : memref<32x512xf32, #tpu.memory_space<vmem>>, vector<16xf32>,
          %add3A_715 = arith.constant 8 : i32
          %add3A_716 = vector.broadcast %add3A_715 : i32 to vector<16xi32>
          %add3A_717 = arith.addi %add3A_655, %add3A_716 : vector<16xi32>
          tpu.vector_store_idx %arg7[%add3A_717], %get3A_714 : memref<20480xf32, #tpu.memory_space<vmem>>[vector<16xi32>], vector<16xf32>,
          %get3A_718 = arith.constant 9 : i32
          %get3A_719 = arith.index_cast %get3A_718 : i32 to index
          %get3A_720 = arith.index_cast %mul3A_651 : i32 to index
          %get3A_721 = tpu.vector_load %arg5[%get3A_719, %get3A_720] {strides = array<i32>} : memref<32x512xf32, #tpu.memory_space<vmem>>, vector<16xf32>,
          %add3A_722 = arith.constant 9 : i32
          %add3A_723 = vector.broadcast %add3A_722 : i32 to vector<16xi32>
          %add3A_724 = arith.addi %add3A_655, %add3A_723 : vector<16xi32>
          tpu.vector_store_idx %arg7[%add3A_724], %get3A_721 : memref<20480xf32, #tpu.memory_space<vmem>>[vector<16xi32>], vector<16xf32>,
          %get3A_725 = arith.constant 10 : i32
          %get3A_726 = arith.index_cast %get3A_725 : i32 to index
          %get3A_727 = arith.index_cast %mul3A_651 : i32 to index
          %get3A_728 = tpu.vector_load %arg5[%get3A_726, %get3A_727] {strides = array<i32>} : memref<32x512xf32, #tpu.memory_space<vmem>>, vector<16xf32>,
          %add3A_729 = arith.constant 10 : i32
          %add3A_730 = vector.broadcast %add3A_729 : i32 to vector<16xi32>
          %add3A_731 = arith.addi %add3A_655, %add3A_730 : vector<16xi32>
          tpu.vector_store_idx %arg7[%add3A_731], %get3A_728 : memref<20480xf32, #tpu.memory_space<vmem>>[vector<16xi32>], vector<16xf32>,
          %get3A_732 = arith.constant 11 : i32
          %get3A_733 = arith.index_cast %get3A_732 : i32 to index
          %get3A_734 = arith.index_cast %mul3A_651 : i32 to index
          %get3A_735 = tpu.vector_load %arg5[%get3A_733, %get3A_734] {strides = array<i32>} : memref<32x512xf32, #tpu.memory_space<vmem>>, vector<16xf32>,
          %add3A_736 = arith.constant 11 : i32
          %add3A_737 = vector.broadcast %add3A_736 : i32 to vector<16xi32>
          %add3A_738 = arith.addi %add3A_655, %add3A_737 : vector<16xi32>
          tpu.vector_store_idx %arg7[%add3A_738], %get3A_735 : memref<20480xf32, #tpu.memory_space<vmem>>[vector<16xi32>], vector<16xf32>,
          %get3A_739 = arith.constant 12 : i32
          %get3A_740 = arith.index_cast %get3A_739 : i32 to index
          %get3A_741 = arith.index_cast %mul3A_651 : i32 to index
          %get3A_742 = tpu.vector_load %arg5[%get3A_740, %get3A_741] {strides = array<i32>} : memref<32x512xf32, #tpu.memory_space<vmem>>, vector<16xf32>,
          %add3A_743 = arith.constant 12 : i32
          %add3A_744 = vector.broadcast %add3A_743 : i32 to vector<16xi32>
          %add3A_745 = arith.addi %add3A_655, %add3A_744 : vector<16xi32>
          tpu.vector_store_idx %arg7[%add3A_745], %get3A_742 : memref<20480xf32, #tpu.memory_space<vmem>>[vector<16xi32>], vector<16xf32>,
          %get3A_746 = arith.constant 13 : i32
          %get3A_747 = arith.index_cast %get3A_746 : i32 to index
          %get3A_748 = arith.index_cast %mul3A_651 : i32 to index
          %get3A_749 = tpu.vector_load %arg5[%get3A_747, %get3A_748] {strides = array<i32>} : memref<32x512xf32, #tpu.memory_space<vmem>>, vector<16xf32>,
          %add3A_750 = arith.constant 13 : i32
          %add3A_751 = vector.broadcast %add3A_750 : i32 to vector<16xi32>
          %add3A_752 = arith.addi %add3A_655, %add3A_751 : vector<16xi32>
          tpu.vector_store_idx %arg7[%add3A_752], %get3A_749 : memref<20480xf32, #tpu.memory_space<vmem>>[vector<16xi32>], vector<16xf32>,
          %get3A_753 = arith.constant 14 : i32
          %get3A_754 = arith.index_cast %get3A_753 : i32 to index
          %get3A_755 = arith.index_cast %mul3A_651 : i32 to index
          %get3A_756 = tpu.vector_load %arg5[%get3A_754, %get3A_755] {strides = array<i32>} : memref<32x512xf32, #tpu.memory_space<vmem>>, vector<16xf32>,
          %add3A_757 = arith.constant 14 : i32
          %add3A_758 = vector.broadcast %add3A_757 : i32 to vector<16xi32>
          %add3A_759 = arith.addi %add3A_655, %add3A_758 : vector<16xi32>
          tpu.vector_store_idx %arg7[%add3A_759], %get3A_756 : memref<20480xf32, #tpu.memory_space<vmem>>[vector<16xi32>], vector<16xf32>,
          %get3A_760 = arith.constant 15 : i32
          %get3A_761 = arith.index_cast %get3A_760 : i32 to index
          %get3A_762 = arith.index_cast %mul3A_651 : i32 to index
          %get3A_763 = tpu.vector_load %arg5[%get3A_761, %get3A_762] {strides = array<i32>} : memref<32x512xf32, #tpu.memory_space<vmem>>, vector<16xf32>,
          %add3A_764 = arith.constant 15 : i32
          %add3A_765 = vector.broadcast %add3A_764 : i32 to vector<16xi32>
          %add3A_766 = arith.addi %add3A_655, %add3A_765 : vector<16xi32>
          tpu.vector_store_idx %arg7[%add3A_766], %get3A_763 : memref<20480xf32, #tpu.memory_space<vmem>>[vector<16xi32>], vector<16xf32>,
          %get3A_767 = arith.constant 16 : i32
          %get3A_768 = arith.index_cast %get3A_767 : i32 to index
          %get3A_769 = arith.index_cast %mul3A_651 : i32 to index
          %get3A_770 = tpu.vector_load %arg5[%get3A_768, %get3A_769] {strides = array<i32>} : memref<32x512xf32, #tpu.memory_space<vmem>>, vector<16xf32>,
          %add3A_771 = arith.constant 16 : i32
          %add3A_772 = vector.broadcast %add3A_771 : i32 to vector<16xi32>
          %add3A_773 = arith.addi %add3A_655, %add3A_772 : vector<16xi32>
          tpu.vector_store_idx %arg7[%add3A_773], %get3A_770 : memref<20480xf32, #tpu.memory_space<vmem>>[vector<16xi32>], vector<16xf32>,
          %get3A_774 = arith.constant 17 : i32
          %get3A_775 = arith.index_cast %get3A_774 : i32 to index
          %get3A_776 = arith.index_cast %mul3A_651 : i32 to index
          %get3A_777 = tpu.vector_load %arg5[%get3A_775, %get3A_776] {strides = array<i32>} : memref<32x512xf32, #tpu.memory_space<vmem>>, vector<16xf32>,
          %add3A_778 = arith.constant 17 : i32
          %add3A_779 = vector.broadcast %add3A_778 : i32 to vector<16xi32>
          %add3A_780 = arith.addi %add3A_655, %add3A_779 : vector<16xi32>
          tpu.vector_store_idx %arg7[%add3A_780], %get3A_777 : memref<20480xf32, #tpu.memory_space<vmem>>[vector<16xi32>], vector<16xf32>,
          %get3A_781 = arith.constant 18 : i32
          %get3A_782 = arith.index_cast %get3A_781 : i32 to index
          %get3A_783 = arith.index_cast %mul3A_651 : i32 to index
          %get3A_784 = tpu.vector_load %arg5[%get3A_782, %get3A_783] {strides = array<i32>} : memref<32x512xf32, #tpu.memory_space<vmem>>, vector<16xf32>,
          %add3A_785 = arith.constant 18 : i32
          %add3A_786 = vector.broadcast %add3A_785 : i32 to vector<16xi32>
          %add3A_787 = arith.addi %add3A_655, %add3A_786 : vector<16xi32>
          tpu.vector_store_idx %arg7[%add3A_787], %get3A_784 : memref<20480xf32, #tpu.memory_space<vmem>>[vector<16xi32>], vector<16xf32>,
          %get3A_788 = arith.constant 19 : i32
          %get3A_789 = arith.index_cast %get3A_788 : i32 to index
          %get3A_790 = arith.index_cast %mul3A_651 : i32 to index
          %get3A_791 = tpu.vector_load %arg5[%get3A_789, %get3A_790] {strides = array<i32>} : memref<32x512xf32, #tpu.memory_space<vmem>>, vector<16xf32>,
          %add3A_792 = arith.constant 19 : i32
          %add3A_793 = vector.broadcast %add3A_792 : i32 to vector<16xi32>
          %add3A_794 = arith.addi %add3A_655, %add3A_793 : vector<16xi32>
          tpu.vector_store_idx %arg7[%add3A_794], %get3A_791 : memref<20480xf32, #tpu.memory_space<vmem>>[vector<16xi32>], vector<16xf32>,
          %get3A_795 = arith.constant 20 : i32
          %get3A_796 = arith.index_cast %get3A_795 : i32 to index
          %get3A_797 = arith.index_cast %mul3A_651 : i32 to index
          %get3A_798 = tpu.vector_load %arg5[%get3A_796, %get3A_797] {strides = array<i32>} : memref<32x512xf32, #tpu.memory_space<vmem>>, vector<16xf32>,
          %add3A_799 = arith.constant 20 : i32
          %add3A_800 = vector.broadcast %add3A_799 : i32 to vector<16xi32>
          %add3A_801 = arith.addi %add3A_655, %add3A_800 : vector<16xi32>
          tpu.vector_store_idx %arg7[%add3A_801], %get3A_798 : memref<20480xf32, #tpu.memory_space<vmem>>[vector<16xi32>], vector<16xf32>,
          %get3A_802 = arith.constant 21 : i32
          %get3A_803 = arith.index_cast %get3A_802 : i32 to index
          %get3A_804 = arith.index_cast %mul3A_651 : i32 to index
          %get3A_805 = tpu.vector_load %arg5[%get3A_803, %get3A_804] {strides = array<i32>} : memref<32x512xf32, #tpu.memory_space<vmem>>, vector<16xf32>,
          %add3A_806 = arith.constant 21 : i32
          %add3A_807 = vector.broadcast %add3A_806 : i32 to vector<16xi32>
          %add3A_808 = arith.addi %add3A_655, %add3A_807 : vector<16xi32>
          tpu.vector_store_idx %arg7[%add3A_808], %get3A_805 : memref<20480xf32, #tpu.memory_space<vmem>>[vector<16xi32>], vector<16xf32>,
          %get3A_809 = arith.constant 22 : i32
          %get3A_810 = arith.index_cast %get3A_809 : i32 to index
          %get3A_811 = arith.index_cast %mul3A_651 : i32 to index
          %get3A_812 = tpu.vector_load %arg5[%get3A_810, %get3A_811] {strides = array<i32>} : memref<32x512xf32, #tpu.memory_space<vmem>>, vector<16xf32>,
          %add3A_813 = arith.constant 22 : i32
          %add3A_814 = vector.broadcast %add3A_813 : i32 to vector<16xi32>
          %add3A_815 = arith.addi %add3A_655, %add3A_814 : vector<16xi32>
          tpu.vector_store_idx %arg7[%add3A_815], %get3A_812 : memref<20480xf32, #tpu.memory_space<vmem>>[vector<16xi32>], vector<16xf32>,
          %get3A_816 = arith.constant 23 : i32
          %get3A_817 = arith.index_cast %get3A_816 : i32 to index
          %get3A_818 = arith.index_cast %mul3A_651 : i32 to index
          %get3A_819 = tpu.vector_load %arg5[%get3A_817, %get3A_818] {strides = array<i32>} : memref<32x512xf32, #tpu.memory_space<vmem>>, vector<16xf32>,
          %add3A_820 = arith.constant 23 : i32
          %add3A_821 = vector.broadcast %add3A_820 : i32 to vector<16xi32>
          %add3A_822 = arith.addi %add3A_655, %add3A_821 : vector<16xi32>
          tpu.vector_store_idx %arg7[%add3A_822], %get3A_819 : memref<20480xf32, #tpu.memory_space<vmem>>[vector<16xi32>], vector<16xf32>,
          %get3A_823 = arith.constant 24 : i32
          %get3A_824 = arith.index_cast %get3A_823 : i32 to index
          %get3A_825 = arith.index_cast %mul3A_651 : i32 to index
          %get3A_826 = tpu.vector_load %arg5[%get3A_824, %get3A_825] {strides = array<i32>} : memref<32x512xf32, #tpu.memory_space<vmem>>, vector<16xf32>,
          %add3A_827 = arith.constant 24 : i32
          %add3A_828 = vector.broadcast %add3A_827 : i32 to vector<16xi32>
          %add3A_829 = arith.addi %add3A_655, %add3A_828 : vector<16xi32>
          tpu.vector_store_idx %arg7[%add3A_829], %get3A_826 : memref<20480xf32, #tpu.memory_space<vmem>>[vector<16xi32>], vector<16xf32>,
          %get3A_830 = arith.constant 25 : i32
          %get3A_831 = arith.index_cast %get3A_830 : i32 to index
          %get3A_832 = arith.index_cast %mul3A_651 : i32 to index
          %get3A_833 = tpu.vector_load %arg5[%get3A_831, %get3A_832] {strides = array<i32>} : memref<32x512xf32, #tpu.memory_space<vmem>>, vector<16xf32>,
          %add3A_834 = arith.constant 25 : i32
          %add3A_835 = vector.broadcast %add3A_834 : i32 to vector<16xi32>
          %add3A_836 = arith.addi %add3A_655, %add3A_835 : vector<16xi32>
          tpu.vector_store_idx %arg7[%add3A_836], %get3A_833 : memref<20480xf32, #tpu.memory_space<vmem>>[vector<16xi32>], vector<16xf32>,
          %get3A_837 = arith.constant 26 : i32
          %get3A_838 = arith.index_cast %get3A_837 : i32 to index
          %get3A_839 = arith.index_cast %mul3A_651 : i32 to index
          %get3A_840 = tpu.vector_load %arg5[%get3A_838, %get3A_839] {strides = array<i32>} : memref<32x512xf32, #tpu.memory_space<vmem>>, vector<16xf32>,
          %add3A_841 = arith.constant 26 : i32
          %add3A_842 = vector.broadcast %add3A_841 : i32 to vector<16xi32>
          %add3A_843 = arith.addi %add3A_655, %add3A_842 : vector<16xi32>
          tpu.vector_store_idx %arg7[%add3A_843], %get3A_840 : memref<20480xf32, #tpu.memory_space<vmem>>[vector<16xi32>], vector<16xf32>,
          %get3A_844 = arith.constant 27 : i32
          %get3A_845 = arith.index_cast %get3A_844 : i32 to index
          %get3A_846 = arith.index_cast %mul3A_651 : i32 to index
          %get3A_847 = tpu.vector_load %arg5[%get3A_845, %get3A_846] {strides = array<i32>} : memref<32x512xf32, #tpu.memory_space<vmem>>, vector<16xf32>,
          %add3A_848 = arith.constant 27 : i32
          %add3A_849 = vector.broadcast %add3A_848 : i32 to vector<16xi32>
          %add3A_850 = arith.addi %add3A_655, %add3A_849 : vector<16xi32>
          tpu.vector_store_idx %arg7[%add3A_850], %get3A_847 : memref<20480xf32, #tpu.memory_space<vmem>>[vector<16xi32>], vector<16xf32>,
          %get3A_851 = arith.constant 28 : i32
          %get3A_852 = arith.index_cast %get3A_851 : i32 to index
          %get3A_853 = arith.index_cast %mul3A_651 : i32 to index
          %get3A_854 = tpu.vector_load %arg5[%get3A_852, %get3A_853] {strides = array<i32>} : memref<32x512xf32, #tpu.memory_space<vmem>>, vector<16xf32>,
          %add3A_855 = arith.constant 28 : i32
          %add3A_856 = vector.broadcast %add3A_855 : i32 to vector<16xi32>
          %add3A_857 = arith.addi %add3A_655, %add3A_856 : vector<16xi32>
          tpu.vector_store_idx %arg7[%add3A_857], %get3A_854 : memref<20480xf32, #tpu.memory_space<vmem>>[vector<16xi32>], vector<16xf32>,
          %get3A_858 = arith.constant 29 : i32
          %get3A_859 = arith.index_cast %get3A_858 : i32 to index
          %get3A_860 = arith.index_cast %mul3A_651 : i32 to index
          %get3A_861 = tpu.vector_load %arg5[%get3A_859, %get3A_860] {strides = array<i32>} : memref<32x512xf32, #tpu.memory_space<vmem>>, vector<16xf32>,
          %add3A_862 = arith.constant 29 : i32
          %add3A_863 = vector.broadcast %add3A_862 : i32 to vector<16xi32>
          %add3A_864 = arith.addi %add3A_655, %add3A_863 : vector<16xi32>
          tpu.vector_store_idx %arg7[%add3A_864], %get3A_861 : memref<20480xf32, #tpu.memory_space<vmem>>[vector<16xi32>], vector<16xf32>,
          %get3A_865 = arith.constant 30 : i32
          %get3A_866 = arith.index_cast %get3A_865 : i32 to index
          %get3A_867 = arith.index_cast %mul3A_651 : i32 to index
          %get3A_868 = tpu.vector_load %arg5[%get3A_866, %get3A_867] {strides = array<i32>} : memref<32x512xf32, #tpu.memory_space<vmem>>, vector<16xf32>,
          %add3A_869 = arith.constant 30 : i32
          %add3A_870 = vector.broadcast %add3A_869 : i32 to vector<16xi32>
          %add3A_871 = arith.addi %add3A_655, %add3A_870 : vector<16xi32>
          tpu.vector_store_idx %arg7[%add3A_871], %get3A_868 : memref<20480xf32, #tpu.memory_space<vmem>>[vector<16xi32>], vector<16xf32>,
          %get3A_872 = arith.constant 31 : i32
          %get3A_873 = arith.index_cast %get3A_872 : i32 to index
          %get3A_874 = arith.index_cast %mul3A_651 : i32 to index
          %get3A_875 = tpu.vector_load %arg5[%get3A_873, %get3A_874] {strides = array<i32>} : memref<32x512xf32, #tpu.memory_space<vmem>>, vector<16xf32>,
          %add3A_876 = arith.constant 31 : i32
          %add3A_877 = vector.broadcast %add3A_876 : i32 to vector<16xi32>
          %add3A_878 = arith.addi %add3A_655, %add3A_877 : vector<16xi32>
          tpu.vector_store_idx %arg7[%add3A_878], %get3A_875 : memref<20480xf32, #tpu.memory_space<vmem>>[vector<16xi32>], vector<16xf32>,
        }
        %scan3A_635 = arith.constant 32 : i32
        %mul3A_636 = arith.constant 512 : i32
        %mul3A_637 = arith.muli %add3A_417, %mul3A_636 : i32
        %mul3A_638 = arith.constant 40 : i32
        %mul3A_639 = arith.muli %mul3A_637, %mul3A_638 : i32
        %dma_start3A_640 = tpu.memref_slice %arg4[%mul3A_639] : memref<40000000xf32, #tpu.memory_space<hbm>> -> memref<20480xf32, #tpu.memory_space<hbm>>
        %dma_start3A_641 = tpu.memref_slice %arg4[%mul3A_639] : memref<40000000xf32, #tpu.memory_space<hbm>> -> memref<20480xf32, #tpu.memory_space<hbm>>
        tpu.enqueue_dma source(%arg7 : memref<20480xf32, #tpu.memory_space<vmem>>) target(%dma_start3A_641 : memref<20480xf32, #tpu.memory_space<hbm>>) target_semaphore(%arg11 : memref<!tpu.dma_semaphore, #tpu.memory_space<semaphore_mem>>)
        %add3A_642 = arith.constant 64 : i32
        %add3A_643 = arith.addi %add3A_417, %add3A_642 : i32
        %lt3A_644 = arith.constant 1953 : i32
        %lt3A_645 = arith.cmpi slt, %add3A_643, %lt3A_644 : i32
        %convert_element_type3A_646 = arith.extui %lt3A_645 : i1 to i32
        %cond3A_647 = arith.constant 0 : i32
        %cond3A_648 = arith.cmpi ne, %convert_element_type3A_646, %cond3A_647 : i32
        scf.if %cond3A_648 {
          %add3A_649 = arith.constant 64 : i32
          %add3A_650 = arith.addi %add3A_417, %add3A_649 : i32
          %mul3A_651 = arith.constant 512 : i32
          %mul3A_652 = arith.muli %add3A_650, %mul3A_651 : i32
          %add3A_653 = arith.constant 0 : i32
          %add3A_654 = arith.addi %mul3A_652, %add3A_653 : i32
          %dma_start3A_655 = arith.constant 0 : i32
          %dma_start3A_656 = arith.constant 0 : i32
          %dma_start3A_657 = tpu.memref_slice %arg5[%dma_start3A_655, %dma_start3A_656] : memref<32x512xf32, #tpu.memory_space<vmem>> -> memref<8x128xf32, #tpu.memory_space<vmem>>
          %dma_start3A_658 = arith.constant 0 : i32
          %dma_start3A_659 = tpu.memref_slice %arg2[%dma_start3A_658, %add3A_654] : memref<32x1000000xf32, #tpu.memory_space<hbm>> -> memref<8x128xf32, #tpu.memory_space<hbm>>
          %dma_start3A_660 = arith.constant 0 : i32
          %dma_start3A_661 = arith.constant 0 : i32
          %dma_start3A_662 = tpu.memref_slice %arg5[%dma_start3A_660, %dma_start3A_661] : memref<32x512xf32, #tpu.memory_space<vmem>> -> memref<8x128xf32, #tpu.memory_space<vmem>>
          %dma_start3A_663 = arith.constant 0 : i32
          %dma_start3A_664 = tpu.memref_slice %arg2[%dma_start3A_663, %add3A_654] : memref<32x1000000xf32, #tpu.memory_space<hbm>> -> memref<8x128xf32, #tpu.memory_space<hbm>>
          tpu.enqueue_dma source(%dma_start3A_664 : memref<8x128xf32, #tpu.memory_space<hbm>>) target(%dma_start3A_662 : memref<8x128xf32, #tpu.memory_space<vmem>>) target_semaphore(%arg9 : memref<!tpu.dma_semaphore, #tpu.memory_space<semaphore_mem>>)
          %add3A_665 = arith.constant 128 : i32
          %add3A_666 = arith.addi %mul3A_652, %add3A_665 : i32
          %dma_start3A_667 = arith.constant 0 : i32
          %dma_start3A_668 = arith.constant 128 : i32
          %dma_start3A_669 = tpu.memref_slice %arg5[%dma_start3A_667, %dma_start3A_668] : memref<32x512xf32, #tpu.memory_space<vmem>> -> memref<8x128xf32, #tpu.memory_space<vmem>>
          %dma_start3A_670 = arith.constant 0 : i32
          %dma_start3A_671 = tpu.memref_slice %arg2[%dma_start3A_670, %add3A_666] : memref<32x1000000xf32, #tpu.memory_space<hbm>> -> memref<8x128xf32, #tpu.memory_space<hbm>>
          %dma_start3A_672 = arith.constant 0 : i32
          %dma_start3A_673 = arith.constant 128 : i32
          %dma_start3A_674 = tpu.memref_slice %arg5[%dma_start3A_672, %dma_start3A_673] : memref<32x512xf32, #tpu.memory_space<vmem>> -> memref<8x128xf32, #tpu.memory_space<vmem>>
          %dma_start3A_675 = arith.constant 0 : i32
          %dma_start3A_676 = tpu.memref_slice %arg2[%dma_start3A_675, %add3A_666] : memref<32x1000000xf32, #tpu.memory_space<hbm>> -> memref<8x128xf32, #tpu.memory_space<hbm>>
          tpu.enqueue_dma source(%dma_start3A_676 : memref<8x128xf32, #tpu.memory_space<hbm>>) target(%dma_start3A_674 : memref<8x128xf32, #tpu.memory_space<vmem>>) target_semaphore(%arg9 : memref<!tpu.dma_semaphore, #tpu.memory_space<semaphore_mem>>)
          %add3A_677 = arith.constant 256 : i32
          %add3A_678 = arith.addi %mul3A_652, %add3A_677 : i32
          %dma_start3A_679 = arith.constant 0 : i32
          %dma_start3A_680 = arith.constant 256 : i32
          %dma_start3A_681 = tpu.memref_slice %arg5[%dma_start3A_679, %dma_start3A_680] : memref<32x512xf32, #tpu.memory_space<vmem>> -> memref<8x128xf32, #tpu.memory_space<vmem>>
          %dma_start3A_682 = arith.constant 0 : i32
          %dma_start3A_683 = tpu.memref_slice %arg2[%dma_start3A_682, %add3A_678] : memref<32x1000000xf32, #tpu.memory_space<hbm>> -> memref<8x128xf32, #tpu.memory_space<hbm>>
          %dma_start3A_684 = arith.constant 0 : i32
          %dma_start3A_685 = arith.constant 256 : i32
          %dma_start3A_686 = tpu.memref_slice %arg5[%dma_start3A_684, %dma_start3A_685] : memref<32x512xf32, #tpu.memory_space<vmem>> -> memref<8x128xf32, #tpu.memory_space<vmem>>
          %dma_start3A_687 = arith.constant 0 : i32
          %dma_start3A_688 = tpu.memref_slice %arg2[%dma_start3A_687, %add3A_678] : memref<32x1000000xf32, #tpu.memory_space<hbm>> -> memref<8x128xf32, #tpu.memory_space<hbm>>
          tpu.enqueue_dma source(%dma_start3A_688 : memref<8x128xf32, #tpu.memory_space<hbm>>) target(%dma_start3A_686 : memref<8x128xf32, #tpu.memory_space<vmem>>) target_semaphore(%arg9 : memref<!tpu.dma_semaphore, #tpu.memory_space<semaphore_mem>>)
          %add3A_689 = arith.constant 384 : i32
          %add3A_690 = arith.addi %mul3A_652, %add3A_689 : i32
          %dma_start3A_691 = arith.constant 0 : i32
          %dma_start3A_692 = arith.constant 384 : i32
          %dma_start3A_693 = tpu.memref_slice %arg5[%dma_start3A_691, %dma_start3A_692] : memref<32x512xf32, #tpu.memory_space<vmem>> -> memref<8x128xf32, #tpu.memory_space<vmem>>
          %dma_start3A_694 = arith.constant 0 : i32
          %dma_start3A_695 = tpu.memref_slice %arg2[%dma_start3A_694, %add3A_690] : memref<32x1000000xf32, #tpu.memory_space<hbm>> -> memref<8x128xf32, #tpu.memory_space<hbm>>
          %dma_start3A_696 = arith.constant 0 : i32
          %dma_start3A_697 = arith.constant 384 : i32
          %dma_start3A_698 = tpu.memref_slice %arg5[%dma_start3A_696, %dma_start3A_697] : memref<32x512xf32, #tpu.memory_space<vmem>> -> memref<8x128xf32, #tpu.memory_space<vmem>>
          %dma_start3A_699 = arith.constant 0 : i32
          %dma_start3A_700 = tpu.memref_slice %arg2[%dma_start3A_699, %add3A_690] : memref<32x1000000xf32, #tpu.memory_space<hbm>> -> memref<8x128xf32, #tpu.memory_space<hbm>>
          tpu.enqueue_dma source(%dma_start3A_700 : memref<8x128xf32, #tpu.memory_space<hbm>>) target(%dma_start3A_698 : memref<8x128xf32, #tpu.memory_space<vmem>>) target_semaphore(%arg9 : memref<!tpu.dma_semaphore, #tpu.memory_space<semaphore_mem>>)
          %add3A_701 = arith.constant 0 : i32
          %add3A_702 = arith.addi %mul3A_652, %add3A_701 : i32
          %dma_start3A_703 = arith.constant 8 : i32
          %dma_start3A_704 = arith.constant 0 : i32
          %dma_start3A_705 = tpu.memref_slice %arg5[%dma_start3A_703, %dma_start3A_704] : memref<32x512xf32, #tpu.memory_space<vmem>> -> memref<8x128xf32, #tpu.memory_space<vmem>>
          %dma_start3A_706 = arith.constant 8 : i32
          %dma_start3A_707 = tpu.memref_slice %arg2[%dma_start3A_706, %add3A_702] : memref<32x1000000xf32, #tpu.memory_space<hbm>> -> memref<8x128xf32, #tpu.memory_space<hbm>>
          %dma_start3A_708 = arith.constant 8 : i32
          %dma_start3A_709 = arith.constant 0 : i32
          %dma_start3A_710 = tpu.memref_slice %arg5[%dma_start3A_708, %dma_start3A_709] : memref<32x512xf32, #tpu.memory_space<vmem>> -> memref<8x128xf32, #tpu.memory_space<vmem>>
          %dma_start3A_711 = arith.constant 8 : i32
          %dma_start3A_712 = tpu.memref_slice %arg2[%dma_start3A_711, %add3A_702] : memref<32x1000000xf32, #tpu.memory_space<hbm>> -> memref<8x128xf32, #tpu.memory_space<hbm>>
          tpu.enqueue_dma source(%dma_start3A_712 : memref<8x128xf32, #tpu.memory_space<hbm>>) target(%dma_start3A_710 : memref<8x128xf32, #tpu.memory_space<vmem>>) target_semaphore(%arg9 : memref<!tpu.dma_semaphore, #tpu.memory_space<semaphore_mem>>)
          %add3A_713 = arith.constant 128 : i32
          %add3A_714 = arith.addi %mul3A_652, %add3A_713 : i32
          %dma_start3A_715 = arith.constant 8 : i32
          %dma_start3A_716 = arith.constant 128 : i32
          %dma_start3A_717 = tpu.memref_slice %arg5[%dma_start3A_715, %dma_start3A_716] : memref<32x512xf32, #tpu.memory_space<vmem>> -> memref<8x128xf32, #tpu.memory_space<vmem>>
          %dma_start3A_718 = arith.constant 8 : i32
          %dma_start3A_719 = tpu.memref_slice %arg2[%dma_start3A_718, %add3A_714] : memref<32x1000000xf32, #tpu.memory_space<hbm>> -> memref<8x128xf32, #tpu.memory_space<hbm>>
          %dma_start3A_720 = arith.constant 8 : i32
          %dma_start3A_721 = arith.constant 128 : i32
          %dma_start3A_722 = tpu.memref_slice %arg5[%dma_start3A_720, %dma_start3A_721] : memref<32x512xf32, #tpu.memory_space<vmem>> -> memref<8x128xf32, #tpu.memory_space<vmem>>
          %dma_start3A_723 = arith.constant 8 : i32
          %dma_start3A_724 = tpu.memref_slice %arg2[%dma_start3A_723, %add3A_714] : memref<32x1000000xf32, #tpu.memory_space<hbm>> -> memref<8x128xf32, #tpu.memory_space<hbm>>
          tpu.enqueue_dma source(%dma_start3A_724 : memref<8x128xf32, #tpu.memory_space<hbm>>) target(%dma_start3A_722 : memref<8x128xf32, #tpu.memory_space<vmem>>) target_semaphore(%arg9 : memref<!tpu.dma_semaphore, #tpu.memory_space<semaphore_mem>>)
          %add3A_725 = arith.constant 256 : i32
          %add3A_726 = arith.addi %mul3A_652, %add3A_725 : i32
          %dma_start3A_727 = arith.constant 8 : i32
          %dma_start3A_728 = arith.constant 256 : i32
          %dma_start3A_729 = tpu.memref_slice %arg5[%dma_start3A_727, %dma_start3A_728] : memref<32x512xf32, #tpu.memory_space<vmem>> -> memref<8x128xf32, #tpu.memory_space<vmem>>
          %dma_start3A_730 = arith.constant 8 : i32
          %dma_start3A_731 = tpu.memref_slice %arg2[%dma_start3A_730, %add3A_726] : memref<32x1000000xf32, #tpu.memory_space<hbm>> -> memref<8x128xf32, #tpu.memory_space<hbm>>
          %dma_start3A_732 = arith.constant 8 : i32
          %dma_start3A_733 = arith.constant 256 : i32
          %dma_start3A_734 = tpu.memref_slice %arg5[%dma_start3A_732, %dma_start3A_733] : memref<32x512xf32, #tpu.memory_space<vmem>> -> memref<8x128xf32, #tpu.memory_space<vmem>>
          %dma_start3A_735 = arith.constant 8 : i32
          %dma_start3A_736 = tpu.memref_slice %arg2[%dma_start3A_735, %add3A_726] : memref<32x1000000xf32, #tpu.memory_space<hbm>> -> memref<8x128xf32, #tpu.memory_space<hbm>>
          tpu.enqueue_dma source(%dma_start3A_736 : memref<8x128xf32, #tpu.memory_space<hbm>>) target(%dma_start3A_734 : memref<8x128xf32, #tpu.memory_space<vmem>>) target_semaphore(%arg9 : memref<!tpu.dma_semaphore, #tpu.memory_space<semaphore_mem>>)
          %add3A_737 = arith.constant 384 : i32
          %add3A_738 = arith.addi %mul3A_652, %add3A_737 : i32
          %dma_start3A_739 = arith.constant 8 : i32
          %dma_start3A_740 = arith.constant 384 : i32
          %dma_start3A_741 = tpu.memref_slice %arg5[%dma_start3A_739, %dma_start3A_740] : memref<32x512xf32, #tpu.memory_space<vmem>> -> memref<8x128xf32, #tpu.memory_space<vmem>>
          %dma_start3A_742 = arith.constant 8 : i32
          %dma_start3A_743 = tpu.memref_slice %arg2[%dma_start3A_742, %add3A_738] : memref<32x1000000xf32, #tpu.memory_space<hbm>> -> memref<8x128xf32, #tpu.memory_space<hbm>>
          %dma_start3A_744 = arith.constant 8 : i32
          %dma_start3A_745 = arith.constant 384 : i32
          %dma_start3A_746 = tpu.memref_slice %arg5[%dma_start3A_744, %dma_start3A_745] : memref<32x512xf32, #tpu.memory_space<vmem>> -> memref<8x128xf32, #tpu.memory_space<vmem>>
          %dma_start3A_747 = arith.constant 8 : i32
          %dma_start3A_748 = tpu.memref_slice %arg2[%dma_start3A_747, %add3A_738] : memref<32x1000000xf32, #tpu.memory_space<hbm>> -> memref<8x128xf32, #tpu.memory_space<hbm>>
          tpu.enqueue_dma source(%dma_start3A_748 : memref<8x128xf32, #tpu.memory_space<hbm>>) target(%dma_start3A_746 : memref<8x128xf32, #tpu.memory_space<vmem>>) target_semaphore(%arg9 : memref<!tpu.dma_semaphore, #tpu.memory_space<semaphore_mem>>)
          %add3A_749 = arith.constant 0 : i32
          %add3A_750 = arith.addi %mul3A_652, %add3A_749 : i32
          %dma_start3A_751 = arith.constant 16 : i32
          %dma_start3A_752 = arith.constant 0 : i32
          %dma_start3A_753 = tpu.memref_slice %arg5[%dma_start3A_751, %dma_start3A_752] : memref<32x512xf32, #tpu.memory_space<vmem>> -> memref<8x128xf32, #tpu.memory_space<vmem>>
          %dma_start3A_754 = arith.constant 16 : i32
          %dma_start3A_755 = tpu.memref_slice %arg2[%dma_start3A_754, %add3A_750] : memref<32x1000000xf32, #tpu.memory_space<hbm>> -> memref<8x128xf32, #tpu.memory_space<hbm>>
          %dma_start3A_756 = arith.constant 16 : i32
          %dma_start3A_757 = arith.constant 0 : i32
          %dma_start3A_758 = tpu.memref_slice %arg5[%dma_start3A_756, %dma_start3A_757] : memref<32x512xf32, #tpu.memory_space<vmem>> -> memref<8x128xf32, #tpu.memory_space<vmem>>
          %dma_start3A_759 = arith.constant 16 : i32
          %dma_start3A_760 = tpu.memref_slice %arg2[%dma_start3A_759, %add3A_750] : memref<32x1000000xf32, #tpu.memory_space<hbm>> -> memref<8x128xf32, #tpu.memory_space<hbm>>
          tpu.enqueue_dma source(%dma_start3A_760 : memref<8x128xf32, #tpu.memory_space<hbm>>) target(%dma_start3A_758 : memref<8x128xf32, #tpu.memory_space<vmem>>) target_semaphore(%arg9 : memref<!tpu.dma_semaphore, #tpu.memory_space<semaphore_mem>>)
          %add3A_761 = arith.constant 128 : i32
          %add3A_762 = arith.addi %mul3A_652, %add3A_761 : i32
          %dma_start3A_763 = arith.constant 16 : i32
          %dma_start3A_764 = arith.constant 128 : i32
          %dma_start3A_765 = tpu.memref_slice %arg5[%dma_start3A_763, %dma_start3A_764] : memref<32x512xf32, #tpu.memory_space<vmem>> -> memref<8x128xf32, #tpu.memory_space<vmem>>
          %dma_start3A_766 = arith.constant 16 : i32
          %dma_start3A_767 = tpu.memref_slice %arg2[%dma_start3A_766, %add3A_762] : memref<32x1000000xf32, #tpu.memory_space<hbm>> -> memref<8x128xf32, #tpu.memory_space<hbm>>
          %dma_start3A_768 = arith.constant 16 : i32
          %dma_start3A_769 = arith.constant 128 : i32
          %dma_start3A_770 = tpu.memref_slice %arg5[%dma_start3A_768, %dma_start3A_769] : memref<32x512xf32, #tpu.memory_space<vmem>> -> memref<8x128xf32, #tpu.memory_space<vmem>>
          %dma_start3A_771 = arith.constant 16 : i32
          %dma_start3A_772 = tpu.memref_slice %arg2[%dma_start3A_771, %add3A_762] : memref<32x1000000xf32, #tpu.memory_space<hbm>> -> memref<8x128xf32, #tpu.memory_space<hbm>>
          tpu.enqueue_dma source(%dma_start3A_772 : memref<8x128xf32, #tpu.memory_space<hbm>>) target(%dma_start3A_770 : memref<8x128xf32, #tpu.memory_space<vmem>>) target_semaphore(%arg9 : memref<!tpu.dma_semaphore, #tpu.memory_space<semaphore_mem>>)
          %add3A_773 = arith.constant 256 : i32
          %add3A_774 = arith.addi %mul3A_652, %add3A_773 : i32
          %dma_start3A_775 = arith.constant 16 : i32
          %dma_start3A_776 = arith.constant 256 : i32
          %dma_start3A_777 = tpu.memref_slice %arg5[%dma_start3A_775, %dma_start3A_776] : memref<32x512xf32, #tpu.memory_space<vmem>> -> memref<8x128xf32, #tpu.memory_space<vmem>>
          %dma_start3A_778 = arith.constant 16 : i32
          %dma_start3A_779 = tpu.memref_slice %arg2[%dma_start3A_778, %add3A_774] : memref<32x1000000xf32, #tpu.memory_space<hbm>> -> memref<8x128xf32, #tpu.memory_space<hbm>>
          %dma_start3A_780 = arith.constant 16 : i32
          %dma_start3A_781 = arith.constant 256 : i32
          %dma_start3A_782 = tpu.memref_slice %arg5[%dma_start3A_780, %dma_start3A_781] : memref<32x512xf32, #tpu.memory_space<vmem>> -> memref<8x128xf32, #tpu.memory_space<vmem>>
          %dma_start3A_783 = arith.constant 16 : i32
          %dma_start3A_784 = tpu.memref_slice %arg2[%dma_start3A_783, %add3A_774] : memref<32x1000000xf32, #tpu.memory_space<hbm>> -> memref<8x128xf32, #tpu.memory_space<hbm>>
          tpu.enqueue_dma source(%dma_start3A_784 : memref<8x128xf32, #tpu.memory_space<hbm>>) target(%dma_start3A_782 : memref<8x128xf32, #tpu.memory_space<vmem>>) target_semaphore(%arg9 : memref<!tpu.dma_semaphore, #tpu.memory_space<semaphore_mem>>)
          %add3A_785 = arith.constant 384 : i32
          %add3A_786 = arith.addi %mul3A_652, %add3A_785 : i32
          %dma_start3A_787 = arith.constant 16 : i32
          %dma_start3A_788 = arith.constant 384 : i32
          %dma_start3A_789 = tpu.memref_slice %arg5[%dma_start3A_787, %dma_start3A_788] : memref<32x512xf32, #tpu.memory_space<vmem>> -> memref<8x128xf32, #tpu.memory_space<vmem>>
          %dma_start3A_790 = arith.constant 16 : i32
          %dma_start3A_791 = tpu.memref_slice %arg2[%dma_start3A_790, %add3A_786] : memref<32x1000000xf32, #tpu.memory_space<hbm>> -> memref<8x128xf32, #tpu.memory_space<hbm>>
          %dma_start3A_792 = arith.constant 16 : i32
          %dma_start3A_793 = arith.constant 384 : i32
          %dma_start3A_794 = tpu.memref_slice %arg5[%dma_start3A_792, %dma_start3A_793] : memref<32x512xf32, #tpu.memory_space<vmem>> -> memref<8x128xf32, #tpu.memory_space<vmem>>
          %dma_start3A_795 = arith.constant 16 : i32
          %dma_start3A_796 = tpu.memref_slice %arg2[%dma_start3A_795, %add3A_786] : memref<32x1000000xf32, #tpu.memory_space<hbm>> -> memref<8x128xf32, #tpu.memory_space<hbm>>
          tpu.enqueue_dma source(%dma_start3A_796 : memref<8x128xf32, #tpu.memory_space<hbm>>) target(%dma_start3A_794 : memref<8x128xf32, #tpu.memory_space<vmem>>) target_semaphore(%arg9 : memref<!tpu.dma_semaphore, #tpu.memory_space<semaphore_mem>>)
          %add3A_797 = arith.constant 0 : i32
          %add3A_798 = arith.addi %mul3A_652, %add3A_797 : i32
          %dma_start3A_799 = arith.constant 24 : i32
          %dma_start3A_800 = arith.constant 0 : i32
          %dma_start3A_801 = tpu.memref_slice %arg5[%dma_start3A_799, %dma_start3A_800] : memref<32x512xf32, #tpu.memory_space<vmem>> -> memref<8x128xf32, #tpu.memory_space<vmem>>
          %dma_start3A_802 = arith.constant 24 : i32
          %dma_start3A_803 = tpu.memref_slice %arg2[%dma_start3A_802, %add3A_798] : memref<32x1000000xf32, #tpu.memory_space<hbm>> -> memref<8x128xf32, #tpu.memory_space<hbm>>
          %dma_start3A_804 = arith.constant 24 : i32
          %dma_start3A_805 = arith.constant 0 : i32
          %dma_start3A_806 = tpu.memref_slice %arg5[%dma_start3A_804, %dma_start3A_805] : memref<32x512xf32, #tpu.memory_space<vmem>> -> memref<8x128xf32, #tpu.memory_space<vmem>>
          %dma_start3A_807 = arith.constant 24 : i32
          %dma_start3A_808 = tpu.memref_slice %arg2[%dma_start3A_807, %add3A_798] : memref<32x1000000xf32, #tpu.memory_space<hbm>> -> memref<8x128xf32, #tpu.memory_space<hbm>>
          tpu.enqueue_dma source(%dma_start3A_808 : memref<8x128xf32, #tpu.memory_space<hbm>>) target(%dma_start3A_806 : memref<8x128xf32, #tpu.memory_space<vmem>>) target_semaphore(%arg9 : memref<!tpu.dma_semaphore, #tpu.memory_space<semaphore_mem>>)
          %add3A_809 = arith.constant 128 : i32
          %add3A_810 = arith.addi %mul3A_652, %add3A_809 : i32
          %dma_start3A_811 = arith.constant 24 : i32
          %dma_start3A_812 = arith.constant 128 : i32
          %dma_start3A_813 = tpu.memref_slice %arg5[%dma_start3A_811, %dma_start3A_812] : memref<32x512xf32, #tpu.memory_space<vmem>> -> memref<8x128xf32, #tpu.memory_space<vmem>>
          %dma_start3A_814 = arith.constant 24 : i32
          %dma_start3A_815 = tpu.memref_slice %arg2[%dma_start3A_814, %add3A_810] : memref<32x1000000xf32, #tpu.memory_space<hbm>> -> memref<8x128xf32, #tpu.memory_space<hbm>>
          %dma_start3A_816 = arith.constant 24 : i32
          %dma_start3A_817 = arith.constant 128 : i32
          %dma_start3A_818 = tpu.memref_slice %arg5[%dma_start3A_816, %dma_start3A_817] : memref<32x512xf32, #tpu.memory_space<vmem>> -> memref<8x128xf32, #tpu.memory_space<vmem>>
          %dma_start3A_819 = arith.constant 24 : i32
          %dma_start3A_820 = tpu.memref_slice %arg2[%dma_start3A_819, %add3A_810] : memref<32x1000000xf32, #tpu.memory_space<hbm>> -> memref<8x128xf32, #tpu.memory_space<hbm>>
          tpu.enqueue_dma source(%dma_start3A_820 : memref<8x128xf32, #tpu.memory_space<hbm>>) target(%dma_start3A_818 : memref<8x128xf32, #tpu.memory_space<vmem>>) target_semaphore(%arg9 : memref<!tpu.dma_semaphore, #tpu.memory_space<semaphore_mem>>)
          %add3A_821 = arith.constant 256 : i32
          %add3A_822 = arith.addi %mul3A_652, %add3A_821 : i32
          %dma_start3A_823 = arith.constant 24 : i32
          %dma_start3A_824 = arith.constant 256 : i32
          %dma_start3A_825 = tpu.memref_slice %arg5[%dma_start3A_823, %dma_start3A_824] : memref<32x512xf32, #tpu.memory_space<vmem>> -> memref<8x128xf32, #tpu.memory_space<vmem>>
          %dma_start3A_826 = arith.constant 24 : i32
          %dma_start3A_827 = tpu.memref_slice %arg2[%dma_start3A_826, %add3A_822] : memref<32x1000000xf32, #tpu.memory_space<hbm>> -> memref<8x128xf32, #tpu.memory_space<hbm>>
          %dma_start3A_828 = arith.constant 24 : i32
          %dma_start3A_829 = arith.constant 256 : i32
          %dma_start3A_830 = tpu.memref_slice %arg5[%dma_start3A_828, %dma_start3A_829] : memref<32x512xf32, #tpu.memory_space<vmem>> -> memref<8x128xf32, #tpu.memory_space<vmem>>
          %dma_start3A_831 = arith.constant 24 : i32
          %dma_start3A_832 = tpu.memref_slice %arg2[%dma_start3A_831, %add3A_822] : memref<32x1000000xf32, #tpu.memory_space<hbm>> -> memref<8x128xf32, #tpu.memory_space<hbm>>
          tpu.enqueue_dma source(%dma_start3A_832 : memref<8x128xf32, #tpu.memory_space<hbm>>) target(%dma_start3A_830 : memref<8x128xf32, #tpu.memory_space<vmem>>) target_semaphore(%arg9 : memref<!tpu.dma_semaphore, #tpu.memory_space<semaphore_mem>>)
          %add3A_833 = arith.constant 384 : i32
          %add3A_834 = arith.addi %mul3A_652, %add3A_833 : i32
          %dma_start3A_835 = arith.constant 24 : i32
          %dma_start3A_836 = arith.constant 384 : i32
          %dma_start3A_837 = tpu.memref_slice %arg5[%dma_start3A_835, %dma_start3A_836] : memref<32x512xf32, #tpu.memory_space<vmem>> -> memref<8x128xf32, #tpu.memory_space<vmem>>
          %dma_start3A_838 = arith.constant 24 : i32
          %dma_start3A_839 = tpu.memref_slice %arg2[%dma_start3A_838, %add3A_834] : memref<32x1000000xf32, #tpu.memory_space<hbm>> -> memref<8x128xf32, #tpu.memory_space<hbm>>
          %dma_start3A_840 = arith.constant 24 : i32
          %dma_start3A_841 = arith.constant 384 : i32
          %dma_start3A_842 = tpu.memref_slice %arg5[%dma_start3A_840, %dma_start3A_841] : memref<32x512xf32, #tpu.memory_space<vmem>> -> memref<8x128xf32, #tpu.memory_space<vmem>>
          %dma_start3A_843 = arith.constant 24 : i32
          %dma_start3A_844 = tpu.memref_slice %arg2[%dma_start3A_843, %add3A_834] : memref<32x1000000xf32, #tpu.memory_space<hbm>> -> memref<8x128xf32, #tpu.memory_space<hbm>>
          tpu.enqueue_dma source(%dma_start3A_844 : memref<8x128xf32, #tpu.memory_space<hbm>>) target(%dma_start3A_842 : memref<8x128xf32, #tpu.memory_space<vmem>>) target_semaphore(%arg9 : memref<!tpu.dma_semaphore, #tpu.memory_space<semaphore_mem>>)
        } else {
        }
      } else {
      }
      %mul3A_422 = arith.constant 2 : i32
      %mul3A_423 = arith.muli %mul3A_422, %scan3A_410 : i32
      %add3A_424 = arith.constant 1 : i32
      %add3A_425 = arith.addi %mul3A_423, %add3A_424 : i32
      %mul3A_426 = arith.constant 32 : i32
      %mul3A_427 = arith.muli %add3A_425, %mul3A_426 : i32
      %add3A_428 = arith.addi %mul3A_427, %add3A : i32
      %lt3A_429 = arith.constant 1953 : i32
      %lt3A_430 = arith.cmpi slt, %add3A_428, %lt3A_429 : i32
      %convert_element_type3A_431 = arith.extui %lt3A_430 : i1 to i32
      %cond3A_432 = arith.constant 0 : i32
      %cond3A_433 = arith.cmpi ne, %convert_element_type3A_431, %cond3A_432 : i32
      scf.if %cond3A_433 {
        %dma_wait3A_434 = arith.constant 0 : i32
        %dma_wait3A_435 = arith.constant 0 : i32
        %dma_wait3A_436 = tpu.memref_slice %arg6[%dma_wait3A_434, %dma_wait3A_435] : memref<32x512xf32, #tpu.memory_space<vmem>> -> memref<8x128xf32, #tpu.memory_space<vmem>>
        %dma_wait3A_437 = arith.constant 0 : i32
        %dma_wait3A_438 = arith.constant 0 : i32
        %dma_wait3A_439 = tpu.memref_slice %arg2[%dma_wait3A_437, %dma_wait3A_438] : memref<32x1000000xf32, #tpu.memory_space<hbm>> -> memref<8x128xf32, #tpu.memory_space<hbm>>
        %dma_wait3A_440 = arith.constant 0 : i32
        %dma_wait3A_441 = arith.constant 0 : i32
        %dma_wait3A_442 = tpu.memref_slice %arg6[%dma_wait3A_440, %dma_wait3A_441] : memref<32x512xf32, #tpu.memory_space<vmem>> -> memref<8x128xf32, #tpu.memory_space<vmem>>
        %dma_wait3A_443 = arith.constant 0 : i32
        %dma_wait3A_444 = arith.constant 0 : i32
        %dma_wait3A_445 = tpu.memref_slice %arg2[%dma_wait3A_443, %dma_wait3A_444] : memref<32x1000000xf32, #tpu.memory_space<hbm>> -> memref<8x128xf32, #tpu.memory_space<hbm>>
        tpu.wait_dma2 semaphore(%arg10 : memref<!tpu.dma_semaphore, #tpu.memory_space<semaphore_mem>>) src(%dma_wait3A_445 : memref<8x128xf32, #tpu.memory_space<hbm>>) dst(%dma_wait3A_442 : memref<8x128xf32, #tpu.memory_space<vmem>>)
        %dma_wait3A_446 = arith.constant 0 : i32
        %dma_wait3A_447 = arith.constant 0 : i32
        %dma_wait3A_448 = tpu.memref_slice %arg6[%dma_wait3A_446, %dma_wait3A_447] : memref<32x512xf32, #tpu.memory_space<vmem>> -> memref<8x128xf32, #tpu.memory_space<vmem>>
        %dma_wait3A_449 = arith.constant 0 : i32
        %dma_wait3A_450 = arith.constant 0 : i32
        %dma_wait3A_451 = tpu.memref_slice %arg2[%dma_wait3A_449, %dma_wait3A_450] : memref<32x1000000xf32, #tpu.memory_space<hbm>> -> memref<8x128xf32, #tpu.memory_space<hbm>>
        %dma_wait3A_452 = arith.constant 0 : i32
        %dma_wait3A_453 = arith.constant 0 : i32
        %dma_wait3A_454 = tpu.memref_slice %arg6[%dma_wait3A_452, %dma_wait3A_453] : memref<32x512xf32, #tpu.memory_space<vmem>> -> memref<8x128xf32, #tpu.memory_space<vmem>>
        %dma_wait3A_455 = arith.constant 0 : i32
        %dma_wait3A_456 = arith.constant 0 : i32
        %dma_wait3A_457 = tpu.memref_slice %arg2[%dma_wait3A_455, %dma_wait3A_456] : memref<32x1000000xf32, #tpu.memory_space<hbm>> -> memref<8x128xf32, #tpu.memory_space<hbm>>
        tpu.wait_dma2 semaphore(%arg10 : memref<!tpu.dma_semaphore, #tpu.memory_space<semaphore_mem>>) src(%dma_wait3A_457 : memref<8x128xf32, #tpu.memory_space<hbm>>) dst(%dma_wait3A_454 : memref<8x128xf32, #tpu.memory_space<vmem>>)
        %dma_wait3A_458 = arith.constant 0 : i32
        %dma_wait3A_459 = arith.constant 0 : i32
        %dma_wait3A_460 = tpu.memref_slice %arg6[%dma_wait3A_458, %dma_wait3A_459] : memref<32x512xf32, #tpu.memory_space<vmem>> -> memref<8x128xf32, #tpu.memory_space<vmem>>
        %dma_wait3A_461 = arith.constant 0 : i32
        %dma_wait3A_462 = arith.constant 0 : i32
        %dma_wait3A_463 = tpu.memref_slice %arg2[%dma_wait3A_461, %dma_wait3A_462] : memref<32x1000000xf32, #tpu.memory_space<hbm>> -> memref<8x128xf32, #tpu.memory_space<hbm>>
        %dma_wait3A_464 = arith.constant 0 : i32
        %dma_wait3A_465 = arith.constant 0 : i32
        %dma_wait3A_466 = tpu.memref_slice %arg6[%dma_wait3A_464, %dma_wait3A_465] : memref<32x512xf32, #tpu.memory_space<vmem>> -> memref<8x128xf32, #tpu.memory_space<vmem>>
        %dma_wait3A_467 = arith.constant 0 : i32
        %dma_wait3A_468 = arith.constant 0 : i32
        %dma_wait3A_469 = tpu.memref_slice %arg2[%dma_wait3A_467, %dma_wait3A_468] : memref<32x1000000xf32, #tpu.memory_space<hbm>> -> memref<8x128xf32, #tpu.memory_space<hbm>>
        tpu.wait_dma2 semaphore(%arg10 : memref<!tpu.dma_semaphore, #tpu.memory_space<semaphore_mem>>) src(%dma_wait3A_469 : memref<8x128xf32, #tpu.memory_space<hbm>>) dst(%dma_wait3A_466 : memref<8x128xf32, #tpu.memory_space<vmem>>)
        %dma_wait3A_470 = arith.constant 0 : i32
        %dma_wait3A_471 = arith.constant 0 : i32
        %dma_wait3A_472 = tpu.memref_slice %arg6[%dma_wait3A_470, %dma_wait3A_471] : memref<32x512xf32, #tpu.memory_space<vmem>> -> memref<8x128xf32, #tpu.memory_space<vmem>>
        %dma_wait3A_473 = arith.constant 0 : i32
        %dma_wait3A_474 = arith.constant 0 : i32
        %dma_wait3A_475 = tpu.memref_slice %arg2[%dma_wait3A_473, %dma_wait3A_474] : memref<32x1000000xf32, #tpu.memory_space<hbm>> -> memref<8x128xf32, #tpu.memory_space<hbm>>
        %dma_wait3A_476 = arith.constant 0 : i32
        %dma_wait3A_477 = arith.constant 0 : i32
        %dma_wait3A_478 = tpu.memref_slice %arg6[%dma_wait3A_476, %dma_wait3A_477] : memref<32x512xf32, #tpu.memory_space<vmem>> -> memref<8x128xf32, #tpu.memory_space<vmem>>
        %dma_wait3A_479 = arith.constant 0 : i32
        %dma_wait3A_480 = arith.constant 0 : i32
        %dma_wait3A_481 = tpu.memref_slice %arg2[%dma_wait3A_479, %dma_wait3A_480] : memref<32x1000000xf32, #tpu.memory_space<hbm>> -> memref<8x128xf32, #tpu.memory_space<hbm>>
        tpu.wait_dma2 semaphore(%arg10 : memref<!tpu.dma_semaphore, #tpu.memory_space<semaphore_mem>>) src(%dma_wait3A_481 : memref<8x128xf32, #tpu.memory_space<hbm>>) dst(%dma_wait3A_478 : memref<8x128xf32, #tpu.memory_space<vmem>>)
        %dma_wait3A_482 = arith.constant 0 : i32
        %dma_wait3A_483 = arith.constant 0 : i32
        %dma_wait3A_484 = tpu.memref_slice %arg6[%dma_wait3A_482, %dma_wait3A_483] : memref<32x512xf32, #tpu.memory_space<vmem>> -> memref<8x128xf32, #tpu.memory_space<vmem>>
        %dma_wait3A_485 = arith.constant 0 : i32
        %dma_wait3A_486 = arith.constant 0 : i32
        %dma_wait3A_487 = tpu.memref_slice %arg2[%dma_wait3A_485, %dma_wait3A_486] : memref<32x1000000xf32, #tpu.memory_space<hbm>> -> memref<8x128xf32, #tpu.memory_space<hbm>>
        %dma_wait3A_488 = arith.constant 0 : i32
        %dma_wait3A_489 = arith.constant 0 : i32
        %dma_wait3A_490 = tpu.memref_slice %arg6[%dma_wait3A_488, %dma_wait3A_489] : memref<32x512xf32, #tpu.memory_space<vmem>> -> memref<8x128xf32, #tpu.memory_space<vmem>>
        %dma_wait3A_491 = arith.constant 0 : i32
        %dma_wait3A_492 = arith.constant 0 : i32
        %dma_wait3A_493 = tpu.memref_slice %arg2[%dma_wait3A_491, %dma_wait3A_492] : memref<32x1000000xf32, #tpu.memory_space<hbm>> -> memref<8x128xf32, #tpu.memory_space<hbm>>
        tpu.wait_dma2 semaphore(%arg10 : memref<!tpu.dma_semaphore, #tpu.memory_space<semaphore_mem>>) src(%dma_wait3A_493 : memref<8x128xf32, #tpu.memory_space<hbm>>) dst(%dma_wait3A_490 : memref<8x128xf32, #tpu.memory_space<vmem>>)
        %dma_wait3A_494 = arith.constant 0 : i32
        %dma_wait3A_495 = arith.constant 0 : i32
        %dma_wait3A_496 = tpu.memref_slice %arg6[%dma_wait3A_494, %dma_wait3A_495] : memref<32x512xf32, #tpu.memory_space<vmem>> -> memref<8x128xf32, #tpu.memory_space<vmem>>
        %dma_wait3A_497 = arith.constant 0 : i32
        %dma_wait3A_498 = arith.constant 0 : i32
        %dma_wait3A_499 = tpu.memref_slice %arg2[%dma_wait3A_497, %dma_wait3A_498] : memref<32x1000000xf32, #tpu.memory_space<hbm>> -> memref<8x128xf32, #tpu.memory_space<hbm>>
        %dma_wait3A_500 = arith.constant 0 : i32
        %dma_wait3A_501 = arith.constant 0 : i32
        %dma_wait3A_502 = tpu.memref_slice %arg6[%dma_wait3A_500, %dma_wait3A_501] : memref<32x512xf32, #tpu.memory_space<vmem>> -> memref<8x128xf32, #tpu.memory_space<vmem>>
        %dma_wait3A_503 = arith.constant 0 : i32
        %dma_wait3A_504 = arith.constant 0 : i32
        %dma_wait3A_505 = tpu.memref_slice %arg2[%dma_wait3A_503, %dma_wait3A_504] : memref<32x1000000xf32, #tpu.memory_space<hbm>> -> memref<8x128xf32, #tpu.memory_space<hbm>>
        tpu.wait_dma2 semaphore(%arg10 : memref<!tpu.dma_semaphore, #tpu.memory_space<semaphore_mem>>) src(%dma_wait3A_505 : memref<8x128xf32, #tpu.memory_space<hbm>>) dst(%dma_wait3A_502 : memref<8x128xf32, #tpu.memory_space<vmem>>)
        %dma_wait3A_506 = arith.constant 0 : i32
        %dma_wait3A_507 = arith.constant 0 : i32
        %dma_wait3A_508 = tpu.memref_slice %arg6[%dma_wait3A_506, %dma_wait3A_507] : memref<32x512xf32, #tpu.memory_space<vmem>> -> memref<8x128xf32, #tpu.memory_space<vmem>>
        %dma_wait3A_509 = arith.constant 0 : i32
        %dma_wait3A_510 = arith.constant 0 : i32
        %dma_wait3A_511 = tpu.memref_slice %arg2[%dma_wait3A_509, %dma_wait3A_510] : memref<32x1000000xf32, #tpu.memory_space<hbm>> -> memref<8x128xf32, #tpu.memory_space<hbm>>
        %dma_wait3A_512 = arith.constant 0 : i32
        %dma_wait3A_513 = arith.constant 0 : i32
        %dma_wait3A_514 = tpu.memref_slice %arg6[%dma_wait3A_512, %dma_wait3A_513] : memref<32x512xf32, #tpu.memory_space<vmem>> -> memref<8x128xf32, #tpu.memory_space<vmem>>
        %dma_wait3A_515 = arith.constant 0 : i32
        %dma_wait3A_516 = arith.constant 0 : i32
        %dma_wait3A_517 = tpu.memref_slice %arg2[%dma_wait3A_515, %dma_wait3A_516] : memref<32x1000000xf32, #tpu.memory_space<hbm>> -> memref<8x128xf32, #tpu.memory_space<hbm>>
        tpu.wait_dma2 semaphore(%arg10 : memref<!tpu.dma_semaphore, #tpu.memory_space<semaphore_mem>>) src(%dma_wait3A_517 : memref<8x128xf32, #tpu.memory_space<hbm>>) dst(%dma_wait3A_514 : memref<8x128xf32, #tpu.memory_space<vmem>>)
        %dma_wait3A_518 = arith.constant 0 : i32
        %dma_wait3A_519 = arith.constant 0 : i32
        %dma_wait3A_520 = tpu.memref_slice %arg6[%dma_wait3A_518, %dma_wait3A_519] : memref<32x512xf32, #tpu.memory_space<vmem>> -> memref<8x128xf32, #tpu.memory_space<vmem>>
        %dma_wait3A_521 = arith.constant 0 : i32
        %dma_wait3A_522 = arith.constant 0 : i32
        %dma_wait3A_523 = tpu.memref_slice %arg2[%dma_wait3A_521, %dma_wait3A_522] : memref<32x1000000xf32, #tpu.memory_space<hbm>> -> memref<8x128xf32, #tpu.memory_space<hbm>>
        %dma_wait3A_524 = arith.constant 0 : i32
        %dma_wait3A_525 = arith.constant 0 : i32
        %dma_wait3A_526 = tpu.memref_slice %arg6[%dma_wait3A_524, %dma_wait3A_525] : memref<32x512xf32, #tpu.memory_space<vmem>> -> memref<8x128xf32, #tpu.memory_space<vmem>>
        %dma_wait3A_527 = arith.constant 0 : i32
        %dma_wait3A_528 = arith.constant 0 : i32
        %dma_wait3A_529 = tpu.memref_slice %arg2[%dma_wait3A_527, %dma_wait3A_528] : memref<32x1000000xf32, #tpu.memory_space<hbm>> -> memref<8x128xf32, #tpu.memory_space<hbm>>
        tpu.wait_dma2 semaphore(%arg10 : memref<!tpu.dma_semaphore, #tpu.memory_space<semaphore_mem>>) src(%dma_wait3A_529 : memref<8x128xf32, #tpu.memory_space<hbm>>) dst(%dma_wait3A_526 : memref<8x128xf32, #tpu.memory_space<vmem>>)
        %dma_wait3A_530 = arith.constant 0 : i32
        %dma_wait3A_531 = arith.constant 0 : i32
        %dma_wait3A_532 = tpu.memref_slice %arg6[%dma_wait3A_530, %dma_wait3A_531] : memref<32x512xf32, #tpu.memory_space<vmem>> -> memref<8x128xf32, #tpu.memory_space<vmem>>
        %dma_wait3A_533 = arith.constant 0 : i32
        %dma_wait3A_534 = arith.constant 0 : i32
        %dma_wait3A_535 = tpu.memref_slice %arg2[%dma_wait3A_533, %dma_wait3A_534] : memref<32x1000000xf32, #tpu.memory_space<hbm>> -> memref<8x128xf32, #tpu.memory_space<hbm>>
        %dma_wait3A_536 = arith.constant 0 : i32
        %dma_wait3A_537 = arith.constant 0 : i32
        %dma_wait3A_538 = tpu.memref_slice %arg6[%dma_wait3A_536, %dma_wait3A_537] : memref<32x512xf32, #tpu.memory_space<vmem>> -> memref<8x128xf32, #tpu.memory_space<vmem>>
        %dma_wait3A_539 = arith.constant 0 : i32
        %dma_wait3A_540 = arith.constant 0 : i32
        %dma_wait3A_541 = tpu.memref_slice %arg2[%dma_wait3A_539, %dma_wait3A_540] : memref<32x1000000xf32, #tpu.memory_space<hbm>> -> memref<8x128xf32, #tpu.memory_space<hbm>>
        tpu.wait_dma2 semaphore(%arg10 : memref<!tpu.dma_semaphore, #tpu.memory_space<semaphore_mem>>) src(%dma_wait3A_541 : memref<8x128xf32, #tpu.memory_space<hbm>>) dst(%dma_wait3A_538 : memref<8x128xf32, #tpu.memory_space<vmem>>)
        %dma_wait3A_542 = arith.constant 0 : i32
        %dma_wait3A_543 = arith.constant 0 : i32
        %dma_wait3A_544 = tpu.memref_slice %arg6[%dma_wait3A_542, %dma_wait3A_543] : memref<32x512xf32, #tpu.memory_space<vmem>> -> memref<8x128xf32, #tpu.memory_space<vmem>>
        %dma_wait3A_545 = arith.constant 0 : i32
        %dma_wait3A_546 = arith.constant 0 : i32
        %dma_wait3A_547 = tpu.memref_slice %arg2[%dma_wait3A_545, %dma_wait3A_546] : memref<32x1000000xf32, #tpu.memory_space<hbm>> -> memref<8x128xf32, #tpu.memory_space<hbm>>
        %dma_wait3A_548 = arith.constant 0 : i32
        %dma_wait3A_549 = arith.constant 0 : i32
        %dma_wait3A_550 = tpu.memref_slice %arg6[%dma_wait3A_548, %dma_wait3A_549] : memref<32x512xf32, #tpu.memory_space<vmem>> -> memref<8x128xf32, #tpu.memory_space<vmem>>
        %dma_wait3A_551 = arith.constant 0 : i32
        %dma_wait3A_552 = arith.constant 0 : i32
        %dma_wait3A_553 = tpu.memref_slice %arg2[%dma_wait3A_551, %dma_wait3A_552] : memref<32x1000000xf32, #tpu.memory_space<hbm>> -> memref<8x128xf32, #tpu.memory_space<hbm>>
        tpu.wait_dma2 semaphore(%arg10 : memref<!tpu.dma_semaphore, #tpu.memory_space<semaphore_mem>>) src(%dma_wait3A_553 : memref<8x128xf32, #tpu.memory_space<hbm>>) dst(%dma_wait3A_550 : memref<8x128xf32, #tpu.memory_space<vmem>>)
        %dma_wait3A_554 = arith.constant 0 : i32
        %dma_wait3A_555 = arith.constant 0 : i32
        %dma_wait3A_556 = tpu.memref_slice %arg6[%dma_wait3A_554, %dma_wait3A_555] : memref<32x512xf32, #tpu.memory_space<vmem>> -> memref<8x128xf32, #tpu.memory_space<vmem>>
        %dma_wait3A_557 = arith.constant 0 : i32
        %dma_wait3A_558 = arith.constant 0 : i32
        %dma_wait3A_559 = tpu.memref_slice %arg2[%dma_wait3A_557, %dma_wait3A_558] : memref<32x1000000xf32, #tpu.memory_space<hbm>> -> memref<8x128xf32, #tpu.memory_space<hbm>>
        %dma_wait3A_560 = arith.constant 0 : i32
        %dma_wait3A_561 = arith.constant 0 : i32
        %dma_wait3A_562 = tpu.memref_slice %arg6[%dma_wait3A_560, %dma_wait3A_561] : memref<32x512xf32, #tpu.memory_space<vmem>> -> memref<8x128xf32, #tpu.memory_space<vmem>>
        %dma_wait3A_563 = arith.constant 0 : i32
        %dma_wait3A_564 = arith.constant 0 : i32
        %dma_wait3A_565 = tpu.memref_slice %arg2[%dma_wait3A_563, %dma_wait3A_564] : memref<32x1000000xf32, #tpu.memory_space<hbm>> -> memref<8x128xf32, #tpu.memory_space<hbm>>
        tpu.wait_dma2 semaphore(%arg10 : memref<!tpu.dma_semaphore, #tpu.memory_space<semaphore_mem>>) src(%dma_wait3A_565 : memref<8x128xf32, #tpu.memory_space<hbm>>) dst(%dma_wait3A_562 : memref<8x128xf32, #tpu.memory_space<vmem>>)
        %dma_wait3A_566 = arith.constant 0 : i32
        %dma_wait3A_567 = arith.constant 0 : i32
        %dma_wait3A_568 = tpu.memref_slice %arg6[%dma_wait3A_566, %dma_wait3A_567] : memref<32x512xf32, #tpu.memory_space<vmem>> -> memref<8x128xf32, #tpu.memory_space<vmem>>
        %dma_wait3A_569 = arith.constant 0 : i32
        %dma_wait3A_570 = arith.constant 0 : i32
        %dma_wait3A_571 = tpu.memref_slice %arg2[%dma_wait3A_569, %dma_wait3A_570] : memref<32x1000000xf32, #tpu.memory_space<hbm>> -> memref<8x128xf32, #tpu.memory_space<hbm>>
        %dma_wait3A_572 = arith.constant 0 : i32
        %dma_wait3A_573 = arith.constant 0 : i32
        %dma_wait3A_574 = tpu.memref_slice %arg6[%dma_wait3A_572, %dma_wait3A_573] : memref<32x512xf32, #tpu.memory_space<vmem>> -> memref<8x128xf32, #tpu.memory_space<vmem>>
        %dma_wait3A_575 = arith.constant 0 : i32
        %dma_wait3A_576 = arith.constant 0 : i32
        %dma_wait3A_577 = tpu.memref_slice %arg2[%dma_wait3A_575, %dma_wait3A_576] : memref<32x1000000xf32, #tpu.memory_space<hbm>> -> memref<8x128xf32, #tpu.memory_space<hbm>>
        tpu.wait_dma2 semaphore(%arg10 : memref<!tpu.dma_semaphore, #tpu.memory_space<semaphore_mem>>) src(%dma_wait3A_577 : memref<8x128xf32, #tpu.memory_space<hbm>>) dst(%dma_wait3A_574 : memref<8x128xf32, #tpu.memory_space<vmem>>)
        %dma_wait3A_578 = arith.constant 0 : i32
        %dma_wait3A_579 = arith.constant 0 : i32
        %dma_wait3A_580 = tpu.memref_slice %arg6[%dma_wait3A_578, %dma_wait3A_579] : memref<32x512xf32, #tpu.memory_space<vmem>> -> memref<8x128xf32, #tpu.memory_space<vmem>>
        %dma_wait3A_581 = arith.constant 0 : i32
        %dma_wait3A_582 = arith.constant 0 : i32
        %dma_wait3A_583 = tpu.memref_slice %arg2[%dma_wait3A_581, %dma_wait3A_582] : memref<32x1000000xf32, #tpu.memory_space<hbm>> -> memref<8x128xf32, #tpu.memory_space<hbm>>
        %dma_wait3A_584 = arith.constant 0 : i32
        %dma_wait3A_585 = arith.constant 0 : i32
        %dma_wait3A_586 = tpu.memref_slice %arg6[%dma_wait3A_584, %dma_wait3A_585] : memref<32x512xf32, #tpu.memory_space<vmem>> -> memref<8x128xf32, #tpu.memory_space<vmem>>
        %dma_wait3A_587 = arith.constant 0 : i32
        %dma_wait3A_588 = arith.constant 0 : i32
        %dma_wait3A_589 = tpu.memref_slice %arg2[%dma_wait3A_587, %dma_wait3A_588] : memref<32x1000000xf32, #tpu.memory_space<hbm>> -> memref<8x128xf32, #tpu.memory_space<hbm>>
        tpu.wait_dma2 semaphore(%arg10 : memref<!tpu.dma_semaphore, #tpu.memory_space<semaphore_mem>>) src(%dma_wait3A_589 : memref<8x128xf32, #tpu.memory_space<hbm>>) dst(%dma_wait3A_586 : memref<8x128xf32, #tpu.memory_space<vmem>>)
        %dma_wait3A_590 = arith.constant 0 : i32
        %dma_wait3A_591 = arith.constant 0 : i32
        %dma_wait3A_592 = tpu.memref_slice %arg6[%dma_wait3A_590, %dma_wait3A_591] : memref<32x512xf32, #tpu.memory_space<vmem>> -> memref<8x128xf32, #tpu.memory_space<vmem>>
        %dma_wait3A_593 = arith.constant 0 : i32
        %dma_wait3A_594 = arith.constant 0 : i32
        %dma_wait3A_595 = tpu.memref_slice %arg2[%dma_wait3A_593, %dma_wait3A_594] : memref<32x1000000xf32, #tpu.memory_space<hbm>> -> memref<8x128xf32, #tpu.memory_space<hbm>>
        %dma_wait3A_596 = arith.constant 0 : i32
        %dma_wait3A_597 = arith.constant 0 : i32
        %dma_wait3A_598 = tpu.memref_slice %arg6[%dma_wait3A_596, %dma_wait3A_597] : memref<32x512xf32, #tpu.memory_space<vmem>> -> memref<8x128xf32, #tpu.memory_space<vmem>>
        %dma_wait3A_599 = arith.constant 0 : i32
        %dma_wait3A_600 = arith.constant 0 : i32
        %dma_wait3A_601 = tpu.memref_slice %arg2[%dma_wait3A_599, %dma_wait3A_600] : memref<32x1000000xf32, #tpu.memory_space<hbm>> -> memref<8x128xf32, #tpu.memory_space<hbm>>
        tpu.wait_dma2 semaphore(%arg10 : memref<!tpu.dma_semaphore, #tpu.memory_space<semaphore_mem>>) src(%dma_wait3A_601 : memref<8x128xf32, #tpu.memory_space<hbm>>) dst(%dma_wait3A_598 : memref<8x128xf32, #tpu.memory_space<vmem>>)
        %dma_wait3A_602 = arith.constant 0 : i32
        %dma_wait3A_603 = arith.constant 0 : i32
        %dma_wait3A_604 = tpu.memref_slice %arg6[%dma_wait3A_602, %dma_wait3A_603] : memref<32x512xf32, #tpu.memory_space<vmem>> -> memref<8x128xf32, #tpu.memory_space<vmem>>
        %dma_wait3A_605 = arith.constant 0 : i32
        %dma_wait3A_606 = arith.constant 0 : i32
        %dma_wait3A_607 = tpu.memref_slice %arg2[%dma_wait3A_605, %dma_wait3A_606] : memref<32x1000000xf32, #tpu.memory_space<hbm>> -> memref<8x128xf32, #tpu.memory_space<hbm>>
        %dma_wait3A_608 = arith.constant 0 : i32
        %dma_wait3A_609 = arith.constant 0 : i32
        %dma_wait3A_610 = tpu.memref_slice %arg6[%dma_wait3A_608, %dma_wait3A_609] : memref<32x512xf32, #tpu.memory_space<vmem>> -> memref<8x128xf32, #tpu.memory_space<vmem>>
        %dma_wait3A_611 = arith.constant 0 : i32
        %dma_wait3A_612 = arith.constant 0 : i32
        %dma_wait3A_613 = tpu.memref_slice %arg2[%dma_wait3A_611, %dma_wait3A_612] : memref<32x1000000xf32, #tpu.memory_space<hbm>> -> memref<8x128xf32, #tpu.memory_space<hbm>>
        tpu.wait_dma2 semaphore(%arg10 : memref<!tpu.dma_semaphore, #tpu.memory_space<semaphore_mem>>) src(%dma_wait3A_613 : memref<8x128xf32, #tpu.memory_space<hbm>>) dst(%dma_wait3A_610 : memref<8x128xf32, #tpu.memory_space<vmem>>)
        %dma_wait3A_614 = arith.constant 0 : i32
        %dma_wait3A_615 = arith.constant 0 : i32
        %dma_wait3A_616 = tpu.memref_slice %arg6[%dma_wait3A_614, %dma_wait3A_615] : memref<32x512xf32, #tpu.memory_space<vmem>> -> memref<8x128xf32, #tpu.memory_space<vmem>>
        %dma_wait3A_617 = arith.constant 0 : i32
        %dma_wait3A_618 = arith.constant 0 : i32
        %dma_wait3A_619 = tpu.memref_slice %arg2[%dma_wait3A_617, %dma_wait3A_618] : memref<32x1000000xf32, #tpu.memory_space<hbm>> -> memref<8x128xf32, #tpu.memory_space<hbm>>
        %dma_wait3A_620 = arith.constant 0 : i32
        %dma_wait3A_621 = arith.constant 0 : i32
        %dma_wait3A_622 = tpu.memref_slice %arg6[%dma_wait3A_620, %dma_wait3A_621] : memref<32x512xf32, #tpu.memory_space<vmem>> -> memref<8x128xf32, #tpu.memory_space<vmem>>
        %dma_wait3A_623 = arith.constant 0 : i32
        %dma_wait3A_624 = arith.constant 0 : i32
        %dma_wait3A_625 = tpu.memref_slice %arg2[%dma_wait3A_623, %dma_wait3A_624] : memref<32x1000000xf32, #tpu.memory_space<hbm>> -> memref<8x128xf32, #tpu.memory_space<hbm>>
        tpu.wait_dma2 semaphore(%arg10 : memref<!tpu.dma_semaphore, #tpu.memory_space<semaphore_mem>>) src(%dma_wait3A_625 : memref<8x128xf32, #tpu.memory_space<hbm>>) dst(%dma_wait3A_622 : memref<8x128xf32, #tpu.memory_space<vmem>>)
        %gt3A = arith.constant 0 : i32
        %gt3A_626 = arith.cmpi sgt, %scan3A_410, %gt3A : i32
        %convert_element_type3A_627 = arith.extui %gt3A_626 : i1 to i32
        %cond3A_628 = arith.constant 0 : i32
        %cond3A_629 = arith.cmpi ne, %convert_element_type3A_627, %cond3A_628 : i32
        scf.if %cond3A_629 {
          %dma_wait3A_649 = arith.constant 0 : i32
          %dma_wait3A_650 = tpu.memref_slice %arg4[%dma_wait3A_649] : memref<40000000xf32, #tpu.memory_space<hbm>> -> memref<20480xf32, #tpu.memory_space<hbm>>
          %dma_wait3A_651 = arith.constant 0 : i32
          %dma_wait3A_652 = tpu.memref_slice %arg4[%dma_wait3A_651] : memref<40000000xf32, #tpu.memory_space<hbm>> -> memref<20480xf32, #tpu.memory_space<hbm>>
          tpu.wait_dma2 semaphore(%arg12 : memref<!tpu.dma_semaphore, #tpu.memory_space<semaphore_mem>>) src(%arg8 : memref<20480xf32, #tpu.memory_space<vmem>>) dst(%dma_wait3A_652 : memref<20480xf32, #tpu.memory_space<hbm>>)
        } else {
        }
        %scan3A_630 = arith.constant 0 : i32
        %scan3A_631 = arith.constant 0 : i32
        %scan3A_632 = arith.constant 32 : i32
        %scan3A_633 = arith.addi %scan3A_631, %scan3A_632 : i32
        %scan3A_634 = arith.constant 1 : i32
        scf.for %scan3A_649 = %scan3A_631 to %scan3A_633 step %scan3A_634  : i32 {
          %mul3A_650 = arith.constant 16 : i32
          %mul3A_651 = arith.muli %scan3A_649, %mul3A_650 : i32
          %mul3A_652 = arith.constant 40 : i32
          %mul3A_653 = arith.muli %mul3A_651, %mul3A_652 : i32
          %add3A_654 = vector.broadcast %mul3A_653 : i32 to vector<16xi32>
          %add3A_655 = arith.addi %mul3A_6, %add3A_654 : vector<16xi32>
          %get3A = arith.constant 0 : i32
          %get3A_656 = arith.index_cast %get3A : i32 to index
          %get3A_657 = arith.index_cast %mul3A_651 : i32 to index
          %get3A_658 = tpu.vector_load %arg6[%get3A_656, %get3A_657] {strides = array<i32>} : memref<32x512xf32, #tpu.memory_space<vmem>>, vector<16xf32>,
          %add3A_659 = arith.constant 0 : i32
          %add3A_660 = vector.broadcast %add3A_659 : i32 to vector<16xi32>
          %add3A_661 = arith.addi %add3A_655, %add3A_660 : vector<16xi32>
          tpu.vector_store_idx %arg8[%add3A_661], %get3A_658 : memref<20480xf32, #tpu.memory_space<vmem>>[vector<16xi32>], vector<16xf32>,
          %get3A_662 = arith.constant 1 : i32
          %get3A_663 = arith.index_cast %get3A_662 : i32 to index
          %get3A_664 = arith.index_cast %mul3A_651 : i32 to index
          %get3A_665 = tpu.vector_load %arg6[%get3A_663, %get3A_664] {strides = array<i32>} : memref<32x512xf32, #tpu.memory_space<vmem>>, vector<16xf32>,
          %add3A_666 = arith.constant 1 : i32
          %add3A_667 = vector.broadcast %add3A_666 : i32 to vector<16xi32>
          %add3A_668 = arith.addi %add3A_655, %add3A_667 : vector<16xi32>
          tpu.vector_store_idx %arg8[%add3A_668], %get3A_665 : memref<20480xf32, #tpu.memory_space<vmem>>[vector<16xi32>], vector<16xf32>,
          %get3A_669 = arith.constant 2 : i32
          %get3A_670 = arith.index_cast %get3A_669 : i32 to index
          %get3A_671 = arith.index_cast %mul3A_651 : i32 to index
          %get3A_672 = tpu.vector_load %arg6[%get3A_670, %get3A_671] {strides = array<i32>} : memref<32x512xf32, #tpu.memory_space<vmem>>, vector<16xf32>,
          %add3A_673 = arith.constant 2 : i32
          %add3A_674 = vector.broadcast %add3A_673 : i32 to vector<16xi32>
          %add3A_675 = arith.addi %add3A_655, %add3A_674 : vector<16xi32>
          tpu.vector_store_idx %arg8[%add3A_675], %get3A_672 : memref<20480xf32, #tpu.memory_space<vmem>>[vector<16xi32>], vector<16xf32>,
          %get3A_676 = arith.constant 3 : i32
          %get3A_677 = arith.index_cast %get3A_676 : i32 to index
          %get3A_678 = arith.index_cast %mul3A_651 : i32 to index
          %get3A_679 = tpu.vector_load %arg6[%get3A_677, %get3A_678] {strides = array<i32>} : memref<32x512xf32, #tpu.memory_space<vmem>>, vector<16xf32>,
          %add3A_680 = arith.constant 3 : i32
          %add3A_681 = vector.broadcast %add3A_680 : i32 to vector<16xi32>
          %add3A_682 = arith.addi %add3A_655, %add3A_681 : vector<16xi32>
          tpu.vector_store_idx %arg8[%add3A_682], %get3A_679 : memref<20480xf32, #tpu.memory_space<vmem>>[vector<16xi32>], vector<16xf32>,
          %get3A_683 = arith.constant 4 : i32
          %get3A_684 = arith.index_cast %get3A_683 : i32 to index
          %get3A_685 = arith.index_cast %mul3A_651 : i32 to index
          %get3A_686 = tpu.vector_load %arg6[%get3A_684, %get3A_685] {strides = array<i32>} : memref<32x512xf32, #tpu.memory_space<vmem>>, vector<16xf32>,
          %add3A_687 = arith.constant 4 : i32
          %add3A_688 = vector.broadcast %add3A_687 : i32 to vector<16xi32>
          %add3A_689 = arith.addi %add3A_655, %add3A_688 : vector<16xi32>
          tpu.vector_store_idx %arg8[%add3A_689], %get3A_686 : memref<20480xf32, #tpu.memory_space<vmem>>[vector<16xi32>], vector<16xf32>,
          %get3A_690 = arith.constant 5 : i32
          %get3A_691 = arith.index_cast %get3A_690 : i32 to index
          %get3A_692 = arith.index_cast %mul3A_651 : i32 to index
          %get3A_693 = tpu.vector_load %arg6[%get3A_691, %get3A_692] {strides = array<i32>} : memref<32x512xf32, #tpu.memory_space<vmem>>, vector<16xf32>,
          %add3A_694 = arith.constant 5 : i32
          %add3A_695 = vector.broadcast %add3A_694 : i32 to vector<16xi32>
          %add3A_696 = arith.addi %add3A_655, %add3A_695 : vector<16xi32>
          tpu.vector_store_idx %arg8[%add3A_696], %get3A_693 : memref<20480xf32, #tpu.memory_space<vmem>>[vector<16xi32>], vector<16xf32>,
          %get3A_697 = arith.constant 6 : i32
          %get3A_698 = arith.index_cast %get3A_697 : i32 to index
          %get3A_699 = arith.index_cast %mul3A_651 : i32 to index
          %get3A_700 = tpu.vector_load %arg6[%get3A_698, %get3A_699] {strides = array<i32>} : memref<32x512xf32, #tpu.memory_space<vmem>>, vector<16xf32>,
          %add3A_701 = arith.constant 6 : i32
          %add3A_702 = vector.broadcast %add3A_701 : i32 to vector<16xi32>
          %add3A_703 = arith.addi %add3A_655, %add3A_702 : vector<16xi32>
          tpu.vector_store_idx %arg8[%add3A_703], %get3A_700 : memref<20480xf32, #tpu.memory_space<vmem>>[vector<16xi32>], vector<16xf32>,
          %get3A_704 = arith.constant 7 : i32
          %get3A_705 = arith.index_cast %get3A_704 : i32 to index
          %get3A_706 = arith.index_cast %mul3A_651 : i32 to index
          %get3A_707 = tpu.vector_load %arg6[%get3A_705, %get3A_706] {strides = array<i32>} : memref<32x512xf32, #tpu.memory_space<vmem>>, vector<16xf32>,
          %add3A_708 = arith.constant 7 : i32
          %add3A_709 = vector.broadcast %add3A_708 : i32 to vector<16xi32>
          %add3A_710 = arith.addi %add3A_655, %add3A_709 : vector<16xi32>
          tpu.vector_store_idx %arg8[%add3A_710], %get3A_707 : memref<20480xf32, #tpu.memory_space<vmem>>[vector<16xi32>], vector<16xf32>,
          %get3A_711 = arith.constant 8 : i32
          %get3A_712 = arith.index_cast %get3A_711 : i32 to index
          %get3A_713 = arith.index_cast %mul3A_651 : i32 to index
          %get3A_714 = tpu.vector_load %arg6[%get3A_712, %get3A_713] {strides = array<i32>} : memref<32x512xf32, #tpu.memory_space<vmem>>, vector<16xf32>,
          %add3A_715 = arith.constant 8 : i32
          %add3A_716 = vector.broadcast %add3A_715 : i32 to vector<16xi32>
          %add3A_717 = arith.addi %add3A_655, %add3A_716 : vector<16xi32>
          tpu.vector_store_idx %arg8[%add3A_717], %get3A_714 : memref<20480xf32, #tpu.memory_space<vmem>>[vector<16xi32>], vector<16xf32>,
          %get3A_718 = arith.constant 9 : i32
          %get3A_719 = arith.index_cast %get3A_718 : i32 to index
          %get3A_720 = arith.index_cast %mul3A_651 : i32 to index
          %get3A_721 = tpu.vector_load %arg6[%get3A_719, %get3A_720] {strides = array<i32>} : memref<32x512xf32, #tpu.memory_space<vmem>>, vector<16xf32>,
          %add3A_722 = arith.constant 9 : i32
          %add3A_723 = vector.broadcast %add3A_722 : i32 to vector<16xi32>
          %add3A_724 = arith.addi %add3A_655, %add3A_723 : vector<16xi32>
          tpu.vector_store_idx %arg8[%add3A_724], %get3A_721 : memref<20480xf32, #tpu.memory_space<vmem>>[vector<16xi32>], vector<16xf32>,
          %get3A_725 = arith.constant 10 : i32
          %get3A_726 = arith.index_cast %get3A_725 : i32 to index
          %get3A_727 = arith.index_cast %mul3A_651 : i32 to index
          %get3A_728 = tpu.vector_load %arg6[%get3A_726, %get3A_727] {strides = array<i32>} : memref<32x512xf32, #tpu.memory_space<vmem>>, vector<16xf32>,
          %add3A_729 = arith.constant 10 : i32
          %add3A_730 = vector.broadcast %add3A_729 : i32 to vector<16xi32>
          %add3A_731 = arith.addi %add3A_655, %add3A_730 : vector<16xi32>
          tpu.vector_store_idx %arg8[%add3A_731], %get3A_728 : memref<20480xf32, #tpu.memory_space<vmem>>[vector<16xi32>], vector<16xf32>,
          %get3A_732 = arith.constant 11 : i32
          %get3A_733 = arith.index_cast %get3A_732 : i32 to index
          %get3A_734 = arith.index_cast %mul3A_651 : i32 to index
          %get3A_735 = tpu.vector_load %arg6[%get3A_733, %get3A_734] {strides = array<i32>} : memref<32x512xf32, #tpu.memory_space<vmem>>, vector<16xf32>,
          %add3A_736 = arith.constant 11 : i32
          %add3A_737 = vector.broadcast %add3A_736 : i32 to vector<16xi32>
          %add3A_738 = arith.addi %add3A_655, %add3A_737 : vector<16xi32>
          tpu.vector_store_idx %arg8[%add3A_738], %get3A_735 : memref<20480xf32, #tpu.memory_space<vmem>>[vector<16xi32>], vector<16xf32>,
          %get3A_739 = arith.constant 12 : i32
          %get3A_740 = arith.index_cast %get3A_739 : i32 to index
          %get3A_741 = arith.index_cast %mul3A_651 : i32 to index
          %get3A_742 = tpu.vector_load %arg6[%get3A_740, %get3A_741] {strides = array<i32>} : memref<32x512xf32, #tpu.memory_space<vmem>>, vector<16xf32>,
          %add3A_743 = arith.constant 12 : i32
          %add3A_744 = vector.broadcast %add3A_743 : i32 to vector<16xi32>
          %add3A_745 = arith.addi %add3A_655, %add3A_744 : vector<16xi32>
          tpu.vector_store_idx %arg8[%add3A_745], %get3A_742 : memref<20480xf32, #tpu.memory_space<vmem>>[vector<16xi32>], vector<16xf32>,
          %get3A_746 = arith.constant 13 : i32
          %get3A_747 = arith.index_cast %get3A_746 : i32 to index
          %get3A_748 = arith.index_cast %mul3A_651 : i32 to index
          %get3A_749 = tpu.vector_load %arg6[%get3A_747, %get3A_748] {strides = array<i32>} : memref<32x512xf32, #tpu.memory_space<vmem>>, vector<16xf32>,
          %add3A_750 = arith.constant 13 : i32
          %add3A_751 = vector.broadcast %add3A_750 : i32 to vector<16xi32>
          %add3A_752 = arith.addi %add3A_655, %add3A_751 : vector<16xi32>
          tpu.vector_store_idx %arg8[%add3A_752], %get3A_749 : memref<20480xf32, #tpu.memory_space<vmem>>[vector<16xi32>], vector<16xf32>,
          %get3A_753 = arith.constant 14 : i32
          %get3A_754 = arith.index_cast %get3A_753 : i32 to index
          %get3A_755 = arith.index_cast %mul3A_651 : i32 to index
          %get3A_756 = tpu.vector_load %arg6[%get3A_754, %get3A_755] {strides = array<i32>} : memref<32x512xf32, #tpu.memory_space<vmem>>, vector<16xf32>,
          %add3A_757 = arith.constant 14 : i32
          %add3A_758 = vector.broadcast %add3A_757 : i32 to vector<16xi32>
          %add3A_759 = arith.addi %add3A_655, %add3A_758 : vector<16xi32>
          tpu.vector_store_idx %arg8[%add3A_759], %get3A_756 : memref<20480xf32, #tpu.memory_space<vmem>>[vector<16xi32>], vector<16xf32>,
          %get3A_760 = arith.constant 15 : i32
          %get3A_761 = arith.index_cast %get3A_760 : i32 to index
          %get3A_762 = arith.index_cast %mul3A_651 : i32 to index
          %get3A_763 = tpu.vector_load %arg6[%get3A_761, %get3A_762] {strides = array<i32>} : memref<32x512xf32, #tpu.memory_space<vmem>>, vector<16xf32>,
          %add3A_764 = arith.constant 15 : i32
          %add3A_765 = vector.broadcast %add3A_764 : i32 to vector<16xi32>
          %add3A_766 = arith.addi %add3A_655, %add3A_765 : vector<16xi32>
          tpu.vector_store_idx %arg8[%add3A_766], %get3A_763 : memref<20480xf32, #tpu.memory_space<vmem>>[vector<16xi32>], vector<16xf32>,
          %get3A_767 = arith.constant 16 : i32
          %get3A_768 = arith.index_cast %get3A_767 : i32 to index
          %get3A_769 = arith.index_cast %mul3A_651 : i32 to index
          %get3A_770 = tpu.vector_load %arg6[%get3A_768, %get3A_769] {strides = array<i32>} : memref<32x512xf32, #tpu.memory_space<vmem>>, vector<16xf32>,
          %add3A_771 = arith.constant 16 : i32
          %add3A_772 = vector.broadcast %add3A_771 : i32 to vector<16xi32>
          %add3A_773 = arith.addi %add3A_655, %add3A_772 : vector<16xi32>
          tpu.vector_store_idx %arg8[%add3A_773], %get3A_770 : memref<20480xf32, #tpu.memory_space<vmem>>[vector<16xi32>], vector<16xf32>,
          %get3A_774 = arith.constant 17 : i32
          %get3A_775 = arith.index_cast %get3A_774 : i32 to index
          %get3A_776 = arith.index_cast %mul3A_651 : i32 to index
          %get3A_777 = tpu.vector_load %arg6[%get3A_775, %get3A_776] {strides = array<i32>} : memref<32x512xf32, #tpu.memory_space<vmem>>, vector<16xf32>,
          %add3A_778 = arith.constant 17 : i32
          %add3A_779 = vector.broadcast %add3A_778 : i32 to vector<16xi32>
          %add3A_780 = arith.addi %add3A_655, %add3A_779 : vector<16xi32>
          tpu.vector_store_idx %arg8[%add3A_780], %get3A_777 : memref<20480xf32, #tpu.memory_space<vmem>>[vector<16xi32>], vector<16xf32>,
          %get3A_781 = arith.constant 18 : i32
          %get3A_782 = arith.index_cast %get3A_781 : i32 to index
          %get3A_783 = arith.index_cast %mul3A_651 : i32 to index
          %get3A_784 = tpu.vector_load %arg6[%get3A_782, %get3A_783] {strides = array<i32>} : memref<32x512xf32, #tpu.memory_space<vmem>>, vector<16xf32>,
          %add3A_785 = arith.constant 18 : i32
          %add3A_786 = vector.broadcast %add3A_785 : i32 to vector<16xi32>
          %add3A_787 = arith.addi %add3A_655, %add3A_786 : vector<16xi32>
          tpu.vector_store_idx %arg8[%add3A_787], %get3A_784 : memref<20480xf32, #tpu.memory_space<vmem>>[vector<16xi32>], vector<16xf32>,
          %get3A_788 = arith.constant 19 : i32
          %get3A_789 = arith.index_cast %get3A_788 : i32 to index
          %get3A_790 = arith.index_cast %mul3A_651 : i32 to index
          %get3A_791 = tpu.vector_load %arg6[%get3A_789, %get3A_790] {strides = array<i32>} : memref<32x512xf32, #tpu.memory_space<vmem>>, vector<16xf32>,
          %add3A_792 = arith.constant 19 : i32
          %add3A_793 = vector.broadcast %add3A_792 : i32 to vector<16xi32>
          %add3A_794 = arith.addi %add3A_655, %add3A_793 : vector<16xi32>
          tpu.vector_store_idx %arg8[%add3A_794], %get3A_791 : memref<20480xf32, #tpu.memory_space<vmem>>[vector<16xi32>], vector<16xf32>,
          %get3A_795 = arith.constant 20 : i32
          %get3A_796 = arith.index_cast %get3A_795 : i32 to index
          %get3A_797 = arith.index_cast %mul3A_651 : i32 to index
          %get3A_798 = tpu.vector_load %arg6[%get3A_796, %get3A_797] {strides = array<i32>} : memref<32x512xf32, #tpu.memory_space<vmem>>, vector<16xf32>,
          %add3A_799 = arith.constant 20 : i32
          %add3A_800 = vector.broadcast %add3A_799 : i32 to vector<16xi32>
          %add3A_801 = arith.addi %add3A_655, %add3A_800 : vector<16xi32>
          tpu.vector_store_idx %arg8[%add3A_801], %get3A_798 : memref<20480xf32, #tpu.memory_space<vmem>>[vector<16xi32>], vector<16xf32>,
          %get3A_802 = arith.constant 21 : i32
          %get3A_803 = arith.index_cast %get3A_802 : i32 to index
          %get3A_804 = arith.index_cast %mul3A_651 : i32 to index
          %get3A_805 = tpu.vector_load %arg6[%get3A_803, %get3A_804] {strides = array<i32>} : memref<32x512xf32, #tpu.memory_space<vmem>>, vector<16xf32>,
          %add3A_806 = arith.constant 21 : i32
          %add3A_807 = vector.broadcast %add3A_806 : i32 to vector<16xi32>
          %add3A_808 = arith.addi %add3A_655, %add3A_807 : vector<16xi32>
          tpu.vector_store_idx %arg8[%add3A_808], %get3A_805 : memref<20480xf32, #tpu.memory_space<vmem>>[vector<16xi32>], vector<16xf32>,
          %get3A_809 = arith.constant 22 : i32
          %get3A_810 = arith.index_cast %get3A_809 : i32 to index
          %get3A_811 = arith.index_cast %mul3A_651 : i32 to index
          %get3A_812 = tpu.vector_load %arg6[%get3A_810, %get3A_811] {strides = array<i32>} : memref<32x512xf32, #tpu.memory_space<vmem>>, vector<16xf32>,
          %add3A_813 = arith.constant 22 : i32
          %add3A_814 = vector.broadcast %add3A_813 : i32 to vector<16xi32>
          %add3A_815 = arith.addi %add3A_655, %add3A_814 : vector<16xi32>
          tpu.vector_store_idx %arg8[%add3A_815], %get3A_812 : memref<20480xf32, #tpu.memory_space<vmem>>[vector<16xi32>], vector<16xf32>,
          %get3A_816 = arith.constant 23 : i32
          %get3A_817 = arith.index_cast %get3A_816 : i32 to index
          %get3A_818 = arith.index_cast %mul3A_651 : i32 to index
          %get3A_819 = tpu.vector_load %arg6[%get3A_817, %get3A_818] {strides = array<i32>} : memref<32x512xf32, #tpu.memory_space<vmem>>, vector<16xf32>,
          %add3A_820 = arith.constant 23 : i32
          %add3A_821 = vector.broadcast %add3A_820 : i32 to vector<16xi32>
          %add3A_822 = arith.addi %add3A_655, %add3A_821 : vector<16xi32>
          tpu.vector_store_idx %arg8[%add3A_822], %get3A_819 : memref<20480xf32, #tpu.memory_space<vmem>>[vector<16xi32>], vector<16xf32>,
          %get3A_823 = arith.constant 24 : i32
          %get3A_824 = arith.index_cast %get3A_823 : i32 to index
          %get3A_825 = arith.index_cast %mul3A_651 : i32 to index
          %get3A_826 = tpu.vector_load %arg6[%get3A_824, %get3A_825] {strides = array<i32>} : memref<32x512xf32, #tpu.memory_space<vmem>>, vector<16xf32>,
          %add3A_827 = arith.constant 24 : i32
          %add3A_828 = vector.broadcast %add3A_827 : i32 to vector<16xi32>
          %add3A_829 = arith.addi %add3A_655, %add3A_828 : vector<16xi32>
          tpu.vector_store_idx %arg8[%add3A_829], %get3A_826 : memref<20480xf32, #tpu.memory_space<vmem>>[vector<16xi32>], vector<16xf32>,
          %get3A_830 = arith.constant 25 : i32
          %get3A_831 = arith.index_cast %get3A_830 : i32 to index
          %get3A_832 = arith.index_cast %mul3A_651 : i32 to index
          %get3A_833 = tpu.vector_load %arg6[%get3A_831, %get3A_832] {strides = array<i32>} : memref<32x512xf32, #tpu.memory_space<vmem>>, vector<16xf32>,
          %add3A_834 = arith.constant 25 : i32
          %add3A_835 = vector.broadcast %add3A_834 : i32 to vector<16xi32>
          %add3A_836 = arith.addi %add3A_655, %add3A_835 : vector<16xi32>
          tpu.vector_store_idx %arg8[%add3A_836], %get3A_833 : memref<20480xf32, #tpu.memory_space<vmem>>[vector<16xi32>], vector<16xf32>,
          %get3A_837 = arith.constant 26 : i32
          %get3A_838 = arith.index_cast %get3A_837 : i32 to index
          %get3A_839 = arith.index_cast %mul3A_651 : i32 to index
          %get3A_840 = tpu.vector_load %arg6[%get3A_838, %get3A_839] {strides = array<i32>} : memref<32x512xf32, #tpu.memory_space<vmem>>, vector<16xf32>,
          %add3A_841 = arith.constant 26 : i32
          %add3A_842 = vector.broadcast %add3A_841 : i32 to vector<16xi32>
          %add3A_843 = arith.addi %add3A_655, %add3A_842 : vector<16xi32>
          tpu.vector_store_idx %arg8[%add3A_843], %get3A_840 : memref<20480xf32, #tpu.memory_space<vmem>>[vector<16xi32>], vector<16xf32>,
          %get3A_844 = arith.constant 27 : i32
          %get3A_845 = arith.index_cast %get3A_844 : i32 to index
          %get3A_846 = arith.index_cast %mul3A_651 : i32 to index
          %get3A_847 = tpu.vector_load %arg6[%get3A_845, %get3A_846] {strides = array<i32>} : memref<32x512xf32, #tpu.memory_space<vmem>>, vector<16xf32>,
          %add3A_848 = arith.constant 27 : i32
          %add3A_849 = vector.broadcast %add3A_848 : i32 to vector<16xi32>
          %add3A_850 = arith.addi %add3A_655, %add3A_849 : vector<16xi32>
          tpu.vector_store_idx %arg8[%add3A_850], %get3A_847 : memref<20480xf32, #tpu.memory_space<vmem>>[vector<16xi32>], vector<16xf32>,
          %get3A_851 = arith.constant 28 : i32
          %get3A_852 = arith.index_cast %get3A_851 : i32 to index
          %get3A_853 = arith.index_cast %mul3A_651 : i32 to index
          %get3A_854 = tpu.vector_load %arg6[%get3A_852, %get3A_853] {strides = array<i32>} : memref<32x512xf32, #tpu.memory_space<vmem>>, vector<16xf32>,
          %add3A_855 = arith.constant 28 : i32
          %add3A_856 = vector.broadcast %add3A_855 : i32 to vector<16xi32>
          %add3A_857 = arith.addi %add3A_655, %add3A_856 : vector<16xi32>
          tpu.vector_store_idx %arg8[%add3A_857], %get3A_854 : memref<20480xf32, #tpu.memory_space<vmem>>[vector<16xi32>], vector<16xf32>,
          %get3A_858 = arith.constant 29 : i32
          %get3A_859 = arith.index_cast %get3A_858 : i32 to index
          %get3A_860 = arith.index_cast %mul3A_651 : i32 to index
          %get3A_861 = tpu.vector_load %arg6[%get3A_859, %get3A_860] {strides = array<i32>} : memref<32x512xf32, #tpu.memory_space<vmem>>, vector<16xf32>,
          %add3A_862 = arith.constant 29 : i32
          %add3A_863 = vector.broadcast %add3A_862 : i32 to vector<16xi32>
          %add3A_864 = arith.addi %add3A_655, %add3A_863 : vector<16xi32>
          tpu.vector_store_idx %arg8[%add3A_864], %get3A_861 : memref<20480xf32, #tpu.memory_space<vmem>>[vector<16xi32>], vector<16xf32>,
          %get3A_865 = arith.constant 30 : i32
          %get3A_866 = arith.index_cast %get3A_865 : i32 to index
          %get3A_867 = arith.index_cast %mul3A_651 : i32 to index
          %get3A_868 = tpu.vector_load %arg6[%get3A_866, %get3A_867] {strides = array<i32>} : memref<32x512xf32, #tpu.memory_space<vmem>>, vector<16xf32>,
          %add3A_869 = arith.constant 30 : i32
          %add3A_870 = vector.broadcast %add3A_869 : i32 to vector<16xi32>
          %add3A_871 = arith.addi %add3A_655, %add3A_870 : vector<16xi32>
          tpu.vector_store_idx %arg8[%add3A_871], %get3A_868 : memref<20480xf32, #tpu.memory_space<vmem>>[vector<16xi32>], vector<16xf32>,
          %get3A_872 = arith.constant 31 : i32
          %get3A_873 = arith.index_cast %get3A_872 : i32 to index
          %get3A_874 = arith.index_cast %mul3A_651 : i32 to index
          %get3A_875 = tpu.vector_load %arg6[%get3A_873, %get3A_874] {strides = array<i32>} : memref<32x512xf32, #tpu.memory_space<vmem>>, vector<16xf32>,
          %add3A_876 = arith.constant 31 : i32
          %add3A_877 = vector.broadcast %add3A_876 : i32 to vector<16xi32>
          %add3A_878 = arith.addi %add3A_655, %add3A_877 : vector<16xi32>
          tpu.vector_store_idx %arg8[%add3A_878], %get3A_875 : memref<20480xf32, #tpu.memory_space<vmem>>[vector<16xi32>], vector<16xf32>,
        }
        %scan3A_635 = arith.constant 32 : i32
        %mul3A_636 = arith.constant 512 : i32
        %mul3A_637 = arith.muli %add3A_428, %mul3A_636 : i32
        %mul3A_638 = arith.constant 40 : i32
        %mul3A_639 = arith.muli %mul3A_637, %mul3A_638 : i32
        %dma_start3A_640 = tpu.memref_slice %arg4[%mul3A_639] : memref<40000000xf32, #tpu.memory_space<hbm>> -> memref<20480xf32, #tpu.memory_space<hbm>>
        %dma_start3A_641 = tpu.memref_slice %arg4[%mul3A_639] : memref<40000000xf32, #tpu.memory_space<hbm>> -> memref<20480xf32, #tpu.memory_space<hbm>>
        tpu.enqueue_dma source(%arg8 : memref<20480xf32, #tpu.memory_space<vmem>>) target(%dma_start3A_641 : memref<20480xf32, #tpu.memory_space<hbm>>) target_semaphore(%arg12 : memref<!tpu.dma_semaphore, #tpu.memory_space<semaphore_mem>>)
        %add3A_642 = arith.constant 64 : i32
        %add3A_643 = arith.addi %add3A_428, %add3A_642 : i32
        %lt3A_644 = arith.constant 1953 : i32
        %lt3A_645 = arith.cmpi slt, %add3A_643, %lt3A_644 : i32
        %convert_element_type3A_646 = arith.extui %lt3A_645 : i1 to i32
        %cond3A_647 = arith.constant 0 : i32
        %cond3A_648 = arith.cmpi ne, %convert_element_type3A_646, %cond3A_647 : i32
        scf.if %cond3A_648 {
          %add3A_649 = arith.constant 64 : i32
          %add3A_650 = arith.addi %add3A_428, %add3A_649 : i32
          %mul3A_651 = arith.constant 512 : i32
          %mul3A_652 = arith.muli %add3A_650, %mul3A_651 : i32
          %add3A_653 = arith.constant 0 : i32
          %add3A_654 = arith.addi %mul3A_652, %add3A_653 : i32
          %dma_start3A_655 = arith.constant 0 : i32
          %dma_start3A_656 = arith.constant 0 : i32
          %dma_start3A_657 = tpu.memref_slice %arg6[%dma_start3A_655, %dma_start3A_656] : memref<32x512xf32, #tpu.memory_space<vmem>> -> memref<8x128xf32, #tpu.memory_space<vmem>>
          %dma_start3A_658 = arith.constant 0 : i32
          %dma_start3A_659 = tpu.memref_slice %arg2[%dma_start3A_658, %add3A_654] : memref<32x1000000xf32, #tpu.memory_space<hbm>> -> memref<8x128xf32, #tpu.memory_space<hbm>>
          %dma_start3A_660 = arith.constant 0 : i32
          %dma_start3A_661 = arith.constant 0 : i32
          %dma_start3A_662 = tpu.memref_slice %arg6[%dma_start3A_660, %dma_start3A_661] : memref<32x512xf32, #tpu.memory_space<vmem>> -> memref<8x128xf32, #tpu.memory_space<vmem>>
          %dma_start3A_663 = arith.constant 0 : i32
          %dma_start3A_664 = tpu.memref_slice %arg2[%dma_start3A_663, %add3A_654] : memref<32x1000000xf32, #tpu.memory_space<hbm>> -> memref<8x128xf32, #tpu.memory_space<hbm>>
          tpu.enqueue_dma source(%dma_start3A_664 : memref<8x128xf32, #tpu.memory_space<hbm>>) target(%dma_start3A_662 : memref<8x128xf32, #tpu.memory_space<vmem>>) target_semaphore(%arg10 : memref<!tpu.dma_semaphore, #tpu.memory_space<semaphore_mem>>)
          %add3A_665 = arith.constant 128 : i32
          %add3A_666 = arith.addi %mul3A_652, %add3A_665 : i32
          %dma_start3A_667 = arith.constant 0 : i32
          %dma_start3A_668 = arith.constant 128 : i32
          %dma_start3A_669 = tpu.memref_slice %arg6[%dma_start3A_667, %dma_start3A_668] : memref<32x512xf32, #tpu.memory_space<vmem>> -> memref<8x128xf32, #tpu.memory_space<vmem>>
          %dma_start3A_670 = arith.constant 0 : i32
          %dma_start3A_671 = tpu.memref_slice %arg2[%dma_start3A_670, %add3A_666] : memref<32x1000000xf32, #tpu.memory_space<hbm>> -> memref<8x128xf32, #tpu.memory_space<hbm>>
          %dma_start3A_672 = arith.constant 0 : i32
          %dma_start3A_673 = arith.constant 128 : i32
          %dma_start3A_674 = tpu.memref_slice %arg6[%dma_start3A_672, %dma_start3A_673] : memref<32x512xf32, #tpu.memory_space<vmem>> -> memref<8x128xf32, #tpu.memory_space<vmem>>
          %dma_start3A_675 = arith.constant 0 : i32
          %dma_start3A_676 = tpu.memref_slice %arg2[%dma_start3A_675, %add3A_666] : memref<32x1000000xf32, #tpu.memory_space<hbm>> -> memref<8x128xf32, #tpu.memory_space<hbm>>
          tpu.enqueue_dma source(%dma_start3A_676 : memref<8x128xf32, #tpu.memory_space<hbm>>) target(%dma_start3A_674 : memref<8x128xf32, #tpu.memory_space<vmem>>) target_semaphore(%arg10 : memref<!tpu.dma_semaphore, #tpu.memory_space<semaphore_mem>>)
          %add3A_677 = arith.constant 256 : i32
          %add3A_678 = arith.addi %mul3A_652, %add3A_677 : i32
          %dma_start3A_679 = arith.constant 0 : i32
          %dma_start3A_680 = arith.constant 256 : i32
          %dma_start3A_681 = tpu.memref_slice %arg6[%dma_start3A_679, %dma_start3A_680] : memref<32x512xf32, #tpu.memory_space<vmem>> -> memref<8x128xf32, #tpu.memory_space<vmem>>
          %dma_start3A_682 = arith.constant 0 : i32
          %dma_start3A_683 = tpu.memref_slice %arg2[%dma_start3A_682, %add3A_678] : memref<32x1000000xf32, #tpu.memory_space<hbm>> -> memref<8x128xf32, #tpu.memory_space<hbm>>
          %dma_start3A_684 = arith.constant 0 : i32
          %dma_start3A_685 = arith.constant 256 : i32
          %dma_start3A_686 = tpu.memref_slice %arg6[%dma_start3A_684, %dma_start3A_685] : memref<32x512xf32, #tpu.memory_space<vmem>> -> memref<8x128xf32, #tpu.memory_space<vmem>>
          %dma_start3A_687 = arith.constant 0 : i32
          %dma_start3A_688 = tpu.memref_slice %arg2[%dma_start3A_687, %add3A_678] : memref<32x1000000xf32, #tpu.memory_space<hbm>> -> memref<8x128xf32, #tpu.memory_space<hbm>>
          tpu.enqueue_dma source(%dma_start3A_688 : memref<8x128xf32, #tpu.memory_space<hbm>>) target(%dma_start3A_686 : memref<8x128xf32, #tpu.memory_space<vmem>>) target_semaphore(%arg10 : memref<!tpu.dma_semaphore, #tpu.memory_space<semaphore_mem>>)
          %add3A_689 = arith.constant 384 : i32
          %add3A_690 = arith.addi %mul3A_652, %add3A_689 : i32
          %dma_start3A_691 = arith.constant 0 : i32
          %dma_start3A_692 = arith.constant 384 : i32
          %dma_start3A_693 = tpu.memref_slice %arg6[%dma_start3A_691, %dma_start3A_692] : memref<32x512xf32, #tpu.memory_space<vmem>> -> memref<8x128xf32, #tpu.memory_space<vmem>>
          %dma_start3A_694 = arith.constant 0 : i32
          %dma_start3A_695 = tpu.memref_slice %arg2[%dma_start3A_694, %add3A_690] : memref<32x1000000xf32, #tpu.memory_space<hbm>> -> memref<8x128xf32, #tpu.memory_space<hbm>>
          %dma_start3A_696 = arith.constant 0 : i32
          %dma_start3A_697 = arith.constant 384 : i32
          %dma_start3A_698 = tpu.memref_slice %arg6[%dma_start3A_696, %dma_start3A_697] : memref<32x512xf32, #tpu.memory_space<vmem>> -> memref<8x128xf32, #tpu.memory_space<vmem>>
          %dma_start3A_699 = arith.constant 0 : i32
          %dma_start3A_700 = tpu.memref_slice %arg2[%dma_start3A_699, %add3A_690] : memref<32x1000000xf32, #tpu.memory_space<hbm>> -> memref<8x128xf32, #tpu.memory_space<hbm>>
          tpu.enqueue_dma source(%dma_start3A_700 : memref<8x128xf32, #tpu.memory_space<hbm>>) target(%dma_start3A_698 : memref<8x128xf32, #tpu.memory_space<vmem>>) target_semaphore(%arg10 : memref<!tpu.dma_semaphore, #tpu.memory_space<semaphore_mem>>)
          %add3A_701 = arith.constant 0 : i32
          %add3A_702 = arith.addi %mul3A_652, %add3A_701 : i32
          %dma_start3A_703 = arith.constant 8 : i32
          %dma_start3A_704 = arith.constant 0 : i32
          %dma_start3A_705 = tpu.memref_slice %arg6[%dma_start3A_703, %dma_start3A_704] : memref<32x512xf32, #tpu.memory_space<vmem>> -> memref<8x128xf32, #tpu.memory_space<vmem>>
          %dma_start3A_706 = arith.constant 8 : i32
          %dma_start3A_707 = tpu.memref_slice %arg2[%dma_start3A_706, %add3A_702] : memref<32x1000000xf32, #tpu.memory_space<hbm>> -> memref<8x128xf32, #tpu.memory_space<hbm>>
          %dma_start3A_708 = arith.constant 8 : i32
          %dma_start3A_709 = arith.constant 0 : i32
          %dma_start3A_710 = tpu.memref_slice %arg6[%dma_start3A_708, %dma_start3A_709] : memref<32x512xf32, #tpu.memory_space<vmem>> -> memref<8x128xf32, #tpu.memory_space<vmem>>
          %dma_start3A_711 = arith.constant 8 : i32
          %dma_start3A_712 = tpu.memref_slice %arg2[%dma_start3A_711, %add3A_702] : memref<32x1000000xf32, #tpu.memory_space<hbm>> -> memref<8x128xf32, #tpu.memory_space<hbm>>
          tpu.enqueue_dma source(%dma_start3A_712 : memref<8x128xf32, #tpu.memory_space<hbm>>) target(%dma_start3A_710 : memref<8x128xf32, #tpu.memory_space<vmem>>) target_semaphore(%arg10 : memref<!tpu.dma_semaphore, #tpu.memory_space<semaphore_mem>>)
          %add3A_713 = arith.constant 128 : i32
          %add3A_714 = arith.addi %mul3A_652, %add3A_713 : i32
          %dma_start3A_715 = arith.constant 8 : i32
          %dma_start3A_716 = arith.constant 128 : i32
          %dma_start3A_717 = tpu.memref_slice %arg6[%dma_start3A_715, %dma_start3A_716] : memref<32x512xf32, #tpu.memory_space<vmem>> -> memref<8x128xf32, #tpu.memory_space<vmem>>
          %dma_start3A_718 = arith.constant 8 : i32
          %dma_start3A_719 = tpu.memref_slice %arg2[%dma_start3A_718, %add3A_714] : memref<32x1000000xf32, #tpu.memory_space<hbm>> -> memref<8x128xf32, #tpu.memory_space<hbm>>
          %dma_start3A_720 = arith.constant 8 : i32
          %dma_start3A_721 = arith.constant 128 : i32
          %dma_start3A_722 = tpu.memref_slice %arg6[%dma_start3A_720, %dma_start3A_721] : memref<32x512xf32, #tpu.memory_space<vmem>> -> memref<8x128xf32, #tpu.memory_space<vmem>>
          %dma_start3A_723 = arith.constant 8 : i32
          %dma_start3A_724 = tpu.memref_slice %arg2[%dma_start3A_723, %add3A_714] : memref<32x1000000xf32, #tpu.memory_space<hbm>> -> memref<8x128xf32, #tpu.memory_space<hbm>>
          tpu.enqueue_dma source(%dma_start3A_724 : memref<8x128xf32, #tpu.memory_space<hbm>>) target(%dma_start3A_722 : memref<8x128xf32, #tpu.memory_space<vmem>>) target_semaphore(%arg10 : memref<!tpu.dma_semaphore, #tpu.memory_space<semaphore_mem>>)
          %add3A_725 = arith.constant 256 : i32
          %add3A_726 = arith.addi %mul3A_652, %add3A_725 : i32
          %dma_start3A_727 = arith.constant 8 : i32
          %dma_start3A_728 = arith.constant 256 : i32
          %dma_start3A_729 = tpu.memref_slice %arg6[%dma_start3A_727, %dma_start3A_728] : memref<32x512xf32, #tpu.memory_space<vmem>> -> memref<8x128xf32, #tpu.memory_space<vmem>>
          %dma_start3A_730 = arith.constant 8 : i32
          %dma_start3A_731 = tpu.memref_slice %arg2[%dma_start3A_730, %add3A_726] : memref<32x1000000xf32, #tpu.memory_space<hbm>> -> memref<8x128xf32, #tpu.memory_space<hbm>>
          %dma_start3A_732 = arith.constant 8 : i32
          %dma_start3A_733 = arith.constant 256 : i32
          %dma_start3A_734 = tpu.memref_slice %arg6[%dma_start3A_732, %dma_start3A_733] : memref<32x512xf32, #tpu.memory_space<vmem>> -> memref<8x128xf32, #tpu.memory_space<vmem>>
          %dma_start3A_735 = arith.constant 8 : i32
          %dma_start3A_736 = tpu.memref_slice %arg2[%dma_start3A_735, %add3A_726] : memref<32x1000000xf32, #tpu.memory_space<hbm>> -> memref<8x128xf32, #tpu.memory_space<hbm>>
          tpu.enqueue_dma source(%dma_start3A_736 : memref<8x128xf32, #tpu.memory_space<hbm>>) target(%dma_start3A_734 : memref<8x128xf32, #tpu.memory_space<vmem>>) target_semaphore(%arg10 : memref<!tpu.dma_semaphore, #tpu.memory_space<semaphore_mem>>)
          %add3A_737 = arith.constant 384 : i32
          %add3A_738 = arith.addi %mul3A_652, %add3A_737 : i32
          %dma_start3A_739 = arith.constant 8 : i32
          %dma_start3A_740 = arith.constant 384 : i32
          %dma_start3A_741 = tpu.memref_slice %arg6[%dma_start3A_739, %dma_start3A_740] : memref<32x512xf32, #tpu.memory_space<vmem>> -> memref<8x128xf32, #tpu.memory_space<vmem>>
          %dma_start3A_742 = arith.constant 8 : i32
          %dma_start3A_743 = tpu.memref_slice %arg2[%dma_start3A_742, %add3A_738] : memref<32x1000000xf32, #tpu.memory_space<hbm>> -> memref<8x128xf32, #tpu.memory_space<hbm>>
          %dma_start3A_744 = arith.constant 8 : i32
          %dma_start3A_745 = arith.constant 384 : i32
          %dma_start3A_746 = tpu.memref_slice %arg6[%dma_start3A_744, %dma_start3A_745] : memref<32x512xf32, #tpu.memory_space<vmem>> -> memref<8x128xf32, #tpu.memory_space<vmem>>
          %dma_start3A_747 = arith.constant 8 : i32
          %dma_start3A_748 = tpu.memref_slice %arg2[%dma_start3A_747, %add3A_738] : memref<32x1000000xf32, #tpu.memory_space<hbm>> -> memref<8x128xf32, #tpu.memory_space<hbm>>
          tpu.enqueue_dma source(%dma_start3A_748 : memref<8x128xf32, #tpu.memory_space<hbm>>) target(%dma_start3A_746 : memref<8x128xf32, #tpu.memory_space<vmem>>) target_semaphore(%arg10 : memref<!tpu.dma_semaphore, #tpu.memory_space<semaphore_mem>>)
          %add3A_749 = arith.constant 0 : i32
          %add3A_750 = arith.addi %mul3A_652, %add3A_749 : i32
          %dma_start3A_751 = arith.constant 16 : i32
          %dma_start3A_752 = arith.constant 0 : i32
          %dma_start3A_753 = tpu.memref_slice %arg6[%dma_start3A_751, %dma_start3A_752] : memref<32x512xf32, #tpu.memory_space<vmem>> -> memref<8x128xf32, #tpu.memory_space<vmem>>
          %dma_start3A_754 = arith.constant 16 : i32
          %dma_start3A_755 = tpu.memref_slice %arg2[%dma_start3A_754, %add3A_750] : memref<32x1000000xf32, #tpu.memory_space<hbm>> -> memref<8x128xf32, #tpu.memory_space<hbm>>
          %dma_start3A_756 = arith.constant 16 : i32
          %dma_start3A_757 = arith.constant 0 : i32
          %dma_start3A_758 = tpu.memref_slice %arg6[%dma_start3A_756, %dma_start3A_757] : memref<32x512xf32, #tpu.memory_space<vmem>> -> memref<8x128xf32, #tpu.memory_space<vmem>>
          %dma_start3A_759 = arith.constant 16 : i32
          %dma_start3A_760 = tpu.memref_slice %arg2[%dma_start3A_759, %add3A_750] : memref<32x1000000xf32, #tpu.memory_space<hbm>> -> memref<8x128xf32, #tpu.memory_space<hbm>>
          tpu.enqueue_dma source(%dma_start3A_760 : memref<8x128xf32, #tpu.memory_space<hbm>>) target(%dma_start3A_758 : memref<8x128xf32, #tpu.memory_space<vmem>>) target_semaphore(%arg10 : memref<!tpu.dma_semaphore, #tpu.memory_space<semaphore_mem>>)
          %add3A_761 = arith.constant 128 : i32
          %add3A_762 = arith.addi %mul3A_652, %add3A_761 : i32
          %dma_start3A_763 = arith.constant 16 : i32
          %dma_start3A_764 = arith.constant 128 : i32
          %dma_start3A_765 = tpu.memref_slice %arg6[%dma_start3A_763, %dma_start3A_764] : memref<32x512xf32, #tpu.memory_space<vmem>> -> memref<8x128xf32, #tpu.memory_space<vmem>>
          %dma_start3A_766 = arith.constant 16 : i32
          %dma_start3A_767 = tpu.memref_slice %arg2[%dma_start3A_766, %add3A_762] : memref<32x1000000xf32, #tpu.memory_space<hbm>> -> memref<8x128xf32, #tpu.memory_space<hbm>>
          %dma_start3A_768 = arith.constant 16 : i32
          %dma_start3A_769 = arith.constant 128 : i32
          %dma_start3A_770 = tpu.memref_slice %arg6[%dma_start3A_768, %dma_start3A_769] : memref<32x512xf32, #tpu.memory_space<vmem>> -> memref<8x128xf32, #tpu.memory_space<vmem>>
          %dma_start3A_771 = arith.constant 16 : i32
          %dma_start3A_772 = tpu.memref_slice %arg2[%dma_start3A_771, %add3A_762] : memref<32x1000000xf32, #tpu.memory_space<hbm>> -> memref<8x128xf32, #tpu.memory_space<hbm>>
          tpu.enqueue_dma source(%dma_start3A_772 : memref<8x128xf32, #tpu.memory_space<hbm>>) target(%dma_start3A_770 : memref<8x128xf32, #tpu.memory_space<vmem>>) target_semaphore(%arg10 : memref<!tpu.dma_semaphore, #tpu.memory_space<semaphore_mem>>)
          %add3A_773 = arith.constant 256 : i32
          %add3A_774 = arith.addi %mul3A_652, %add3A_773 : i32
          %dma_start3A_775 = arith.constant 16 : i32
          %dma_start3A_776 = arith.constant 256 : i32
          %dma_start3A_777 = tpu.memref_slice %arg6[%dma_start3A_775, %dma_start3A_776] : memref<32x512xf32, #tpu.memory_space<vmem>> -> memref<8x128xf32, #tpu.memory_space<vmem>>
          %dma_start3A_778 = arith.constant 16 : i32
          %dma_start3A_779 = tpu.memref_slice %arg2[%dma_start3A_778, %add3A_774] : memref<32x1000000xf32, #tpu.memory_space<hbm>> -> memref<8x128xf32, #tpu.memory_space<hbm>>
          %dma_start3A_780 = arith.constant 16 : i32
          %dma_start3A_781 = arith.constant 256 : i32
          %dma_start3A_782 = tpu.memref_slice %arg6[%dma_start3A_780, %dma_start3A_781] : memref<32x512xf32, #tpu.memory_space<vmem>> -> memref<8x128xf32, #tpu.memory_space<vmem>>
          %dma_start3A_783 = arith.constant 16 : i32
          %dma_start3A_784 = tpu.memref_slice %arg2[%dma_start3A_783, %add3A_774] : memref<32x1000000xf32, #tpu.memory_space<hbm>> -> memref<8x128xf32, #tpu.memory_space<hbm>>
          tpu.enqueue_dma source(%dma_start3A_784 : memref<8x128xf32, #tpu.memory_space<hbm>>) target(%dma_start3A_782 : memref<8x128xf32, #tpu.memory_space<vmem>>) target_semaphore(%arg10 : memref<!tpu.dma_semaphore, #tpu.memory_space<semaphore_mem>>)
          %add3A_785 = arith.constant 384 : i32
          %add3A_786 = arith.addi %mul3A_652, %add3A_785 : i32
          %dma_start3A_787 = arith.constant 16 : i32
          %dma_start3A_788 = arith.constant 384 : i32
          %dma_start3A_789 = tpu.memref_slice %arg6[%dma_start3A_787, %dma_start3A_788] : memref<32x512xf32, #tpu.memory_space<vmem>> -> memref<8x128xf32, #tpu.memory_space<vmem>>
          %dma_start3A_790 = arith.constant 16 : i32
          %dma_start3A_791 = tpu.memref_slice %arg2[%dma_start3A_790, %add3A_786] : memref<32x1000000xf32, #tpu.memory_space<hbm>> -> memref<8x128xf32, #tpu.memory_space<hbm>>
          %dma_start3A_792 = arith.constant 16 : i32
          %dma_start3A_793 = arith.constant 384 : i32
          %dma_start3A_794 = tpu.memref_slice %arg6[%dma_start3A_792, %dma_start3A_793] : memref<32x512xf32, #tpu.memory_space<vmem>> -> memref<8x128xf32, #tpu.memory_space<vmem>>
          %dma_start3A_795 = arith.constant 16 : i32
          %dma_start3A_796 = tpu.memref_slice %arg2[%dma_start3A_795, %add3A_786] : memref<32x1000000xf32, #tpu.memory_space<hbm>> -> memref<8x128xf32, #tpu.memory_space<hbm>>
          tpu.enqueue_dma source(%dma_start3A_796 : memref<8x128xf32, #tpu.memory_space<hbm>>) target(%dma_start3A_794 : memref<8x128xf32, #tpu.memory_space<vmem>>) target_semaphore(%arg10 : memref<!tpu.dma_semaphore, #tpu.memory_space<semaphore_mem>>)
          %add3A_797 = arith.constant 0 : i32
          %add3A_798 = arith.addi %mul3A_652, %add3A_797 : i32
          %dma_start3A_799 = arith.constant 24 : i32
          %dma_start3A_800 = arith.constant 0 : i32
          %dma_start3A_801 = tpu.memref_slice %arg6[%dma_start3A_799, %dma_start3A_800] : memref<32x512xf32, #tpu.memory_space<vmem>> -> memref<8x128xf32, #tpu.memory_space<vmem>>
          %dma_start3A_802 = arith.constant 24 : i32
          %dma_start3A_803 = tpu.memref_slice %arg2[%dma_start3A_802, %add3A_798] : memref<32x1000000xf32, #tpu.memory_space<hbm>> -> memref<8x128xf32, #tpu.memory_space<hbm>>
          %dma_start3A_804 = arith.constant 24 : i32
          %dma_start3A_805 = arith.constant 0 : i32
          %dma_start3A_806 = tpu.memref_slice %arg6[%dma_start3A_804, %dma_start3A_805] : memref<32x512xf32, #tpu.memory_space<vmem>> -> memref<8x128xf32, #tpu.memory_space<vmem>>
          %dma_start3A_807 = arith.constant 24 : i32
          %dma_start3A_808 = tpu.memref_slice %arg2[%dma_start3A_807, %add3A_798] : memref<32x1000000xf32, #tpu.memory_space<hbm>> -> memref<8x128xf32, #tpu.memory_space<hbm>>
          tpu.enqueue_dma source(%dma_start3A_808 : memref<8x128xf32, #tpu.memory_space<hbm>>) target(%dma_start3A_806 : memref<8x128xf32, #tpu.memory_space<vmem>>) target_semaphore(%arg10 : memref<!tpu.dma_semaphore, #tpu.memory_space<semaphore_mem>>)
          %add3A_809 = arith.constant 128 : i32
          %add3A_810 = arith.addi %mul3A_652, %add3A_809 : i32
          %dma_start3A_811 = arith.constant 24 : i32
          %dma_start3A_812 = arith.constant 128 : i32
          %dma_start3A_813 = tpu.memref_slice %arg6[%dma_start3A_811, %dma_start3A_812] : memref<32x512xf32, #tpu.memory_space<vmem>> -> memref<8x128xf32, #tpu.memory_space<vmem>>
          %dma_start3A_814 = arith.constant 24 : i32
          %dma_start3A_815 = tpu.memref_slice %arg2[%dma_start3A_814, %add3A_810] : memref<32x1000000xf32, #tpu.memory_space<hbm>> -> memref<8x128xf32, #tpu.memory_space<hbm>>
          %dma_start3A_816 = arith.constant 24 : i32
          %dma_start3A_817 = arith.constant 128 : i32
          %dma_start3A_818 = tpu.memref_slice %arg6[%dma_start3A_816, %dma_start3A_817] : memref<32x512xf32, #tpu.memory_space<vmem>> -> memref<8x128xf32, #tpu.memory_space<vmem>>
          %dma_start3A_819 = arith.constant 24 : i32
          %dma_start3A_820 = tpu.memref_slice %arg2[%dma_start3A_819, %add3A_810] : memref<32x1000000xf32, #tpu.memory_space<hbm>> -> memref<8x128xf32, #tpu.memory_space<hbm>>
          tpu.enqueue_dma source(%dma_start3A_820 : memref<8x128xf32, #tpu.memory_space<hbm>>) target(%dma_start3A_818 : memref<8x128xf32, #tpu.memory_space<vmem>>) target_semaphore(%arg10 : memref<!tpu.dma_semaphore, #tpu.memory_space<semaphore_mem>>)
          %add3A_821 = arith.constant 256 : i32
          %add3A_822 = arith.addi %mul3A_652, %add3A_821 : i32
          %dma_start3A_823 = arith.constant 24 : i32
          %dma_start3A_824 = arith.constant 256 : i32
          %dma_start3A_825 = tpu.memref_slice %arg6[%dma_start3A_823, %dma_start3A_824] : memref<32x512xf32, #tpu.memory_space<vmem>> -> memref<8x128xf32, #tpu.memory_space<vmem>>
          %dma_start3A_826 = arith.constant 24 : i32
          %dma_start3A_827 = tpu.memref_slice %arg2[%dma_start3A_826, %add3A_822] : memref<32x1000000xf32, #tpu.memory_space<hbm>> -> memref<8x128xf32, #tpu.memory_space<hbm>>
          %dma_start3A_828 = arith.constant 24 : i32
          %dma_start3A_829 = arith.constant 256 : i32
          %dma_start3A_830 = tpu.memref_slice %arg6[%dma_start3A_828, %dma_start3A_829] : memref<32x512xf32, #tpu.memory_space<vmem>> -> memref<8x128xf32, #tpu.memory_space<vmem>>
          %dma_start3A_831 = arith.constant 24 : i32
          %dma_start3A_832 = tpu.memref_slice %arg2[%dma_start3A_831, %add3A_822] : memref<32x1000000xf32, #tpu.memory_space<hbm>> -> memref<8x128xf32, #tpu.memory_space<hbm>>
          tpu.enqueue_dma source(%dma_start3A_832 : memref<8x128xf32, #tpu.memory_space<hbm>>) target(%dma_start3A_830 : memref<8x128xf32, #tpu.memory_space<vmem>>) target_semaphore(%arg10 : memref<!tpu.dma_semaphore, #tpu.memory_space<semaphore_mem>>)
          %add3A_833 = arith.constant 384 : i32
          %add3A_834 = arith.addi %mul3A_652, %add3A_833 : i32
          %dma_start3A_835 = arith.constant 24 : i32
          %dma_start3A_836 = arith.constant 384 : i32
          %dma_start3A_837 = tpu.memref_slice %arg6[%dma_start3A_835, %dma_start3A_836] : memref<32x512xf32, #tpu.memory_space<vmem>> -> memref<8x128xf32, #tpu.memory_space<vmem>>
          %dma_start3A_838 = arith.constant 24 : i32
          %dma_start3A_839 = tpu.memref_slice %arg2[%dma_start3A_838, %add3A_834] : memref<32x1000000xf32, #tpu.memory_space<hbm>> -> memref<8x128xf32, #tpu.memory_space<hbm>>
          %dma_start3A_840 = arith.constant 24 : i32
          %dma_start3A_841 = arith.constant 384 : i32
          %dma_start3A_842 = tpu.memref_slice %arg6[%dma_start3A_840, %dma_start3A_841] : memref<32x512xf32, #tpu.memory_space<vmem>> -> memref<8x128xf32, #tpu.memory_space<vmem>>
          %dma_start3A_843 = arith.constant 24 : i32
          %dma_start3A_844 = tpu.memref_slice %arg2[%dma_start3A_843, %add3A_834] : memref<32x1000000xf32, #tpu.memory_space<hbm>> -> memref<8x128xf32, #tpu.memory_space<hbm>>
          tpu.enqueue_dma source(%dma_start3A_844 : memref<8x128xf32, #tpu.memory_space<hbm>>) target(%dma_start3A_842 : memref<8x128xf32, #tpu.memory_space<vmem>>) target_semaphore(%arg10 : memref<!tpu.dma_semaphore, #tpu.memory_space<semaphore_mem>>)
        } else {
        }
      } else {
      }
    }
    %scan3A_400 = arith.constant 31 : i32
    %dma_wait3A = arith.constant 0 : i32
    %dma_wait3A_401 = tpu.memref_slice %arg4[%dma_wait3A] : memref<40000000xf32, #tpu.memory_space<hbm>> -> memref<20480xf32, #tpu.memory_space<hbm>>
    %dma_wait3A_402 = arith.constant 0 : i32
    %dma_wait3A_403 = tpu.memref_slice %arg4[%dma_wait3A_402] : memref<40000000xf32, #tpu.memory_space<hbm>> -> memref<20480xf32, #tpu.memory_space<hbm>>
    tpu.wait_dma2 semaphore(%arg11 : memref<!tpu.dma_semaphore, #tpu.memory_space<semaphore_mem>>) src(%arg7 : memref<20480xf32, #tpu.memory_space<vmem>>) dst(%dma_wait3A_403 : memref<20480xf32, #tpu.memory_space<hbm>>)
    %dma_wait3A_404 = arith.constant 0 : i32
    %dma_wait3A_405 = tpu.memref_slice %arg4[%dma_wait3A_404] : memref<40000000xf32, #tpu.memory_space<hbm>> -> memref<20480xf32, #tpu.memory_space<hbm>>
    %dma_wait3A_406 = arith.constant 0 : i32
    %dma_wait3A_407 = tpu.memref_slice %arg4[%dma_wait3A_406] : memref<40000000xf32, #tpu.memory_space<hbm>> -> memref<20480xf32, #tpu.memory_space<hbm>>
    tpu.wait_dma2 semaphore(%arg12 : memref<!tpu.dma_semaphore, #tpu.memory_space<semaphore_mem>>) src(%arg8 : memref<20480xf32, #tpu.memory_space<vmem>>) dst(%dma_wait3A_407 : memref<20480xf32, #tpu.memory_space<hbm>>)
    %eq3A = arith.constant 0 : i32
    %eq3A_408 = arith.cmpi eq, %add3A, %eq3A : i32
    %convert_element_type3A = arith.extui %eq3A_408 : i1 to i32
    %cond3A = arith.constant 0 : i32
    %cond3A_409 = arith.cmpi ne, %convert_element_type3A, %cond3A : i32
    scf.if %cond3A_409 {
      "tpu.region"() ({
        %run_scoped3A = tpu.sem_alloc : memref<!tpu.dma_semaphore, #tpu.memory_space<semaphore_mem>>
        %dma_start3A_416 = arith.constant 0 : i32
        %dma_start3A_417 = tpu.memref_slice %arg8[%dma_start3A_416] : memref<20480xf32, #tpu.memory_space<vmem>> -> memref<2048xf32, #tpu.memory_space<vmem>>
        %dma_start3A_418 = arith.constant 0 : i32
        %dma_start3A_419 = tpu.memref_slice %arg8[%dma_start3A_418] : memref<20480xf32, #tpu.memory_space<vmem>> -> memref<2048xf32, #tpu.memory_space<vmem>>
        tpu.enqueue_dma source(%arg3 : memref<2048xf32, #tpu.memory_space<hbm>>) target(%dma_start3A_419 : memref<2048xf32, #tpu.memory_space<vmem>>) target_semaphore(%run_scoped3A : memref<!tpu.dma_semaphore, #tpu.memory_space<semaphore_mem>>)
        %dma_wait3A_420 = arith.constant 0 : i32
        %dma_wait3A_421 = tpu.memref_slice %arg8[%dma_wait3A_420] : memref<20480xf32, #tpu.memory_space<vmem>> -> memref<2048xf32, #tpu.memory_space<vmem>>
        %dma_wait3A_422 = arith.constant 0 : i32
        %dma_wait3A_423 = tpu.memref_slice %arg8[%dma_wait3A_422] : memref<20480xf32, #tpu.memory_space<vmem>> -> memref<2048xf32, #tpu.memory_space<vmem>>
        tpu.wait_dma2 semaphore(%run_scoped3A : memref<!tpu.dma_semaphore, #tpu.memory_space<semaphore_mem>>) src(%arg3 : memref<2048xf32, #tpu.memory_space<hbm>>) dst(%dma_wait3A_423 : memref<2048xf32, #tpu.memory_space<vmem>>)
        tpu.yield
      }) : () -> ()
      %scan3A_410 = arith.constant 0 : i32
      %scan3A_411 = arith.constant 0 : i32
      %scan3A_412 = arith.constant 8 : i32
      %scan3A_413 = arith.addi %scan3A_411, %scan3A_412 : i32
      %scan3A_414 = arith.constant 1 : i32
      scf.for %scan3A_416 = %scan3A_411 to %scan3A_413 step %scan3A_414  : i32 {
        %mul3A_417 = arith.constant 8 : i32
        %mul3A_418 = arith.muli %scan3A_416, %mul3A_417 : i32
        %add3A_419 = arith.constant 0 : i32
        %add3A_420 = arith.addi %mul3A_418, %add3A_419 : i32
        %mul3A_421 = arith.constant 32 : i32
        %mul3A_422 = arith.muli %add3A_420, %mul3A_421 : i32
        %get3A = arith.index_cast %mul3A_422 : i32 to index
        %get3A_423 = tpu.vector_load %arg8[%get3A] {strides = array<i32>} : memref<20480xf32, #tpu.memory_space<vmem>>, vector<16xf32>,
        %mul3A_424 = arith.constant 40 : i32
        %mul3A_425 = arith.muli %add3A_420, %mul3A_424 : i32
        %swap3A = arith.index_cast %mul3A_425 : i32 to index
        %swap3A_426 = tpu.vector_load %arg7[%swap3A] {strides = array<i32>} : memref<20480xf32, #tpu.memory_space<vmem>>, vector<16xf32>,
        tpu.vector_store %arg7[%swap3A], %get3A_423 {strides = array<i32>} : memref<20480xf32, #tpu.memory_space<vmem>>, vector<16xf32>,
        %mul3A_427 = arith.constant 32 : i32
        %mul3A_428 = arith.muli %add3A_420, %mul3A_427 : i32
        %add3A_429 = arith.constant 16 : i32
        %add3A_430 = arith.addi %mul3A_428, %add3A_429 : i32
        %get3A_431 = arith.index_cast %add3A_430 : i32 to index
        %get3A_432 = tpu.vector_load %arg8[%get3A_431] {strides = array<i32>} : memref<20480xf32, #tpu.memory_space<vmem>>, vector<16xf32>,
        %mul3A_433 = arith.constant 40 : i32
        %mul3A_434 = arith.muli %add3A_420, %mul3A_433 : i32
        %add3A_435 = arith.constant 16 : i32
        %add3A_436 = arith.addi %mul3A_434, %add3A_435 : i32
        %swap3A_437 = arith.index_cast %add3A_436 : i32 to index
        %swap3A_438 = tpu.vector_load %arg7[%swap3A_437] {strides = array<i32>} : memref<20480xf32, #tpu.memory_space<vmem>>, vector<16xf32>,
        tpu.vector_store %arg7[%swap3A_437], %get3A_432 {strides = array<i32>} : memref<20480xf32, #tpu.memory_space<vmem>>, vector<16xf32>,
        %mul3A_439 = arith.constant 8 : i32
        %mul3A_440 = arith.muli %scan3A_416, %mul3A_439 : i32
        %add3A_441 = arith.constant 1 : i32
        %add3A_442 = arith.addi %mul3A_440, %add3A_441 : i32
        %mul3A_443 = arith.constant 32 : i32
        %mul3A_444 = arith.muli %add3A_442, %mul3A_443 : i32
        %get3A_445 = arith.index_cast %mul3A_444 : i32 to index
        %get3A_446 = tpu.vector_load %arg8[%get3A_445] {strides = array<i32>} : memref<20480xf32, #tpu.memory_space<vmem>>, vector<16xf32>,
        %mul3A_447 = arith.constant 40 : i32
        %mul3A_448 = arith.muli %add3A_442, %mul3A_447 : i32
        %swap3A_449 = arith.index_cast %mul3A_448 : i32 to index
        %swap3A_450 = tpu.vector_load %arg7[%swap3A_449] {strides = array<i32>} : memref<20480xf32, #tpu.memory_space<vmem>>, vector<16xf32>,
        tpu.vector_store %arg7[%swap3A_449], %get3A_446 {strides = array<i32>} : memref<20480xf32, #tpu.memory_space<vmem>>, vector<16xf32>,
        %mul3A_451 = arith.constant 32 : i32
        %mul3A_452 = arith.muli %add3A_442, %mul3A_451 : i32
        %add3A_453 = arith.constant 16 : i32
        %add3A_454 = arith.addi %mul3A_452, %add3A_453 : i32
        %get3A_455 = arith.index_cast %add3A_454 : i32 to index
        %get3A_456 = tpu.vector_load %arg8[%get3A_455] {strides = array<i32>} : memref<20480xf32, #tpu.memory_space<vmem>>, vector<16xf32>,
        %mul3A_457 = arith.constant 40 : i32
        %mul3A_458 = arith.muli %add3A_442, %mul3A_457 : i32
        %add3A_459 = arith.constant 16 : i32
        %add3A_460 = arith.addi %mul3A_458, %add3A_459 : i32
        %swap3A_461 = arith.index_cast %add3A_460 : i32 to index
        %swap3A_462 = tpu.vector_load %arg7[%swap3A_461] {strides = array<i32>} : memref<20480xf32, #tpu.memory_space<vmem>>, vector<16xf32>,
        tpu.vector_store %arg7[%swap3A_461], %get3A_456 {strides = array<i32>} : memref<20480xf32, #tpu.memory_space<vmem>>, vector<16xf32>,
        %mul3A_463 = arith.constant 8 : i32
        %mul3A_464 = arith.muli %scan3A_416, %mul3A_463 : i32
        %add3A_465 = arith.constant 2 : i32
        %add3A_466 = arith.addi %mul3A_464, %add3A_465 : i32
        %mul3A_467 = arith.constant 32 : i32
        %mul3A_468 = arith.muli %add3A_466, %mul3A_467 : i32
        %get3A_469 = arith.index_cast %mul3A_468 : i32 to index
        %get3A_470 = tpu.vector_load %arg8[%get3A_469] {strides = array<i32>} : memref<20480xf32, #tpu.memory_space<vmem>>, vector<16xf32>,
        %mul3A_471 = arith.constant 40 : i32
        %mul3A_472 = arith.muli %add3A_466, %mul3A_471 : i32
        %swap3A_473 = arith.index_cast %mul3A_472 : i32 to index
        %swap3A_474 = tpu.vector_load %arg7[%swap3A_473] {strides = array<i32>} : memref<20480xf32, #tpu.memory_space<vmem>>, vector<16xf32>,
        tpu.vector_store %arg7[%swap3A_473], %get3A_470 {strides = array<i32>} : memref<20480xf32, #tpu.memory_space<vmem>>, vector<16xf32>,
        %mul3A_475 = arith.constant 32 : i32
        %mul3A_476 = arith.muli %add3A_466, %mul3A_475 : i32
        %add3A_477 = arith.constant 16 : i32
        %add3A_478 = arith.addi %mul3A_476, %add3A_477 : i32
        %get3A_479 = arith.index_cast %add3A_478 : i32 to index
        %get3A_480 = tpu.vector_load %arg8[%get3A_479] {strides = array<i32>} : memref<20480xf32, #tpu.memory_space<vmem>>, vector<16xf32>,
        %mul3A_481 = arith.constant 40 : i32
        %mul3A_482 = arith.muli %add3A_466, %mul3A_481 : i32
        %add3A_483 = arith.constant 16 : i32
        %add3A_484 = arith.addi %mul3A_482, %add3A_483 : i32
        %swap3A_485 = arith.index_cast %add3A_484 : i32 to index
        %swap3A_486 = tpu.vector_load %arg7[%swap3A_485] {strides = array<i32>} : memref<20480xf32, #tpu.memory_space<vmem>>, vector<16xf32>,
        tpu.vector_store %arg7[%swap3A_485], %get3A_480 {strides = array<i32>} : memref<20480xf32, #tpu.memory_space<vmem>>, vector<16xf32>,
        %mul3A_487 = arith.constant 8 : i32
        %mul3A_488 = arith.muli %scan3A_416, %mul3A_487 : i32
        %add3A_489 = arith.constant 3 : i32
        %add3A_490 = arith.addi %mul3A_488, %add3A_489 : i32
        %mul3A_491 = arith.constant 32 : i32
        %mul3A_492 = arith.muli %add3A_490, %mul3A_491 : i32
        %get3A_493 = arith.index_cast %mul3A_492 : i32 to index
        %get3A_494 = tpu.vector_load %arg8[%get3A_493] {strides = array<i32>} : memref<20480xf32, #tpu.memory_space<vmem>>, vector<16xf32>,
        %mul3A_495 = arith.constant 40 : i32
        %mul3A_496 = arith.muli %add3A_490, %mul3A_495 : i32
        %swap3A_497 = arith.index_cast %mul3A_496 : i32 to index
        %swap3A_498 = tpu.vector_load %arg7[%swap3A_497] {strides = array<i32>} : memref<20480xf32, #tpu.memory_space<vmem>>, vector<16xf32>,
        tpu.vector_store %arg7[%swap3A_497], %get3A_494 {strides = array<i32>} : memref<20480xf32, #tpu.memory_space<vmem>>, vector<16xf32>,
        %mul3A_499 = arith.constant 32 : i32
        %mul3A_500 = arith.muli %add3A_490, %mul3A_499 : i32
        %add3A_501 = arith.constant 16 : i32
        %add3A_502 = arith.addi %mul3A_500, %add3A_501 : i32
        %get3A_503 = arith.index_cast %add3A_502 : i32 to index
        %get3A_504 = tpu.vector_load %arg8[%get3A_503] {strides = array<i32>} : memref<20480xf32, #tpu.memory_space<vmem>>, vector<16xf32>,
        %mul3A_505 = arith.constant 40 : i32
        %mul3A_506 = arith.muli %add3A_490, %mul3A_505 : i32
        %add3A_507 = arith.constant 16 : i32
        %add3A_508 = arith.addi %mul3A_506, %add3A_507 : i32
        %swap3A_509 = arith.index_cast %add3A_508 : i32 to index
        %swap3A_510 = tpu.vector_load %arg7[%swap3A_509] {strides = array<i32>} : memref<20480xf32, #tpu.memory_space<vmem>>, vector<16xf32>,
        tpu.vector_store %arg7[%swap3A_509], %get3A_504 {strides = array<i32>} : memref<20480xf32, #tpu.memory_space<vmem>>, vector<16xf32>,
        %mul3A_511 = arith.constant 8 : i32
        %mul3A_512 = arith.muli %scan3A_416, %mul3A_511 : i32
        %add3A_513 = arith.constant 4 : i32
        %add3A_514 = arith.addi %mul3A_512, %add3A_513 : i32
        %mul3A_515 = arith.constant 32 : i32
        %mul3A_516 = arith.muli %add3A_514, %mul3A_515 : i32
        %get3A_517 = arith.index_cast %mul3A_516 : i32 to index
        %get3A_518 = tpu.vector_load %arg8[%get3A_517] {strides = array<i32>} : memref<20480xf32, #tpu.memory_space<vmem>>, vector<16xf32>,
        %mul3A_519 = arith.constant 40 : i32
        %mul3A_520 = arith.muli %add3A_514, %mul3A_519 : i32
        %swap3A_521 = arith.index_cast %mul3A_520 : i32 to index
        %swap3A_522 = tpu.vector_load %arg7[%swap3A_521] {strides = array<i32>} : memref<20480xf32, #tpu.memory_space<vmem>>, vector<16xf32>,
        tpu.vector_store %arg7[%swap3A_521], %get3A_518 {strides = array<i32>} : memref<20480xf32, #tpu.memory_space<vmem>>, vector<16xf32>,
        %mul3A_523 = arith.constant 32 : i32
        %mul3A_524 = arith.muli %add3A_514, %mul3A_523 : i32
        %add3A_525 = arith.constant 16 : i32
        %add3A_526 = arith.addi %mul3A_524, %add3A_525 : i32
        %get3A_527 = arith.index_cast %add3A_526 : i32 to index
        %get3A_528 = tpu.vector_load %arg8[%get3A_527] {strides = array<i32>} : memref<20480xf32, #tpu.memory_space<vmem>>, vector<16xf32>,
        %mul3A_529 = arith.constant 40 : i32
        %mul3A_530 = arith.muli %add3A_514, %mul3A_529 : i32
        %add3A_531 = arith.constant 16 : i32
        %add3A_532 = arith.addi %mul3A_530, %add3A_531 : i32
        %swap3A_533 = arith.index_cast %add3A_532 : i32 to index
        %swap3A_534 = tpu.vector_load %arg7[%swap3A_533] {strides = array<i32>} : memref<20480xf32, #tpu.memory_space<vmem>>, vector<16xf32>,
        tpu.vector_store %arg7[%swap3A_533], %get3A_528 {strides = array<i32>} : memref<20480xf32, #tpu.memory_space<vmem>>, vector<16xf32>,
        %mul3A_535 = arith.constant 8 : i32
        %mul3A_536 = arith.muli %scan3A_416, %mul3A_535 : i32
        %add3A_537 = arith.constant 5 : i32
        %add3A_538 = arith.addi %mul3A_536, %add3A_537 : i32
        %mul3A_539 = arith.constant 32 : i32
        %mul3A_540 = arith.muli %add3A_538, %mul3A_539 : i32
        %get3A_541 = arith.index_cast %mul3A_540 : i32 to index
        %get3A_542 = tpu.vector_load %arg8[%get3A_541] {strides = array<i32>} : memref<20480xf32, #tpu.memory_space<vmem>>, vector<16xf32>,
        %mul3A_543 = arith.constant 40 : i32
        %mul3A_544 = arith.muli %add3A_538, %mul3A_543 : i32
        %swap3A_545 = arith.index_cast %mul3A_544 : i32 to index
        %swap3A_546 = tpu.vector_load %arg7[%swap3A_545] {strides = array<i32>} : memref<20480xf32, #tpu.memory_space<vmem>>, vector<16xf32>,
        tpu.vector_store %arg7[%swap3A_545], %get3A_542 {strides = array<i32>} : memref<20480xf32, #tpu.memory_space<vmem>>, vector<16xf32>,
        %mul3A_547 = arith.constant 32 : i32
        %mul3A_548 = arith.muli %add3A_538, %mul3A_547 : i32
        %add3A_549 = arith.constant 16 : i32
        %add3A_550 = arith.addi %mul3A_548, %add3A_549 : i32
        %get3A_551 = arith.index_cast %add3A_550 : i32 to index
        %get3A_552 = tpu.vector_load %arg8[%get3A_551] {strides = array<i32>} : memref<20480xf32, #tpu.memory_space<vmem>>, vector<16xf32>,
        %mul3A_553 = arith.constant 40 : i32
        %mul3A_554 = arith.muli %add3A_538, %mul3A_553 : i32
        %add3A_555 = arith.constant 16 : i32
        %add3A_556 = arith.addi %mul3A_554, %add3A_555 : i32
        %swap3A_557 = arith.index_cast %add3A_556 : i32 to index
        %swap3A_558 = tpu.vector_load %arg7[%swap3A_557] {strides = array<i32>} : memref<20480xf32, #tpu.memory_space<vmem>>, vector<16xf32>,
        tpu.vector_store %arg7[%swap3A_557], %get3A_552 {strides = array<i32>} : memref<20480xf32, #tpu.memory_space<vmem>>, vector<16xf32>,
        %mul3A_559 = arith.constant 8 : i32
        %mul3A_560 = arith.muli %scan3A_416, %mul3A_559 : i32
        %add3A_561 = arith.constant 6 : i32
        %add3A_562 = arith.addi %mul3A_560, %add3A_561 : i32
        %mul3A_563 = arith.constant 32 : i32
        %mul3A_564 = arith.muli %add3A_562, %mul3A_563 : i32
        %get3A_565 = arith.index_cast %mul3A_564 : i32 to index
        %get3A_566 = tpu.vector_load %arg8[%get3A_565] {strides = array<i32>} : memref<20480xf32, #tpu.memory_space<vmem>>, vector<16xf32>,
        %mul3A_567 = arith.constant 40 : i32
        %mul3A_568 = arith.muli %add3A_562, %mul3A_567 : i32
        %swap3A_569 = arith.index_cast %mul3A_568 : i32 to index
        %swap3A_570 = tpu.vector_load %arg7[%swap3A_569] {strides = array<i32>} : memref<20480xf32, #tpu.memory_space<vmem>>, vector<16xf32>,
        tpu.vector_store %arg7[%swap3A_569], %get3A_566 {strides = array<i32>} : memref<20480xf32, #tpu.memory_space<vmem>>, vector<16xf32>,
        %mul3A_571 = arith.constant 32 : i32
        %mul3A_572 = arith.muli %add3A_562, %mul3A_571 : i32
        %add3A_573 = arith.constant 16 : i32
        %add3A_574 = arith.addi %mul3A_572, %add3A_573 : i32
        %get3A_575 = arith.index_cast %add3A_574 : i32 to index
        %get3A_576 = tpu.vector_load %arg8[%get3A_575] {strides = array<i32>} : memref<20480xf32, #tpu.memory_space<vmem>>, vector<16xf32>,
        %mul3A_577 = arith.constant 40 : i32
        %mul3A_578 = arith.muli %add3A_562, %mul3A_577 : i32
        %add3A_579 = arith.constant 16 : i32
        %add3A_580 = arith.addi %mul3A_578, %add3A_579 : i32
        %swap3A_581 = arith.index_cast %add3A_580 : i32 to index
        %swap3A_582 = tpu.vector_load %arg7[%swap3A_581] {strides = array<i32>} : memref<20480xf32, #tpu.memory_space<vmem>>, vector<16xf32>,
        tpu.vector_store %arg7[%swap3A_581], %get3A_576 {strides = array<i32>} : memref<20480xf32, #tpu.memory_space<vmem>>, vector<16xf32>,
        %mul3A_583 = arith.constant 8 : i32
        %mul3A_584 = arith.muli %scan3A_416, %mul3A_583 : i32
        %add3A_585 = arith.constant 7 : i32
        %add3A_586 = arith.addi %mul3A_584, %add3A_585 : i32
        %mul3A_587 = arith.constant 32 : i32
        %mul3A_588 = arith.muli %add3A_586, %mul3A_587 : i32
        %get3A_589 = arith.index_cast %mul3A_588 : i32 to index
        %get3A_590 = tpu.vector_load %arg8[%get3A_589] {strides = array<i32>} : memref<20480xf32, #tpu.memory_space<vmem>>, vector<16xf32>,
        %mul3A_591 = arith.constant 40 : i32
        %mul3A_592 = arith.muli %add3A_586, %mul3A_591 : i32
        %swap3A_593 = arith.index_cast %mul3A_592 : i32 to index
        %swap3A_594 = tpu.vector_load %arg7[%swap3A_593] {strides = array<i32>} : memref<20480xf32, #tpu.memory_space<vmem>>, vector<16xf32>,
        tpu.vector_store %arg7[%swap3A_593], %get3A_590 {strides = array<i32>} : memref<20480xf32, #tpu.memory_space<vmem>>, vector<16xf32>,
        %mul3A_595 = arith.constant 32 : i32
        %mul3A_596 = arith.muli %add3A_586, %mul3A_595 : i32
        %add3A_597 = arith.constant 16 : i32
        %add3A_598 = arith.addi %mul3A_596, %add3A_597 : i32
        %get3A_599 = arith.index_cast %add3A_598 : i32 to index
        %get3A_600 = tpu.vector_load %arg8[%get3A_599] {strides = array<i32>} : memref<20480xf32, #tpu.memory_space<vmem>>, vector<16xf32>,
        %mul3A_601 = arith.constant 40 : i32
        %mul3A_602 = arith.muli %add3A_586, %mul3A_601 : i32
        %add3A_603 = arith.constant 16 : i32
        %add3A_604 = arith.addi %mul3A_602, %add3A_603 : i32
        %swap3A_605 = arith.index_cast %add3A_604 : i32 to index
        %swap3A_606 = tpu.vector_load %arg7[%swap3A_605] {strides = array<i32>} : memref<20480xf32, #tpu.memory_space<vmem>>, vector<16xf32>,
        tpu.vector_store %arg7[%swap3A_605], %get3A_600 {strides = array<i32>} : memref<20480xf32, #tpu.memory_space<vmem>>, vector<16xf32>,
      }
      %scan3A_415 = arith.constant 8 : i32
      "tpu.region"() ({
        %run_scoped3A = tpu.sem_alloc : memref<!tpu.dma_semaphore, #tpu.memory_space<semaphore_mem>>
        %dma_start3A_416 = arith.constant 0 : i32
        %dma_start3A_417 = tpu.memref_slice %arg7[%dma_start3A_416] : memref<20480xf32, #tpu.memory_space<vmem>> -> memref<2560xf32, #tpu.memory_space<vmem>>
        %dma_start3A_418 = arith.constant 39997440 : i32
        %dma_start3A_419 = tpu.memref_slice %arg4[%dma_start3A_418] : memref<40000000xf32, #tpu.memory_space<hbm>> -> memref<2560xf32, #tpu.memory_space<hbm>>
        %dma_start3A_420 = arith.constant 39997440 : i32
        %dma_start3A_421 = tpu.memref_slice %arg4[%dma_start3A_420] : memref<40000000xf32, #tpu.memory_space<hbm>> -> memref<2560xf32, #tpu.memory_space<hbm>>
        %dma_start3A_422 = arith.constant 0 : i32
        %dma_start3A_423 = tpu.memref_slice %arg7[%dma_start3A_422] : memref<20480xf32, #tpu.memory_space<vmem>> -> memref<2560xf32, #tpu.memory_space<vmem>>
        tpu.enqueue_dma source(%dma_start3A_423 : memref<2560xf32, #tpu.memory_space<vmem>>) target(%dma_start3A_421 : memref<2560xf32, #tpu.memory_space<hbm>>) target_semaphore(%run_scoped3A : memref<!tpu.dma_semaphore, #tpu.memory_space<semaphore_mem>>)
        %dma_wait3A_424 = arith.constant 0 : i32
        %dma_wait3A_425 = tpu.memref_slice %arg7[%dma_wait3A_424] : memref<20480xf32, #tpu.memory_space<vmem>> -> memref<2560xf32, #tpu.memory_space<vmem>>
        %dma_wait3A_426 = arith.constant 39997440 : i32
        %dma_wait3A_427 = tpu.memref_slice %arg4[%dma_wait3A_426] : memref<40000000xf32, #tpu.memory_space<hbm>> -> memref<2560xf32, #tpu.memory_space<hbm>>
        %dma_wait3A_428 = arith.constant 39997440 : i32
        %dma_wait3A_429 = tpu.memref_slice %arg4[%dma_wait3A_428] : memref<40000000xf32, #tpu.memory_space<hbm>> -> memref<2560xf32, #tpu.memory_space<hbm>>
        %dma_wait3A_430 = arith.constant 0 : i32
        %dma_wait3A_431 = tpu.memref_slice %arg7[%dma_wait3A_430] : memref<20480xf32, #tpu.memory_space<vmem>> -> memref<2560xf32, #tpu.memory_space<vmem>>
        tpu.wait_dma2 semaphore(%run_scoped3A : memref<!tpu.dma_semaphore, #tpu.memory_space<semaphore_mem>>) src(%dma_wait3A_431 : memref<2560xf32, #tpu.memory_space<vmem>>) dst(%dma_wait3A_429 : memref<2560xf32, #tpu.memory_space<hbm>>)
        tpu.yield
      }) : () -> ()
    } else {
    }
    return
  }
}

</mosaic_0001>

<sc_bundles>
// kernel: kernel.4.cloned.1.call-start
scs
__scs_entry_jumppad:
0x0: {  	(pc) =	sbr.rel $0x88, $3  }
0x1: {  	(tag) =	ssettag $0x0;
	lr =	simm.s32 $0x1  }
0x2: {  	[smem:$0x3F9F] =	sst lr;
	_ =	strace $0xD0000000  }
0x3: {  	_ = 	snop  }
0x4: {  	_ = 	snop  }
0x5: {  	_ = 	snop  }
0x6: {  	_ = 	snop  }
0x7: {  	_ = 	snop  }
__scs_overlays_trampoline_lowered:
0x8: {  	[smem:$0x3FAE] =	sst s0  }
0x9: {  	[smem:$0x3FAF] =	sst s1  }
0xa: {  	[smem:$0x3FB0] =	sst s2  }
0xb: {  	[smem:$0x3FB1] =	sst s3  }
0xc: {  	[smem:$0x3FB2] =	sst s4  }
0xd: {  	[smem:$0x3FB3] =	sst s5  }
0xe: {  	[smem:$0x3FB4] =	sst s6  }
0xf: {  	[smem:$0x3FB5] =	sst s7  }
0x10: {  	[smem:$0x3FB6] =	sst s8  }
0x11: {  	[smem:$0x3FB7] =	sst s9;
	s0 =	simm.s32 @!p0 $0x0  }
0x12: {  	s1 =	sld [smem:$0x3F9D];
	s0 =	simm.s32 @p0 $0x1  }
0x13: {  	[smem:$0x3FB8] =	sst s0;
	s0 =	simm.s32 @!p1 $0x0  }
0x14: {  	s2 =	sld [smem:$0x3F9C];
	s0 =	simm.s32 @p1 $0x1  }
0x15: {  	[smem:$0x3FB9] =	sst s0;
	s0 =	simm.s32 @!p2 $0x0  }
0x16: {  	s3 =	sld [smem:$0x3FDB];
	s0 =	simm.s32 @p2 $0x1  }
0x17: {  	s4 =	simm.s32 $0x1BF5;
	[smem:$0x3FBB] =	sst s0  }
0x18: {  	s0 =	sld [smem:$0x3F9E];
	_ =	swait.ge [sflag:s4], $0x0  }
0x19: {  	s7 =	sld [smem:$0x3F9F]  }
0x1a: {  	s8 =	sadd.s32 $0xFFFFE003, lr  }
0x1b: {  	s9 =	sadd.s32 $0xFFFFFEF7, lr;
	s5 =	simm.s32 $0xFFFFFFFF;
	p2 =	slt.u32 s8, $0xFFFFF086  }
0x1c: {  	p1 =	slt.u32 s9, $0xF7A;
	s5 =	simm.s32 @!p2 $0x0  }
0x1d: {  	s5 =	simm.s32 @p1 $0x1;
	p0 =	seq.s32 s7, s2  }
0x1e: {  	s7 =	smul.u32 @!p0 $0xF7A, s2;
	p2 =	seq.s32 @!p0 s5, $0x0  }
0x1f: {  	s9 =	smul.u32 $0xF7A, s1;
	s8 =	simm.s32 @!p0 $0x1BF5;
	p2 =	por !p2, p0  }
0x20: {  	[sflag:s8] =	ssyncset.s32 @!p0 $0xFFFFF086;
	s6 =	sadd.s32 @!p0 s3, s7;
	s7 =	simm.s32 @!p0 $0x108  }
0x21: {  	s3 =	sadd.s32 s3, s9;
	s6 =	sadd.s32 @!p0 $0x88, s6;
	s7 =	simm.s32 @p2 $0x1082  }
0x22: {  	[simem:s7], [sflag:s8] =	dma.local @!p0 [hbm:s6], $0xF7A  }
0x23: {  	s9 =	sor.u32 $0xD0000000, s2;
	s6 =	simm.s32 $0x108;
	_ =	swait.ge @!p0 [sflag:s8], $0x0  }
0x24: {  	s3 =	sadd.s32 $0x88, s3;
	s6 =	simm.s32 @!p1 $0x1082;
	[sflag:s4] =	ssyncset.s32 $0xFFFFF086  }
0x25: {  	[simem:s6], [sflag:s4] =	dma.local [hbm:s3], $0xF7A  }
0x26: {  	[smem:$0x3F9F] =	sst s1;
	(tag) =	ssettag s2;
	_ =	strace s9  }
0x27: {  	s1 =	sld [smem:$0x3FAF]  }
0x28: {  	s2 =	sld [smem:$0x3FB0]  }
0x29: {  	s4 =	sld [smem:$0x3FB2]  }
0x2a: {  	p0 =	seq.s32 s5, $0x0;
	s5 =	sld [smem:$0x3FB3]  }
0x2b: {  	s6 =	sld [smem:$0x3FB4]  }
0x2c: {  	s7 =	sld [smem:$0x3FB5]  }
0x2d: {  	s3 =	simm.s32 $0x108;
	s8 =	sld [smem:$0x3FB6]  }
0x2e: {  	s3 =	simm.s32 @!p0 $0x1082;
	s9 =	sld [smem:$0x3FB7]  }
0x2f: {  	lr =	sadd.s32 s0, s3;
	s0 =	sld [smem:$0x3FAE]  }
0x30: {  	s3 =	sld [smem:$0x3FB1]  }
0x31: {  	[smem:$0x3FBA] =	sst s10  }
0x32: {  	s10 =	sld [smem:$0x3FB8];
	_ =	sdelay $0x3  }
0x33: {  	p0 =	seq.s32 s10, $0x1;
	s10 =	sld [smem:$0x3FBA];
	_ =	sdelay $0x3  }
0x34: {  	[smem:$0x3FBA] =	sst s10  }
0x35: {  	s10 =	sld [smem:$0x3FB9];
	_ =	sdelay $0x3  }
0x36: {  	p1 =	seq.s32 s10, $0x1;
	s10 =	sld [smem:$0x3FBA];
	_ =	sdelay $0x3  }
0x37: {  	[smem:$0x3FBA] =	sst s10  }
0x38: {  	s10 =	sld [smem:$0x3FBB]  }
0x39: {  	_ = 	snop;
	(pc) =	sbr.ind lr, $3  }
0x3a: {  	_ = 	snop  }
0x3b: {  	_ = 	snop  }
0x3c: {  	p2 =	seq.s32 s10, $0x1;
	s10 =	sld [smem:$0x3FBA]  }
0x3d: {  	_ =	shalt  }
0x3e: {  	_ =	shalt  }
0x3f: {  	_ =	shalt  }
0x40: {  	_ =	shalt  }
0x41: {  	_ =	shalt  }
0x42: {  	_ =	shalt  }
0x43: {  	_ =	shalt  }
0x44: {  	_ =	shalt  }
0x45: {  	_ =	shalt  }
0x46: {  	_ =	shalt  }
0x47: {  	_ =	shalt  }
0x48: {  	_ =	shalt  }
0x49: {  	_ =	shalt  }
0x4a: {  	_ =	shalt  }
0x4b: {  	_ =	shalt  }
0x4c: {  	_ =	shalt  }
0x4d: {  	_ =	shalt  }
0x4e: {  	_ =	shalt  }
0x4f: {  	_ =	shalt  }
0x50: {  	_ =	shalt  }
0x51: {  	_ =	shalt  }
0x52: {  	_ =	shalt  }
0x53: {  	_ =	shalt  }
0x54: {  	_ =	shalt  }
0x55: {  	_ =	shalt  }
0x56: {  	_ =	shalt  }
0x57: {  	_ =	shalt  }
0x58: {  	_ =	shalt  }
0x59: {  	_ =	shalt  }
0x5a: {  	_ =	shalt  }
0x5b: {  	_ =	shalt  }
0x5c: {  	_ =	shalt  }
0x5d: {  	_ =	shalt  }
0x5e: {  	_ =	shalt  }
0x5f: {  	_ =	shalt  }
0x60: {  	_ =	shalt  }
0x61: {  	_ =	shalt  }
0x62: {  	_ =	shalt  }
0x63: {  	_ =	shalt  }
0x64: {  	_ =	shalt  }
0x65: {  	_ =	shalt  }
0x66: {  	_ =	shalt  }
0x67: {  	_ =	shalt  }
0x68: {  	_ =	shalt  }
0x69: {  	_ =	shalt  }
0x6a: {  	_ =	shalt  }
0x6b: {  	_ =	shalt  }
0x6c: {  	_ =	shalt  }
0x6d: {  	_ =	shalt  }
0x6e: {  	_ =	shalt  }
0x6f: {  	_ =	shalt  }
0x70: {  	_ =	shalt  }
0x71: {  	_ =	shalt  }
0x72: {  	_ =	shalt  }
0x73: {  	_ =	shalt  }
0x74: {  	_ =	shalt  }
0x75: {  	_ =	shalt  }
0x76: {  	_ =	shalt  }
0x77: {  	_ =	shalt  }
0x78: {  	_ =	shalt  }
0x79: {  	_ =	shalt  }
0x7a: {  	_ =	shalt  }
0x7b: {  	_ =	shalt  }
0x7c: {  	_ =	shalt  }
0x7d: {  	_ =	shalt  }
0x7e: {  	_ =	shalt  }
0x7f: {  	_ =	shalt  }
0x80: {  	_ =	shalt  }
0x81: {  	_ =	shalt  }
0x82: {  	_ =	shalt  }
0x83: {  	_ =	shalt  }
0x84: {  	_ =	shalt  }
0x85: {  	_ =	shalt  }
0x86: {  	_ =	shalt  }
0x87: {  	_ =	shalt  }
.Lfunc_end0:
.L_simem_size_0:
called_computation.1_lowered:
.L_overlay_start_0:
0x88: {  	s2 =	sld [smem:$0x3FD9]  }
0x89: {  	s3 =	sld [smem:$0x3FFE];
	_ =	sdelay $0x1  }
0x8a: {  	s1 =	srdreg.scid  }
0x8b: {  	s0 =	sand.u32 $0x1, s1  }
0x8c: {  	s14 =	sshll.u32 s0, $0xA;
	s2 =	sadd.s32 s3, s2  }
0x8d: {  	s2 =	sadd.s32 s2, s14  }
0x8e: {  	[smem:$0x3FC6] =	sst s2  }
0x8f: {  	_ = 	snop  }
0x90: {  	s2 =	sld [smem:$0x3FD0];
	_ =	sdelay $0x2  }
0x91: {  	s4 =	simm.s32 $0xA;
	s5 =	simm.s32 $0x10;
	s15 =	sld [smem:$0x3FC8]  }
0x92: {  	[smem:s5], [sflag:s4] =	dma.local [hbm:s2], $0x1  }
0x93: {  	_ =	swait.eq [sflag:s4], $0x1  }
0x94: {  	[sflag:s4] =	ssyncset.done $0x0  }
0x95: {  	[sflag:s4] =	ssyncadd.s32 $0xFFFFFFFF  }
0x96: {  	s16 =	sld [smem:$0x11];
	(tm) =	ssettm $0x1  }
0x97: {  	s17 =	sld [smem:$0x3FFB];
	_ =	sdelay $0x3  }
0x98: {  	_ =	strace s17  }
0x99: {  	s4 =	sld [smem:$0x3FFC];
	_ =	sdelay $0x3  }
0x9a: {  	_ =	strace s4  }
0x9b: {  	s4 =	sld [smem:$0x3FFD];
	_ =	sdelay $0x3  }
0x9c: {  	_ =	strace s4  }
0x9d: {  	_ =	strace $0x8FFFFFFF  }
0x9e: {  	s18 =	sld [smem:$0x3FDB];
	_ =	sdelay $0x1  }
0x9f: {  	s19 =	simm.s32 $_scs_section_size  }
0xa0: {  	s6 =	simm.s32 $_size__tile_overlayer_lowered;
	s7 =	simm.s32 $_tile_overlayer_lowered  }
0xa1: {  	s22 =	simm.s32 $0x1BFF;
	s21 =	sshll.u32 s7, $0x1;
	s4 =	sadd.s32 s19, s18  }
0xa2: {  	s8 =	simm.s32 $0x0;
	s20 =	sshll.u32 s6, $0x1;
	s6 =	sadd.s32 s21, s4  }
0xa3: {  	[timem:s8], [sflag:s22] =	dma.local [hbm:s6], s20  }
0xa4: {  	_ =	swait.ge [sflag:s22], s20  }
0xa5: {  	s5 =	ssub.s32 $0x0, s20;
	[sflag:s22] =	ssyncset.done $0x0  }
0xa6: {  	[sflag:s22] =	ssyncadd.s32 s5;
	_ =	sdelay $0x1  }
0xa7: {  	s23 =	simm.s32 $0x1B8B  }
0xa8: {  	_ =	swait.ge [sflag:s23], $0x1  }
0xa9: {  	[sflag:s23] =	ssyncset.done $0x0  }
0xaa: {  	s25 =	simm.s32 $0x1B8E;
	s24 =	sld [smem:$0x3FFE];
	[sflag:s23] =	ssyncadd.s32 $0xFFFFFFFF  }
0xab: {  	s26 =	simm.s32 $execute0_lowered;
	[smem:$0x3FD2] =	sst s25  }
0xac: {  	s6 =	sshll.u32 s26, $0x1;
	_ =	strace $0x80000046;
	[dreg:$0x1] =	wrdreg $0xFFFFFFFF  }
0xad: {  	s28 =	simm.s32 $_size_execute0_lowered;
	s4 =	sadd.s32 s4, s6;
	[dreg:$0x0] =	wrdreg $0x0  }
0xae: {  	s6 =	sshll.u32 s28, $0x1;
	[dreg:$0x2] =	wrdreg s4  }
0xaf: {  	[dreg:$0x3] =	wrdreg s6  }
0xb0: {  	[dreg:$0x4] =	wrdreg $0xC0  }
0xb1: {  	_ =	task [dreg:s8], $0x5FFFF  }
0xb2: {  	[dreg:$0x1] =	wrdreg $0xFFFFFFFF  }
0xb3: {  	[dreg:$0x0] =	wrdreg $0x60  }
0xb4: {  	[dreg:$0x2] =	wrdreg s15  }
0xb5: {  	[dreg:$0x3] =	wrdreg s16  }
0xb6: {  	[dreg:$0x4] =	wrdreg s24  }
0xb7: {  	[dreg:$0x5] =	wrdreg $0x9  }
0xb8: {  	_ =	task.clear_ibuf [dreg:s8], $0x6FFFF;
	_ =	strace $0x90000046  }
0xb9: {  	s29 =	simm.s32 $0x9;
	_ =	strace $0x80000048  }
0xba: {  	_ =	swait.ge [sflag:s29], $0x1  }
0xbb: {  	[sflag:s29] =	ssyncadd.s32 $0xFFFFFFFF  }
0xbc: {  	_ =	strace $0x90000048  }
0xbd: {  	_ =	sfence  }
0xbe: {  	s30 =	sld [smem:$0x0];
	_ =	sdelay $0x2  }
0xbf: {  	s31 =	sshll.u32 s1, $0xD;
	s1 =	sshrl.u32 s1, $0x2  }
0xc0: {  	s3 =	sand.u32 $0x4000, s31;
	s1 =	sadd.s32 s1, s30  }
0xc1: {  	s0 =	sor.u32 s3, s0;
	s1 =	sshll.u32 s1, $0x11  }
0xc2: {  	s0 =	sor.u32 s1, s0  }
0xc3: {  	s0 =	sadd.s32 $0x8F2B, s0  }
0xc4: {  	[sflag:s0] =	ssyncadd.remote.s32 $0x1  }
0xc5: {  	_ =	sfence.sel $0xFFFF  }
0xc6: {  	[dreg:$0x0] =	wrdreg $0xFFFFFFFF;
	(pc) =	sbr.abs _section_cstart, $3  }
0xc7: {  	[dreg:$0x1] =	wrdreg $0xFFFFFFFF  }
0xc8: {  	_ =	task.clear_ibuf [dreg:s8], $0x2FFFF;
	_ =	strace $0x9FFFFFFF  }
0xc9: {  	(tm) =	ssettm $0x7FFFFFFF  }
tec
execute0_lowered:
.L_overlay_start_1:
0x0: {  	(tag) =	ssettag $0x1  }
0x1: {  	v0 =	vimm.s32 $0x38106840;
	v1 =	vimm.s32 $0x58300860;
	v2 =	vimm.s32 $0x78502800  }
0x2: {  	v3 =	vimm.s32 $0x18704820;
	v4 =	vlaneseq.u32;
	vm0 =	vcmask $0x1F10  }
0x3: {  	v5 =	vimm.s32 $0x39116941;
	v6 =	vimm.s32 $0x19714921;
	v30 =	vimm.s32 $0x7D552D05  }
0x4: {  	v31 =	vimm.s32 $0x1D754D25;
	v32 =	vimm.s32 $0x5E360E66;
	v33 =	vimm.s32 $0x7E562E06  }
0x5: {  	v34 =	vimm.s32 $0x1E764E26;
	v35 =	vimm.s32 $0x5F370F67;
	v36 =	vimm.s32 $0x7F572F07  }
0x6: {  	v37 =	vimm.s32 $0x1F774F27;
	v38 =	vimm.s32 $0x60381068;
	v39 =	vimm.s32 $0x583008  }
0x7: {  	v40 =	vimm.s32 $0x20785028;
	v41 =	vimm.s32 $0x61391169;
	v42 =	vimm.s32 $0x1593109  }
0x8: {  	v43 =	vimm.s32 $0x21795129;
	v44 =	vimm.s32 $0x623A126A;
	v45 =	vimm.s32 $0x25A320A  }
0x9: {  	v46 =	vimm.s32 $0x227A522A;
	v47 =	vimm.s32 $0x633B136B;
	v48 =	vimm.s32 $0x35B330B  }
0xa: {  	v49 =	vimm.s32 $0x237B532B;
	v50 =	vimm.s32 $0x643C146C;
	v51 =	vimm.s32 $0x45C340C  }
0xb: {  	v52 =	vimm.s32 $0x247C542C;
	v53 =	vimm.s32 $0x653D156D;
	v54 =	vimm.s32 $0x55D350D  }
0xc: {  	v55 =	vimm.s32 $0x257D552D;
	v56 =	vimm.s32 $0x663E166E;
	v57 =	vimm.s32 $0x65E360E  }
0xd: {  	v58 =	vimm.s32 $0x267E562E;
	v59 =	vimm.s32 $0x673F176F;
	v60 =	vimm.s32 $0x75F370F  }
0xe: {  	v61 =	vimm.s32 $0x277F572F;
	v62 =	vimm.s32 $0x68401870;
	v0 =	vunpack.c.0.s8.s32 v0  }
0xf: {  	v1 =	vunpack.c.0.s8.s32 v1;
	v2 =	vunpack.c.0.s8.s32 v2;
	v3 =	vunpack.c.0.s8.s32 v3  }
0x10: {  	v6 =	vunpack.c.0.s8.s32 v6;
	v63 =	vmul.u32 $0x28, v4;
	v4 =	vimm.s32 $0x7A522A02  }
0x11: {  	v12 =	vunpack.c.0.s8.s32 v30;
	v13 =	vunpack.c.0.s8.s32 v32;
	v14 =	vunpack.c.0.s8.s32 v33  }
0x12: {  	v15 =	vunpack.c.0.s8.s32 v35;
	v16 =	vunpack.c.0.s8.s32 v36;
	v17 =	vunpack.c.0.s8.s32 v38  }
0x13: {  	v18 =	vunpack.c.0.s8.s32 v39;
	v19 =	vunpack.c.0.s8.s32 v41;
	v20 =	vunpack.c.0.s8.s32 v42  }
0x14: {  	v21 =	vunpack.c.0.s8.s32 v44;
	v22 =	vunpack.c.0.s8.s32 v45;
	v23 =	vunpack.c.0.s8.s32 v47  }
0x15: {  	v24 =	vunpack.c.0.s8.s32 v48;
	v25 =	vunpack.c.0.s8.s32 v50;
	v26 =	vunpack.c.0.s8.s32 v51  }
0x16: {  	v27 =	vunpack.c.0.s8.s32 v53;
	v28 =	vunpack.c.0.s8.s32 v54;
	v29 =	vunpack.c.0.s8.s32 v56  }
0x17: {  	v30 =	vunpack.c.0.s8.s32 v57;
	v32 =	vunpack.c.0.s8.s32 v60;
	v33 =	vunpack.c.0.s8.s32 v62  }
0x18: {  	v54 =	vimm.s32 $0x532B035B;
	v0 =	vsel vm0, v1, v0;
	v1 =	vsel vm0, v3, v2  }
0x19: {  	v2 =	vunpack.c.0.s8.s32 v5;
	v3 =	vimm.s32 $0x59310961;
	v5 =	vimm.s32 $0x79512901  }
0x1a: {  	v3 =	vunpack.c.0.s8.s32 v3;
	v5 =	vunpack.c.0.s8.s32 v5;
	v0 =	vcombine.low v1, v0  }
0x1b: {  	v56 =	vimm.s32 $0x136B431B;
	v57 =	vimm.s32 $0x330B633B;
	v4 =	vunpack.c.0.s8.s32 v4  }
0x1c: {  	[tilespmem:$0x1FF70] =	vst v0;
	v0 =	vimm.s32 $0x3A126A42;
	v1 =	vsel vm0, v3, v2;
	v2 =	vsel vm0, v6, v5  }
0x1d: {  	v3 =	vimm.s32 $0x5A320A62;
	v5 =	vimm.s32 $0x1A724A22;
	v0 =	vunpack.c.0.s8.s32 v0  }
0x1e: {  	v6 =	vunpack.c.0.s8.s32 v3;
	v5 =	vunpack.c.0.s8.s32 v5;
	v1 =	vcombine.low v2, v1  }
0x1f: {  	v60 =	vimm.s32 $0x754D257D;
	v56 =	vunpack.c.0.s8.s32 v56;
	v57 =	vunpack.c.0.s8.s32 v57  }
0x20: {  	[tilespmem:$0x1FC00] =	vst v1;
	v1 =	vimm.s32 $0x3B136B43;
	v0 =	vsel vm0, v6, v0;
	v2 =	vsel vm0, v5, v4  }
0x21: {  	v4 =	vimm.s32 $0x5B330B63;
	v5 =	vimm.s32 $0x7B532B03;
	v6 =	vimm.s32 $0x1B734B23  }
0x22: {  	v7 =	vunpack.c.0.s8.s32 v4;
	v4 =	vor.u32 $0x2, v63;
	v0 =	vcombine.low v2, v0  }
0x23: {  	v1 =	vunpack.c.0.s8.s32 v1;
	v8 =	vunpack.c.0.s8.s32 v5;
	v6 =	vunpack.c.0.s8.s32 v6;
	[tilespmem:$0x1FC10] =	vst v4  }
0x24: {  	v3 =	vor.u32 $0x1, v63;
	v4 =	vor.u32 $0x3, v63;
	[tilespmem:$0x1FC20] =	vst v0;
	v0 =	vimm.s32 $0x3C146C44  }
0x25: {  	v1 =	vsel vm0, v7, v1;
	v2 =	vsel vm0, v6, v8;
	v6 =	vimm.s32 $0x5C340C64  }
0x26: {  	v7 =	vimm.s32 $0x7C542C04;
	v8 =	vimm.s32 $0x1C744C24;
	[tilespmem:$0x1FC30] =	vst v4;
	v4 =	vor.u32 $0x4, v63  }
0x27: {  	v0 =	vunpack.c.0.s8.s32 v0;
	v1 =	vcombine.low v2, v1;
	[tilespmem:$0x1FC50] =	vst v4;
	v4 =	vor.u32 $0x5, v63  }
0x28: {  	v9 =	vunpack.c.0.s8.s32 v6;
	v10 =	vunpack.c.0.s8.s32 v7;
	v8 =	vunpack.c.0.s8.s32 v8;
	[tilespmem:$0x1FC70] =	vst v4  }
0x29: {  	v6 =	vadd.s32 $0x1F, v63;
	v4 =	vor.u32 $0x6, v63;
	[tilespmem:$0x1FC40] =	vst v1;
	v1 =	vimm.s32 $0x3D156D45  }
0x2a: {  	v0 =	vsel vm0, v9, v0;
	v2 =	vsel vm0, v8, v10;
	v8 =	vimm.s32 $0x5D350D65  }
0x2b: {  	v10 =	vunpack.c.0.s8.s32 v31;
	[tilespmem:$0x1FC90] =	vst v4;
	v4 =	vor.u32 $0x7, v63;
	v31 =	vunpack.c.0.s8.s32 v59  }
0x2c: {  	v9 =	vimm.s32 $0x8603810;
	v59 =	vimm.s32 $0x552D055D;
	v1 =	vunpack.c.0.s8.s32 v1  }
0x2d: {  	v11 =	vunpack.c.0.s8.s32 v8;
	v0 =	vcombine.low v2, v0;
	[tilespmem:$0x1FCB0] =	vst v4;
	v4 =	vadd.s32 $0x8, v63  }
0x2e: {  	v2 =	vsel vm0, v10, v12;
	v12 =	vunpack.c.0.s8.s32 v34;
	[tilespmem:$0x1FCD0] =	vst v4;
	v4 =	vadd.s32 $0x9, v63  }
0x2f: {  	v10 =	vimm.s32 $0x28005830;
	v34 =	vunpack.c.0.s8.s32 v9;
	[tilespmem:$0x1FC60] =	vst v0;
	v0 =	vimm.s32 $0x3E166E46  }
0x30: {  	v1 =	vsel vm0, v11, v1;
	[tilespmem:$0x1FCF0] =	vst v4;
	v4 =	vadd.s32 $0xA, v63;
	v0 =	vunpack.c.0.s8.s32 v0  }
0x31: {  	v11 =	vimm.s32 $0x69411971;
	v1 =	vcombine.low v2, v1;
	v2 =	vsel vm0, v12, v14  }
0x32: {  	v14 =	vunpack.c.0.s8.s32 v37;
	[tilespmem:$0x1FD10] =	vst v4;
	v4 =	vadd.s32 $0xB, v63;
	v0 =	vsel vm0, v13, v0  }
0x33: {  	v12 =	vimm.s32 $0x9613911;
	[tilespmem:$0x1FC80] =	vst v1;
	v1 =	vimm.s32 $0x3F176F47;
	v0 =	vcombine.low v2, v0  }
0x34: {  	v35 =	vunpack.c.0.s8.s32 v11;
	[tilespmem:$0x1FD30] =	vst v4;
	v4 =	vadd.s32 $0xC, v63;
	v1 =	vunpack.c.0.s8.s32 v1  }
0x35: {  	v36 =	vunpack.c.0.s8.s32 v12;
	v2 =	vsel vm0, v14, v16;
	[tilespmem:$0x1FCA0] =	vst v0;
	v0 =	vimm.s32 $0x40187048  }
0x36: {  	v16 =	vunpack.c.0.s8.s32 v40;
	v1 =	vsel vm0, v15, v1;
	v0 =	vunpack.c.0.s8.s32 v0  }
0x37: {  	[tilespmem:$0x1FD50] =	vst v4;
	v4 =	vadd.s32 $0xD, v63;
	v13 =	vimm.s32 $0x29015931;
	v1 =	vcombine.low v2, v1  }
0x38: {  	[tilespmem:$0x1FD70] =	vst v4;
	v4 =	vadd.s32 $0xE, v63;
	v2 =	vsel vm0, v16, v18;
	v0 =	vsel vm0, v17, v0  }
0x39: {  	v18 =	vunpack.c.0.s8.s32 v43;
	[tilespmem:$0x1FCC0] =	vst v1;
	v1 =	vimm.s32 $0x41197149;
	v0 =	vcombine.low v2, v0  }
0x3a: {  	v14 =	vimm.s32 $0x6A421A72;
	[tilespmem:$0x1FD90] =	vst v4;
	v4 =	vadd.s32 $0xF, v63;
	v1 =	vunpack.c.0.s8.s32 v1  }
0x3b: {  	v37 =	vunpack.c.0.s8.s32 v14;
	v2 =	vsel vm0, v18, v20;
	[tilespmem:$0x1FCE0] =	vst v0;
	v0 =	vimm.s32 $0x421A724A  }
0x3c: {  	v20 =	vunpack.c.0.s8.s32 v46;
	v1 =	vsel vm0, v19, v1;
	v0 =	vunpack.c.0.s8.s32 v0  }
0x3d: {  	[tilespmem:$0x1FDB0] =	vst v4;
	v4 =	vadd.s32 $0x10, v63;
	v15 =	vimm.s32 $0xA623A12;
	v1 =	vcombine.low v2, v1  }
0x3e: {  	[tilespmem:$0x1FDD0] =	vst v4;
	v4 =	vadd.s32 $0x11, v63;
	v2 =	vsel vm0, v20, v22;
	v0 =	vsel vm0, v21, v0  }
0x3f: {  	v22 =	vunpack.c.0.s8.s32 v49;
	[tilespmem:$0x1FD00] =	vst v1;
	v1 =	vimm.s32 $0x431B734B;
	v0 =	vcombine.low v2, v0  }
0x40: {  	v16 =	vimm.s32 $0x2A025A32;
	v38 =	vunpack.c.0.s8.s32 v15;
	[tilespmem:$0x1FDF0] =	vst v4;
	v1 =	vunpack.c.0.s8.s32 v1  }
0x41: {  	v4 =	vadd.s32 $0x12, v63;
	v2 =	vsel vm0, v22, v24;
	[tilespmem:$0x1FD20] =	vst v0;
	v0 =	vimm.s32 $0x441C744C  }
0x42: {  	v24 =	vunpack.c.0.s8.s32 v52;
	v1 =	vsel vm0, v23, v1;
	v0 =	vunpack.c.0.s8.s32 v0  }
0x43: {  	v17 =	vimm.s32 $0x6B431B73;
	[tilespmem:$0x1FE10] =	vst v4;
	v4 =	vadd.s32 $0x13, v63;
	v1 =	vcombine.low v2, v1  }
0x44: {  	v18 =	vimm.s32 $0xB633B13;
	v2 =	vsel vm0, v24, v26;
	v0 =	vsel vm0, v25, v0  }
0x45: {  	v26 =	vunpack.c.0.s8.s32 v55;
	[tilespmem:$0x1FD40] =	vst v1;
	v1 =	vimm.s32 $0x451D754D;
	v0 =	vcombine.low v2, v0  }
0x46: {  	v39 =	vunpack.c.0.s8.s32 v17;
	[tilespmem:$0x1FE30] =	vst v4;
	v4 =	vadd.s32 $0x14, v63;
	v1 =	vunpack.c.0.s8.s32 v1  }
0x47: {  	v40 =	vunpack.c.0.s8.s32 v18;
	v2 =	vsel vm0, v26, v28;
	[tilespmem:$0x1FD60] =	vst v0;
	v0 =	vimm.s32 $0x461E764E  }
0x48: {  	v28 =	vunpack.c.0.s8.s32 v58;
	v1 =	vsel vm0, v27, v1;
	v0 =	vunpack.c.0.s8.s32 v0  }
0x49: {  	[tilespmem:$0x1FE50] =	vst v4;
	v4 =	vadd.s32 $0x15, v63;
	v19 =	vimm.s32 $0x2B035B33;
	v1 =	vcombine.low v2, v1  }
0x4a: {  	[tilespmem:$0x1FE70] =	vst v4;
	v4 =	vadd.s32 $0x16, v63;
	v2 =	vsel vm0, v28, v30;
	v0 =	vsel vm0, v29, v0  }
0x4b: {  	v30 =	vunpack.c.0.s8.s32 v61;
	[tilespmem:$0x1FD80] =	vst v1;
	v1 =	vimm.s32 $0x471F774F;
	v0 =	vcombine.low v2, v0  }
0x4c: {  	v20 =	vimm.s32 $0x6C441C74;
	[tilespmem:$0x1FE90] =	vst v4;
	v4 =	vadd.s32 $0x17, v63;
	v1 =	vunpack.c.0.s8.s32 v1  }
0x4d: {  	v41 =	vunpack.c.0.s8.s32 v20;
	v2 =	vsel vm0, v30, v32;
	[tilespmem:$0x1FDA0] =	vst v0;
	v0 =	vimm.s32 $0x48207850  }
0x4e: {  	v32 =	vunpack.c.0.s8.s32 v10;
	v1 =	vsel vm0, v31, v1;
	v0 =	vunpack.c.0.s8.s32 v0  }
0x4f: {  	[tilespmem:$0x1FEB0] =	vst v4;
	v4 =	vadd.s32 $0x18, v63;
	v21 =	vimm.s32 $0xC643C14;
	v1 =	vcombine.low v2, v1  }
0x50: {  	v22 =	vimm.s32 $0x2C045C34;
	v2 =	vsel vm0, v32, v34;
	v0 =	vsel vm0, v33, v0  }
0x51: {  	v34 =	vunpack.c.0.s8.s32 v13;
	[tilespmem:$0x1FDC0] =	vst v1;
	v1 =	vimm.s32 $0x49217951;
	v0 =	vcombine.low v2, v0  }
0x52: {  	v42 =	vunpack.c.0.s8.s32 v21;
	v23 =	vimm.s32 $0x6D451D75;
	v1 =	vunpack.c.0.s8.s32 v1  }
0x53: {  	v24 =	vimm.s32 $0xD653D15;
	v2 =	vsel vm0, v34, v36;
	[tilespmem:$0x1FDE0] =	vst v0;
	v0 =	vimm.s32 $0x4A227A52  }
0x54: {  	v36 =	vunpack.c.0.s8.s32 v16;
	v1 =	vsel vm0, v35, v1;
	v0 =	vunpack.c.0.s8.s32 v0  }
0x55: {  	v43 =	vunpack.c.0.s8.s32 v23;
	v44 =	vunpack.c.0.s8.s32 v24;
	v1 =	vcombine.low v2, v1  }
0x56: {  	v26 =	vimm.s32 $0x6E461E76;
	v2 =	vsel vm0, v36, v38;
	v0 =	vsel vm0, v37, v0  }
0x57: {  	v38 =	vunpack.c.0.s8.s32 v19;
	[tilespmem:$0x1FE00] =	vst v1;
	v1 =	vimm.s32 $0x4B237B53;
	v0 =	vcombine.low v2, v0  }
0x58: {  	v25 =	vimm.s32 $0x2D055D35;
	v45 =	vunpack.c.0.s8.s32 v26;
	v1 =	vunpack.c.0.s8.s32 v1  }
0x59: {  	v27 =	vimm.s32 $0xE663E16;
	v2 =	vsel vm0, v38, v40;
	[tilespmem:$0x1FE20] =	vst v0;
	v0 =	vimm.s32 $0x4C247C54  }
0x5a: {  	v40 =	vunpack.c.0.s8.s32 v22;
	v1 =	vsel vm0, v39, v1;
	v0 =	vunpack.c.0.s8.s32 v0  }
0x5b: {  	v28 =	vimm.s32 $0x2E065E36;
	v46 =	vunpack.c.0.s8.s32 v27;
	v1 =	vcombine.low v2, v1  }
0x5c: {  	v29 =	vimm.s32 $0x6F471F77;
	v2 =	vsel vm0, v40, v42;
	v0 =	vsel vm0, v41, v0  }
0x5d: {  	v42 =	vunpack.c.0.s8.s32 v25;
	[tilespmem:$0x1FE40] =	vst v1;
	v1 =	vimm.s32 $0x4D257D55;
	v0 =	vcombine.low v2, v0  }
0x5e: {  	v30 =	vimm.s32 $0xF673F17;
	v47 =	vunpack.c.0.s8.s32 v29;
	v1 =	vunpack.c.0.s8.s32 v1  }
0x5f: {  	v48 =	vunpack.c.0.s8.s32 v30;
	v2 =	vsel vm0, v42, v44;
	[tilespmem:$0x1FE60] =	vst v0;
	v0 =	vimm.s32 $0x4E267E56  }
0x60: {  	v44 =	vunpack.c.0.s8.s32 v28;
	v1 =	vsel vm0, v43, v1;
	v0 =	vunpack.c.0.s8.s32 v0  }
0x61: {  	v31 =	vimm.s32 $0x2F075F37;
	v32 =	vimm.s32 $0x70482078;
	v1 =	vcombine.low v2, v1  }
0x62: {  	v49 =	vunpack.c.0.s8.s32 v32;
	v2 =	vsel vm0, v44, v46;
	v0 =	vsel vm0, v45, v0  }
0x63: {  	s1 =	srdreg.scid;
	s5 =	stileid.u32;
	v46 =	vunpack.c.0.s8.s32 v31;
	[tilespmem:$0x1FE80] =	vst v1;
	v1 =	vimm.s32 $0x4F277F57;
	v0 =	vcombine.low v2, v0  }
0x64: {  	s3 =	sand.u32 $0x1, s1;
	s18 =	sshll.u32 s5, $0x1;
	v33 =	vimm.s32 $0x10684018;
	v34 =	vimm.s32 $0x30086038;
	v1 =	vunpack.c.0.s8.s32 v1  }
0x65: {  	s5 =	sor.u32 s3, s18;
	v50 =	vunpack.c.0.s8.s32 v33;
	v2 =	vsel vm0, v46, v48;
	[tilespmem:$0x1FEA0] =	vst v0;
	v0 =	vimm.s32 $0x50280058  }
0x66: {  	s0 =	rddreg [dreg:$0x0];
	s1 =	sshll.u32 s5, $0x9;
	v48 =	vunpack.c.0.s8.s32 v34;
	v1 =	vsel vm0, v47, v1;
	v0 =	vunpack.c.0.s8.s32 v0  }
0x67: {  	s4 =	simm.s32 $0x0;
	s7 =	sadd.s32 s0, s1;
	v35 =	vimm.s32 $0x71492179;
	v36 =	vimm.s32 $0x11694119;
	v1 =	vcombine.low v2, v1  }
0x68: {  	[smem:$0x7FF] =	sst s4;
	s9 =	sadd.s32 $0xF4280, s7;
	v51 =	vunpack.c.0.s8.s32 v35;
	v2 =	vsel vm0, v48, v50;
	v0 =	vsel vm0, v49, v0  }
0x69: {  	s2 =	rddreg [dreg:$0x2];
	s19 =	sadd.s32 $0xF4300, s7;
	v37 =	vimm.s32 $0x31096139;
	[tilespmem:$0x1FEC0] =	vst v1;
	v1 =	vimm.s32 $0x51290159;
	v0 =	vcombine.low v2, v0  }
0x6a: {  	s20 =	sadd.s32 $0xF4380, s7;
	v52 =	vunpack.c.0.s8.s32 v36;
	v53 =	vunpack.c.0.s8.s32 v37;
	_ =	strace $0x80000047;
	v1 =	vunpack.c.0.s8.s32 v1;
	[dreg:$0x4] =	wrdreg s9  }
0x6b: {  	v55 =	vimm.s32 $0x734B237B;
	v58 =	vimm.s32 $0x340C643C;
	[dreg:$0x5] =	wrdreg s19;
	[tilespmem:$0x1FEE0] =	vst v0;
	v0 =	vadd.s32 $0x19, v63  }
0x6c: {  	s21 =	sadd.s32 $0xF4400, s7;
	s22 =	sadd.s32 $0x1E8500, s7;
	v58 =	vunpack.c.0.s8.s32 v58;
	[dreg:$0x6] =	wrdreg s20;
	[tilespmem:$0x1FEF0] =	vst v0;
	v0 =	vsel vm0, v51, v1;
	v1 =	vsel vm0, v53, v52  }
0x6d: {  	s23 =	sadd.s32 $0x1E8580, s7;
	v61 =	vimm.s32 $0x764E267E;
	v38 =	vimm.s32 $0x320A623A;
	[dreg:$0x7] =	wrdreg s21;
	v0 =	vcombine.low v1, v0  }
0x6e: {  	s24 =	sadd.s32 $0x1E8600, s7;
	v39 =	vunpack.c.0.s8.s32 v55;
	v40 =	vimm.s32 $0x146C441C;
	[dreg:$0x8] =	wrdreg s22;
	v2 =	vimm.s32 $0x522A025A  }
0x6f: {  	s28 =	simm.s32 $0x5;
	[dreg:$0x9] =	wrdreg s23;
	v1 =	vimm.s32 $0x724A227A;
	[tilespmem:$0x1FF00] =	vst v0;
	v0 =	vunpack.c.0.s8.s32 v2;
	v2 =	vimm.s32 $0x126A421A  }
0x70: {  	s29 =	simm.s32 $0x0;
	s25 =	sadd.s32 $0x1E8680, s7;
	[dreg:$0xa] =	wrdreg s24;
	v52 =	vunpack.c.0.s8.s32 v38;
	v1 =	vunpack.c.0.s8.s32 v1;
	v2 =	vunpack.c.0.s8.s32 v2  }
0x71: {  	s6 =	sadd.s32 $0x1200, s2;
	s26 =	sadd.s32 $0x2DC780, s7;
	v55 =	vunpack.c.0.s8.s32 v40;
	v41 =	vsel vm0, v57, v56;
	v57 =	vadd.s32 $0x1B, v63;
	[dreg:$0xb] =	wrdreg s25  }
0x72: {  	s2 =	sadd.s32 $0x4C5C00, s2;
	s10 =	sadd.s32 $0x2DC800, s7;
	v42 =	vimm.s32 $0x156D451D;
	[dreg:$0xc] =	wrdreg s26;
	v0 =	vsel vm0, v1, v0;
	v1 =	vsel vm0, v52, v2  }
0x73: {  	s3 =	ssub.s32 $0x2, s3;
	s31 =	sadd.s32 $0x2DC880, s7;
	v56 =	vunpack.c.0.s8.s32 v42;
	v43 =	vimm.s32 $0x350D653D;
	[dreg:$0xd] =	wrdreg s10;
	v0 =	vcombine.low v1, v0  }
0x74: {  	s30 =	sshrl.u32 s3, $0x1;
	s14 =	sadd.s32 $0x2DC900, s7;
	v44 =	vunpack.c.0.s8.s32 v59;
	v59 =	vadd.s32 $0x1D, v63;
	v45 =	vunpack.c.0.s8.s32 v60;
	[dreg:$0xe] =	wrdreg s31  }
0x75: {  	s8 =	sadd.s32 $0x180, s0;
	s11 =	ssub.s32 s3, s30;
	[dreg:$0xf] =	wrdreg s2;
	v2 =	vimm.s32 $0x542C045C;
	v1 =	vunpack.c.0.s8.s32 v54;
	[tilespmem:$0x1FF20] =	vst v0;
	v0 =	vimm.s32 $0x744C247C  }
0x76: {  	s15 =	sadd.s32 $0x4000, s7;
	s16 =	sadd.s32 $0x4080, s7;
	v46 =	vimm.s32 $0x562E065E;
	[dreg:$0x11] =	wrdreg s14;
	v2 =	vunpack.c.0.s8.s32 v2;
	v0 =	vunpack.c.0.s8.s32 v0  }
0x77: {  	s17 =	sadd.s32 $0x4100, s7;
	s18 =	sadd.s32 $0x4180, s7;
	v5 =	vmovc v3;
	v47 =	vunpack.c.0.s8.s32 v43;
	v48 =	vimm.s32 $0x360E663E;
	[tilespmem:$0x1FED0] =	vst v4;
	[dreg:$0x12] =	wrdreg s15;
	v1 =	vsel vm0, v39, v1  }
0x78: {  	s30 =	sadd.s32 $0x1EC580, s7;
	s12 =	sadd.s32 $0x1EC680, s7;
	[dreg:$0x13] =	wrdreg s16;
	[tilespmem:$0x1FF90] =	vst v63;
	v1 =	vcombine.low v41, v1;
	v0 =	vsel vm0, v0, v2;
	v2 =	vsel vm0, v58, v55  }
0x79: {  	v50 =	vunpack.c.0.s8.s32 v61;
	v49 =	vunpack.c.0.s8.s32 v46;
	[dreg:$0x14] =	wrdreg s17;
	s20 =	sadd.s32 $0xF8280, s7;
	s21 =	sadd.s32 $0xF8300, s7;
	[tilespmem:$0x1FFA0] =	vst v5;
	v0 =	vcombine.low v2, v0  }
0x7a: {  	p0 =	sne.s32 s5, $0x0;
	s19 =	sadd.s32 $0x80, s0;
	v4 =	vadd.s32 $0x1A, v63;
	[dreg:$0x15] =	wrdreg s18;
	v51 =	vimm.s32 $0x572F075F;
	v53 =	vimm.s32 $0x774F277F;
	[tilespmem:$0x1FF30] =	vst v1  }
0x7b: {  	s22 =	sadd.s32 $0xF8380, s7;
	s26 =	sadd.s32 $0x1EC500, s7;
	[dreg:$0x1c] =	wrdreg s30;
	v1 =	vsel vm0, v45, v44;
	v2 =	vsel vm0, v47, v56;
	[tilespmem:$0x1FF40] =	vst v0;
	v0 =	vimm.s32 $0x166E461E  }
0x7c: {  	s31 =	sadd.s32 $0x1EC600, s7;
	s14 =	sadd.s32 $0x2E0780, s7;
	[tilespmem:$0x1FFB0] =	vst v57;
	[dreg:$0x16] =	wrdreg s20;
	v52 =	vunpack.c.0.s8.s32 v48;
	v1 =	vcombine.low v2, v1;
	v0 =	vunpack.c.0.s8.s32 v0  }
0x7d: {  	s24 =	sadd.s32 $0xF8400, s7;
	s15 =	sadd.s32 $0x2E0800, s7;
	[tilespmem:$0x1FFD0] =	vst v59;
	[dreg:$0x17] =	wrdreg s21;
	v61 =	vunpack.c.0.s8.s32 v53;
	v54 =	vunpack.c.0.s8.s32 v51;
	v55 =	vimm.s32 $0x370F673F  }
0x7e: {  	s23 =	sadd.s32 $0x100, s0;
	s16 =	sadd.s32 $0x2E0880, s7;
	[dreg:$0x18] =	wrdreg s22;
	v2 =	vimm.s32 $0x176F471F;
	[tilespmem:$0x1FF50] =	vst v1;
	v1 =	vsel vm0, v50, v49;
	v0 =	vsel vm0, v52, v0  }
0x7f: {  	s17 =	sadd.s32 $0x2E0900, s7;
	s18 =	simm.s32 $0x1;
	[tilespmem:$0x1FFF0] =	vst v6;
	[dreg:$0x19] =	wrdreg s24;
	v62 =	vunpack.c.0.s8.s32 v55;
	v2 =	vunpack.c.0.s8.s32 v2;
	v0 =	vcombine.low v0, v1  }
.Ltmp0:
0x80: {  	s13 =	sadd.s32 s1, s19;
	[tilespmem:$0x1FF10] =	vst v4;
	[dreg:$0x1b] =	wrdreg s26;
	(pc) =	sbr.rel .LBB2_1-.Ltmp0, $4  }
0x81: {  	s25 =	sadd.s32 s1, s23;
	s1 =	sadd.s32 s1, s8;
	[dreg:$0x1e] =	wrdreg s31;
	v58 =	vadd.s32 $0x1C, v63;
	v1 =	vsel vm0, v62, v2;
	[tilespmem:$0x1FF60] =	vst v0;
	v0 =	vsel vm0, v61, v54  }
0x82: {  	s20 =	simm.s32 $0x8000;
	s22 =	simm.s32 $0x2;
	[dreg:$0x10] =	wrdreg s13;
	[tilespmem:$0x1FFC0] =	vst v58;
	v61 =	vadd.s32 $0x1E, v63;
	v0 =	vcombine.low v1, v0  }
0x83: {  	s24 =	simm.s32 $0xD000;
	s26 =	simm.s32 $0x4;
	[dreg:$0x1a] =	wrdreg s25;
	[tilespmem:$0x1FFE0] =	vst v61  }
0x84: {  	v3 =	vmov v63;
	v4 =	vld [tilespmem:$0x1FF70];
	[dreg:$0x1d] =	wrdreg s1;
	s13 =	smax.u32 s11, $0x1;
	s25 =	simm.s32 $0x3;
	[tilespmem:$0x1FF80] =	vst v0  }
.LBB2_9:
0x85: {  	_ =	swait.ge [sflag:s25], $0x5000  }
.Ltmp1:
0x86: {  	[sflag:s25] =	ssyncset.done $0x0;
	(pc) =	sbr.rel @!p0 .LBB2_10-.Ltmp1, $4  }
0x87: {  	[sflag:s25] =	ssyncadd.s32 $0xFFFFB000  }
0x88: {  	_ =	swait.ge [sflag:s26], $0x5000  }
0x89: {  	[sflag:s26] =	ssyncset.done $0x0  }
0x8a: {  	[sflag:s26] =	ssyncadd.s32 $0xFFFFB000  }
.LBB2_11:
0x8b: {  	s29 =	sadd.s32 $0x1, s29  }
0x8c: {  	p1 =	sne.s32 s29, s13  }
.Ltmp2:
0x8d: {  	_ = 	snop;
	(pc) =	sbr.rel @!p1 .LBB2_12-.Ltmp2, $1  }
0x8e: {  	_ =	sdelay $0x3  }
.LBB2_1:
0x8f: {  	[tilespmem:s4], [sflag:$0x1] =	stream.linear.gather [hbm4b:s7+s4], $0x400, $0x38;
	[tilespmem:$0x12000] =	vst v63  }
0x90: {  	s1 =	rddreg [dreg:$0x10];
	s2 =	simm.s32 $0x400  }
0x91: {  	[tilespmem:s2], [sflag:$0x1] =	stream.linear.gather [hbm4b:s1+s4], $0x400, $0x38;
	[tilespmem:$0x12000] =	vst v63  }
0x92: {  	s3 =	rddreg [dreg:$0x1a];
	s9 =	simm.s32 $0x800  }
0x93: {  	[tilespmem:s9], [sflag:$0x1] =	stream.linear.gather [hbm4b:s3+s4], $0x400, $0x38;
	[tilespmem:$0x12000] =	vst v63  }
0x94: {  	s10 =	rddreg [dreg:$0x1d];
	s11 =	simm.s32 $0xC00  }
0x95: {  	[tilespmem:s11], [sflag:$0x1] =	stream.linear.gather [hbm4b:s10+s4], $0x400, $0x38;
	[tilespmem:$0x12000] =	vst v63  }
0x96: {  	s21 =	rddreg [dreg:$0x4];
	s31 =	simm.s32 $0x1000  }
0x97: {  	[tilespmem:s31], [sflag:$0x1] =	stream.linear.gather [hbm4b:s21+s4], $0x400, $0x38;
	[tilespmem:$0x12000] =	vst v63  }
0x98: {  	s3 =	rddreg [dreg:$0x5];
	s9 =	simm.s32 $0x1400  }
0x99: {  	[tilespmem:s9], [sflag:$0x1] =	stream.linear.gather [hbm4b:s3+s4], $0x400, $0x38;
	[tilespmem:$0x12000] =	vst v63  }
0x9a: {  	s10 =	rddreg [dreg:$0x6];
	s11 =	simm.s32 $0x1800  }
0x9b: {  	[tilespmem:s11], [sflag:$0x1] =	stream.linear.gather [hbm4b:s10+s4], $0x400, $0x38;
	[tilespmem:$0x12000] =	vst v63  }
0x9c: {  	s21 =	rddreg [dreg:$0x7];
	s31 =	simm.s32 $0x1C00  }
0x9d: {  	[tilespmem:s31], [sflag:$0x1] =	stream.linear.gather [hbm4b:s21+s4], $0x400, $0x38;
	[tilespmem:$0x12000] =	vst v63  }
0x9e: {  	s3 =	rddreg [dreg:$0x8];
	s9 =	simm.s32 $0x2000  }
0x9f: {  	[tilespmem:s9], [sflag:$0x1] =	stream.linear.gather [hbm4b:s3+s4], $0x400, $0x38;
	[tilespmem:$0x12000] =	vst v63  }
0xa0: {  	s10 =	rddreg [dreg:$0x9];
	s11 =	simm.s32 $0x2400  }
0xa1: {  	[tilespmem:s11], [sflag:$0x1] =	stream.linear.gather [hbm4b:s10+s4], $0x400, $0x38;
	[tilespmem:$0x12000] =	vst v63  }
0xa2: {  	s21 =	rddreg [dreg:$0xa];
	s31 =	simm.s32 $0x2800  }
0xa3: {  	[tilespmem:s31], [sflag:$0x1] =	stream.linear.gather [hbm4b:s21+s4], $0x400, $0x38;
	[tilespmem:$0x12000] =	vst v63  }
0xa4: {  	s3 =	rddreg [dreg:$0xb];
	s9 =	simm.s32 $0x2C00  }
0xa5: {  	[tilespmem:s9], [sflag:$0x1] =	stream.linear.gather [hbm4b:s3+s4], $0x400, $0x38;
	[tilespmem:$0x12000] =	vst v63  }
0xa6: {  	s10 =	rddreg [dreg:$0xc];
	s11 =	simm.s32 $0x3000  }
0xa7: {  	[tilespmem:s11], [sflag:$0x1] =	stream.linear.gather [hbm4b:s10+s4], $0x400, $0x38;
	[tilespmem:$0x12000] =	vst v63  }
0xa8: {  	s21 =	rddreg [dreg:$0xd];
	s31 =	simm.s32 $0x3400  }
0xa9: {  	[tilespmem:s31], [sflag:$0x1] =	stream.linear.gather [hbm4b:s21+s4], $0x400, $0x38;
	[tilespmem:$0x12000] =	vst v63  }
0xaa: {  	s3 =	rddreg [dreg:$0xe];
	s9 =	simm.s32 $0x3800  }
0xab: {  	[tilespmem:s9], [sflag:$0x1] =	stream.linear.gather [hbm4b:s3+s4], $0x400, $0x38;
	[tilespmem:$0x12000] =	vst v63  }
0xac: {  	s10 =	rddreg [dreg:$0x11];
	s11 =	simm.s32 $0x3C00  }
0xad: {  	[tilespmem:s11], [sflag:$0x1] =	stream.linear.gather [hbm4b:s10+s4], $0x400, $0x38;
	[tilespmem:$0x12000] =	vst v63  }
0xae: {  	s21 =	rddreg [dreg:$0x12];
	s31 =	simm.s32 $0x4000  }
0xaf: {  	[tilespmem:s31], [sflag:$0x2] =	stream.linear.gather [hbm4b:s21+s4], $0x400, $0x38;
	[tilespmem:$0x12000] =	vst v63  }
0xb0: {  	s3 =	rddreg [dreg:$0x13];
	s9 =	simm.s32 $0x4400  }
0xb1: {  	[tilespmem:s9], [sflag:$0x2] =	stream.linear.gather [hbm4b:s3+s4], $0x400, $0x38;
	[tilespmem:$0x12000] =	vst v63  }
0xb2: {  	s10 =	rddreg [dreg:$0x14];
	s11 =	simm.s32 $0x4800  }
0xb3: {  	[tilespmem:s11], [sflag:$0x2] =	stream.linear.gather [hbm4b:s10+s4], $0x400, $0x38;
	[tilespmem:$0x12000] =	vst v63  }
0xb4: {  	s21 =	rddreg [dreg:$0x15];
	s31 =	simm.s32 $0x4C00  }
0xb5: {  	[tilespmem:s31], [sflag:$0x2] =	stream.linear.gather [hbm4b:s21+s4], $0x400, $0x38;
	[tilespmem:$0x12000] =	vst v63  }
0xb6: {  	s3 =	rddreg [dreg:$0x16];
	s9 =	simm.s32 $0x5000  }
0xb7: {  	[tilespmem:s9], [sflag:$0x2] =	stream.linear.gather [hbm4b:s3+s4], $0x400, $0x38;
	[tilespmem:$0x12000] =	vst v63  }
0xb8: {  	s10 =	rddreg [dreg:$0x17];
	s11 =	simm.s32 $0x5400  }
0xb9: {  	[tilespmem:s11], [sflag:$0x2] =	stream.linear.gather [hbm4b:s10+s4], $0x400, $0x38;
	[tilespmem:$0x12000] =	vst v63  }
0xba: {  	s21 =	rddreg [dreg:$0x18];
	s31 =	simm.s32 $0x5800  }
0xbb: {  	[tilespmem:s31], [sflag:$0x2] =	stream.linear.gather [hbm4b:s21+s4], $0x400, $0x38;
	[tilespmem:$0x12000] =	vst v63  }
0xbc: {  	s3 =	rddreg [dreg:$0x19];
	s9 =	simm.s32 $0x5C00  }
0xbd: {  	[tilespmem:s9], [sflag:$0x2] =	stream.linear.gather [hbm4b:s3+s4], $0x400, $0x38;
	[tilespmem:$0x12000] =	vst v63  }
0xbe: {  	s10 =	rddreg [dreg:$0x1b];
	s11 =	simm.s32 $0x6000  }
0xbf: {  	[tilespmem:s11], [sflag:$0x2] =	stream.linear.gather [hbm4b:s10+s4], $0x400, $0x38;
	[tilespmem:$0x12000] =	vst v63  }
0xc0: {  	s21 =	rddreg [dreg:$0x1c];
	s31 =	simm.s32 $0x6400  }
0xc1: {  	[tilespmem:s31], [sflag:$0x2] =	stream.linear.gather [hbm4b:s21+s4], $0x400, $0x38;
	[tilespmem:$0x12000] =	vst v63  }
0xc2: {  	s2 =	rddreg [dreg:$0x1e];
	s3 =	simm.s32 $0x6800  }
0xc3: {  	[tilespmem:s3], [sflag:$0x2] =	stream.linear.gather [hbm4b:s2+s4], $0x400, $0x38;
	[tilespmem:$0x12000] =	vst v63  }
0xc4: {  	s9 =	simm.s32 $0x6C00  }
0xc5: {  	[tilespmem:s9], [sflag:$0x2] =	stream.linear.gather [hbm4b:s12+s4], $0x400, $0x38;
	[tilespmem:$0x12000] =	vst v63  }
0xc6: {  	s10 =	simm.s32 $0x7000  }
0xc7: {  	[tilespmem:s10], [sflag:$0x2] =	stream.linear.gather [hbm4b:s14+s4], $0x400, $0x38;
	[tilespmem:$0x12000] =	vst v63  }
0xc8: {  	s11 =	simm.s32 $0x7400  }
0xc9: {  	[tilespmem:s11], [sflag:$0x2] =	stream.linear.gather [hbm4b:s15+s4], $0x400, $0x38;
	[tilespmem:$0x12000] =	vst v63  }
.Ltmp3:
0xca: {  	_ = 	snop;
	(pc) =	sbr.rel .LBB2_2-.Ltmp3, $4  }
0xcb: {  	s21 =	simm.s32 $0x7800  }
0xcc: {  	[tilespmem:s21], [sflag:$0x2] =	stream.linear.gather [hbm4b:s16+s4], $0x400, $0x38;
	[tilespmem:$0x12000] =	vst v63  }
0xcd: {  	s30 =	simm.s32 $0x0;
	s31 =	simm.s32 $0x7C00  }
0xce: {  	[tilespmem:s31], [sflag:$0x2] =	stream.linear.gather [hbm4b:s17+s4], $0x400, $0x38;
	[tilespmem:$0x12000] =	vst v63  }
.LBB2_8:
0xcf: {  	v3 =	vld [tilespmem:$0x1FF90]  }
0xd0: {  	s30 =	sadd.s32 $0x1, s30;
	v4 =	vld [tilespmem:$0x1FF70]  }
0xd1: {  	v5 =	vld [tilespmem:$0x1FFA0];
	p1 =	sne.s32 s30, $0x1F  }
.Ltmp4:
0xd2: {  	v57 =	vld [tilespmem:$0x1FFB0];
	(pc) =	sbr.rel @!p1 .LBB2_9-.Ltmp4, $4  }
0xd3: {  	v58 =	vld [tilespmem:$0x1FFC0]  }
0xd4: {  	v59 =	vld [tilespmem:$0x1FFD0]  }
0xd5: {  	v61 =	vld [tilespmem:$0x1FFE0]  }
0xd6: {  	v6 =	vld [tilespmem:$0x1FFF0]  }
.LBB2_2:
0xd7: {  	_ =	swait.ge [sflag:s18], $0x400  }
0xd8: {  	[sflag:s18] =	ssyncset.done $0x0  }
0xd9: {  	[sflag:s18] =	ssyncadd.s32 $0xFFFFFC00  }
0xda: {  	_ =	swait.ge [sflag:s18], $0x400  }
0xdb: {  	[sflag:s18] =	ssyncset.done $0x0  }
0xdc: {  	[sflag:s18] =	ssyncadd.s32 $0xFFFFFC00  }
0xdd: {  	_ =	swait.ge [sflag:s18], $0x400  }
0xde: {  	[sflag:s18] =	ssyncset.done $0x0  }
0xdf: {  	[sflag:s18] =	ssyncadd.s32 $0xFFFFFC00  }
0xe0: {  	_ =	swait.ge [sflag:s18], $0x400  }
0xe1: {  	[sflag:s18] =	ssyncset.done $0x0  }
0xe2: {  	[sflag:s18] =	ssyncadd.s32 $0xFFFFFC00  }
0xe3: {  	_ =	swait.ge [sflag:s18], $0x400  }
0xe4: {  	[sflag:s18] =	ssyncset.done $0x0  }
0xe5: {  	[sflag:s18] =	ssyncadd.s32 $0xFFFFFC00  }
0xe6: {  	_ =	swait.ge [sflag:s18], $0x400  }
0xe7: {  	[sflag:s18] =	ssyncset.done $0x0  }
0xe8: {  	[sflag:s18] =	ssyncadd.s32 $0xFFFFFC00  }
0xe9: {  	_ =	swait.ge [sflag:s18], $0x400  }
0xea: {  	[sflag:s18] =	ssyncset.done $0x0  }
0xeb: {  	[sflag:s18] =	ssyncadd.s32 $0xFFFFFC00  }
0xec: {  	_ =	swait.ge [sflag:s18], $0x400  }
0xed: {  	[sflag:s18] =	ssyncset.done $0x0  }
0xee: {  	[sflag:s18] =	ssyncadd.s32 $0xFFFFFC00  }
0xef: {  	_ =	swait.ge [sflag:s18], $0x400  }
0xf0: {  	[sflag:s18] =	ssyncset.done $0x0  }
0xf1: {  	[sflag:s18] =	ssyncadd.s32 $0xFFFFFC00  }
0xf2: {  	_ =	swait.ge [sflag:s18], $0x400  }
0xf3: {  	[sflag:s18] =	ssyncset.done $0x0  }
0xf4: {  	[sflag:s18] =	ssyncadd.s32 $0xFFFFFC00  }
0xf5: {  	_ =	swait.ge [sflag:s18], $0x400  }
0xf6: {  	[sflag:s18] =	ssyncset.done $0x0  }
0xf7: {  	[sflag:s18] =	ssyncadd.s32 $0xFFFFFC00  }
0xf8: {  	_ =	swait.ge [sflag:s18], $0x400  }
0xf9: {  	[sflag:s18] =	ssyncset.done $0x0  }
0xfa: {  	[sflag:s18] =	ssyncadd.s32 $0xFFFFFC00  }
0xfb: {  	_ =	swait.ge [sflag:s18], $0x400  }
0xfc: {  	[sflag:s18] =	ssyncset.done $0x0  }
0xfd: {  	[sflag:s18] =	ssyncadd.s32 $0xFFFFFC00  }
0xfe: {  	_ =	swait.ge [sflag:s18], $0x400  }
0xff: {  	[sflag:s18] =	ssyncset.done $0x0  }
0x100: {  	[sflag:s18] =	ssyncadd.s32 $0xFFFFFC00  }
0x101: {  	_ =	swait.ge [sflag:s18], $0x400  }
0x102: {  	[sflag:s18] =	ssyncset.done $0x0  }
0x103: {  	[sflag:s18] =	ssyncadd.s32 $0xFFFFFC00  }
0x104: {  	_ =	swait.ge [sflag:s18], $0x400  }
0x105: {  	p1 =	seq.s32 s30, $0x0;
	[sflag:s18] =	ssyncset.done $0x0  }
0x106: {  	s2 =	simm.s32 @!p1 $0x3;
	[sflag:s18] =	ssyncadd.s32 $0xFFFFFC00  }
0x107: {  	s1 =	simm.s32 $0x0;
	_ =	swait.ge @!p1 [sflag:s2], $0x5000  }
0x108: {  	v0 =	vadd.s32 s1, v3;
	s3 =	sand.u32 $0x70, s1;
	s9 =	sand.u32 $0xC00, s1;
	[sflag:s2] =	ssyncset.done @!p1 $0x0  }
0x109: {  	s9 =	sor.u32 s3, s9;
	v0 =	vand.u32 $0xFF80, v0;
	[sflag:s2] =	ssyncadd.s32 @!p1 $0xFFFFB000  }
0x10a: {  	v0 =	vor.u32 v4, v0;
	v1 =	vld [tilespmem:s9+$0x0];
	_ =	sdelay $0x3  }
0x10b: {  	v2 =	vadd.s32 s1, v5  }
0x10c: {  	[tilespmem:v0+s20+$0x0] =	vst.idx.msk $0xffff, v1;
	v0 =	vand.u32 $0xFF80, v2;
	v2 =	vld [tilespmem:$0x1FC00];
	_ =	sdelay $0x4  }
0x10d: {  	v0 =	vor.u32 v2, v0;
	v2 =	vld [tilespmem:$0x1FC10]  }
0x10e: {  	v1 =	vld [tilespmem:s9+$0x80];
	_ =	sdelay $0x3  }
0x10f: {  	v2 =	vadd.s32 s1, v2  }
0x110: {  	[tilespmem:v0+s20+$0x0] =	vst.idx.msk $0xffff, v1;
	v0 =	vand.u32 $0xFF80, v2;
	v2 =	vld [tilespmem:$0x1FC20];
	_ =	sdelay $0x3  }
0x111: {  	v9 =	vld [tilespmem:$0x1FC30]  }
0x112: {  	v1 =	vld [tilespmem:s9+$0x100];
	v0 =	vor.u32 v2, v0  }
0x113: {  	v10 =	vld [tilespmem:$0x1FC40];
	_ =	sdelay $0x2  }
0x114: {  	v2 =	vadd.s32 s1, v9  }
0x115: {  	v11 =	vld [tilespmem:$0x1FC50];
	[tilespmem:v0+s20+$0x0] =	vst.idx.msk $0xffff, v1;
	v0 =	vand.u32 $0xFF80, v2  }
0x116: {  	v1 =	vld [tilespmem:s9+$0x180];
	v0 =	vor.u32 v10, v0  }
0x117: {  	v12 =	vld [tilespmem:$0x1FC60];
	_ =	sdelay $0x2  }
0x118: {  	v2 =	vadd.s32 s1, v11  }
0x119: {  	v13 =	vld [tilespmem:$0x1FC70];
	[tilespmem:v0+s20+$0x0] =	vst.idx.msk $0xffff, v1;
	v0 =	vand.u32 $0xFF80, v2  }
0x11a: {  	v1 =	vld [tilespmem:s9+$0x200];
	v0 =	vor.u32 v12, v0  }
0x11b: {  	v14 =	vld [tilespmem:$0x1FC80];
	_ =	sdelay $0x2  }
0x11c: {  	v2 =	vadd.s32 s1, v13  }
0x11d: {  	v15 =	vld [tilespmem:$0x1FC90];
	[tilespmem:v0+s20+$0x0] =	vst.idx.msk $0xffff, v1;
	v0 =	vand.u32 $0xFF80, v2  }
0x11e: {  	v1 =	vld [tilespmem:s9+$0x280];
	v0 =	vor.u32 v14, v0  }
0x11f: {  	v16 =	vld [tilespmem:$0x1FCA0];
	_ =	sdelay $0x2  }
0x120: {  	v2 =	vadd.s32 s1, v15  }
0x121: {  	v17 =	vld [tilespmem:$0x1FCB0];
	[tilespmem:v0+s20+$0x0] =	vst.idx.msk $0xffff, v1;
	v0 =	vand.u32 $0xFF80, v2  }
0x122: {  	v1 =	vld [tilespmem:s9+$0x300];
	v0 =	vor.u32 v16, v0  }
0x123: {  	v18 =	vld [tilespmem:$0x1FCC0];
	_ =	sdelay $0x2  }
0x124: {  	s11 =	sor.u32 s1, s1;
	v2 =	vadd.s32 s1, v17  }
0x125: {  	v19 =	vld [tilespmem:$0x1FCD0];
	s2 =	sor.u32 $0x380, s11;
	[tilespmem:v0+s20+$0x0] =	vst.idx.msk $0xffff, v1;
	v0 =	vand.u32 $0xFF80, v2  }
0x126: {  	v1 =	vld [tilespmem:s2+$0x0];
	v0 =	vor.u32 v18, v0  }
0x127: {  	v20 =	vld [tilespmem:$0x1FCE0];
	_ =	sdelay $0x2  }
0x128: {  	v2 =	vadd.s32 s1, v19  }
0x129: {  	v21 =	vld [tilespmem:$0x1FCF0];
	[tilespmem:v0+s20+$0x0] =	vst.idx.msk $0xffff, v1;
	v0 =	vand.u32 $0xFF80, v2  }
0x12a: {  	v1 =	vld [tilespmem:s9+$0x1000];
	v0 =	vor.u32 v20, v0  }
0x12b: {  	v22 =	vld [tilespmem:$0x1FD00];
	_ =	sdelay $0x2  }
0x12c: {  	v2 =	vadd.s32 s1, v21  }
0x12d: {  	v23 =	vld [tilespmem:$0x1FD10];
	[tilespmem:v0+s20+$0x0] =	vst.idx.msk $0xffff, v1;
	v0 =	vand.u32 $0xFF80, v2  }
0x12e: {  	v1 =	vld [tilespmem:s9+$0x1080];
	v0 =	vor.u32 v22, v0  }
0x12f: {  	v24 =	vld [tilespmem:$0x1FD20];
	_ =	sdelay $0x2  }
0x130: {  	v2 =	vadd.s32 s1, v23  }
0x131: {  	v25 =	vld [tilespmem:$0x1FD30];
	[tilespmem:v0+s20+$0x0] =	vst.idx.msk $0xffff, v1;
	v0 =	vand.u32 $0xFF80, v2  }
0x132: {  	v1 =	vld [tilespmem:s9+$0x1100];
	v0 =	vor.u32 v24, v0  }
0x133: {  	v26 =	vld [tilespmem:$0x1FD40];
	_ =	sdelay $0x2  }
0x134: {  	v2 =	vadd.s32 s1, v25  }
0x135: {  	v27 =	vld [tilespmem:$0x1FD50];
	[tilespmem:v0+s20+$0x0] =	vst.idx.msk $0xffff, v1;
	v0 =	vand.u32 $0xFF80, v2  }
0x136: {  	v1 =	vld [tilespmem:s9+$0x1180];
	v0 =	vor.u32 v26, v0  }
0x137: {  	v28 =	vld [tilespmem:$0x1FD60];
	_ =	sdelay $0x2  }
0x138: {  	v2 =	vadd.s32 s1, v27  }
0x139: {  	v29 =	vld [tilespmem:$0x1FD70];
	[tilespmem:v0+s20+$0x0] =	vst.idx.msk $0xffff, v1;
	v0 =	vand.u32 $0xFF80, v2  }
0x13a: {  	v1 =	vld [tilespmem:s9+$0x1200];
	v0 =	vor.u32 v28, v0  }
0x13b: {  	v30 =	vld [tilespmem:$0x1FD80];
	_ =	sdelay $0x2  }
0x13c: {  	v2 =	vadd.s32 s1, v29  }
0x13d: {  	v31 =	vld [tilespmem:$0x1FD90];
	[tilespmem:v0+s20+$0x0] =	vst.idx.msk $0xffff, v1;
	v0 =	vand.u32 $0xFF80, v2  }
0x13e: {  	v1 =	vld [tilespmem:s9+$0x1280];
	v0 =	vor.u32 v30, v0  }
0x13f: {  	v32 =	vld [tilespmem:$0x1FDA0];
	_ =	sdelay $0x2  }
0x140: {  	v2 =	vadd.s32 s1, v31  }
0x141: {  	v33 =	vld [tilespmem:$0x1FDB0];
	[tilespmem:v0+s20+$0x0] =	vst.idx.msk $0xffff, v1;
	v0 =	vand.u32 $0xFF80, v2  }
0x142: {  	v1 =	vld [tilespmem:s9+$0x1300];
	v0 =	vor.u32 v32, v0  }
0x143: {  	v34 =	vld [tilespmem:$0x1FDC0];
	_ =	sdelay $0x2  }
0x144: {  	v2 =	vadd.s32 s1, v33  }
0x145: {  	v35 =	vld [tilespmem:$0x1FDD0];
	[tilespmem:v0+s20+$0x0] =	vst.idx.msk $0xffff, v1;
	v0 =	vand.u32 $0xFF80, v2  }
0x146: {  	v1 =	vld [tilespmem:s9+$0x1380];
	v0 =	vor.u32 v34, v0  }
0x147: {  	v36 =	vld [tilespmem:$0x1FDE0];
	_ =	sdelay $0x2  }
0x148: {  	v2 =	vadd.s32 s1, v35  }
0x149: {  	v37 =	vld [tilespmem:$0x1FDF0];
	[tilespmem:v0+s20+$0x0] =	vst.idx.msk $0xffff, v1;
	v0 =	vand.u32 $0xFF80, v2  }
0x14a: {  	v1 =	vld [tilespmem:s9+$0x2000];
	v0 =	vor.u32 v36, v0  }
0x14b: {  	v38 =	vld [tilespmem:$0x1FE00];
	_ =	sdelay $0x2  }
0x14c: {  	v2 =	vadd.s32 s1, v37  }
0x14d: {  	v39 =	vld [tilespmem:$0x1FE10];
	[tilespmem:v0+s20+$0x0] =	vst.idx.msk $0xffff, v1;
	v0 =	vand.u32 $0xFF80, v2  }
0x14e: {  	v1 =	vld [tilespmem:s9+$0x2080];
	v0 =	vor.u32 v38, v0  }
0x14f: {  	v40 =	vld [tilespmem:$0x1FE20];
	_ =	sdelay $0x2  }
0x150: {  	v2 =	vadd.s32 s1, v39  }
0x151: {  	v41 =	vld [tilespmem:$0x1FE30];
	[tilespmem:v0+s20+$0x0] =	vst.idx.msk $0xffff, v1;
	v0 =	vand.u32 $0xFF80, v2  }
0x152: {  	v1 =	vld [tilespmem:s9+$0x2100];
	v0 =	vor.u32 v40, v0  }
0x153: {  	v42 =	vld [tilespmem:$0x1FE40];
	_ =	sdelay $0x2  }
0x154: {  	v2 =	vadd.s32 s1, v41  }
0x155: {  	v43 =	vld [tilespmem:$0x1FE50];
	[tilespmem:v0+s20+$0x0] =	vst.idx.msk $0xffff, v1;
	v0 =	vand.u32 $0xFF80, v2  }
0x156: {  	v1 =	vld [tilespmem:s9+$0x2180];
	v0 =	vor.u32 v42, v0  }
0x157: {  	v44 =	vld [tilespmem:$0x1FE60];
	_ =	sdelay $0x2  }
0x158: {  	v2 =	vadd.s32 s1, v43  }
0x159: {  	v45 =	vld [tilespmem:$0x1FE70];
	[tilespmem:v0+s20+$0x0] =	vst.idx.msk $0xffff, v1;
	v0 =	vand.u32 $0xFF80, v2  }
0x15a: {  	v1 =	vld [tilespmem:s9+$0x2200];
	v0 =	vor.u32 v44, v0  }
0x15b: {  	v46 =	vld [tilespmem:$0x1FE80];
	_ =	sdelay $0x2  }
0x15c: {  	v2 =	vadd.s32 s1, v45  }
0x15d: {  	v47 =	vld [tilespmem:$0x1FE90];
	[tilespmem:v0+s20+$0x0] =	vst.idx.msk $0xffff, v1;
	v0 =	vand.u32 $0xFF80, v2  }
0x15e: {  	v1 =	vld [tilespmem:s9+$0x2280];
	v0 =	vor.u32 v46, v0  }
0x15f: {  	v48 =	vld [tilespmem:$0x1FEA0];
	_ =	sdelay $0x2  }
0x160: {  	v2 =	vadd.s32 s1, v47  }
0x161: {  	v49 =	vld [tilespmem:$0x1FEB0];
	[tilespmem:v0+s20+$0x0] =	vst.idx.msk $0xffff, v1;
	v0 =	vand.u32 $0xFF80, v2  }
0x162: {  	v1 =	vld [tilespmem:s9+$0x2300];
	v0 =	vor.u32 v48, v0  }
0x163: {  	v50 =	vld [tilespmem:$0x1FEC0];
	_ =	sdelay $0x2  }
0x164: {  	v2 =	vadd.s32 s1, v49  }
0x165: {  	v51 =	vld [tilespmem:$0x1FED0];
	[tilespmem:v0+s20+$0x0] =	vst.idx.msk $0xffff, v1;
	v0 =	vand.u32 $0xFF80, v2  }
0x166: {  	v1 =	vld [tilespmem:s9+$0x2380];
	v0 =	vor.u32 v50, v0  }
0x167: {  	v52 =	vld [tilespmem:$0x1FEE0];
	_ =	sdelay $0x2  }
0x168: {  	v2 =	vadd.s32 s1, v51  }
0x169: {  	v53 =	vld [tilespmem:$0x1FEF0];
	[tilespmem:v0+s20+$0x0] =	vst.idx.msk $0xffff, v1;
	v0 =	vand.u32 $0xFF80, v2  }
0x16a: {  	v1 =	vld [tilespmem:s9+$0x3000];
	v0 =	vor.u32 v52, v0  }
0x16b: {  	v54 =	vld [tilespmem:$0x1FF00];
	_ =	sdelay $0x2  }
0x16c: {  	v2 =	vadd.s32 s1, v53  }
0x16d: {  	v55 =	vld [tilespmem:$0x1FF10];
	[tilespmem:v0+s20+$0x0] =	vst.idx.msk $0xffff, v1;
	v0 =	vand.u32 $0xFF80, v2  }
0x16e: {  	v1 =	vld [tilespmem:s9+$0x3080];
	v0 =	vor.u32 v54, v0  }
0x16f: {  	v56 =	vld [tilespmem:$0x1FF20];
	_ =	sdelay $0x2  }
0x170: {  	v2 =	vadd.s32 s1, v55  }
0x171: {  	[tilespmem:v0+s20+$0x0] =	vst.idx.msk $0xffff, v1;
	v0 =	vand.u32 $0xFF80, v2  }
0x172: {  	v1 =	vld [tilespmem:s9+$0x3100];
	v0 =	vor.u32 v56, v0  }
0x173: {  	v60 =	vmov v57;
	v2 =	vadd.s32 s1, v57;
	v57 =	vld [tilespmem:$0x1FF30];
	_ =	sdelay $0x3  }
0x174: {  	[tilespmem:v0+s20+$0x0] =	vst.idx.msk $0xffff, v1;
	v0 =	vand.u32 $0xFF80, v2  }
0x175: {  	v1 =	vld [tilespmem:s9+$0x3180];
	v0 =	vor.u32 v57, v0  }
0x176: {  	v62 =	vmov v58;
	v2 =	vadd.s32 s1, v58;
	v58 =	vld [tilespmem:$0x1FF40];
	_ =	sdelay $0x3  }
0x177: {  	[tilespmem:v0+s20+$0x0] =	vst.idx.msk $0xffff, v1;
	v0 =	vand.u32 $0xFF80, v2  }
0x178: {  	v1 =	vld [tilespmem:s9+$0x3200];
	v0 =	vor.u32 v58, v0  }
0x179: {  	v63 =	vmov v59;
	v2 =	vadd.s32 s1, v59;
	v59 =	vld [tilespmem:$0x1FF50];
	_ =	sdelay $0x3  }
0x17a: {  	[tilespmem:v0+s20+$0x0] =	vst.idx.msk $0xffff, v1;
	v0 =	vand.u32 $0xFF80, v2  }
0x17b: {  	v1 =	vld [tilespmem:s9+$0x3280];
	v0 =	vor.u32 v59, v0  }
0x17c: {  	v8 =	vmov v3;
	v3 =	vmov v61;
	v2 =	vadd.s32 s1, v61;
	v61 =	vld [tilespmem:$0x1FF60];
	_ =	sdelay $0x3  }
0x17d: {  	[tilespmem:v0+s20+$0x0] =	vst.idx.msk $0xffff, v1;
	v0 =	vand.u32 $0xFF80, v2  }
0x17e: {  	v1 =	vld [tilespmem:s9+$0x3300];
	v0 =	vor.u32 v61, v0  }
0x17f: {  	v7 =	vld [tilespmem:$0x1FF80];
	_ =	sdelay $0x1  }
0x180: {  	s21 =	sshll.u32 s30, $0x6  }
0x181: {  	s31 =	sor.u32 s5, s21;
	v2 =	vadd.s32 s1, v6  }
0x182: {  	s3 =	simm.s32 $0x10;
	s2 =	simm.s32 $0x280;
	s1 =	simm.s32 $0x80;
	[tilespmem:v0+s20+$0x0] =	vst.idx.msk $0xffff, v1;
	v1 =	vand.u32 $0xFF80, v2  }
0x183: {  	s21 =	simm.s32 $0x20;
	s10 =	sand.u32 $0xC00, s1;
	v2 =	vadd.s32 s2, v8;
	v0 =	vld [tilespmem:s9+$0x3380];
	v1 =	vor.u32 v7, v1;
	s9 =	sand.u32 $0x70, s3  }
.LBB2_3:
0x184: {  	_ =	sdelay $0x3  }
0x185: {  	s9 =	sor.u32 s9, s10;
	v2 =	vand.u32 $0xFF80, v2;
	[tilespmem:v1+s20+$0x0] =	vst.idx.msk $0xffff, v0  }
0x186: {  	v1 =	vor.u32 v4, v2;
	v0 =	vld [tilespmem:s9+$0x0];
	_ =	sdelay $0x3  }
0x187: {  	v2 =	vadd.s32 s2, v5  }
0x188: {  	[tilespmem:v1+s20+$0x0] =	vst.idx.msk $0xffff, v0;
	v0 =	vand.u32 $0xFF80, v2;
	v2 =	vld [tilespmem:$0x1FC00];
	_ =	sdelay $0x4  }
0x189: {  	v0 =	vor.u32 v2, v0;
	v2 =	vld [tilespmem:$0x1FC10]  }
0x18a: {  	v1 =	vld [tilespmem:s9+$0x80];
	_ =	sdelay $0x3  }
0x18b: {  	v2 =	vadd.s32 s2, v2  }
0x18c: {  	[tilespmem:v0+s20+$0x0] =	vst.idx.msk $0xffff, v1;
	v0 =	vand.u32 $0xFF80, v2;
	v2 =	vld [tilespmem:$0x1FC20];
	_ =	sdelay $0x4  }
0x18d: {  	v1 =	vld [tilespmem:s9+$0x100];
	v0 =	vor.u32 v2, v0;
	_ =	sdelay $0x3  }
0x18e: {  	v2 =	vadd.s32 s2, v9  }
0x18f: {  	[tilespmem:v0+s20+$0x0] =	vst.idx.msk $0xffff, v1;
	v0 =	vand.u32 $0xFF80, v2  }
0x190: {  	v1 =	vld [tilespmem:s9+$0x180];
	v0 =	vor.u32 v10, v0;
	_ =	sdelay $0x3  }
0x191: {  	v2 =	vadd.s32 s2, v11  }
0x192: {  	[tilespmem:v0+s20+$0x0] =	vst.idx.msk $0xffff, v1;
	v0 =	vand.u32 $0xFF80, v2  }
0x193: {  	v1 =	vld [tilespmem:s9+$0x200];
	v0 =	vor.u32 v12, v0;
	_ =	sdelay $0x3  }
0x194: {  	v2 =	vadd.s32 s2, v13  }
0x195: {  	[tilespmem:v0+s20+$0x0] =	vst.idx.msk $0xffff, v1;
	v0 =	vand.u32 $0xFF80, v2  }
0x196: {  	v1 =	vld [tilespmem:s9+$0x280];
	v0 =	vor.u32 v14, v0;
	_ =	sdelay $0x3  }
0x197: {  	v2 =	vadd.s32 s2, v15  }
0x198: {  	[tilespmem:v0+s20+$0x0] =	vst.idx.msk $0xffff, v1;
	v0 =	vand.u32 $0xFF80, v2  }
0x199: {  	v1 =	vld [tilespmem:s9+$0x300];
	v0 =	vor.u32 v16, v0;
	_ =	sdelay $0x3  }
0x19a: {  	s11 =	sor.u32 s1, s3;
	v2 =	vadd.s32 s2, v17  }
0x19b: {  	s10 =	sor.u32 $0x380, s11;
	[tilespmem:v0+s20+$0x0] =	vst.idx.msk $0xffff, v1;
	v0 =	vand.u32 $0xFF80, v2  }
0x19c: {  	v1 =	vld [tilespmem:s10+$0x0];
	v0 =	vor.u32 v18, v0;
	_ =	sdelay $0x3  }
0x19d: {  	v2 =	vadd.s32 s2, v19  }
0x19e: {  	[tilespmem:v0+s20+$0x0] =	vst.idx.msk $0xffff, v1;
	v0 =	vand.u32 $0xFF80, v2  }
0x19f: {  	v1 =	vld [tilespmem:s9+$0x1000];
	v0 =	vor.u32 v20, v0;
	_ =	sdelay $0x3  }
0x1a0: {  	v2 =	vadd.s32 s2, v21  }
0x1a1: {  	[tilespmem:v0+s20+$0x0] =	vst.idx.msk $0xffff, v1;
	v0 =	vand.u32 $0xFF80, v2  }
0x1a2: {  	v1 =	vld [tilespmem:s9+$0x1080];
	v0 =	vor.u32 v22, v0;
	_ =	sdelay $0x3  }
0x1a3: {  	v2 =	vadd.s32 s2, v23  }
0x1a4: {  	[tilespmem:v0+s20+$0x0] =	vst.idx.msk $0xffff, v1;
	v0 =	vand.u32 $0xFF80, v2  }
0x1a5: {  	v1 =	vld [tilespmem:s9+$0x1100];
	v0 =	vor.u32 v24, v0;
	_ =	sdelay $0x3  }
0x1a6: {  	v2 =	vadd.s32 s2, v25  }
0x1a7: {  	[tilespmem:v0+s20+$0x0] =	vst.idx.msk $0xffff, v1;
	v0 =	vand.u32 $0xFF80, v2  }
0x1a8: {  	v1 =	vld [tilespmem:s9+$0x1180];
	v0 =	vor.u32 v26, v0;
	_ =	sdelay $0x3  }
0x1a9: {  	v2 =	vadd.s32 s2, v27  }
0x1aa: {  	[tilespmem:v0+s20+$0x0] =	vst.idx.msk $0xffff, v1;
	v0 =	vand.u32 $0xFF80, v2  }
0x1ab: {  	v1 =	vld [tilespmem:s9+$0x1200];
	v0 =	vor.u32 v28, v0;
	_ =	sdelay $0x3  }
0x1ac: {  	v2 =	vadd.s32 s2, v29  }
0x1ad: {  	[tilespmem:v0+s20+$0x0] =	vst.idx.msk $0xffff, v1;
	v0 =	vand.u32 $0xFF80, v2  }
0x1ae: {  	v1 =	vld [tilespmem:s9+$0x1280];
	v0 =	vor.u32 v30, v0;
	_ =	sdelay $0x3  }
0x1af: {  	v2 =	vadd.s32 s2, v31  }
0x1b0: {  	[tilespmem:v0+s20+$0x0] =	vst.idx.msk $0xffff, v1;
	v0 =	vand.u32 $0xFF80, v2  }
0x1b1: {  	v1 =	vld [tilespmem:s9+$0x1300];
	v0 =	vor.u32 v32, v0;
	_ =	sdelay $0x3  }
0x1b2: {  	v2 =	vadd.s32 s2, v33  }
0x1b3: {  	[tilespmem:v0+s20+$0x0] =	vst.idx.msk $0xffff, v1;
	v0 =	vand.u32 $0xFF80, v2  }
0x1b4: {  	v1 =	vld [tilespmem:s9+$0x1380];
	v0 =	vor.u32 v34, v0;
	_ =	sdelay $0x3  }
0x1b5: {  	v2 =	vadd.s32 s2, v35  }
0x1b6: {  	[tilespmem:v0+s20+$0x0] =	vst.idx.msk $0xffff, v1;
	v0 =	vand.u32 $0xFF80, v2  }
0x1b7: {  	v1 =	vld [tilespmem:s9+$0x2000];
	v0 =	vor.u32 v36, v0;
	_ =	sdelay $0x3  }
0x1b8: {  	v2 =	vadd.s32 s2, v37  }
0x1b9: {  	[tilespmem:v0+s20+$0x0] =	vst.idx.msk $0xffff, v1;
	v0 =	vand.u32 $0xFF80, v2  }
0x1ba: {  	v1 =	vld [tilespmem:s9+$0x2080];
	v0 =	vor.u32 v38, v0;
	_ =	sdelay $0x3  }
0x1bb: {  	v2 =	vadd.s32 s2, v39  }
0x1bc: {  	[tilespmem:v0+s20+$0x0] =	vst.idx.msk $0xffff, v1;
	v0 =	vand.u32 $0xFF80, v2  }
0x1bd: {  	v1 =	vld [tilespmem:s9+$0x2100];
	v0 =	vor.u32 v40, v0;
	_ =	sdelay $0x3  }
0x1be: {  	v2 =	vadd.s32 s2, v41  }
0x1bf: {  	[tilespmem:v0+s20+$0x0] =	vst.idx.msk $0xffff, v1;
	v0 =	vand.u32 $0xFF80, v2  }
0x1c0: {  	v1 =	vld [tilespmem:s9+$0x2180];
	v0 =	vor.u32 v42, v0;
	_ =	sdelay $0x3  }
0x1c1: {  	v2 =	vadd.s32 s2, v43  }
0x1c2: {  	[tilespmem:v0+s20+$0x0] =	vst.idx.msk $0xffff, v1;
	v0 =	vand.u32 $0xFF80, v2  }
0x1c3: {  	v1 =	vld [tilespmem:s9+$0x2200];
	v0 =	vor.u32 v44, v0;
	_ =	sdelay $0x3  }
0x1c4: {  	v2 =	vadd.s32 s2, v45  }
0x1c5: {  	[tilespmem:v0+s20+$0x0] =	vst.idx.msk $0xffff, v1;
	v0 =	vand.u32 $0xFF80, v2  }
0x1c6: {  	v1 =	vld [tilespmem:s9+$0x2280];
	v0 =	vor.u32 v46, v0;
	_ =	sdelay $0x3  }
0x1c7: {  	v2 =	vadd.s32 s2, v47  }
0x1c8: {  	[tilespmem:v0+s20+$0x0] =	vst.idx.msk $0xffff, v1;
	v0 =	vand.u32 $0xFF80, v2  }
0x1c9: {  	v1 =	vld [tilespmem:s9+$0x2300];
	v0 =	vor.u32 v48, v0;
	_ =	sdelay $0x3  }
0x1ca: {  	v2 =	vadd.s32 s2, v49  }
0x1cb: {  	[tilespmem:v0+s20+$0x0] =	vst.idx.msk $0xffff, v1;
	v0 =	vand.u32 $0xFF80, v2  }
0x1cc: {  	v1 =	vld [tilespmem:s9+$0x2380];
	v0 =	vor.u32 v50, v0;
	_ =	sdelay $0x3  }
0x1cd: {  	v2 =	vadd.s32 s2, v51  }
0x1ce: {  	[tilespmem:v0+s20+$0x0] =	vst.idx.msk $0xffff, v1;
	v0 =	vand.u32 $0xFF80, v2  }
0x1cf: {  	v1 =	vld [tilespmem:s9+$0x3000];
	v0 =	vor.u32 v52, v0;
	_ =	sdelay $0x3  }
0x1d0: {  	v2 =	vadd.s32 s2, v53  }
0x1d1: {  	[tilespmem:v0+s20+$0x0] =	vst.idx.msk $0xffff, v1;
	v0 =	vand.u32 $0xFF80, v2  }
0x1d2: {  	v1 =	vld [tilespmem:s9+$0x3080];
	v0 =	vor.u32 v54, v0;
	_ =	sdelay $0x3  }
0x1d3: {  	v2 =	vadd.s32 s2, v55  }
0x1d4: {  	[tilespmem:v0+s20+$0x0] =	vst.idx.msk $0xffff, v1;
	v0 =	vand.u32 $0xFF80, v2  }
0x1d5: {  	v1 =	vld [tilespmem:s9+$0x3100];
	v0 =	vor.u32 v56, v0;
	_ =	sdelay $0x3  }
0x1d6: {  	v2 =	vadd.s32 s2, v60  }
0x1d7: {  	[tilespmem:v0+s20+$0x0] =	vst.idx.msk $0xffff, v1;
	v0 =	vand.u32 $0xFF80, v2  }
0x1d8: {  	v1 =	vld [tilespmem:s9+$0x3180];
	v0 =	vor.u32 v57, v0;
	_ =	sdelay $0x3  }
0x1d9: {  	v2 =	vadd.s32 s2, v62  }
0x1da: {  	[tilespmem:v0+s20+$0x0] =	vst.idx.msk $0xffff, v1;
	v0 =	vand.u32 $0xFF80, v2  }
0x1db: {  	v1 =	vld [tilespmem:s9+$0x3200];
	v0 =	vor.u32 v58, v0;
	_ =	sdelay $0x3  }
0x1dc: {  	v2 =	vadd.s32 s2, v63  }
0x1dd: {  	[tilespmem:v0+s20+$0x0] =	vst.idx.msk $0xffff, v1;
	v0 =	vand.u32 $0xFF80, v2  }
0x1de: {  	v1 =	vld [tilespmem:s9+$0x3280];
	v0 =	vor.u32 v59, v0;
	_ =	sdelay $0x3  }
0x1df: {  	v2 =	vadd.s32 s2, v3  }
0x1e0: {  	[tilespmem:v0+s20+$0x0] =	vst.idx.msk $0xffff, v1;
	v0 =	vand.u32 $0xFF80, v2  }
0x1e1: {  	v1 =	vld [tilespmem:s9+$0x3300];
	v0 =	vor.u32 v61, v0  }
0x1e2: {  	p2 =	sne.s32 s21, $0x1F0  }
.Ltmp5:
0x1e3: {  	_ = 	snop;
	(pc) =	sbr.rel @p2 .LBB2_3-.Ltmp5, $4  }
0x1e4: {  	_ = 	snop  }
0x1e5: {  	v2 =	vadd.s32 s2, v6  }
0x1e6: {  	s3 =	smov.u32 s21;
	s1 =	sadd.s32 $0x80, s1;
	s2 =	sadd.s32 $0x280, s2;
	[tilespmem:v0+s20+$0x0] =	vst.idx.msk $0xffff, v1;
	v1 =	vand.u32 $0xFF80, v2  }
0x1e7: {  	s21 =	sadd.s32 $0x10, s21;
	s10 =	sand.u32 $0xC00, s1;
	v2 =	vadd.s32 s2, v8;
	v0 =	vld [tilespmem:s9+$0x3380];
	v1 =	vor.u32 v7, v1;
	s9 =	sand.u32 $0x70, s3  }
0x1e8: {  	_ =	sdelay $0x3  }
0x1e9: {  	s9 =	sor.u32 s9, s10;
	v2 =	vand.u32 $0xFF80, v2;
	[tilespmem:v1+s20+$0x0] =	vst.idx.msk $0xffff, v0  }
0x1ea: {  	v8 =	vor.u32 v4, v2;
	v0 =	vld [tilespmem:s9+$0x0];
	_ =	sdelay $0x4  }
0x1eb: {  	[tilespmem:v8+s20+$0x0] =	vst.idx.msk $0xffff, v0;
	v8 =	vld [tilespmem:$0x1FC00];
	_ =	sdelay $0x2  }
0x1ec: {  	v4 =	vadd.s32 s2, v5  }
0x1ed: {  	v5 =	vand.u32 $0xFF80, v4;
	v4 =	vld [tilespmem:$0x1FC10]  }
0x1ee: {  	v1 =	vld [tilespmem:s9+$0x80];
	v0 =	vor.u32 v8, v5  }
0x1ef: {  	v8 =	vld [tilespmem:$0x1FC20];
	_ =	sdelay $0x2  }
0x1f0: {  	v2 =	vadd.s32 s2, v4  }
0x1f1: {  	v5 =	vand.u32 $0xFF80, v2;
	[tilespmem:v0+s20+$0x0] =	vst.idx.msk $0xffff, v1  }
0x1f2: {  	v0 =	vor.u32 v8, v5;
	v1 =	vld [tilespmem:s9+$0x100];
	_ =	sdelay $0x3  }
0x1f3: {  	v9 =	vadd.s32 s2, v9  }
0x1f4: {  	v4 =	vand.u32 $0xFF80, v9;
	[tilespmem:v0+s20+$0x0] =	vst.idx.msk $0xffff, v1  }
0x1f5: {  	v0 =	vor.u32 v10, v4;
	v1 =	vld [tilespmem:s9+$0x180];
	_ =	sdelay $0x3  }
0x1f6: {  	v5 =	vadd.s32 s2, v11  }
0x1f7: {  	v8 =	vand.u32 $0xFF80, v5;
	[tilespmem:v0+s20+$0x0] =	vst.idx.msk $0xffff, v1  }
0x1f8: {  	v0 =	vor.u32 v12, v8;
	v1 =	vld [tilespmem:s9+$0x200];
	_ =	sdelay $0x3  }
0x1f9: {  	v9 =	vadd.s32 s2, v13  }
0x1fa: {  	v10 =	vand.u32 $0xFF80, v9;
	[tilespmem:v0+s20+$0x0] =	vst.idx.msk $0xffff, v1  }
0x1fb: {  	v0 =	vor.u32 v14, v10;
	v1 =	vld [tilespmem:s9+$0x280];
	_ =	sdelay $0x3  }
0x1fc: {  	v11 =	vadd.s32 s2, v15  }
0x1fd: {  	v12 =	vand.u32 $0xFF80, v11;
	[tilespmem:v0+s20+$0x0] =	vst.idx.msk $0xffff, v1  }
0x1fe: {  	v0 =	vor.u32 v16, v12;
	v1 =	vld [tilespmem:s9+$0x300];
	_ =	sdelay $0x3  }
0x1ff: {  	s1 =	sor.u32 s1, s3;
	v13 =	vadd.s32 s2, v17  }
0x200: {  	s1 =	sor.u32 $0x380, s1;
	v14 =	vand.u32 $0xFF80, v13;
	[tilespmem:v0+s20+$0x0] =	vst.idx.msk $0xffff, v1  }
0x201: {  	v0 =	vor.u32 v18, v14;
	v1 =	vld [tilespmem:s1+$0x0];
	_ =	sdelay $0x3  }
0x202: {  	v15 =	vadd.s32 s2, v19  }
0x203: {  	v16 =	vand.u32 $0xFF80, v15;
	[tilespmem:v0+s20+$0x0] =	vst.idx.msk $0xffff, v1  }
0x204: {  	v0 =	vor.u32 v20, v16;
	v1 =	vld [tilespmem:s9+$0x1000];
	_ =	sdelay $0x3  }
0x205: {  	v17 =	vadd.s32 s2, v21  }
0x206: {  	v18 =	vand.u32 $0xFF80, v17;
	[tilespmem:v0+s20+$0x0] =	vst.idx.msk $0xffff, v1  }
0x207: {  	v0 =	vor.u32 v22, v18;
	v1 =	vld [tilespmem:s9+$0x1080];
	_ =	sdelay $0x3  }
0x208: {  	v19 =	vadd.s32 s2, v23  }
0x209: {  	v20 =	vand.u32 $0xFF80, v19;
	[tilespmem:v0+s20+$0x0] =	vst.idx.msk $0xffff, v1  }
0x20a: {  	v0 =	vor.u32 v24, v20;
	v1 =	vld [tilespmem:s9+$0x1100];
	_ =	sdelay $0x3  }
0x20b: {  	v21 =	vadd.s32 s2, v25  }
0x20c: {  	v22 =	vand.u32 $0xFF80, v21;
	[tilespmem:v0+s20+$0x0] =	vst.idx.msk $0xffff, v1  }
0x20d: {  	v0 =	vor.u32 v26, v22;
	v1 =	vld [tilespmem:s9+$0x1180];
	_ =	sdelay $0x3  }
0x20e: {  	v23 =	vadd.s32 s2, v27  }
0x20f: {  	v24 =	vand.u32 $0xFF80, v23;
	[tilespmem:v0+s20+$0x0] =	vst.idx.msk $0xffff, v1  }
0x210: {  	v0 =	vor.u32 v28, v24;
	v1 =	vld [tilespmem:s9+$0x1200];
	_ =	sdelay $0x3  }
0x211: {  	v25 =	vadd.s32 s2, v29  }
0x212: {  	v26 =	vand.u32 $0xFF80, v25;
	[tilespmem:v0+s20+$0x0] =	vst.idx.msk $0xffff, v1  }
0x213: {  	v0 =	vor.u32 v30, v26;
	v1 =	vld [tilespmem:s9+$0x1280];
	_ =	sdelay $0x3  }
0x214: {  	v27 =	vadd.s32 s2, v31  }
0x215: {  	v28 =	vand.u32 $0xFF80, v27;
	[tilespmem:v0+s20+$0x0] =	vst.idx.msk $0xffff, v1  }
0x216: {  	v0 =	vor.u32 v32, v28;
	v1 =	vld [tilespmem:s9+$0x1300];
	_ =	sdelay $0x3  }
0x217: {  	v29 =	vadd.s32 s2, v33  }
0x218: {  	v30 =	vand.u32 $0xFF80, v29;
	[tilespmem:v0+s20+$0x0] =	vst.idx.msk $0xffff, v1  }
0x219: {  	v0 =	vor.u32 v34, v30;
	v1 =	vld [tilespmem:s9+$0x1380];
	_ =	sdelay $0x3  }
0x21a: {  	v31 =	vadd.s32 s2, v35  }
0x21b: {  	v32 =	vand.u32 $0xFF80, v31;
	[tilespmem:v0+s20+$0x0] =	vst.idx.msk $0xffff, v1  }
0x21c: {  	v0 =	vor.u32 v36, v32;
	v1 =	vld [tilespmem:s9+$0x2000];
	_ =	sdelay $0x3  }
0x21d: {  	v33 =	vadd.s32 s2, v37  }
0x21e: {  	v34 =	vand.u32 $0xFF80, v33;
	[tilespmem:v0+s20+$0x0] =	vst.idx.msk $0xffff, v1  }
0x21f: {  	v0 =	vor.u32 v38, v34;
	v1 =	vld [tilespmem:s9+$0x2080];
	_ =	sdelay $0x3  }
0x220: {  	v35 =	vadd.s32 s2, v39  }
0x221: {  	v36 =	vand.u32 $0xFF80, v35;
	[tilespmem:v0+s20+$0x0] =	vst.idx.msk $0xffff, v1  }
0x222: {  	v0 =	vor.u32 v40, v36;
	v1 =	vld [tilespmem:s9+$0x2100];
	_ =	sdelay $0x3  }
0x223: {  	v37 =	vadd.s32 s2, v41  }
0x224: {  	v38 =	vand.u32 $0xFF80, v37;
	[tilespmem:v0+s20+$0x0] =	vst.idx.msk $0xffff, v1  }
0x225: {  	v0 =	vor.u32 v42, v38;
	v1 =	vld [tilespmem:s9+$0x2180];
	_ =	sdelay $0x3  }
0x226: {  	v39 =	vadd.s32 s2, v43  }
0x227: {  	v40 =	vand.u32 $0xFF80, v39;
	[tilespmem:v0+s20+$0x0] =	vst.idx.msk $0xffff, v1  }
0x228: {  	v0 =	vor.u32 v44, v40;
	v1 =	vld [tilespmem:s9+$0x2200];
	_ =	sdelay $0x3  }
0x229: {  	v41 =	vadd.s32 s2, v45  }
0x22a: {  	v42 =	vand.u32 $0xFF80, v41;
	[tilespmem:v0+s20+$0x0] =	vst.idx.msk $0xffff, v1  }
0x22b: {  	v0 =	vor.u32 v46, v42;
	v1 =	vld [tilespmem:s9+$0x2280];
	_ =	sdelay $0x3  }
0x22c: {  	v43 =	vadd.s32 s2, v47  }
0x22d: {  	v44 =	vand.u32 $0xFF80, v43;
	[tilespmem:v0+s20+$0x0] =	vst.idx.msk $0xffff, v1  }
0x22e: {  	v0 =	vor.u32 v48, v44;
	v1 =	vld [tilespmem:s9+$0x2300];
	_ =	sdelay $0x3  }
0x22f: {  	v45 =	vadd.s32 s2, v49  }
0x230: {  	v46 =	vand.u32 $0xFF80, v45;
	[tilespmem:v0+s20+$0x0] =	vst.idx.msk $0xffff, v1  }
0x231: {  	v0 =	vor.u32 v50, v46;
	v1 =	vld [tilespmem:s9+$0x2380];
	_ =	sdelay $0x3  }
0x232: {  	v47 =	vadd.s32 s2, v51  }
0x233: {  	v48 =	vand.u32 $0xFF80, v47;
	[tilespmem:v0+s20+$0x0] =	vst.idx.msk $0xffff, v1  }
0x234: {  	v0 =	vor.u32 v52, v48;
	v1 =	vld [tilespmem:s9+$0x3000];
	_ =	sdelay $0x3  }
0x235: {  	v49 =	vadd.s32 s2, v53  }
0x236: {  	v50 =	vand.u32 $0xFF80, v49;
	[tilespmem:v0+s20+$0x0] =	vst.idx.msk $0xffff, v1  }
0x237: {  	v0 =	vor.u32 v54, v50;
	v1 =	vld [tilespmem:s9+$0x3080];
	_ =	sdelay $0x3  }
0x238: {  	v51 =	vadd.s32 s2, v55  }
0x239: {  	v52 =	vand.u32 $0xFF80, v51;
	[tilespmem:v0+s20+$0x0] =	vst.idx.msk $0xffff, v1  }
0x23a: {  	v0 =	vor.u32 v56, v52;
	v1 =	vld [tilespmem:s9+$0x3100];
	_ =	sdelay $0x3  }
0x23b: {  	v53 =	vadd.s32 s2, v60  }
0x23c: {  	v54 =	vand.u32 $0xFF80, v53;
	[tilespmem:v0+s20+$0x0] =	vst.idx.msk $0xffff, v1  }
0x23d: {  	v0 =	vor.u32 v57, v54;
	v1 =	vld [tilespmem:s9+$0x3180];
	_ =	sdelay $0x3  }
0x23e: {  	v55 =	vadd.s32 s2, v62  }
0x23f: {  	v56 =	vand.u32 $0xFF80, v55;
	[tilespmem:v0+s20+$0x0] =	vst.idx.msk $0xffff, v1  }
0x240: {  	v0 =	vor.u32 v58, v56;
	v1 =	vld [tilespmem:s9+$0x3200];
	_ =	sdelay $0x3  }
0x241: {  	v57 =	vadd.s32 s2, v63  }
0x242: {  	v58 =	vand.u32 $0xFF80, v57;
	[tilespmem:v0+s20+$0x0] =	vst.idx.msk $0xffff, v1  }
0x243: {  	v0 =	vor.u32 v59, v58;
	v1 =	vld [tilespmem:s9+$0x3280];
	_ =	sdelay $0x3  }
0x244: {  	v59 =	vadd.s32 s2, v3  }
0x245: {  	v60 =	vand.u32 $0xFF80, v59;
	[tilespmem:v0+s20+$0x0] =	vst.idx.msk $0xffff, v1  }
0x246: {  	v0 =	vor.u32 v61, v60;
	v1 =	vld [tilespmem:s9+$0x3300];
	_ =	sdelay $0x3  }
0x247: {  	v62 =	vadd.s32 s2, v6  }
0x248: {  	v63 =	vand.u32 $0xFF80, v62;
	[tilespmem:v0+s20+$0x0] =	vst.idx.msk $0xffff, v1  }
0x249: {  	v0 =	vor.u32 v7, v63;
	v1 =	vld [tilespmem:s9+$0x3380];
	_ =	sdelay $0x2  }
0x24a: {  	s21 =	smul.u32 $0xA00, s31;
	_ =	sdelay $0x1  }
0x24b: {  	p2 =	sgt.u32 s31, $0x760;
	s1 =	sadd.s32 s6, s21;
	[tilespmem:v0+s20+$0x0] =	vst.idx.msk $0xffff, v1  }
0x24c: {  	[hbm4b:s1+s4] =	stream.linear.scatter [tilespmem:s20], [sflag:$0x3], $0x5000, $0x38;
	[tilespmem:$0x12000] =	vst v63  }
0x24d: {  	s1 =	sshll.u32 @!p2 s31, $0x9  }
0x24e: {  	s1 =	sadd.s32 @!p2 $0x8000, s1  }
0x24f: {  	s3 =	simm.s32 @!p2 $0x0;
	s2 =	sadd.s32 @!p2 s0, s1  }
0x250: {  	[tilespmem:s3], [sflag:$0x1] =	stream.linear.gather @!p2 [hbm4b:s2+s3], $0x400, $0x38;
	[tilespmem:$0x12000] =	vst v63  }
0x251: {  	s9 =	simm.s32 @!p2 $0x400;
	s2 =	sadd.s32 @!p2 s1, s19  }
0x252: {  	[tilespmem:s9], [sflag:$0x1] =	stream.linear.gather @!p2 [hbm4b:s2+s3], $0x400, $0x38;
	[tilespmem:$0x12000] =	vst v63  }
0x253: {  	s2 =	sadd.s32 @!p2 s1, s23;
	s9 =	simm.s32 @!p2 $0x800  }
0x254: {  	[tilespmem:s9], [sflag:$0x1] =	stream.linear.gather @!p2 [hbm4b:s2+s3], $0x400, $0x38;
	[tilespmem:$0x12000] =	vst v63  }
0x255: {  	s2 =	sadd.s32 @!p2 s1, s8;
	s1 =	sand.u32 @!p2 $0x1FFFFE00, s1  }
0x256: {  	s9 =	simm.s32 @!p2 $0xC00;
	s1 =	sadd.s32 @!p2 s0, s1  }
0x257: {  	[tilespmem:s9], [sflag:$0x1] =	stream.linear.gather @!p2 [hbm4b:s2+s3], $0x400, $0x38;
	[tilespmem:$0x12000] =	vst v63  }
0x258: {  	s2 =	sadd.s32 @!p2 $0xF4280, s1;
	s9 =	simm.s32 @!p2 $0x1000  }
0x259: {  	[tilespmem:s9], [sflag:$0x1] =	stream.linear.gather @!p2 [hbm4b:s2+s3], $0x400, $0x38;
	[tilespmem:$0x12000] =	vst v63  }
0x25a: {  	s2 =	sadd.s32 @!p2 $0xF4300, s1;
	s9 =	simm.s32 @!p2 $0x1400  }
0x25b: {  	[tilespmem:s9], [sflag:$0x1] =	stream.linear.gather @!p2 [hbm4b:s2+s3], $0x400, $0x38;
	[tilespmem:$0x12000] =	vst v63  }
0x25c: {  	s2 =	sadd.s32 @!p2 $0xF4380, s1;
	s9 =	simm.s32 @!p2 $0x1800  }
0x25d: {  	[tilespmem:s9], [sflag:$0x1] =	stream.linear.gather @!p2 [hbm4b:s2+s3], $0x400, $0x38;
	[tilespmem:$0x12000] =	vst v63  }
0x25e: {  	s2 =	sadd.s32 @!p2 $0xF4400, s1;
	s9 =	simm.s32 @!p2 $0x1C00  }
0x25f: {  	[tilespmem:s9], [sflag:$0x1] =	stream.linear.gather @!p2 [hbm4b:s2+s3], $0x400, $0x38;
	[tilespmem:$0x12000] =	vst v63  }
0x260: {  	s2 =	sadd.s32 @!p2 $0x1E8500, s1;
	s9 =	simm.s32 @!p2 $0x2000  }
0x261: {  	[tilespmem:s9], [sflag:$0x1] =	stream.linear.gather @!p2 [hbm4b:s2+s3], $0x400, $0x38;
	[tilespmem:$0x12000] =	vst v63  }
0x262: {  	s2 =	sadd.s32 @!p2 $0x1E8580, s1;
	s9 =	simm.s32 @!p2 $0x2400  }
0x263: {  	[tilespmem:s9], [sflag:$0x1] =	stream.linear.gather @!p2 [hbm4b:s2+s3], $0x400, $0x38;
	[tilespmem:$0x12000] =	vst v63  }
0x264: {  	s2 =	sadd.s32 @!p2 $0x1E8600, s1;
	s9 =	simm.s32 @!p2 $0x2800  }
0x265: {  	[tilespmem:s9], [sflag:$0x1] =	stream.linear.gather @!p2 [hbm4b:s2+s3], $0x400, $0x38;
	[tilespmem:$0x12000] =	vst v63  }
0x266: {  	s2 =	sadd.s32 @!p2 $0x1E8680, s1;
	s9 =	simm.s32 @!p2 $0x2C00  }
0x267: {  	[tilespmem:s9], [sflag:$0x1] =	stream.linear.gather @!p2 [hbm4b:s2+s3], $0x400, $0x38;
	[tilespmem:$0x12000] =	vst v63  }
0x268: {  	s2 =	sadd.s32 @!p2 $0x2DC780, s1;
	s9 =	simm.s32 @!p2 $0x3000  }
0x269: {  	[tilespmem:s9], [sflag:$0x1] =	stream.linear.gather @!p2 [hbm4b:s2+s3], $0x400, $0x38;
	[tilespmem:$0x12000] =	vst v63  }
0x26a: {  	s2 =	sadd.s32 @!p2 $0x2DC800, s1;
	s9 =	simm.s32 @!p2 $0x3400  }
0x26b: {  	[tilespmem:s9], [sflag:$0x1] =	stream.linear.gather @!p2 [hbm4b:s2+s3], $0x400, $0x38;
	[tilespmem:$0x12000] =	vst v63  }
0x26c: {  	s2 =	sadd.s32 @!p2 $0x2DC880, s1;
	s9 =	simm.s32 @!p2 $0x3800  }
0x26d: {  	[tilespmem:s9], [sflag:$0x1] =	stream.linear.gather @!p2 [hbm4b:s2+s3], $0x400, $0x38;
	[tilespmem:$0x12000] =	vst v63  }
0x26e: {  	s1 =	sadd.s32 @!p2 $0x2DC900, s1;
	s2 =	simm.s32 @!p2 $0x3C00  }
0x26f: {  	[tilespmem:s2], [sflag:$0x1] =	stream.linear.gather @!p2 [hbm4b:s1+s3], $0x400, $0x38;
	[tilespmem:$0x12000] =	vst v63  }
0x270: {  	s2 =	sor.u32 $0x20, s31  }
0x271: {  	p2 =	sgt.u32 s2, $0x7A0  }
.Ltmp6:
0x272: {  	_ = 	snop;
	(pc) =	sbr.rel @p2 .LBB2_8-.Ltmp6, $1  }
0x273: {  	_ =	sdelay $0x3  }
0x274: {  	_ =	swait.ge [sflag:s22], $0x400  }
0x275: {  	[sflag:s22] =	ssyncset.done $0x0  }
0x276: {  	[sflag:s22] =	ssyncadd.s32 $0xFFFFFC00  }
0x277: {  	_ =	swait.ge [sflag:s22], $0x400  }
0x278: {  	[sflag:s22] =	ssyncset.done $0x0  }
0x279: {  	[sflag:s22] =	ssyncadd.s32 $0xFFFFFC00  }
0x27a: {  	_ =	swait.ge [sflag:s22], $0x400  }
0x27b: {  	[sflag:s22] =	ssyncset.done $0x0  }
0x27c: {  	[sflag:s22] =	ssyncadd.s32 $0xFFFFFC00  }
0x27d: {  	_ =	swait.ge [sflag:s22], $0x400  }
0x27e: {  	[sflag:s22] =	ssyncset.done $0x0  }
0x27f: {  	[sflag:s22] =	ssyncadd.s32 $0xFFFFFC00  }
0x280: {  	_ =	swait.ge [sflag:s22], $0x400  }
0x281: {  	[sflag:s22] =	ssyncset.done $0x0  }
0x282: {  	[sflag:s22] =	ssyncadd.s32 $0xFFFFFC00  }
0x283: {  	_ =	swait.ge [sflag:s22], $0x400  }
0x284: {  	[sflag:s22] =	ssyncset.done $0x0  }
0x285: {  	[sflag:s22] =	ssyncadd.s32 $0xFFFFFC00  }
0x286: {  	_ =	swait.ge [sflag:s22], $0x400  }
0x287: {  	[sflag:s22] =	ssyncset.done $0x0  }
0x288: {  	[sflag:s22] =	ssyncadd.s32 $0xFFFFFC00  }
0x289: {  	_ =	swait.ge [sflag:s22], $0x400  }
0x28a: {  	[sflag:s22] =	ssyncset.done $0x0  }
0x28b: {  	[sflag:s22] =	ssyncadd.s32 $0xFFFFFC00  }
0x28c: {  	_ =	swait.ge [sflag:s22], $0x400  }
0x28d: {  	[sflag:s22] =	ssyncset.done $0x0  }
0x28e: {  	[sflag:s22] =	ssyncadd.s32 $0xFFFFFC00  }
0x28f: {  	_ =	swait.ge [sflag:s22], $0x400  }
0x290: {  	[sflag:s22] =	ssyncset.done $0x0  }
0x291: {  	[sflag:s22] =	ssyncadd.s32 $0xFFFFFC00  }
0x292: {  	_ =	swait.ge [sflag:s22], $0x400  }
0x293: {  	[sflag:s22] =	ssyncset.done $0x0  }
0x294: {  	[sflag:s22] =	ssyncadd.s32 $0xFFFFFC00  }
0x295: {  	_ =	swait.ge [sflag:s22], $0x400  }
0x296: {  	[sflag:s22] =	ssyncset.done $0x0  }
0x297: {  	[sflag:s22] =	ssyncadd.s32 $0xFFFFFC00  }
0x298: {  	_ =	swait.ge [sflag:s22], $0x400  }
0x299: {  	[sflag:s22] =	ssyncset.done $0x0  }
0x29a: {  	[sflag:s22] =	ssyncadd.s32 $0xFFFFFC00  }
0x29b: {  	_ =	swait.ge [sflag:s22], $0x400  }
0x29c: {  	[sflag:s22] =	ssyncset.done $0x0  }
0x29d: {  	[sflag:s22] =	ssyncadd.s32 $0xFFFFFC00  }
0x29e: {  	_ =	swait.ge [sflag:s22], $0x400  }
0x29f: {  	[sflag:s22] =	ssyncset.done $0x0  }
0x2a0: {  	[sflag:s22] =	ssyncadd.s32 $0xFFFFFC00  }
0x2a1: {  	_ =	swait.ge [sflag:s22], $0x400  }
0x2a2: {  	[sflag:s22] =	ssyncset.done $0x0  }
0x2a3: {  	s3 =	simm.s32 @!p1 $0x4;
	[sflag:s22] =	ssyncadd.s32 $0xFFFFFC00  }
0x2a4: {  	_ =	swait.ge @!p1 [sflag:s3], $0x5000  }
0x2a5: {  	v4 =	vld [tilespmem:$0x1FF90];
	_ =	sdelay $0x1  }
0x2a6: {  	v2 =	vld [tilespmem:$0x1FF70];
	_ =	sdelay $0x1  }
0x2a7: {  	s1 =	simm.s32 $0x0  }
0x2a8: {  	s9 =	sand.u32 $0x70, s1;
	s10 =	sand.u32 $0xC00, s1;
	[sflag:s3] =	ssyncset.done @!p1 $0x0;
	v0 =	vadd.s32 s1, v4  }
0x2a9: {  	s9 =	sor.u32 s9, s10;
	v5 =	vld [tilespmem:$0x1FFA0];
	[sflag:s3] =	ssyncadd.s32 @!p1 $0xFFFFB000;
	v0 =	vand.u32 $0xFF80, v0  }
0x2aa: {  	v1 =	vld [tilespmem:s9+$0x4000];
	v0 =	vor.u32 v2, v0  }
0x2ab: {  	v6 =	vld [tilespmem:$0x1FC00];
	_ =	sdelay $0x2  }
0x2ac: {  	v2 =	vadd.s32 s1, v5  }
0x2ad: {  	v7 =	vld [tilespmem:$0x1FC10];
	[tilespmem:v0+s24+$0x0] =	vst.idx.msk $0xffff, v1;
	v0 =	vand.u32 $0xFF80, v2  }
0x2ae: {  	v1 =	vld [tilespmem:s9+$0x4080];
	v0 =	vor.u32 v6, v0  }
0x2af: {  	v8 =	vld [tilespmem:$0x1FC20];
	_ =	sdelay $0x2  }
0x2b0: {  	v2 =	vadd.s32 s1, v7  }
0x2b1: {  	v9 =	vld [tilespmem:$0x1FC30];
	[tilespmem:v0+s24+$0x0] =	vst.idx.msk $0xffff, v1;
	v0 =	vand.u32 $0xFF80, v2  }
0x2b2: {  	v1 =	vld [tilespmem:s9+$0x4100];
	v0 =	vor.u32 v8, v0  }
0x2b3: {  	v10 =	vld [tilespmem:$0x1FC40];
	_ =	sdelay $0x2  }
0x2b4: {  	v2 =	vadd.s32 s1, v9  }
0x2b5: {  	v11 =	vld [tilespmem:$0x1FC50];
	[tilespmem:v0+s24+$0x0] =	vst.idx.msk $0xffff, v1;
	v0 =	vand.u32 $0xFF80, v2  }
0x2b6: {  	v1 =	vld [tilespmem:s9+$0x4180];
	v0 =	vor.u32 v10, v0  }
0x2b7: {  	v12 =	vld [tilespmem:$0x1FC60];
	_ =	sdelay $0x2  }
0x2b8: {  	v2 =	vadd.s32 s1, v11  }
0x2b9: {  	v13 =	vld [tilespmem:$0x1FC70];
	[tilespmem:v0+s24+$0x0] =	vst.idx.msk $0xffff, v1;
	v0 =	vand.u32 $0xFF80, v2  }
0x2ba: {  	v1 =	vld [tilespmem:s9+$0x4200];
	v0 =	vor.u32 v12, v0  }
0x2bb: {  	v14 =	vld [tilespmem:$0x1FC80];
	_ =	sdelay $0x2  }
0x2bc: {  	v2 =	vadd.s32 s1, v13  }
0x2bd: {  	v15 =	vld [tilespmem:$0x1FC90];
	[tilespmem:v0+s24+$0x0] =	vst.idx.msk $0xffff, v1;
	v0 =	vand.u32 $0xFF80, v2  }
0x2be: {  	v1 =	vld [tilespmem:s9+$0x4280];
	v0 =	vor.u32 v14, v0  }
0x2bf: {  	v16 =	vld [tilespmem:$0x1FCA0];
	_ =	sdelay $0x2  }
0x2c0: {  	v2 =	vadd.s32 s1, v15  }
0x2c1: {  	v17 =	vld [tilespmem:$0x1FCB0];
	[tilespmem:v0+s24+$0x0] =	vst.idx.msk $0xffff, v1;
	v0 =	vand.u32 $0xFF80, v2  }
0x2c2: {  	v1 =	vld [tilespmem:s9+$0x4300];
	v0 =	vor.u32 v16, v0  }
0x2c3: {  	v18 =	vld [tilespmem:$0x1FCC0];
	_ =	sdelay $0x2  }
0x2c4: {  	s21 =	sor.u32 s1, s1;
	v2 =	vadd.s32 s1, v17  }
0x2c5: {  	v19 =	vld [tilespmem:$0x1FCD0];
	s3 =	sor.u32 $0x380, s21;
	[tilespmem:v0+s24+$0x0] =	vst.idx.msk $0xffff, v1;
	v0 =	vand.u32 $0xFF80, v2  }
0x2c6: {  	v1 =	vld [tilespmem:s3+$0x4000];
	v0 =	vor.u32 v18, v0  }
0x2c7: {  	v20 =	vld [tilespmem:$0x1FCE0];
	_ =	sdelay $0x2  }
0x2c8: {  	v2 =	vadd.s32 s1, v19  }
0x2c9: {  	v21 =	vld [tilespmem:$0x1FCF0];
	[tilespmem:v0+s24+$0x0] =	vst.idx.msk $0xffff, v1;
	v0 =	vand.u32 $0xFF80, v2  }
0x2ca: {  	v1 =	vld [tilespmem:s9+$0x5000];
	v0 =	vor.u32 v20, v0  }
0x2cb: {  	v22 =	vld [tilespmem:$0x1FD00];
	_ =	sdelay $0x2  }
0x2cc: {  	v2 =	vadd.s32 s1, v21  }
0x2cd: {  	v23 =	vld [tilespmem:$0x1FD10];
	[tilespmem:v0+s24+$0x0] =	vst.idx.msk $0xffff, v1;
	v0 =	vand.u32 $0xFF80, v2  }
0x2ce: {  	v1 =	vld [tilespmem:s9+$0x5080];
	v0 =	vor.u32 v22, v0  }
0x2cf: {  	v24 =	vld [tilespmem:$0x1FD20];
	_ =	sdelay $0x2  }
0x2d0: {  	v2 =	vadd.s32 s1, v23  }
0x2d1: {  	v25 =	vld [tilespmem:$0x1FD30];
	[tilespmem:v0+s24+$0x0] =	vst.idx.msk $0xffff, v1;
	v0 =	vand.u32 $0xFF80, v2  }
0x2d2: {  	v1 =	vld [tilespmem:s9+$0x5100];
	v0 =	vor.u32 v24, v0  }
0x2d3: {  	v26 =	vld [tilespmem:$0x1FD40];
	_ =	sdelay $0x2  }
0x2d4: {  	v2 =	vadd.s32 s1, v25  }
0x2d5: {  	v27 =	vld [tilespmem:$0x1FD50];
	[tilespmem:v0+s24+$0x0] =	vst.idx.msk $0xffff, v1;
	v0 =	vand.u32 $0xFF80, v2  }
0x2d6: {  	v1 =	vld [tilespmem:s9+$0x5180];
	v0 =	vor.u32 v26, v0  }
0x2d7: {  	v28 =	vld [tilespmem:$0x1FD60];
	_ =	sdelay $0x2  }
0x2d8: {  	v2 =	vadd.s32 s1, v27  }
0x2d9: {  	v29 =	vld [tilespmem:$0x1FD70];
	[tilespmem:v0+s24+$0x0] =	vst.idx.msk $0xffff, v1;
	v0 =	vand.u32 $0xFF80, v2  }
0x2da: {  	v1 =	vld [tilespmem:s9+$0x5200];
	v0 =	vor.u32 v28, v0  }
0x2db: {  	v30 =	vld [tilespmem:$0x1FD80];
	_ =	sdelay $0x2  }
0x2dc: {  	v2 =	vadd.s32 s1, v29  }
0x2dd: {  	v31 =	vld [tilespmem:$0x1FD90];
	[tilespmem:v0+s24+$0x0] =	vst.idx.msk $0xffff, v1;
	v0 =	vand.u32 $0xFF80, v2  }
0x2de: {  	v1 =	vld [tilespmem:s9+$0x5280];
	v0 =	vor.u32 v30, v0  }
0x2df: {  	v32 =	vld [tilespmem:$0x1FDA0];
	_ =	sdelay $0x2  }
0x2e0: {  	v2 =	vadd.s32 s1, v31  }
0x2e1: {  	v33 =	vld [tilespmem:$0x1FDB0];
	[tilespmem:v0+s24+$0x0] =	vst.idx.msk $0xffff, v1;
	v0 =	vand.u32 $0xFF80, v2  }
0x2e2: {  	v1 =	vld [tilespmem:s9+$0x5300];
	v0 =	vor.u32 v32, v0  }
0x2e3: {  	v34 =	vld [tilespmem:$0x1FDC0];
	_ =	sdelay $0x2  }
0x2e4: {  	v2 =	vadd.s32 s1, v33  }
0x2e5: {  	v35 =	vld [tilespmem:$0x1FDD0];
	[tilespmem:v0+s24+$0x0] =	vst.idx.msk $0xffff, v1;
	v0 =	vand.u32 $0xFF80, v2  }
0x2e6: {  	v1 =	vld [tilespmem:s9+$0x5380];
	v0 =	vor.u32 v34, v0  }
0x2e7: {  	v36 =	vld [tilespmem:$0x1FDE0];
	_ =	sdelay $0x2  }
0x2e8: {  	v2 =	vadd.s32 s1, v35  }
0x2e9: {  	v37 =	vld [tilespmem:$0x1FDF0];
	[tilespmem:v0+s24+$0x0] =	vst.idx.msk $0xffff, v1;
	v0 =	vand.u32 $0xFF80, v2  }
0x2ea: {  	v1 =	vld [tilespmem:s9+$0x6000];
	v0 =	vor.u32 v36, v0  }
0x2eb: {  	v38 =	vld [tilespmem:$0x1FE00];
	_ =	sdelay $0x2  }
0x2ec: {  	v2 =	vadd.s32 s1, v37  }
0x2ed: {  	v39 =	vld [tilespmem:$0x1FE10];
	[tilespmem:v0+s24+$0x0] =	vst.idx.msk $0xffff, v1;
	v0 =	vand.u32 $0xFF80, v2  }
0x2ee: {  	v1 =	vld [tilespmem:s9+$0x6080];
	v0 =	vor.u32 v38, v0  }
0x2ef: {  	v40 =	vld [tilespmem:$0x1FE20];
	_ =	sdelay $0x2  }
0x2f0: {  	v2 =	vadd.s32 s1, v39  }
0x2f1: {  	v41 =	vld [tilespmem:$0x1FE30];
	[tilespmem:v0+s24+$0x0] =	vst.idx.msk $0xffff, v1;
	v0 =	vand.u32 $0xFF80, v2  }
0x2f2: {  	v1 =	vld [tilespmem:s9+$0x6100];
	v0 =	vor.u32 v40, v0  }
0x2f3: {  	v42 =	vld [tilespmem:$0x1FE40];
	_ =	sdelay $0x2  }
0x2f4: {  	v2 =	vadd.s32 s1, v41  }
0x2f5: {  	v43 =	vld [tilespmem:$0x1FE50];
	[tilespmem:v0+s24+$0x0] =	vst.idx.msk $0xffff, v1;
	v0 =	vand.u32 $0xFF80, v2  }
0x2f6: {  	v1 =	vld [tilespmem:s9+$0x6180];
	v0 =	vor.u32 v42, v0  }
0x2f7: {  	v44 =	vld [tilespmem:$0x1FE60];
	_ =	sdelay $0x2  }
0x2f8: {  	v2 =	vadd.s32 s1, v43  }
0x2f9: {  	v45 =	vld [tilespmem:$0x1FE70];
	[tilespmem:v0+s24+$0x0] =	vst.idx.msk $0xffff, v1;
	v0 =	vand.u32 $0xFF80, v2  }
0x2fa: {  	v1 =	vld [tilespmem:s9+$0x6200];
	v0 =	vor.u32 v44, v0  }
0x2fb: {  	v46 =	vld [tilespmem:$0x1FE80];
	_ =	sdelay $0x2  }
0x2fc: {  	v2 =	vadd.s32 s1, v45  }
0x2fd: {  	v47 =	vld [tilespmem:$0x1FE90];
	[tilespmem:v0+s24+$0x0] =	vst.idx.msk $0xffff, v1;
	v0 =	vand.u32 $0xFF80, v2  }
0x2fe: {  	v1 =	vld [tilespmem:s9+$0x6280];
	v0 =	vor.u32 v46, v0  }
0x2ff: {  	v48 =	vld [tilespmem:$0x1FEA0];
	_ =	sdelay $0x2  }
0x300: {  	v2 =	vadd.s32 s1, v47  }
0x301: {  	v49 =	vld [tilespmem:$0x1FEB0];
	[tilespmem:v0+s24+$0x0] =	vst.idx.msk $0xffff, v1;
	v0 =	vand.u32 $0xFF80, v2  }
0x302: {  	v1 =	vld [tilespmem:s9+$0x6300];
	v0 =	vor.u32 v48, v0  }
0x303: {  	v50 =	vld [tilespmem:$0x1FEC0];
	_ =	sdelay $0x2  }
0x304: {  	v2 =	vadd.s32 s1, v49  }
0x305: {  	v51 =	vld [tilespmem:$0x1FED0];
	[tilespmem:v0+s24+$0x0] =	vst.idx.msk $0xffff, v1;
	v0 =	vand.u32 $0xFF80, v2  }
0x306: {  	v1 =	vld [tilespmem:s9+$0x6380];
	v0 =	vor.u32 v50, v0  }
0x307: {  	v52 =	vld [tilespmem:$0x1FEE0];
	_ =	sdelay $0x2  }
0x308: {  	v2 =	vadd.s32 s1, v51  }
0x309: {  	v53 =	vld [tilespmem:$0x1FEF0];
	[tilespmem:v0+s24+$0x0] =	vst.idx.msk $0xffff, v1;
	v0 =	vand.u32 $0xFF80, v2  }
0x30a: {  	v1 =	vld [tilespmem:s9+$0x7000];
	v0 =	vor.u32 v52, v0  }
0x30b: {  	v54 =	vld [tilespmem:$0x1FF00];
	_ =	sdelay $0x2  }
0x30c: {  	v2 =	vadd.s32 s1, v53  }
0x30d: {  	v55 =	vld [tilespmem:$0x1FF10];
	[tilespmem:v0+s24+$0x0] =	vst.idx.msk $0xffff, v1;
	v0 =	vand.u32 $0xFF80, v2  }
0x30e: {  	v1 =	vld [tilespmem:s9+$0x7080];
	v0 =	vor.u32 v54, v0  }
0x30f: {  	v56 =	vld [tilespmem:$0x1FF20];
	_ =	sdelay $0x2  }
0x310: {  	v2 =	vadd.s32 s1, v55  }
0x311: {  	v60 =	vld [tilespmem:$0x1FFB0];
	[tilespmem:v0+s24+$0x0] =	vst.idx.msk $0xffff, v1;
	v0 =	vand.u32 $0xFF80, v2  }
0x312: {  	v1 =	vld [tilespmem:s9+$0x7100];
	v0 =	vor.u32 v56, v0  }
0x313: {  	v57 =	vld [tilespmem:$0x1FF30];
	_ =	sdelay $0x2  }
0x314: {  	v2 =	vadd.s32 s1, v60  }
0x315: {  	v62 =	vld [tilespmem:$0x1FFC0];
	[tilespmem:v0+s24+$0x0] =	vst.idx.msk $0xffff, v1;
	v0 =	vand.u32 $0xFF80, v2  }
0x316: {  	v1 =	vld [tilespmem:s9+$0x7180];
	v0 =	vor.u32 v57, v0  }
0x317: {  	v58 =	vld [tilespmem:$0x1FF40];
	_ =	sdelay $0x2  }
0x318: {  	v2 =	vadd.s32 s1, v62  }
0x319: {  	v63 =	vld [tilespmem:$0x1FFD0];
	[tilespmem:v0+s24+$0x0] =	vst.idx.msk $0xffff, v1;
	v0 =	vand.u32 $0xFF80, v2  }
0x31a: {  	v1 =	vld [tilespmem:s9+$0x7200];
	v0 =	vor.u32 v58, v0  }
0x31b: {  	v59 =	vld [tilespmem:$0x1FF50];
	_ =	sdelay $0x2  }
0x31c: {  	v2 =	vadd.s32 s1, v63  }
0x31d: {  	[tilespmem:v0+s24+$0x0] =	vst.idx.msk $0xffff, v1;
	v0 =	vand.u32 $0xFF80, v2;
	v2 =	vld [tilespmem:$0x1FFE0]  }
0x31e: {  	v1 =	vld [tilespmem:s9+$0x7280];
	v0 =	vor.u32 v59, v0  }
0x31f: {  	v61 =	vld [tilespmem:$0x1FF60];
	_ =	sdelay $0x2  }
0x320: {  	v2 =	vadd.s32 s1, v2  }
0x321: {  	[tilespmem:v0+s24+$0x0] =	vst.idx.msk $0xffff, v1;
	v0 =	vand.u32 $0xFF80, v2;
	v2 =	vld [tilespmem:$0x1FFF0]  }
0x322: {  	v1 =	vld [tilespmem:s9+$0x7300];
	v0 =	vor.u32 v61, v0  }
0x323: {  	v3 =	vld [tilespmem:$0x1FF80];
	_ =	sdelay $0x2  }
0x324: {  	v2 =	vadd.s32 s1, v2  }
0x325: {  	s21 =	simm.s32 $0x80;
	s3 =	simm.s32 $0x280;
	s1 =	simm.s32 $0x10;
	[tilespmem:v0+s24+$0x0] =	vst.idx.msk $0xffff, v1;
	v1 =	vand.u32 $0xFF80, v2  }
0x326: {  	s11 =	sand.u32 $0xC00, s21;
	v2 =	vadd.s32 s3, v4;
	s10 =	sand.u32 $0x70, s1;
	v0 =	vld [tilespmem:s9+$0x7380];
	v1 =	vor.u32 v3, v1;
	s9 =	simm.s32 $0x20  }
.LBB2_6:
0x327: {  	_ =	sdelay $0x3  }
0x328: {  	[tilespmem:v1+s24+$0x0] =	vst.idx.msk $0xffff, v0;
	v1 =	vld [tilespmem:$0x1FF70];
	_ =	sdelay $0x3  }
0x329: {  	s10 =	sor.u32 s10, s11;
	v2 =	vand.u32 $0xFF80, v2  }
0x32a: {  	v0 =	vld [tilespmem:s10+$0x4000];
	v1 =	vor.u32 v1, v2;
	_ =	sdelay $0x3  }
0x32b: {  	v2 =	vadd.s32 s3, v5  }
0x32c: {  	[tilespmem:v1+s24+$0x0] =	vst.idx.msk $0xffff, v0;
	v0 =	vand.u32 $0xFF80, v2  }
0x32d: {  	v1 =	vld [tilespmem:s10+$0x4080];
	v0 =	vor.u32 v6, v0;
	_ =	sdelay $0x3  }
0x32e: {  	v2 =	vadd.s32 s3, v7  }
0x32f: {  	[tilespmem:v0+s24+$0x0] =	vst.idx.msk $0xffff, v1;
	v0 =	vand.u32 $0xFF80, v2  }
0x330: {  	v1 =	vld [tilespmem:s10+$0x4100];
	v0 =	vor.u32 v8, v0;
	_ =	sdelay $0x3  }
0x331: {  	v2 =	vadd.s32 s3, v9  }
0x332: {  	[tilespmem:v0+s24+$0x0] =	vst.idx.msk $0xffff, v1;
	v0 =	vand.u32 $0xFF80, v2  }
0x333: {  	v1 =	vld [tilespmem:s10+$0x4180];
	v0 =	vor.u32 v10, v0;
	_ =	sdelay $0x3  }
0x334: {  	v2 =	vadd.s32 s3, v11  }
0x335: {  	[tilespmem:v0+s24+$0x0] =	vst.idx.msk $0xffff, v1;
	v0 =	vand.u32 $0xFF80, v2  }
0x336: {  	v1 =	vld [tilespmem:s10+$0x4200];
	v0 =	vor.u32 v12, v0;
	_ =	sdelay $0x3  }
0x337: {  	v2 =	vadd.s32 s3, v13  }
0x338: {  	[tilespmem:v0+s24+$0x0] =	vst.idx.msk $0xffff, v1;
	v0 =	vand.u32 $0xFF80, v2  }
0x339: {  	v1 =	vld [tilespmem:s10+$0x4280];
	v0 =	vor.u32 v14, v0;
	_ =	sdelay $0x3  }
0x33a: {  	v2 =	vadd.s32 s3, v15  }
0x33b: {  	[tilespmem:v0+s24+$0x0] =	vst.idx.msk $0xffff, v1;
	v0 =	vand.u32 $0xFF80, v2  }
0x33c: {  	v1 =	vld [tilespmem:s10+$0x4300];
	v0 =	vor.u32 v16, v0;
	_ =	sdelay $0x3  }
0x33d: {  	s11 =	sor.u32 s21, s1;
	v2 =	vadd.s32 s3, v17  }
0x33e: {  	s11 =	sor.u32 $0x380, s11;
	[tilespmem:v0+s24+$0x0] =	vst.idx.msk $0xffff, v1;
	v0 =	vand.u32 $0xFF80, v2  }
0x33f: {  	v1 =	vld [tilespmem:s11+$0x4000];
	v0 =	vor.u32 v18, v0;
	_ =	sdelay $0x3  }
0x340: {  	v2 =	vadd.s32 s3, v19  }
0x341: {  	[tilespmem:v0+s24+$0x0] =	vst.idx.msk $0xffff, v1;
	v0 =	vand.u32 $0xFF80, v2  }
0x342: {  	v1 =	vld [tilespmem:s10+$0x5000];
	v0 =	vor.u32 v20, v0;
	_ =	sdelay $0x3  }
0x343: {  	v2 =	vadd.s32 s3, v21  }
0x344: {  	[tilespmem:v0+s24+$0x0] =	vst.idx.msk $0xffff, v1;
	v0 =	vand.u32 $0xFF80, v2  }
0x345: {  	v1 =	vld [tilespmem:s10+$0x5080];
	v0 =	vor.u32 v22, v0;
	_ =	sdelay $0x3  }
0x346: {  	v2 =	vadd.s32 s3, v23  }
0x347: {  	[tilespmem:v0+s24+$0x0] =	vst.idx.msk $0xffff, v1;
	v0 =	vand.u32 $0xFF80, v2  }
0x348: {  	v1 =	vld [tilespmem:s10+$0x5100];
	v0 =	vor.u32 v24, v0;
	_ =	sdelay $0x3  }
0x349: {  	v2 =	vadd.s32 s3, v25  }
0x34a: {  	[tilespmem:v0+s24+$0x0] =	vst.idx.msk $0xffff, v1;
	v0 =	vand.u32 $0xFF80, v2  }
0x34b: {  	v1 =	vld [tilespmem:s10+$0x5180];
	v0 =	vor.u32 v26, v0;
	_ =	sdelay $0x3  }
0x34c: {  	v2 =	vadd.s32 s3, v27  }
0x34d: {  	[tilespmem:v0+s24+$0x0] =	vst.idx.msk $0xffff, v1;
	v0 =	vand.u32 $0xFF80, v2  }
0x34e: {  	v1 =	vld [tilespmem:s10+$0x5200];
	v0 =	vor.u32 v28, v0;
	_ =	sdelay $0x3  }
0x34f: {  	v2 =	vadd.s32 s3, v29  }
0x350: {  	[tilespmem:v0+s24+$0x0] =	vst.idx.msk $0xffff, v1;
	v0 =	vand.u32 $0xFF80, v2  }
0x351: {  	v1 =	vld [tilespmem:s10+$0x5280];
	v0 =	vor.u32 v30, v0;
	_ =	sdelay $0x3  }
0x352: {  	v2 =	vadd.s32 s3, v31  }
0x353: {  	[tilespmem:v0+s24+$0x0] =	vst.idx.msk $0xffff, v1;
	v0 =	vand.u32 $0xFF80, v2  }
0x354: {  	v1 =	vld [tilespmem:s10+$0x5300];
	v0 =	vor.u32 v32, v0;
	_ =	sdelay $0x3  }
0x355: {  	v2 =	vadd.s32 s3, v33  }
0x356: {  	[tilespmem:v0+s24+$0x0] =	vst.idx.msk $0xffff, v1;
	v0 =	vand.u32 $0xFF80, v2  }
0x357: {  	v1 =	vld [tilespmem:s10+$0x5380];
	v0 =	vor.u32 v34, v0;
	_ =	sdelay $0x3  }
0x358: {  	v2 =	vadd.s32 s3, v35  }
0x359: {  	[tilespmem:v0+s24+$0x0] =	vst.idx.msk $0xffff, v1;
	v0 =	vand.u32 $0xFF80, v2  }
0x35a: {  	v1 =	vld [tilespmem:s10+$0x6000];
	v0 =	vor.u32 v36, v0;
	_ =	sdelay $0x3  }
0x35b: {  	v2 =	vadd.s32 s3, v37  }
0x35c: {  	[tilespmem:v0+s24+$0x0] =	vst.idx.msk $0xffff, v1;
	v0 =	vand.u32 $0xFF80, v2  }
0x35d: {  	v1 =	vld [tilespmem:s10+$0x6080];
	v0 =	vor.u32 v38, v0;
	_ =	sdelay $0x3  }
0x35e: {  	v2 =	vadd.s32 s3, v39  }
0x35f: {  	[tilespmem:v0+s24+$0x0] =	vst.idx.msk $0xffff, v1;
	v0 =	vand.u32 $0xFF80, v2  }
0x360: {  	v1 =	vld [tilespmem:s10+$0x6100];
	v0 =	vor.u32 v40, v0;
	_ =	sdelay $0x3  }
0x361: {  	v2 =	vadd.s32 s3, v41  }
0x362: {  	[tilespmem:v0+s24+$0x0] =	vst.idx.msk $0xffff, v1;
	v0 =	vand.u32 $0xFF80, v2  }
0x363: {  	v1 =	vld [tilespmem:s10+$0x6180];
	v0 =	vor.u32 v42, v0;
	_ =	sdelay $0x3  }
0x364: {  	v2 =	vadd.s32 s3, v43  }
0x365: {  	[tilespmem:v0+s24+$0x0] =	vst.idx.msk $0xffff, v1;
	v0 =	vand.u32 $0xFF80, v2  }
0x366: {  	v1 =	vld [tilespmem:s10+$0x6200];
	v0 =	vor.u32 v44, v0;
	_ =	sdelay $0x3  }
0x367: {  	v2 =	vadd.s32 s3, v45  }
0x368: {  	[tilespmem:v0+s24+$0x0] =	vst.idx.msk $0xffff, v1;
	v0 =	vand.u32 $0xFF80, v2  }
0x369: {  	v1 =	vld [tilespmem:s10+$0x6280];
	v0 =	vor.u32 v46, v0;
	_ =	sdelay $0x3  }
0x36a: {  	v2 =	vadd.s32 s3, v47  }
0x36b: {  	[tilespmem:v0+s24+$0x0] =	vst.idx.msk $0xffff, v1;
	v0 =	vand.u32 $0xFF80, v2  }
0x36c: {  	v1 =	vld [tilespmem:s10+$0x6300];
	v0 =	vor.u32 v48, v0;
	_ =	sdelay $0x3  }
0x36d: {  	v2 =	vadd.s32 s3, v49  }
0x36e: {  	[tilespmem:v0+s24+$0x0] =	vst.idx.msk $0xffff, v1;
	v0 =	vand.u32 $0xFF80, v2  }
0x36f: {  	v1 =	vld [tilespmem:s10+$0x6380];
	v0 =	vor.u32 v50, v0;
	_ =	sdelay $0x3  }
0x370: {  	v2 =	vadd.s32 s3, v51  }
0x371: {  	[tilespmem:v0+s24+$0x0] =	vst.idx.msk $0xffff, v1;
	v0 =	vand.u32 $0xFF80, v2  }
0x372: {  	v1 =	vld [tilespmem:s10+$0x7000];
	v0 =	vor.u32 v52, v0;
	_ =	sdelay $0x3  }
0x373: {  	v2 =	vadd.s32 s3, v53  }
0x374: {  	[tilespmem:v0+s24+$0x0] =	vst.idx.msk $0xffff, v1;
	v0 =	vand.u32 $0xFF80, v2  }
0x375: {  	v1 =	vld [tilespmem:s10+$0x7080];
	v0 =	vor.u32 v54, v0;
	_ =	sdelay $0x3  }
0x376: {  	v2 =	vadd.s32 s3, v55  }
0x377: {  	[tilespmem:v0+s24+$0x0] =	vst.idx.msk $0xffff, v1;
	v0 =	vand.u32 $0xFF80, v2  }
0x378: {  	v1 =	vld [tilespmem:s10+$0x7100];
	v0 =	vor.u32 v56, v0;
	_ =	sdelay $0x3  }
0x379: {  	v2 =	vadd.s32 s3, v60  }
0x37a: {  	[tilespmem:v0+s24+$0x0] =	vst.idx.msk $0xffff, v1;
	v0 =	vand.u32 $0xFF80, v2  }
0x37b: {  	v1 =	vld [tilespmem:s10+$0x7180];
	v0 =	vor.u32 v57, v0;
	_ =	sdelay $0x3  }
0x37c: {  	v2 =	vadd.s32 s3, v62  }
0x37d: {  	[tilespmem:v0+s24+$0x0] =	vst.idx.msk $0xffff, v1;
	v0 =	vand.u32 $0xFF80, v2  }
0x37e: {  	v1 =	vld [tilespmem:s10+$0x7200];
	v0 =	vor.u32 v58, v0;
	_ =	sdelay $0x3  }
0x37f: {  	v2 =	vadd.s32 s3, v63  }
0x380: {  	[tilespmem:v0+s24+$0x0] =	vst.idx.msk $0xffff, v1;
	v0 =	vand.u32 $0xFF80, v2;
	v2 =	vld [tilespmem:$0x1FFE0]  }
0x381: {  	v1 =	vld [tilespmem:s10+$0x7280];
	v0 =	vor.u32 v59, v0;
	_ =	sdelay $0x3  }
0x382: {  	v2 =	vadd.s32 s3, v2  }
0x383: {  	[tilespmem:v0+s24+$0x0] =	vst.idx.msk $0xffff, v1;
	v0 =	vand.u32 $0xFF80, v2;
	v2 =	vld [tilespmem:$0x1FFF0]  }
0x384: {  	v1 =	vld [tilespmem:s10+$0x7300];
	v0 =	vor.u32 v61, v0  }
0x385: {  	p1 =	sne.s32 s9, $0x1F0  }
.Ltmp7:
0x386: {  	_ = 	snop;
	(pc) =	sbr.rel @p1 .LBB2_6-.Ltmp7, $4  }
0x387: {  	_ = 	snop  }
0x388: {  	v2 =	vadd.s32 s3, v2  }
0x389: {  	s1 =	smov.u32 s9;
	s21 =	sadd.s32 $0x80, s21;
	s3 =	sadd.s32 $0x280, s3;
	[tilespmem:v0+s24+$0x0] =	vst.idx.msk $0xffff, v1;
	v1 =	vand.u32 $0xFF80, v2  }
0x38a: {  	s9 =	sadd.s32 $0x10, s9;
	s11 =	sand.u32 $0xC00, s21;
	v2 =	vadd.s32 s3, v4;
	v0 =	vld [tilespmem:s10+$0x7380];
	v1 =	vor.u32 v3, v1;
	s10 =	sand.u32 $0x70, s1  }
0x38b: {  	v4 =	vld [tilespmem:$0x1FF70];
	_ =	sdelay $0x3  }
0x38c: {  	s9 =	sor.u32 s10, s11;
	v2 =	vand.u32 $0xFF80, v2;
	[tilespmem:v1+s24+$0x0] =	vst.idx.msk $0xffff, v0  }
0x38d: {  	v0 =	vld [tilespmem:s9+$0x4000];
	v1 =	vor.u32 v4, v2;
	_ =	sdelay $0x3  }
0x38e: {  	v4 =	vadd.s32 s3, v5  }
0x38f: {  	v5 =	vand.u32 $0xFF80, v4;
	[tilespmem:v1+s24+$0x0] =	vst.idx.msk $0xffff, v0  }
0x390: {  	v0 =	vor.u32 v6, v5;
	v1 =	vld [tilespmem:s9+$0x4080];
	_ =	sdelay $0x3  }
0x391: {  	v7 =	vadd.s32 s3, v7  }
0x392: {  	v4 =	vand.u32 $0xFF80, v7;
	[tilespmem:v0+s24+$0x0] =	vst.idx.msk $0xffff, v1  }
0x393: {  	v0 =	vor.u32 v8, v4;
	v1 =	vld [tilespmem:s9+$0x4100];
	_ =	sdelay $0x3  }
0x394: {  	v5 =	vadd.s32 s3, v9  }
0x395: {  	v6 =	vand.u32 $0xFF80, v5;
	[tilespmem:v0+s24+$0x0] =	vst.idx.msk $0xffff, v1  }
0x396: {  	v0 =	vor.u32 v10, v6;
	v1 =	vld [tilespmem:s9+$0x4180];
	_ =	sdelay $0x3  }
0x397: {  	v7 =	vadd.s32 s3, v11  }
0x398: {  	v8 =	vand.u32 $0xFF80, v7;
	[tilespmem:v0+s24+$0x0] =	vst.idx.msk $0xffff, v1  }
0x399: {  	v0 =	vor.u32 v12, v8;
	v1 =	vld [tilespmem:s9+$0x4200];
	_ =	sdelay $0x3  }
0x39a: {  	v9 =	vadd.s32 s3, v13  }
0x39b: {  	v10 =	vand.u32 $0xFF80, v9;
	[tilespmem:v0+s24+$0x0] =	vst.idx.msk $0xffff, v1  }
0x39c: {  	v0 =	vor.u32 v14, v10;
	v1 =	vld [tilespmem:s9+$0x4280];
	_ =	sdelay $0x3  }
0x39d: {  	v11 =	vadd.s32 s3, v15  }
0x39e: {  	v12 =	vand.u32 $0xFF80, v11;
	[tilespmem:v0+s24+$0x0] =	vst.idx.msk $0xffff, v1  }
0x39f: {  	v0 =	vor.u32 v16, v12;
	v1 =	vld [tilespmem:s9+$0x4300];
	_ =	sdelay $0x3  }
0x3a0: {  	s1 =	sor.u32 s21, s1;
	v13 =	vadd.s32 s3, v17  }
0x3a1: {  	s1 =	sor.u32 $0x380, s1;
	v14 =	vand.u32 $0xFF80, v13;
	[tilespmem:v0+s24+$0x0] =	vst.idx.msk $0xffff, v1  }
0x3a2: {  	v0 =	vor.u32 v18, v14;
	v1 =	vld [tilespmem:s1+$0x4000];
	_ =	sdelay $0x3  }
0x3a3: {  	v15 =	vadd.s32 s3, v19  }
0x3a4: {  	v16 =	vand.u32 $0xFF80, v15;
	[tilespmem:v0+s24+$0x0] =	vst.idx.msk $0xffff, v1  }
0x3a5: {  	v0 =	vor.u32 v20, v16;
	v1 =	vld [tilespmem:s9+$0x5000];
	_ =	sdelay $0x3  }
0x3a6: {  	v17 =	vadd.s32 s3, v21  }
0x3a7: {  	v18 =	vand.u32 $0xFF80, v17;
	[tilespmem:v0+s24+$0x0] =	vst.idx.msk $0xffff, v1  }
0x3a8: {  	v0 =	vor.u32 v22, v18;
	v1 =	vld [tilespmem:s9+$0x5080];
	_ =	sdelay $0x3  }
0x3a9: {  	v19 =	vadd.s32 s3, v23  }
0x3aa: {  	v20 =	vand.u32 $0xFF80, v19;
	[tilespmem:v0+s24+$0x0] =	vst.idx.msk $0xffff, v1  }
0x3ab: {  	v0 =	vor.u32 v24, v20;
	v1 =	vld [tilespmem:s9+$0x5100];
	_ =	sdelay $0x3  }
0x3ac: {  	v21 =	vadd.s32 s3, v25  }
0x3ad: {  	v22 =	vand.u32 $0xFF80, v21;
	[tilespmem:v0+s24+$0x0] =	vst.idx.msk $0xffff, v1  }
0x3ae: {  	v0 =	vor.u32 v26, v22;
	v1 =	vld [tilespmem:s9+$0x5180];
	_ =	sdelay $0x3  }
0x3af: {  	v23 =	vadd.s32 s3, v27  }
0x3b0: {  	v24 =	vand.u32 $0xFF80, v23;
	[tilespmem:v0+s24+$0x0] =	vst.idx.msk $0xffff, v1  }
0x3b1: {  	v0 =	vor.u32 v28, v24;
	v1 =	vld [tilespmem:s9+$0x5200];
	_ =	sdelay $0x3  }
0x3b2: {  	v25 =	vadd.s32 s3, v29  }
0x3b3: {  	v26 =	vand.u32 $0xFF80, v25;
	[tilespmem:v0+s24+$0x0] =	vst.idx.msk $0xffff, v1  }
0x3b4: {  	v0 =	vor.u32 v30, v26;
	v1 =	vld [tilespmem:s9+$0x5280];
	_ =	sdelay $0x3  }
0x3b5: {  	v27 =	vadd.s32 s3, v31  }
0x3b6: {  	v28 =	vand.u32 $0xFF80, v27;
	[tilespmem:v0+s24+$0x0] =	vst.idx.msk $0xffff, v1  }
0x3b7: {  	v0 =	vor.u32 v32, v28;
	v1 =	vld [tilespmem:s9+$0x5300];
	_ =	sdelay $0x3  }
0x3b8: {  	v29 =	vadd.s32 s3, v33  }
0x3b9: {  	v30 =	vand.u32 $0xFF80, v29;
	[tilespmem:v0+s24+$0x0] =	vst.idx.msk $0xffff, v1  }
0x3ba: {  	v0 =	vor.u32 v34, v30;
	v1 =	vld [tilespmem:s9+$0x5380];
	_ =	sdelay $0x3  }
0x3bb: {  	v31 =	vadd.s32 s3, v35  }
0x3bc: {  	v32 =	vand.u32 $0xFF80, v31;
	[tilespmem:v0+s24+$0x0] =	vst.idx.msk $0xffff, v1  }
0x3bd: {  	v0 =	vor.u32 v36, v32;
	v1 =	vld [tilespmem:s9+$0x6000];
	_ =	sdelay $0x3  }
0x3be: {  	v33 =	vadd.s32 s3, v37  }
0x3bf: {  	v34 =	vand.u32 $0xFF80, v33;
	[tilespmem:v0+s24+$0x0] =	vst.idx.msk $0xffff, v1  }
0x3c0: {  	v0 =	vor.u32 v38, v34;
	v1 =	vld [tilespmem:s9+$0x6080];
	_ =	sdelay $0x3  }
0x3c1: {  	v35 =	vadd.s32 s3, v39  }
0x3c2: {  	v36 =	vand.u32 $0xFF80, v35;
	[tilespmem:v0+s24+$0x0] =	vst.idx.msk $0xffff, v1  }
0x3c3: {  	v0 =	vor.u32 v40, v36;
	v1 =	vld [tilespmem:s9+$0x6100];
	_ =	sdelay $0x3  }
0x3c4: {  	v37 =	vadd.s32 s3, v41  }
0x3c5: {  	v38 =	vand.u32 $0xFF80, v37;
	[tilespmem:v0+s24+$0x0] =	vst.idx.msk $0xffff, v1  }
0x3c6: {  	v0 =	vor.u32 v42, v38;
	v1 =	vld [tilespmem:s9+$0x6180];
	_ =	sdelay $0x3  }
0x3c7: {  	v39 =	vadd.s32 s3, v43  }
0x3c8: {  	v40 =	vand.u32 $0xFF80, v39;
	[tilespmem:v0+s24+$0x0] =	vst.idx.msk $0xffff, v1  }
0x3c9: {  	v0 =	vor.u32 v44, v40;
	v1 =	vld [tilespmem:s9+$0x6200];
	_ =	sdelay $0x3  }
0x3ca: {  	v41 =	vadd.s32 s3, v45  }
0x3cb: {  	v42 =	vand.u32 $0xFF80, v41;
	[tilespmem:v0+s24+$0x0] =	vst.idx.msk $0xffff, v1  }
0x3cc: {  	v0 =	vor.u32 v46, v42;
	v1 =	vld [tilespmem:s9+$0x6280];
	_ =	sdelay $0x3  }
0x3cd: {  	v43 =	vadd.s32 s3, v47  }
0x3ce: {  	v44 =	vand.u32 $0xFF80, v43;
	[tilespmem:v0+s24+$0x0] =	vst.idx.msk $0xffff, v1  }
0x3cf: {  	v0 =	vor.u32 v48, v44;
	v1 =	vld [tilespmem:s9+$0x6300];
	_ =	sdelay $0x3  }
0x3d0: {  	v45 =	vadd.s32 s3, v49  }
0x3d1: {  	v46 =	vand.u32 $0xFF80, v45;
	[tilespmem:v0+s24+$0x0] =	vst.idx.msk $0xffff, v1  }
0x3d2: {  	v0 =	vor.u32 v50, v46;
	v1 =	vld [tilespmem:s9+$0x6380];
	_ =	sdelay $0x3  }
0x3d3: {  	v47 =	vadd.s32 s3, v51  }
0x3d4: {  	v48 =	vand.u32 $0xFF80, v47;
	[tilespmem:v0+s24+$0x0] =	vst.idx.msk $0xffff, v1  }
0x3d5: {  	v0 =	vor.u32 v52, v48;
	v1 =	vld [tilespmem:s9+$0x7000];
	_ =	sdelay $0x3  }
0x3d6: {  	v49 =	vadd.s32 s3, v53  }
0x3d7: {  	v50 =	vand.u32 $0xFF80, v49;
	[tilespmem:v0+s24+$0x0] =	vst.idx.msk $0xffff, v1  }
0x3d8: {  	v0 =	vor.u32 v54, v50;
	v1 =	vld [tilespmem:s9+$0x7080];
	_ =	sdelay $0x3  }
0x3d9: {  	v51 =	vadd.s32 s3, v55  }
0x3da: {  	v52 =	vand.u32 $0xFF80, v51;
	[tilespmem:v0+s24+$0x0] =	vst.idx.msk $0xffff, v1  }
0x3db: {  	v0 =	vor.u32 v56, v52;
	v1 =	vld [tilespmem:s9+$0x7100];
	_ =	sdelay $0x3  }
0x3dc: {  	v53 =	vadd.s32 s3, v60  }
0x3dd: {  	v54 =	vand.u32 $0xFF80, v53;
	[tilespmem:v0+s24+$0x0] =	vst.idx.msk $0xffff, v1  }
0x3de: {  	v0 =	vor.u32 v57, v54;
	v1 =	vld [tilespmem:s9+$0x7180];
	_ =	sdelay $0x3  }
0x3df: {  	v55 =	vadd.s32 s3, v62  }
0x3e0: {  	v56 =	vand.u32 $0xFF80, v55;
	[tilespmem:v0+s24+$0x0] =	vst.idx.msk $0xffff, v1  }
0x3e1: {  	v0 =	vor.u32 v58, v56;
	v1 =	vld [tilespmem:s9+$0x7200];
	_ =	sdelay $0x2  }
0x3e2: {  	v57 =	vadd.s32 s3, v63  }
0x3e3: {  	v58 =	vand.u32 $0xFF80, v57  }
0x3e4: {  	[tilespmem:v0+s24+$0x0] =	vst.idx.msk $0xffff, v1;
	v0 =	vor.u32 v59, v58;
	v59 =	vld [tilespmem:$0x1FFE0]  }
0x3e5: {  	v1 =	vld [tilespmem:s9+$0x7280];
	_ =	sdelay $0x3  }
0x3e6: {  	v2 =	vadd.s32 s3, v59  }
0x3e7: {  	v62 =	vld [tilespmem:$0x1FFF0];
	[tilespmem:v0+s24+$0x0] =	vst.idx.msk $0xffff, v1;
	v60 =	vand.u32 $0xFF80, v2  }
0x3e8: {  	v1 =	vld [tilespmem:s9+$0x7300];
	v0 =	vor.u32 v61, v60;
	_ =	sdelay $0x3  }
0x3e9: {  	v2 =	vadd.s32 s3, v62  }
0x3ea: {  	v63 =	vand.u32 $0xFF80, v2;
	[tilespmem:v0+s24+$0x0] =	vst.idx.msk $0xffff, v1  }
0x3eb: {  	v0 =	vor.u32 v3, v63;
	v1 =	vld [tilespmem:s9+$0x7380];
	_ =	sdelay $0x2  }
0x3ec: {  	s21 =	smul.u32 $0xA00, s2;
	_ =	sdelay $0x1  }
0x3ed: {  	p1 =	sgt.u32 s31, $0x740;
	s1 =	sadd.s32 s6, s21;
	[tilespmem:v0+s24+$0x0] =	vst.idx.msk $0xffff, v1  }
0x3ee: {  	[hbm4b:s1+s4] =	stream.linear.scatter [tilespmem:s24], [sflag:$0x4], $0x5000, $0x38;
	[tilespmem:$0x12000] =	vst v63  }
0x3ef: {  	s1 =	sshll.u32 @!p1 s31, $0x9  }
0x3f0: {  	s1 =	sadd.s32 @!p1 $0xC000, s1  }
0x3f1: {  	s3 =	simm.s32 @!p1 $0x0;
	s9 =	simm.s32 @!p1 $0x4000;
	s2 =	sadd.s32 @!p1 s0, s1  }
0x3f2: {  	[tilespmem:s9], [sflag:$0x2] =	stream.linear.gather @!p1 [hbm4b:s2+s3], $0x400, $0x38;
	[tilespmem:$0x12000] =	vst v63  }
0x3f3: {  	s2 =	sadd.s32 @!p1 s1, s19;
	s9 =	simm.s32 @!p1 $0x4400  }
0x3f4: {  	[tilespmem:s9], [sflag:$0x2] =	stream.linear.gather @!p1 [hbm4b:s2+s3], $0x400, $0x38;
	[tilespmem:$0x12000] =	vst v63  }
0x3f5: {  	s2 =	sadd.s32 @!p1 s1, s23;
	s9 =	simm.s32 @!p1 $0x4800  }
0x3f6: {  	[tilespmem:s9], [sflag:$0x2] =	stream.linear.gather @!p1 [hbm4b:s2+s3], $0x400, $0x38;
	[tilespmem:$0x12000] =	vst v63  }
0x3f7: {  	s2 =	sadd.s32 @!p1 s1, s8;
	s1 =	sand.u32 @!p1 $0x1FFFFE00, s1  }
0x3f8: {  	s9 =	simm.s32 @!p1 $0x4C00;
	s1 =	sadd.s32 @!p1 s0, s1  }
0x3f9: {  	[tilespmem:s9], [sflag:$0x2] =	stream.linear.gather @!p1 [hbm4b:s2+s3], $0x400, $0x38;
	[tilespmem:$0x12000] =	vst v63  }
0x3fa: {  	s2 =	sadd.s32 @!p1 $0xF4280, s1;
	s9 =	simm.s32 @!p1 $0x5000  }
0x3fb: {  	[tilespmem:s9], [sflag:$0x2] =	stream.linear.gather @!p1 [hbm4b:s2+s3], $0x400, $0x38;
	[tilespmem:$0x12000] =	vst v63  }
0x3fc: {  	s2 =	sadd.s32 @!p1 $0xF4300, s1;
	s9 =	simm.s32 @!p1 $0x5400  }
0x3fd: {  	[tilespmem:s9], [sflag:$0x2] =	stream.linear.gather @!p1 [hbm4b:s2+s3], $0x400, $0x38;
	[tilespmem:$0x12000] =	vst v63  }
0x3fe: {  	s2 =	sadd.s32 @!p1 $0xF4380, s1;
	s9 =	simm.s32 @!p1 $0x5800  }
0x3ff: {  	[tilespmem:s9], [sflag:$0x2] =	stream.linear.gather @!p1 [hbm4b:s2+s3], $0x400, $0x38;
	[tilespmem:$0x12000] =	vst v63  }
0x400: {  	s2 =	sadd.s32 @!p1 $0xF4400, s1;
	s9 =	simm.s32 @!p1 $0x5C00  }
0x401: {  	[tilespmem:s9], [sflag:$0x2] =	stream.linear.gather @!p1 [hbm4b:s2+s3], $0x400, $0x38;
	[tilespmem:$0x12000] =	vst v63  }
0x402: {  	s2 =	sadd.s32 @!p1 $0x1E8500, s1;
	s9 =	simm.s32 @!p1 $0x6000  }
0x403: {  	[tilespmem:s9], [sflag:$0x2] =	stream.linear.gather @!p1 [hbm4b:s2+s3], $0x400, $0x38;
	[tilespmem:$0x12000] =	vst v63  }
0x404: {  	s2 =	sadd.s32 @!p1 $0x1E8580, s1;
	s9 =	simm.s32 @!p1 $0x6400  }
0x405: {  	[tilespmem:s9], [sflag:$0x2] =	stream.linear.gather @!p1 [hbm4b:s2+s3], $0x400, $0x38;
	[tilespmem:$0x12000] =	vst v63  }
0x406: {  	s2 =	sadd.s32 @!p1 $0x1E8600, s1;
	s9 =	simm.s32 @!p1 $0x6800  }
0x407: {  	[tilespmem:s9], [sflag:$0x2] =	stream.linear.gather @!p1 [hbm4b:s2+s3], $0x400, $0x38;
	[tilespmem:$0x12000] =	vst v63  }
0x408: {  	s2 =	sadd.s32 @!p1 $0x1E8680, s1;
	s9 =	simm.s32 @!p1 $0x6C00  }
0x409: {  	[tilespmem:s9], [sflag:$0x2] =	stream.linear.gather @!p1 [hbm4b:s2+s3], $0x400, $0x38;
	[tilespmem:$0x12000] =	vst v63  }
0x40a: {  	s2 =	sadd.s32 @!p1 $0x2DC780, s1;
	s9 =	simm.s32 @!p1 $0x7000  }
0x40b: {  	[tilespmem:s9], [sflag:$0x2] =	stream.linear.gather @!p1 [hbm4b:s2+s3], $0x400, $0x38;
	[tilespmem:$0x12000] =	vst v63  }
0x40c: {  	s2 =	sadd.s32 @!p1 $0x2DC800, s1;
	s9 =	simm.s32 @!p1 $0x7400  }
0x40d: {  	[tilespmem:s9], [sflag:$0x2] =	stream.linear.gather @!p1 [hbm4b:s2+s3], $0x400, $0x38;
	[tilespmem:$0x12000] =	vst v63  }
.Ltmp8:
0x40e: {  	_ = 	snop;
	(pc) =	sbr.rel .LBB2_8-.Ltmp8, $4  }
0x40f: {  	s2 =	sadd.s32 @!p1 $0x2DC880, s1;
	s9 =	simm.s32 @!p1 $0x7800  }
0x410: {  	[tilespmem:s9], [sflag:$0x2] =	stream.linear.gather @!p1 [hbm4b:s2+s3], $0x400, $0x38;
	[tilespmem:$0x12000] =	vst v63  }
0x411: {  	s1 =	sadd.s32 @!p1 $0x2DC900, s1;
	s2 =	simm.s32 @!p1 $0x7C00  }
0x412: {  	[tilespmem:s2], [sflag:$0x2] =	stream.linear.gather @!p1 [hbm4b:s1+s3], $0x400, $0x38;
	[tilespmem:$0x12000] =	vst v63  }
.LBB2_10:
0x413: {  	s1 =	rddreg [dreg:$0x1]  }
0x414: {  	[tilespmem:s24], [sflag:$0x5] =	stream.linear.gather [hbm4b:s1+s4], $0x800, $0x38;
	[tilespmem:$0x12000] =	vst v63  }
0x415: {  	_ =	swait.ge [sflag:s28], $0x800  }
0x416: {  	[sflag:s28] =	ssyncset.done $0x0  }
0x417: {  	[sflag:s28] =	ssyncadd.s32 $0xFFFFF800  }
0x418: {  	v0 =	vld [tilespmem:$0xD000]  }
0x419: {  	v1 =	vld [tilespmem:$0xD010]  }
0x41a: {  	v2 =	vld [tilespmem:$0xD020]  }
0x41b: {  	v4 =	vld [tilespmem:$0xD030]  }
0x41c: {  	v3 =	vld [tilespmem:$0xD040]  }
0x41d: {  	v5 =	vld [tilespmem:$0xD7A0];
	[tilespmem:$0x8000] =	vst v0  }
0x41e: {  	[tilespmem:$0x8010] =	vst v1;
	v1 =	vld [tilespmem:$0xD060]  }
0x41f: {  	v0 =	vld [tilespmem:$0xD050];
	[tilespmem:$0x8028] =	vst v2  }
0x420: {  	[tilespmem:$0x8038] =	vst v4;
	v4 =	vld [tilespmem:$0xD080]  }
0x421: {  	[tilespmem:$0x8050] =	vst v3;
	v3 =	vld [tilespmem:$0xD090]  }
0x422: {  	v2 =	vld [tilespmem:$0xD070];
	[tilespmem:$0x8988] =	vst v5  }
0x423: {  	[tilespmem:$0x8078] =	vst v1;
	v1 =	vld [tilespmem:$0xD0B0]  }
0x424: {  	[tilespmem:$0x8060] =	vst v0;
	v0 =	vld [tilespmem:$0xD0A0]  }
0x425: {  	[tilespmem:$0x80A0] =	vst v4;
	v4 =	vld [tilespmem:$0xD0D0]  }
0x426: {  	[tilespmem:$0x80B0] =	vst v3;
	v3 =	vld [tilespmem:$0xD0E0]  }
0x427: {  	[tilespmem:$0x8088] =	vst v2;
	v2 =	vld [tilespmem:$0xD0C0]  }
0x428: {  	[tilespmem:$0x80D8] =	vst v1;
	v1 =	vld [tilespmem:$0xD100]  }
0x429: {  	[tilespmem:$0x80C8] =	vst v0;
	v0 =	vld [tilespmem:$0xD0F0]  }
0x42a: {  	[tilespmem:$0x8100] =	vst v4;
	v4 =	vld [tilespmem:$0xD120]  }
0x42b: {  	[tilespmem:$0x8118] =	vst v3;
	v3 =	vld [tilespmem:$0xD130]  }
0x42c: {  	[tilespmem:$0x80F0] =	vst v2;
	v2 =	vld [tilespmem:$0xD110]  }
0x42d: {  	[tilespmem:$0x8140] =	vst v1;
	v1 =	vld [tilespmem:$0xD150]  }
0x42e: {  	[tilespmem:$0x8128] =	vst v0;
	v0 =	vld [tilespmem:$0xD140]  }
0x42f: {  	[tilespmem:$0x8168] =	vst v4;
	v4 =	vld [tilespmem:$0xD170]  }
0x430: {  	[tilespmem:$0x8178] =	vst v3;
	v3 =	vld [tilespmem:$0xD180]  }
0x431: {  	[tilespmem:$0x8150] =	vst v2;
	v2 =	vld [tilespmem:$0xD160]  }
0x432: {  	[tilespmem:$0x81A0] =	vst v1;
	v1 =	vld [tilespmem:$0xD1A0]  }
0x433: {  	[tilespmem:$0x8190] =	vst v0;
	v0 =	vld [tilespmem:$0xD190]  }
0x434: {  	[tilespmem:$0x81C8] =	vst v4;
	v4 =	vld [tilespmem:$0xD1C0]  }
0x435: {  	[tilespmem:$0x81E0] =	vst v3;
	v3 =	vld [tilespmem:$0xD1D0]  }
0x436: {  	[tilespmem:$0x81B8] =	vst v2;
	v2 =	vld [tilespmem:$0xD1B0]  }
0x437: {  	[tilespmem:$0x8208] =	vst v1;
	v1 =	vld [tilespmem:$0xD1F0]  }
0x438: {  	[tilespmem:$0x81F0] =	vst v0;
	v0 =	vld [tilespmem:$0xD1E0]  }
0x439: {  	[tilespmem:$0x8230] =	vst v4;
	v4 =	vld [tilespmem:$0xD210]  }
0x43a: {  	[tilespmem:$0x8240] =	vst v3;
	v3 =	vld [tilespmem:$0xD220]  }
0x43b: {  	[tilespmem:$0x8218] =	vst v2;
	v2 =	vld [tilespmem:$0xD200]  }
0x43c: {  	[tilespmem:$0x8268] =	vst v1;
	v1 =	vld [tilespmem:$0xD240]  }
0x43d: {  	[tilespmem:$0x8258] =	vst v0;
	v0 =	vld [tilespmem:$0xD230]  }
0x43e: {  	[tilespmem:$0x8290] =	vst v4;
	v4 =	vld [tilespmem:$0xD260]  }
0x43f: {  	[tilespmem:$0x82A8] =	vst v3;
	v3 =	vld [tilespmem:$0xD270]  }
0x440: {  	[tilespmem:$0x8280] =	vst v2;
	v2 =	vld [tilespmem:$0xD250]  }
0x441: {  	[tilespmem:$0x82D0] =	vst v1;
	v1 =	vld [tilespmem:$0xD290]  }
0x442: {  	[tilespmem:$0x82B8] =	vst v0;
	v0 =	vld [tilespmem:$0xD280]  }
0x443: {  	[tilespmem:$0x82F8] =	vst v4;
	v4 =	vld [tilespmem:$0xD2B0]  }
0x444: {  	[tilespmem:$0x8308] =	vst v3;
	v3 =	vld [tilespmem:$0xD2C0]  }
0x445: {  	[tilespmem:$0x82E0] =	vst v2;
	v2 =	vld [tilespmem:$0xD2A0]  }
0x446: {  	[tilespmem:$0x8330] =	vst v1;
	v1 =	vld [tilespmem:$0xD2E0]  }
0x447: {  	[tilespmem:$0x8320] =	vst v0;
	v0 =	vld [tilespmem:$0xD2D0]  }
0x448: {  	[tilespmem:$0x8358] =	vst v4;
	v4 =	vld [tilespmem:$0xD300]  }
0x449: {  	[tilespmem:$0x8370] =	vst v3;
	v3 =	vld [tilespmem:$0xD310]  }
0x44a: {  	[tilespmem:$0x8348] =	vst v2;
	v2 =	vld [tilespmem:$0xD2F0]  }
0x44b: {  	[tilespmem:$0x8398] =	vst v1;
	v1 =	vld [tilespmem:$0xD330]  }
0x44c: {  	[tilespmem:$0x8380] =	vst v0;
	v0 =	vld [tilespmem:$0xD320]  }
0x44d: {  	[tilespmem:$0x83C0] =	vst v4;
	v4 =	vld [tilespmem:$0xD350]  }
0x44e: {  	[tilespmem:$0x83D0] =	vst v3;
	v3 =	vld [tilespmem:$0xD360]  }
0x44f: {  	[tilespmem:$0x83A8] =	vst v2;
	v2 =	vld [tilespmem:$0xD340]  }
0x450: {  	[tilespmem:$0x83F8] =	vst v1;
	v1 =	vld [tilespmem:$0xD380]  }
0x451: {  	[tilespmem:$0x83E8] =	vst v0;
	v0 =	vld [tilespmem:$0xD370]  }
0x452: {  	[tilespmem:$0x8420] =	vst v4;
	v4 =	vld [tilespmem:$0xD3A0]  }
0x453: {  	[tilespmem:$0x8438] =	vst v3;
	v3 =	vld [tilespmem:$0xD3B0]  }
0x454: {  	[tilespmem:$0x8410] =	vst v2;
	v2 =	vld [tilespmem:$0xD390]  }
0x455: {  	[tilespmem:$0x8460] =	vst v1;
	v1 =	vld [tilespmem:$0xD3D0]  }
0x456: {  	[tilespmem:$0x8448] =	vst v0;
	v0 =	vld [tilespmem:$0xD3C0]  }
0x457: {  	[tilespmem:$0x8488] =	vst v4;
	v4 =	vld [tilespmem:$0xD3F0]  }
0x458: {  	[tilespmem:$0x8498] =	vst v3;
	v3 =	vld [tilespmem:$0xD400]  }
0x459: {  	[tilespmem:$0x8470] =	vst v2;
	v2 =	vld [tilespmem:$0xD3E0]  }
0x45a: {  	[tilespmem:$0x84C0] =	vst v1;
	v1 =	vld [tilespmem:$0xD420]  }
0x45b: {  	[tilespmem:$0x84B0] =	vst v0;
	v0 =	vld [tilespmem:$0xD410]  }
0x45c: {  	[tilespmem:$0x84E8] =	vst v4;
	v4 =	vld [tilespmem:$0xD440]  }
0x45d: {  	[tilespmem:$0x8500] =	vst v3;
	v3 =	vld [tilespmem:$0xD450]  }
0x45e: {  	[tilespmem:$0x84D8] =	vst v2;
	v2 =	vld [tilespmem:$0xD430]  }
0x45f: {  	[tilespmem:$0x8528] =	vst v1;
	v1 =	vld [tilespmem:$0xD470]  }
0x460: {  	[tilespmem:$0x8510] =	vst v0;
	v0 =	vld [tilespmem:$0xD460]  }
0x461: {  	[tilespmem:$0x8550] =	vst v4;
	v4 =	vld [tilespmem:$0xD490]  }
0x462: {  	[tilespmem:$0x8560] =	vst v3;
	v3 =	vld [tilespmem:$0xD4A0]  }
0x463: {  	[tilespmem:$0x8538] =	vst v2;
	v2 =	vld [tilespmem:$0xD480]  }
0x464: {  	[tilespmem:$0x8588] =	vst v1;
	v1 =	vld [tilespmem:$0xD4C0]  }
0x465: {  	[tilespmem:$0x8578] =	vst v0;
	v0 =	vld [tilespmem:$0xD4B0]  }
0x466: {  	[tilespmem:$0x85B0] =	vst v4;
	v4 =	vld [tilespmem:$0xD4E0]  }
0x467: {  	[tilespmem:$0x85C8] =	vst v3;
	v3 =	vld [tilespmem:$0xD4F0]  }
0x468: {  	[tilespmem:$0x85A0] =	vst v2;
	v2 =	vld [tilespmem:$0xD4D0]  }
0x469: {  	[tilespmem:$0x85F0] =	vst v1;
	v1 =	vld [tilespmem:$0xD510]  }
0x46a: {  	[tilespmem:$0x85D8] =	vst v0;
	v0 =	vld [tilespmem:$0xD500]  }
0x46b: {  	[tilespmem:$0x8618] =	vst v4;
	v4 =	vld [tilespmem:$0xD530]  }
0x46c: {  	[tilespmem:$0x8628] =	vst v3;
	v3 =	vld [tilespmem:$0xD540]  }
0x46d: {  	[tilespmem:$0x8600] =	vst v2;
	v2 =	vld [tilespmem:$0xD520]  }
0x46e: {  	[tilespmem:$0x8650] =	vst v1;
	v1 =	vld [tilespmem:$0xD560]  }
0x46f: {  	[tilespmem:$0x8640] =	vst v0;
	v0 =	vld [tilespmem:$0xD550]  }
0x470: {  	[tilespmem:$0x8678] =	vst v4;
	v4 =	vld [tilespmem:$0xD580]  }
0x471: {  	[tilespmem:$0x8690] =	vst v3;
	v3 =	vld [tilespmem:$0xD590]  }
0x472: {  	[tilespmem:$0x8668] =	vst v2;
	v2 =	vld [tilespmem:$0xD570]  }
0x473: {  	[tilespmem:$0x86B8] =	vst v1;
	v1 =	vld [tilespmem:$0xD5B0]  }
0x474: {  	[tilespmem:$0x86A0] =	vst v0;
	v0 =	vld [tilespmem:$0xD5A0]  }
0x475: {  	[tilespmem:$0x86E0] =	vst v4;
	v4 =	vld [tilespmem:$0xD5D0]  }
0x476: {  	[tilespmem:$0x86F0] =	vst v3;
	v3 =	vld [tilespmem:$0xD5E0]  }
0x477: {  	[tilespmem:$0x86C8] =	vst v2;
	v2 =	vld [tilespmem:$0xD5C0]  }
0x478: {  	[tilespmem:$0x8718] =	vst v1;
	v1 =	vld [tilespmem:$0xD600]  }
0x479: {  	[tilespmem:$0x8708] =	vst v0;
	v0 =	vld [tilespmem:$0xD5F0]  }
0x47a: {  	[tilespmem:$0x8740] =	vst v4;
	v4 =	vld [tilespmem:$0xD620]  }
0x47b: {  	[tilespmem:$0x8758] =	vst v3;
	v3 =	vld [tilespmem:$0xD630]  }
0x47c: {  	[tilespmem:$0x8730] =	vst v2;
	v2 =	vld [tilespmem:$0xD610]  }
0x47d: {  	[tilespmem:$0x8780] =	vst v1;
	v1 =	vld [tilespmem:$0xD650]  }
0x47e: {  	[tilespmem:$0x8768] =	vst v0;
	v0 =	vld [tilespmem:$0xD640]  }
0x47f: {  	[tilespmem:$0x87A8] =	vst v4;
	v4 =	vld [tilespmem:$0xD670]  }
0x480: {  	[tilespmem:$0x87B8] =	vst v3;
	v3 =	vld [tilespmem:$0xD680]  }
0x481: {  	[tilespmem:$0x8790] =	vst v2;
	v2 =	vld [tilespmem:$0xD660]  }
0x482: {  	[tilespmem:$0x87E0] =	vst v1;
	v1 =	vld [tilespmem:$0xD6A0]  }
0x483: {  	[tilespmem:$0x87D0] =	vst v0;
	v0 =	vld [tilespmem:$0xD690]  }
0x484: {  	[tilespmem:$0x8808] =	vst v4;
	v4 =	vld [tilespmem:$0xD6C0]  }
0x485: {  	[tilespmem:$0x8820] =	vst v3;
	v3 =	vld [tilespmem:$0xD6D0]  }
0x486: {  	[tilespmem:$0x87F8] =	vst v2;
	v2 =	vld [tilespmem:$0xD6B0]  }
0x487: {  	[tilespmem:$0x8848] =	vst v1;
	v1 =	vld [tilespmem:$0xD6F0]  }
0x488: {  	[tilespmem:$0x8830] =	vst v0;
	v0 =	vld [tilespmem:$0xD6E0]  }
0x489: {  	[tilespmem:$0x8870] =	vst v4;
	v4 =	vld [tilespmem:$0xD710]  }
0x48a: {  	[tilespmem:$0x8880] =	vst v3;
	v3 =	vld [tilespmem:$0xD720]  }
0x48b: {  	[tilespmem:$0x8858] =	vst v2;
	v2 =	vld [tilespmem:$0xD700]  }
0x48c: {  	[tilespmem:$0x88A8] =	vst v1;
	v1 =	vld [tilespmem:$0xD740]  }
0x48d: {  	[tilespmem:$0x8898] =	vst v0;
	v0 =	vld [tilespmem:$0xD730]  }
0x48e: {  	[tilespmem:$0x88D0] =	vst v4;
	v4 =	vld [tilespmem:$0xD760]  }
0x48f: {  	[tilespmem:$0x88E8] =	vst v3;
	v3 =	vld [tilespmem:$0xD770]  }
0x490: {  	[tilespmem:$0x88C0] =	vst v2;
	v2 =	vld [tilespmem:$0xD750]  }
0x491: {  	[tilespmem:$0x8910] =	vst v1;
	v1 =	vld [tilespmem:$0xD790]  }
0x492: {  	[tilespmem:$0x88F8] =	vst v0;
	v0 =	vld [tilespmem:$0xD780]  }
0x493: {  	[tilespmem:$0x8938] =	vst v4;
	v4 =	vld [tilespmem:$0xD7B0]  }
0x494: {  	[tilespmem:$0x8948] =	vst v3;
	v3 =	vld [tilespmem:$0xD7C0]  }
0x495: {  	[tilespmem:$0x8920] =	vst v2;
	v2 =	vld [tilespmem:$0xD7D0]  }
0x496: {  	[tilespmem:$0x8970] =	vst v1;
	v1 =	vld [tilespmem:$0xD7E0]  }
0x497: {  	[tilespmem:$0x8960] =	vst v0;
	v0 =	vld [tilespmem:$0xD7F0]  }
0x498: {  	[tilespmem:$0x8998] =	vst v4  }
0x499: {  	[tilespmem:$0x89B0] =	vst v3  }
0x49a: {  	[tilespmem:$0x89C0] =	vst v2  }
0x49b: {  	[tilespmem:$0x89D8] =	vst v1  }
.Ltmp9:
0x49c: {  	s31 =	rddreg [dreg:$0xf];
	v5 =	vld [tilespmem:$0x1FFA0];
	[tilespmem:$0x89E8] =	vst v0;
	(pc) =	sbr.rel .LBB2_11-.Ltmp9, $4  }
0x49d: {  	v4 =	vld [tilespmem:$0x1FF70];
	[hbm4b:s31+s4] =	stream.linear.scatter [tilespmem:s20], [sflag:$0x5], $0xA00, $0x38  }
0x49e: {  	v3 =	vld [tilespmem:$0x1FF90];
	_ =	swait.ge [sflag:s28], $0xA00  }
0x49f: {  	[sflag:s28] =	ssyncset.done $0x0  }
0x4a0: {  	[sflag:s28] =	ssyncadd.s32 $0xFFFFF600  }
.LBB2_12:
0x4a1: {  	_ =	sfence.sel $0x180000  }
0x4a2: {  	[bflag:$0x0] =	sbarrier.arrive $0xFFFF  }
0x4a3: {  	_ =	strace $0x90000047  }
0x4a4: {  	s0 =	stileid.u32;
	[bflag:$0x2] =	sbarrier.arrive $0xFFFF  }
0x4a5: {  	p0 =	sne.s32 s0, $0x0;
	s0 =	rddreg [dreg:$0x3]  }
0x4a6: {  	s0 =	sadd.s32 @!p0 $0x100000, s0  }
0x4a7: {  	[sflag:s0] =	ssyncadd.tile.s32 @!p0 $0x1;
	_ =	shalt  }
.Lfunc_end2:
_tile_overlayer_lowered:
.L_overlay_start_2:
0x4a8: {  	(tag) =	ssettag $0x2  }
0x4a9: {  	s0 =	rddreg [dreg:$0x0];
	s2 =	stileid.u32  }
0x4aa: {  	s1 =	rddreg [dreg:$0x1];
	p0 =	sne.s32 s2, $0x0  }
0x4ab: {  	s3 =	rddreg [dreg:$0x2];
	[bflag:$0x3] =	sbarrier.arrive $0xFFFF;
	s2 =	simm.s32 @!p0 $0x1C05  }
0x4ac: {  	[timem:s3], [sflag:s2] =	dma.local @!p0 [hbm:s0], s1  }
0x4ad: {  	s0 =	simm.s32 @!p0 $0x5  }
0x4ae: {  	_ =	swait.ge @!p0 [sflag:s0], s1  }
0x4af: {  	s1 =	ssub.s32 @!p0 $0x0, s1;
	[sflag:s0] =	ssyncset.done @!p0 $0x0  }
0x4b0: {  	[sflag:s0] =	ssyncadd.s32 @!p0 s1  }
0x4b1: {  	[bflag:$0x3] =	sbarrier.arrive $0xFFFF  }
0x4b2: {  	_ =	shalt  }

// kernel: kernel.7.cloned.1.call-start
scs
__scs_entry_jumppad:
0x0: {  	(pc) =	sbr.rel $0x88, $3  }
0x1: {  	(tag) =	ssettag $0x0;
	lr =	simm.s32 $0x1  }
0x2: {  	[smem:$0x3F9F] =	sst lr;
	_ =	strace $0xD0000000  }
0x3: {  	_ = 	snop  }
0x4: {  	_ = 	snop  }
0x5: {  	_ = 	snop  }
0x6: {  	_ = 	snop  }
0x7: {  	_ = 	snop  }
__scs_overlays_trampoline_lowered:
0x8: {  	[smem:$0x3FAE] =	sst s0  }
0x9: {  	[smem:$0x3FAF] =	sst s1  }
0xa: {  	[smem:$0x3FB0] =	sst s2  }
0xb: {  	[smem:$0x3FB1] =	sst s3  }
0xc: {  	[smem:$0x3FB2] =	sst s4  }
0xd: {  	[smem:$0x3FB3] =	sst s5  }
0xe: {  	[smem:$0x3FB4] =	sst s6  }
0xf: {  	[smem:$0x3FB5] =	sst s7  }
0x10: {  	[smem:$0x3FB6] =	sst s8  }
0x11: {  	[smem:$0x3FB7] =	sst s9;
	s0 =	simm.s32 @!p0 $0x0  }
0x12: {  	s1 =	sld [smem:$0x3F9D];
	s0 =	simm.s32 @p0 $0x1  }
0x13: {  	[smem:$0x3FB8] =	sst s0;
	s0 =	simm.s32 @!p1 $0x0  }
0x14: {  	s2 =	sld [smem:$0x3F9C];
	s0 =	simm.s32 @p1 $0x1  }
0x15: {  	[smem:$0x3FB9] =	sst s0;
	s0 =	simm.s32 @!p2 $0x0  }
0x16: {  	s3 =	sld [smem:$0x3FDB];
	s0 =	simm.s32 @p2 $0x1  }
0x17: {  	s4 =	simm.s32 $0x1BF5;
	[smem:$0x3FBB] =	sst s0  }
0x18: {  	s0 =	sld [smem:$0x3F9E];
	_ =	swait.ge [sflag:s4], $0x0  }
0x19: {  	s7 =	sld [smem:$0x3F9F]  }
0x1a: {  	s8 =	sadd.s32 $0xFFFFE003, lr  }
0x1b: {  	s9 =	sadd.s32 $0xFFFFFEF7, lr;
	s5 =	simm.s32 $0xFFFFFFFF;
	p2 =	slt.u32 s8, $0xFFFFF086  }
0x1c: {  	p1 =	slt.u32 s9, $0xF7A;
	s5 =	simm.s32 @!p2 $0x0  }
0x1d: {  	s5 =	simm.s32 @p1 $0x1;
	p0 =	seq.s32 s7, s2  }
0x1e: {  	s7 =	smul.u32 @!p0 $0xF7A, s2;
	p2 =	seq.s32 @!p0 s5, $0x0  }
0x1f: {  	s9 =	smul.u32 $0xF7A, s1;
	s8 =	simm.s32 @!p0 $0x1BF5;
	p2 =	por !p2, p0  }
0x20: {  	[sflag:s8] =	ssyncset.s32 @!p0 $0xFFFFF086;
	s6 =	sadd.s32 @!p0 s3, s7;
	s7 =	simm.s32 @!p0 $0x108  }
0x21: {  	s3 =	sadd.s32 s3, s9;
	s6 =	sadd.s32 @!p0 $0x88, s6;
	s7 =	simm.s32 @p2 $0x1082  }
0x22: {  	[simem:s7], [sflag:s8] =	dma.local @!p0 [hbm:s6], $0xF7A  }
0x23: {  	s9 =	sor.u32 $0xD0000000, s2;
	s6 =	simm.s32 $0x108;
	_ =	swait.ge @!p0 [sflag:s8], $0x0  }
0x24: {  	s3 =	sadd.s32 $0x88, s3;
	s6 =	simm.s32 @!p1 $0x1082;
	[sflag:s4] =	ssyncset.s32 $0xFFFFF086  }
0x25: {  	[simem:s6], [sflag:s4] =	dma.local [hbm:s3], $0xF7A  }
0x26: {  	[smem:$0x3F9F] =	sst s1;
	(tag) =	ssettag s2;
	_ =	strace s9  }
0x27: {  	s1 =	sld [smem:$0x3FAF]  }
0x28: {  	s2 =	sld [smem:$0x3FB0]  }
0x29: {  	s4 =	sld [smem:$0x3FB2]  }
0x2a: {  	p0 =	seq.s32 s5, $0x0;
	s5 =	sld [smem:$0x3FB3]  }
0x2b: {  	s6 =	sld [smem:$0x3FB4]  }
0x2c: {  	s7 =	sld [smem:$0x3FB5]  }
0x2d: {  	s3 =	simm.s32 $0x108;
	s8 =	sld [smem:$0x3FB6]  }
0x2e: {  	s3 =	simm.s32 @!p0 $0x1082;
	s9 =	sld [smem:$0x3FB7]  }
0x2f: {  	lr =	sadd.s32 s0, s3;
	s0 =	sld [smem:$0x3FAE]  }
0x30: {  	s3 =	sld [smem:$0x3FB1]  }
0x31: {  	[smem:$0x3FBA] =	sst s10  }
0x32: {  	s10 =	sld [smem:$0x3FB8];
	_ =	sdelay $0x3  }
0x33: {  	p0 =	seq.s32 s10, $0x1;
	s10 =	sld [smem:$0x3FBA];
	_ =	sdelay $0x3  }
0x34: {  	[smem:$0x3FBA] =	sst s10  }
0x35: {  	s10 =	sld [smem:$0x3FB9];
	_ =	sdelay $0x3  }
0x36: {  	p1 =	seq.s32 s10, $0x1;
	s10 =	sld [smem:$0x3FBA];
	_ =	sdelay $0x3  }
0x37: {  	[smem:$0x3FBA] =	sst s10  }
0x38: {  	s10 =	sld [smem:$0x3FBB]  }
0x39: {  	_ = 	snop;
	(pc) =	sbr.ind lr, $3  }
0x3a: {  	_ = 	snop  }
0x3b: {  	_ = 	snop  }
0x3c: {  	p2 =	seq.s32 s10, $0x1;
	s10 =	sld [smem:$0x3FBA]  }
0x3d: {  	_ =	shalt  }
0x3e: {  	_ =	shalt  }
0x3f: {  	_ =	shalt  }
0x40: {  	_ =	shalt  }
0x41: {  	_ =	shalt  }
0x42: {  	_ =	shalt  }
0x43: {  	_ =	shalt  }
0x44: {  	_ =	shalt  }
0x45: {  	_ =	shalt  }
0x46: {  	_ =	shalt  }
0x47: {  	_ =	shalt  }
0x48: {  	_ =	shalt  }
0x49: {  	_ =	shalt  }
0x4a: {  	_ =	shalt  }
0x4b: {  	_ =	shalt  }
0x4c: {  	_ =	shalt  }
0x4d: {  	_ =	shalt  }
0x4e: {  	_ =	shalt  }
0x4f: {  	_ =	shalt  }
0x50: {  	_ =	shalt  }
0x51: {  	_ =	shalt  }
0x52: {  	_ =	shalt  }
0x53: {  	_ =	shalt  }
0x54: {  	_ =	shalt  }
0x55: {  	_ =	shalt  }
0x56: {  	_ =	shalt  }
0x57: {  	_ =	shalt  }
0x58: {  	_ =	shalt  }
0x59: {  	_ =	shalt  }
0x5a: {  	_ =	shalt  }
0x5b: {  	_ =	shalt  }
0x5c: {  	_ =	shalt  }
0x5d: {  	_ =	shalt  }
0x5e: {  	_ =	shalt  }
0x5f: {  	_ =	shalt  }
0x60: {  	_ =	shalt  }
0x61: {  	_ =	shalt  }
0x62: {  	_ =	shalt  }
0x63: {  	_ =	shalt  }
0x64: {  	_ =	shalt  }
0x65: {  	_ =	shalt  }
0x66: {  	_ =	shalt  }
0x67: {  	_ =	shalt  }
0x68: {  	_ =	shalt  }
0x69: {  	_ =	shalt  }
0x6a: {  	_ =	shalt  }
0x6b: {  	_ =	shalt  }
0x6c: {  	_ =	shalt  }
0x6d: {  	_ =	shalt  }
0x6e: {  	_ =	shalt  }
0x6f: {  	_ =	shalt  }
0x70: {  	_ =	shalt  }
0x71: {  	_ =	shalt  }
0x72: {  	_ =	shalt  }
0x73: {  	_ =	shalt  }
0x74: {  	_ =	shalt  }
0x75: {  	_ =	shalt  }
0x76: {  	_ =	shalt  }
0x77: {  	_ =	shalt  }
0x78: {  	_ =	shalt  }
0x79: {  	_ =	shalt  }
0x7a: {  	_ =	shalt  }
0x7b: {  	_ =	shalt  }
0x7c: {  	_ =	shalt  }
0x7d: {  	_ =	shalt  }
0x7e: {  	_ =	shalt  }
0x7f: {  	_ =	shalt  }
0x80: {  	_ =	shalt  }
0x81: {  	_ =	shalt  }
0x82: {  	_ =	shalt  }
0x83: {  	_ =	shalt  }
0x84: {  	_ =	shalt  }
0x85: {  	_ =	shalt  }
0x86: {  	_ =	shalt  }
0x87: {  	_ =	shalt  }
.Lfunc_end0:
.L_simem_size_0:
called_computation.2_lowered:
.L_overlay_start_0:
0x88: {  	s2 =	sld [smem:$0x3FD9]  }
0x89: {  	s3 =	sld [smem:$0x3FFE];
	_ =	sdelay $0x1  }
0x8a: {  	s1 =	srdreg.scid  }
0x8b: {  	s0 =	sand.u32 $0x1, s1  }
0x8c: {  	s14 =	sshll.u32 s0, $0xA;
	s2 =	sadd.s32 s3, s2  }
0x8d: {  	s2 =	sadd.s32 s2, s14  }
0x8e: {  	[smem:$0x3FC6] =	sst s2  }
0x8f: {  	_ = 	snop  }
0x90: {  	s2 =	sld [smem:$0x3FD0];
	_ =	sdelay $0x2  }
0x91: {  	s15 =	simm.s32 $0xA;
	s4 =	simm.s32 $0x10  }
0x92: {  	[smem:s4], [sflag:s15] =	dma.local [hbm:s2], $0x1  }
0x93: {  	_ =	swait.eq [sflag:s15], $0x1  }
0x94: {  	[sflag:s15] =	ssyncset.done $0x0  }
0x95: {  	s16 =	sld [smem:$0x10];
	[sflag:s15] =	ssyncadd.s32 $0xFFFFFFFF  }
0x96: {  	s17 =	sld [smem:$0x11];
	(tm) =	ssettm $0x1  }
0x97: {  	s18 =	sld [smem:$0x3FFB];
	_ =	sdelay $0x3  }
0x98: {  	_ =	strace s18  }
0x99: {  	s4 =	sld [smem:$0x3FFC];
	_ =	sdelay $0x3  }
0x9a: {  	_ =	strace s4  }
0x9b: {  	s4 =	sld [smem:$0x3FFD];
	_ =	sdelay $0x3  }
0x9c: {  	_ =	strace s4  }
0x9d: {  	_ =	strace $0x8FFFFFFF  }
0x9e: {  	s19 =	sld [smem:$0x3FDB];
	_ =	sdelay $0x1  }
0x9f: {  	s5 =	simm.s32 $_scs_section_size  }
0xa0: {  	s6 =	simm.s32 $_size__tile_overlayer_lowered;
	s7 =	simm.s32 $_tile_overlayer_lowered  }
0xa1: {  	s22 =	simm.s32 $0x1BFF;
	s21 =	sshll.u32 s7, $0x1;
	s4 =	sadd.s32 s5, s19  }
0xa2: {  	s8 =	simm.s32 $0x0;
	s20 =	sshll.u32 s6, $0x1;
	s6 =	sadd.s32 s21, s4  }
0xa3: {  	[timem:s8], [sflag:s22] =	dma.local [hbm:s6], s20  }
0xa4: {  	_ =	swait.ge [sflag:s22], s20  }
0xa5: {  	s5 =	ssub.s32 $0x0, s20;
	[sflag:s22] =	ssyncset.done $0x0  }
0xa6: {  	[sflag:s22] =	ssyncadd.s32 s5;
	_ =	sdelay $0x1  }
0xa7: {  	s23 =	simm.s32 $0x1B8B  }
0xa8: {  	_ =	swait.ge [sflag:s23], $0x1  }
0xa9: {  	[sflag:s23] =	ssyncset.done $0x0  }
0xaa: {  	s25 =	simm.s32 $0x1B8E;
	s24 =	sld [smem:$0x3FFE];
	[sflag:s23] =	ssyncadd.s32 $0xFFFFFFFF  }
0xab: {  	s26 =	simm.s32 $execute0_lowered;
	[smem:$0x3FD2] =	sst s25  }
0xac: {  	s6 =	sshll.u32 s26, $0x1;
	_ =	strace $0x80000049;
	[dreg:$0x1] =	wrdreg $0xFFFFFFFF  }
0xad: {  	s28 =	simm.s32 $_size_execute0_lowered;
	s4 =	sadd.s32 s4, s6;
	[dreg:$0x0] =	wrdreg $0x0  }
0xae: {  	s6 =	sshll.u32 s28, $0x1;
	[dreg:$0x2] =	wrdreg s4  }
0xaf: {  	[dreg:$0x3] =	wrdreg s6  }
0xb0: {  	[dreg:$0x4] =	wrdreg $0xC0  }
0xb1: {  	_ =	task [dreg:s8], $0x5FFFF  }
0xb2: {  	[dreg:$0x1] =	wrdreg $0xFFFFFFFF  }
0xb3: {  	[dreg:$0x0] =	wrdreg $0x60  }
0xb4: {  	[dreg:$0x2] =	wrdreg s24  }
0xb5: {  	[dreg:$0x3] =	wrdreg s16  }
0xb6: {  	[dreg:$0x4] =	wrdreg s17  }
0xb7: {  	[dreg:$0x5] =	wrdreg $0x9  }
0xb8: {  	_ =	task.clear_ibuf [dreg:s8], $0x6FFFF;
	_ =	strace $0x90000049  }
0xb9: {  	s29 =	simm.s32 $0x9;
	_ =	strace $0x8000004B  }
0xba: {  	_ =	swait.ge [sflag:s29], $0x1  }
0xbb: {  	[sflag:s29] =	ssyncadd.s32 $0xFFFFFFFF  }
0xbc: {  	_ =	strace $0x9000004B  }
0xbd: {  	_ =	sfence  }
0xbe: {  	s30 =	sld [smem:$0x0];
	_ =	sdelay $0x2  }
0xbf: {  	s31 =	sshll.u32 s1, $0xD;
	s1 =	sshrl.u32 s1, $0x2  }
0xc0: {  	s3 =	sand.u32 $0x4000, s31;
	s1 =	sadd.s32 s1, s30  }
0xc1: {  	s0 =	sor.u32 s3, s0;
	s1 =	sshll.u32 s1, $0x11  }
0xc2: {  	s0 =	sor.u32 s1, s0  }
0xc3: {  	s0 =	sadd.s32 $0x8F2B, s0  }
0xc4: {  	[sflag:s0] =	ssyncadd.remote.s32 $0x1  }
0xc5: {  	_ =	sfence.sel $0xFFFF  }
0xc6: {  	[dreg:$0x0] =	wrdreg $0xFFFFFFFF;
	(pc) =	sbr.abs _section_cstart, $3  }
0xc7: {  	[dreg:$0x1] =	wrdreg $0xFFFFFFFF  }
0xc8: {  	_ =	task.clear_ibuf [dreg:s8], $0x2FFFF;
	_ =	strace $0x9FFFFFFF  }
0xc9: {  	(tm) =	ssettm $0x7FFFFFFF  }
tec
execute0_lowered:
.L_overlay_start_1:
0x0: {  	(tag) =	ssettag $0x1  }
0x1: {  	s1 =	rddreg [dreg:$0x0]  }
0x2: {  	s0 =	srdreg.scid;
	s2 =	rddreg [dreg:$0x1]  }
0x3: {  	s3 =	stileid.u32;
	s7 =	rddreg [dreg:$0x2];
	s9 =	simm.s32 $0x5  }
0x4: {  	s10 =	simm.s32 $0x68;
	s12 =	simm.s32 $0x60;
	s13 =	simm.s32 $0x7440  }
0x5: {  	s14 =	simm.s32 $0xC8;
	s15 =	simm.s32 $0x8340;
	s16 =	simm.s32 $0x130  }
0x6: {  	s17 =	simm.s32 $0x9380;
	s18 =	simm.s32 $0x1;
	s19 =	simm.s32 $0xA280  }
0x7: {  	v0 =	vlaneseq.u32;
	s20 =	simm.s32 $0xD480;
	s21 =	simm.s32 $0x2;
	s22 =	simm.s32 $0xBB80  }
0x8: {  	v1 =	vimm.s32 $0x0;
	vm0 =	vcmask $0x300;
	s23 =	simm.s32 $0x3;
	s24 =	simm.s32 $0x4;
	s0 =	sand.u32 $0x1, s0;
	v0 =	vmul.u32 $0xC8, v0  }
0x9: {  	s25 =	simm.s32 $0x0;
	s3 =	sshll.u32 s3, $0x8;
	v2 =	vsel vm0, $0x3, v1;
	vm0 =	vcmask $0x3F20;
	s4 =	sshll.u32 s0, $0x7  }
.Ltmp0:
0xa: {  	s0 =	ssub.s32 $0x2, s0;
	s3 =	sor.u32 s4, s3;
	v3 =	vadd.s32 $0xC80, v0;
	v4 =	vor.u32 $0x1, v0;
	v5 =	vadd.s32 $0xC81, v0;
	(pc) =	sbr.rel .LBB2_1-.Ltmp0, $4  }
0xb: {  	s4 =	simm.s32 $0x0;
	s31 =	sshrl.u32 s0, $0x1;
	v6 =	vor.u32 $0x2, v0;
	v7 =	vadd.s32 $0xC82, v0;
	v8 =	vor.u32 $0x3, v0;
	s5 =	smul.u32 $0x19, s3  }
0xc: {  	v9 =	vadd.s32 $0xC83, v0;
	v10 =	vor.u32 $0x4, v0;
	v11 =	vadd.s32 $0xC84, v0;
	[smem:$0x7FF] =	sst s4;
	s8 =	sshrl.u32 s3, $0x3;
	s0 =	ssub.s32 s0, s31  }
0xd: {  	v12 =	vor.u32 $0x5, v0;
	v13 =	vadd.s32 $0xC85, v0;
	v14 =	vor.u32 $0x6, v0;
	_ =	strace $0x8000004A;
	s7 =	sadd.s32 s7, s8;
	s6 =	sadd.s32 s5, s1  }
0xe: {  	v15 =	vadd.s32 $0xC86, v0;
	v16 =	vor.u32 $0x7, v0;
	v17 =	vadd.s32 $0xC87, v0;
	s8 =	smax.u32 s0, $0x1;
	s5 =	sadd.s32 $0x1200, s1;
	s6 =	sadd.s32 $0x4C5E00, s6  }
.LBB2_8:
0xf: {  	_ =	swait.ge [sflag:s23], $0x1900  }
0x10: {  	[sflag:s23] =	ssyncset.done $0x0  }
0x11: {  	[sflag:s23] =	ssyncadd.s32 $0xFFFFE700  }
0x12: {  	s25 =	sadd.s32 $0x1, s25;
	_ =	swait.ge [sflag:s24], $0x1900  }
0x13: {  	p0 =	sne.s32 s25, s8;
	[sflag:s24] =	ssyncset.done $0x0  }
.Ltmp1:
0x14: {  	[sflag:s24] =	ssyncadd.s32 $0xFFFFE700;
	(pc) =	sbr.rel @!p0 .LBB2_9-.Ltmp1, $4  }
0x15: {  	[hbm4b:s7+s4] =	stream.linear.scatter [tilespmem:s20], [sflag:$0x5], $0x80, $0x38;
	[tilespmem:$0xD500] =	vst v63  }
0x16: {  	_ =	swait.ge [sflag:s9], $0x80  }
0x17: {  	[sflag:s9] =	ssyncset.done $0x0  }
0x18: {  	[sflag:s9] =	ssyncadd.s32 $0xFFFFFF80  }
.LBB2_1:
0x19: {  	[tilespmem:s4], [sflag:$0x5] =	stream.linear.gather [hbm4b:s6+s4], $0x6400, $0x38;
	[tilespmem:$0xD500] =	vst v63  }
0x1a: {  	_ =	swait.ge [sflag:s9], $0x6400  }
0x1b: {  	[sflag:s9] =	ssyncset.done $0x0  }
0x1c: {  	s0 =	simm.s32 $0x6400;
	[sflag:s9] =	ssyncadd.s32 $0xFFFF9C00  }
0x1d: {  	[tilespmem:s0], [sflag:$0x1] =	stream.indirect.gather [hbm4b:s5+s10], $0x28, s4, s10, $0xb8;
	[tilespmem:$0xD500] =	vst v63  }
0x1e: {  	_ = 	snop  }
0x1f: {  	[tilespmem:s13], [sflag:$0x1] =	stream.indirect.gather [hbm4b:s5+s12], $0x28, s10, s12, $0xb8;
	[tilespmem:$0xD500] =	vst v63  }
0x20: {  	_ = 	snop  }
0x21: {  	[tilespmem:s15], [sflag:$0x2] =	stream.indirect.gather [hbm4b:s5+s10], $0x28, s14, s10, $0xb8;
	[tilespmem:$0xD500] =	vst v63  }
0x22: {  	s26 =	simm.s32 $0x0  }
0x23: {  	[tilespmem:s17], [sflag:$0x2] =	stream.indirect.gather [hbm4b:s5+s12], $0x28, s16, s12, $0xb8;
	[tilespmem:$0xD500] =	vst v63  }
.LBB2_2:
0x24: {  	_ =	swait.ge [sflag:s18], $0x1F40;
	s0 =	simm.s32 $0x0  }
0x25: {  	p0 =	seq.s32 s26, $0x0;
	[sflag:s18] =	ssyncset.done $0x0;
	v18 =	vmov s0  }
0x26: {  	s0 =	simm.s32 @!p0 $0x3;
	[sflag:s18] =	ssyncadd.s32 $0xFFFFE0C0;
	v18 =	vshrl.u32 v18, $0x3  }
0x27: {  	_ =	swait.ge @!p0 [sflag:s0], $0x1900;
	v18 =	vshll.u32 v18, v2  }
0x28: {  	[sflag:s0] =	ssyncset.done @!p0 $0x0;
	v18 =	vbroadcast v18, $0x0  }
0x29: {  	s28 =	simm.s32 $0x64A0;
	[sflag:s0] =	ssyncadd.s32 @!p0 $0xFFFFE700  }
0x2a: {  	v19 =	vld [tilespmem:s28+$0xFFFFFF60];
	v20 =	vadd.s32 v0, v18  }
0x2b: {  	s1 =	simm.s32 $0x1;
	v21 =	vld [tilespmem:s28+$0xFFFFFF70];
	v18 =	vadd.s32 v3, v18  }
0x2c: {  	v22 =	vmov s1  }
0x2d: {  	v22 =	vshrl.u32 v22, $0x3  }
0x2e: {  	v22 =	vshll.u32 v22, v2  }
0x2f: {  	[tilespmem:v20+s19+$0x0] =	vst.idx.msk $0xffff, v19;
	v19 =	vbroadcast v22, $0x0  }
0x30: {  	[tilespmem:v18+s19+$0x0] =	vst.idx.msk $0xffff, v21  }
0x31: {  	v18 =	vld [tilespmem:s28+$0xFFFFFF88];
	v20 =	vadd.s32 v4, v19  }
0x32: {  	s11 =	simm.s32 $0x2;
	v21 =	vld [tilespmem:s28+$0xFFFFFF98];
	v19 =	vadd.s32 v5, v19  }
0x33: {  	v22 =	vmov s11  }
0x34: {  	v22 =	vshrl.u32 v22, $0x3  }
0x35: {  	v22 =	vshll.u32 v22, v2  }
0x36: {  	[tilespmem:v20+s19+$0x0] =	vst.idx.msk $0xffff, v18;
	v18 =	vbroadcast v22, $0x0  }
0x37: {  	[tilespmem:v19+s19+$0x0] =	vst.idx.msk $0xffff, v21  }
0x38: {  	v19 =	vld [tilespmem:s28+$0xFFFFFFB0];
	v20 =	vadd.s32 v6, v18  }
0x39: {  	s1 =	simm.s32 $0x3;
	v21 =	vld [tilespmem:s28+$0xFFFFFFC0];
	v18 =	vadd.s32 v7, v18  }
0x3a: {  	v22 =	vmov s1  }
0x3b: {  	v22 =	vshrl.u32 v22, $0x3  }
0x3c: {  	v22 =	vshll.u32 v22, v2  }
0x3d: {  	[tilespmem:v20+s19+$0x0] =	vst.idx.msk $0xffff, v19;
	v19 =	vbroadcast v22, $0x0  }
0x3e: {  	[tilespmem:v18+s19+$0x0] =	vst.idx.msk $0xffff, v21  }
0x3f: {  	v18 =	vld [tilespmem:s28+$0xFFFFFFD8];
	v20 =	vadd.s32 v8, v19  }
0x40: {  	s11 =	simm.s32 $0x4;
	v21 =	vld [tilespmem:s28+$0xFFFFFFE8];
	v19 =	vadd.s32 v9, v19  }
0x41: {  	v22 =	vmov s11  }
0x42: {  	v22 =	vshrl.u32 v22, $0x3  }
0x43: {  	v22 =	vshll.u32 v22, v2  }
0x44: {  	[tilespmem:v20+s19+$0x0] =	vst.idx.msk $0xffff, v18;
	v18 =	vbroadcast v22, $0x0  }
0x45: {  	[tilespmem:v19+s19+$0x0] =	vst.idx.msk $0xffff, v21  }
0x46: {  	v19 =	vld [tilespmem:s28+$0x0];
	v20 =	vadd.s32 v10, v18  }
0x47: {  	s1 =	simm.s32 $0x5;
	v21 =	vld [tilespmem:s28+$0x10];
	v18 =	vadd.s32 v11, v18  }
0x48: {  	v22 =	vmov s1  }
0x49: {  	v22 =	vshrl.u32 v22, $0x3  }
0x4a: {  	v22 =	vshll.u32 v22, v2  }
0x4b: {  	[tilespmem:v20+s19+$0x0] =	vst.idx.msk $0xffff, v19;
	v19 =	vbroadcast v22, $0x0  }
0x4c: {  	[tilespmem:v18+s19+$0x0] =	vst.idx.msk $0xffff, v21  }
0x4d: {  	v18 =	vld [tilespmem:s28+$0x28];
	v20 =	vadd.s32 v12, v19  }
0x4e: {  	s11 =	simm.s32 $0x6;
	v21 =	vld [tilespmem:s28+$0x38];
	v19 =	vadd.s32 v13, v19  }
0x4f: {  	v22 =	vmov s11  }
0x50: {  	v22 =	vshrl.u32 v22, $0x3  }
0x51: {  	v22 =	vshll.u32 v22, v2  }
0x52: {  	[tilespmem:v20+s19+$0x0] =	vst.idx.msk $0xffff, v18;
	v18 =	vbroadcast v22, $0x0  }
0x53: {  	[tilespmem:v19+s19+$0x0] =	vst.idx.msk $0xffff, v21  }
0x54: {  	v19 =	vld [tilespmem:s28+$0x50];
	v20 =	vadd.s32 v14, v18  }
0x55: {  	s1 =	simm.s32 $0x7;
	v21 =	vld [tilespmem:s28+$0x60];
	v18 =	vadd.s32 v15, v18  }
0x56: {  	v22 =	vmov s1  }
0x57: {  	v22 =	vshrl.u32 v22, $0x3  }
0x58: {  	v22 =	vshll.u32 v22, v2  }
0x59: {  	[tilespmem:v20+s19+$0x0] =	vst.idx.msk $0xffff, v19;
	v19 =	vbroadcast v22, $0x0  }
0x5a: {  	s11 =	simm.s32 $0x8;
	[tilespmem:v18+s19+$0x0] =	vst.idx.msk $0xffff, v21  }
0x5b: {  	v18 =	vmov s11;
	v21 =	vld [tilespmem:s28+$0x78];
	v22 =	vadd.s32 v16, v19  }
0x5c: {  	v20 =	vshrl.u32 v18, $0x3  }
0x5d: {  	v18 =	vld [tilespmem:s28+$0x88];
	v23 =	vshll.u32 v20, v2;
	v20 =	vadd.s32 v17, v19;
	_ =	sdelay $0x2  }
0x5e: {  	s29 =	sshll.u32 s26, $0x1;
	s30 =	simm.s32 $0xF;
	s31 =	simm.s32 $0x17;
	v19 =	vbroadcast v23, $0x0;
	[tilespmem:v22+s19+$0x0] =	vst.idx.msk $0xffff, v21  }
.LBB2_3:
0x5f: {  	p1 =	sne.s32 s31, $0xC7  }
0x60: {  	[tilespmem:v20+s19+$0x0] =	vst.idx.msk $0xffff, v18;
	s28 =	sadd.s32 $0x140, s28;
	s1 =	smov.u32 s31;
	s31 =	sadd.s32 $0x8, s31  }
0x61: {  	v18 =	vld [tilespmem:s28+$0xFFFFFF60];
	v20 =	vadd.s32 v0, v19  }
0x62: {  	s0 =	sadd.s32 $0xFFFFFFFA, s30;
	v19 =	vadd.s32 v3, v19;
	v21 =	vld [tilespmem:s28+$0xFFFFFF70]  }
0x63: {  	v22 =	vmov s0  }
0x64: {  	v22 =	vshrl.u32 v22, $0x3  }
0x65: {  	v22 =	vshll.u32 v22, v2  }
0x66: {  	[tilespmem:v20+s19+$0x0] =	vst.idx.msk $0xffff, v18;
	v18 =	vbroadcast v22, $0x0  }
0x67: {  	[tilespmem:v19+s19+$0x0] =	vst.idx.msk $0xffff, v21  }
0x68: {  	v19 =	vld [tilespmem:s28+$0xFFFFFF88];
	v20 =	vadd.s32 v4, v18  }
0x69: {  	s0 =	sadd.s32 $0xFFFFFFFB, s30;
	v18 =	vadd.s32 v5, v18;
	v21 =	vld [tilespmem:s28+$0xFFFFFF98]  }
0x6a: {  	v22 =	vmov s0  }
0x6b: {  	v22 =	vshrl.u32 v22, $0x3  }
0x6c: {  	v22 =	vshll.u32 v22, v2  }
0x6d: {  	[tilespmem:v20+s19+$0x0] =	vst.idx.msk $0xffff, v19;
	v19 =	vbroadcast v22, $0x0  }
0x6e: {  	[tilespmem:v18+s19+$0x0] =	vst.idx.msk $0xffff, v21  }
0x6f: {  	v18 =	vld [tilespmem:s28+$0xFFFFFFB0];
	v20 =	vadd.s32 v6, v19  }
0x70: {  	s0 =	sadd.s32 $0xFFFFFFFC, s30;
	v19 =	vadd.s32 v7, v19;
	v21 =	vld [tilespmem:s28+$0xFFFFFFC0]  }
0x71: {  	v22 =	vmov s0  }
0x72: {  	v22 =	vshrl.u32 v22, $0x3  }
0x73: {  	v22 =	vshll.u32 v22, v2  }
0x74: {  	[tilespmem:v20+s19+$0x0] =	vst.idx.msk $0xffff, v18;
	v18 =	vbroadcast v22, $0x0  }
0x75: {  	[tilespmem:v19+s19+$0x0] =	vst.idx.msk $0xffff, v21  }
0x76: {  	v19 =	vld [tilespmem:s28+$0xFFFFFFD8];
	v20 =	vadd.s32 v8, v18  }
0x77: {  	s0 =	sadd.s32 $0xFFFFFFFD, s30;
	v18 =	vadd.s32 v9, v18;
	v21 =	vld [tilespmem:s28+$0xFFFFFFE8]  }
0x78: {  	v22 =	vmov s0  }
0x79: {  	v22 =	vshrl.u32 v22, $0x3  }
0x7a: {  	v22 =	vshll.u32 v22, v2  }
0x7b: {  	[tilespmem:v20+s19+$0x0] =	vst.idx.msk $0xffff, v19;
	v19 =	vbroadcast v22, $0x0  }
0x7c: {  	[tilespmem:v18+s19+$0x0] =	vst.idx.msk $0xffff, v21  }
0x7d: {  	v18 =	vld [tilespmem:s28+$0x0];
	v20 =	vadd.s32 v10, v19  }
0x7e: {  	s0 =	sadd.s32 $0xFFFFFFFE, s30;
	v19 =	vadd.s32 v11, v19;
	v21 =	vld [tilespmem:s28+$0x10]  }
0x7f: {  	v22 =	vmov s0  }
0x80: {  	v22 =	vshrl.u32 v22, $0x3  }
0x81: {  	v22 =	vshll.u32 v22, v2  }
0x82: {  	[tilespmem:v20+s19+$0x0] =	vst.idx.msk $0xffff, v18;
	v18 =	vbroadcast v22, $0x0  }
0x83: {  	[tilespmem:v19+s19+$0x0] =	vst.idx.msk $0xffff, v21  }
0x84: {  	v19 =	vld [tilespmem:s28+$0x28];
	v20 =	vadd.s32 v12, v18  }
0x85: {  	s0 =	sadd.s32 $0xFFFFFFFF, s30;
	v18 =	vadd.s32 v13, v18;
	v21 =	vld [tilespmem:s28+$0x38]  }
0x86: {  	v22 =	vmov s0  }
0x87: {  	v22 =	vshrl.u32 v22, $0x3  }
0x88: {  	v22 =	vshll.u32 v22, v2  }
0x89: {  	[tilespmem:v20+s19+$0x0] =	vst.idx.msk $0xffff, v19;
	v19 =	vbroadcast v22, $0x0  }
0x8a: {  	[tilespmem:v18+s19+$0x0] =	vst.idx.msk $0xffff, v21  }
0x8b: {  	v18 =	vld [tilespmem:s28+$0x50];
	v20 =	vadd.s32 v14, v19  }
0x8c: {  	v19 =	vadd.s32 v15, v19;
	v21 =	vld [tilespmem:s28+$0x60]  }
0x8d: {  	v22 =	vmov s30;
	s30 =	smov.u32 s1  }
0x8e: {  	v22 =	vshrl.u32 v22, $0x3  }
0x8f: {  	v22 =	vshll.u32 v22, v2  }
0x90: {  	[tilespmem:v20+s19+$0x0] =	vst.idx.msk $0xffff, v18;
	v20 =	vbroadcast v22, $0x0  }
0x91: {  	[tilespmem:v19+s19+$0x0] =	vst.idx.msk $0xffff, v21  }
0x92: {  	v21 =	vld [tilespmem:s28+$0x78];
	v22 =	vadd.s32 v16, v20  }
.Ltmp2:
0x93: {  	s0 =	sadd.s32 $0xFFFFFFF9, s30;
	v20 =	vadd.s32 v17, v20;
	v18 =	vld [tilespmem:s28+$0x88];
	(pc) =	sbr.rel @p1 .LBB2_3-.Ltmp2, $4  }
0x94: {  	v19 =	vmov s0  }
0x95: {  	v19 =	vshrl.u32 v19, $0x3  }
0x96: {  	v19 =	vshll.u32 v19, v2  }
0x97: {  	v19 =	vbroadcast v19, $0x0;
	[tilespmem:v22+s19+$0x0] =	vst.idx.msk $0xffff, v21  }
0x98: {  	_ =	sdelay $0x3  }
0x99: {  	[tilespmem:v20+s19+$0x0] =	vst.idx.msk $0xffff, v18;
	s0 =	sadd.s32 $0x140, s28  }
0x9a: {  	v18 =	vld [tilespmem:s0+$0xFFFFFF60];
	v20 =	vadd.s32 v0, v19  }
0x9b: {  	s1 =	sadd.s32 $0xFFFFFFFA, s30;
	v21 =	vld [tilespmem:s0+$0xFFFFFF70];
	v19 =	vadd.s32 v3, v19  }
0x9c: {  	v22 =	vmov s1  }
0x9d: {  	v22 =	vshrl.u32 v22, $0x3  }
0x9e: {  	v22 =	vshll.u32 v22, v2  }
0x9f: {  	[tilespmem:v20+s19+$0x0] =	vst.idx.msk $0xffff, v18;
	v18 =	vbroadcast v22, $0x0  }
0xa0: {  	[tilespmem:v19+s19+$0x0] =	vst.idx.msk $0xffff, v21  }
0xa1: {  	v19 =	vld [tilespmem:s0+$0xFFFFFF88];
	v20 =	vadd.s32 v4, v18  }
0xa2: {  	s11 =	sadd.s32 $0xFFFFFFFB, s30;
	v21 =	vld [tilespmem:s0+$0xFFFFFF98];
	v18 =	vadd.s32 v5, v18  }
0xa3: {  	v22 =	vmov s11  }
0xa4: {  	v22 =	vshrl.u32 v22, $0x3  }
0xa5: {  	v22 =	vshll.u32 v22, v2  }
0xa6: {  	[tilespmem:v20+s19+$0x0] =	vst.idx.msk $0xffff, v19;
	v19 =	vbroadcast v22, $0x0  }
0xa7: {  	[tilespmem:v18+s19+$0x0] =	vst.idx.msk $0xffff, v21  }
0xa8: {  	v18 =	vld [tilespmem:s0+$0xFFFFFFB0];
	v20 =	vadd.s32 v6, v19  }
0xa9: {  	s11 =	sadd.s32 $0xFFFFFFFC, s30;
	v21 =	vld [tilespmem:s0+$0xFFFFFFC0];
	v19 =	vadd.s32 v7, v19  }
0xaa: {  	v22 =	vmov s11  }
0xab: {  	v22 =	vshrl.u32 v22, $0x3  }
0xac: {  	v22 =	vshll.u32 v22, v2  }
0xad: {  	[tilespmem:v20+s19+$0x0] =	vst.idx.msk $0xffff, v18;
	v18 =	vbroadcast v22, $0x0  }
0xae: {  	[tilespmem:v19+s19+$0x0] =	vst.idx.msk $0xffff, v21  }
0xaf: {  	v19 =	vld [tilespmem:s0+$0xFFFFFFD8];
	v20 =	vadd.s32 v8, v18  }
0xb0: {  	s11 =	sadd.s32 $0xFFFFFFFD, s30;
	v21 =	vld [tilespmem:s0+$0xFFFFFFE8];
	v18 =	vadd.s32 v9, v18  }
0xb1: {  	v22 =	vmov s11  }
0xb2: {  	v22 =	vshrl.u32 v22, $0x3  }
0xb3: {  	v22 =	vshll.u32 v22, v2  }
0xb4: {  	[tilespmem:v20+s19+$0x0] =	vst.idx.msk $0xffff, v19;
	v19 =	vbroadcast v22, $0x0  }
0xb5: {  	[tilespmem:v18+s19+$0x0] =	vst.idx.msk $0xffff, v21  }
0xb6: {  	v18 =	vld [tilespmem:s0+$0x0];
	v20 =	vadd.s32 v10, v19  }
0xb7: {  	s11 =	sadd.s32 $0xFFFFFFFE, s30;
	v21 =	vld [tilespmem:s0+$0x10];
	v19 =	vadd.s32 v11, v19  }
0xb8: {  	v22 =	vmov s11  }
0xb9: {  	v22 =	vshrl.u32 v22, $0x3  }
0xba: {  	v22 =	vshll.u32 v22, v2  }
0xbb: {  	[tilespmem:v20+s19+$0x0] =	vst.idx.msk $0xffff, v18;
	v18 =	vbroadcast v22, $0x0  }
0xbc: {  	[tilespmem:v19+s19+$0x0] =	vst.idx.msk $0xffff, v21  }
0xbd: {  	v19 =	vld [tilespmem:s0+$0x28];
	v20 =	vadd.s32 v12, v18  }
0xbe: {  	s11 =	sadd.s32 $0xFFFFFFFF, s30;
	v21 =	vld [tilespmem:s0+$0x38];
	v18 =	vadd.s32 v13, v18  }
0xbf: {  	v22 =	vmov s11  }
0xc0: {  	v22 =	vshrl.u32 v22, $0x3  }
0xc1: {  	v22 =	vshll.u32 v22, v2  }
0xc2: {  	[tilespmem:v20+s19+$0x0] =	vst.idx.msk $0xffff, v19;
	v19 =	vbroadcast v22, $0x0  }
0xc3: {  	[tilespmem:v18+s19+$0x0] =	vst.idx.msk $0xffff, v21  }
0xc4: {  	v18 =	vld [tilespmem:s0+$0x50];
	v20 =	vadd.s32 v14, v19  }
0xc5: {  	v21 =	vld [tilespmem:s0+$0x60];
	v19 =	vadd.s32 v15, v19  }
0xc6: {  	v22 =	vmov s30  }
0xc7: {  	v22 =	vshrl.u32 v22, $0x3  }
0xc8: {  	v22 =	vshll.u32 v22, v2  }
0xc9: {  	[tilespmem:v20+s19+$0x0] =	vst.idx.msk $0xffff, v18;
	v18 =	vbroadcast v22, $0x0  }
0xca: {  	[tilespmem:v19+s19+$0x0] =	vst.idx.msk $0xffff, v21  }
0xcb: {  	v19 =	vld [tilespmem:s0+$0x78];
	v20 =	vadd.s32 v16, v18  }
0xcc: {  	v21 =	vld [tilespmem:s0+$0x88];
	v18 =	vadd.s32 v17, v18;
	_ =	sdelay $0x2  }
0xcd: {  	s11 =	smul.u32 $0x640, s26  }
0xce: {  	[tilespmem:v20+s19+$0x0] =	vst.idx.msk $0xffff, v19  }
0xcf: {  	s28 =	sshra.s32 s11, $0x2;
	[tilespmem:v18+s19+$0x0] =	vst.idx.msk $0xffff, v21  }
0xd0: {  	v18 =	vld [tilespmem:s28+$0x0]  }
0xd1: {  	v19 =	vld [tilespmem:s28+$0x10]  }
0xd2: {  	v20 =	vld [tilespmem:s28+$0x20]  }
0xd3: {  	v21 =	vld [tilespmem:s28+$0x30]  }
0xd4: {  	v22 =	vld [tilespmem:s28+$0x40]  }
0xd5: {  	v23 =	vld [tilespmem:s28+$0x50]  }
0xd6: {  	vm1 =	vne.s32 v18, $0x0;
	vm2 =	vne.s32 v19, $0x0;
	v18 =	vld [tilespmem:s28+$0x60]  }
0xd7: {  	v19 =	vsel vm1, $0x1, v1;
	v24 =	vsel vm2, $0x1, v1;
	vm1 =	vne.s32 v20, $0x0;
	v20 =	vld [tilespmem:s28+$0x70]  }
0xd8: {  	v19 =	vadd.s32 v19, v24;
	v59 =	vsel vm1, $0x1, v1;
	vm1 =	vne.s32 v21, $0x0;
	v21 =	vld [tilespmem:s28+$0x80]  }
0xd9: {  	v19 =	vadd.s32 v59, v19;
	v60 =	vsel vm1, $0x1, v1;
	vm1 =	vne.s32 v22, $0x0;
	v22 =	vld [tilespmem:s28+$0x90]  }
0xda: {  	v19 =	vadd.s32 v60, v19;
	v61 =	vsel vm1, $0x1, v1;
	vm1 =	vne.s32 v23, $0x0;
	v23 =	vld [tilespmem:s28+$0xA0]  }
0xdb: {  	v19 =	vadd.s32 v61, v19;
	v62 =	vsel vm1, $0x1, v1;
	vm1 =	vne.s32 v18, $0x0;
	v18 =	vld [tilespmem:s28+$0xB0]  }
0xdc: {  	v19 =	vadd.s32 v62, v19;
	v63 =	vsel vm1, $0x1, v1;
	vm1 =	vne.s32 v20, $0x0;
	v20 =	vld [tilespmem:s28+$0xB8]  }
0xdd: {  	v19 =	vadd.s32 v63, v19;
	vm2 =	vne.s32 v21, $0x0;
	v21 =	vsel vm1, $0x1, v1  }
0xde: {  	v19 =	vadd.s32 v21, v19;
	vm1 =	vne.s32 v22, $0x0;
	v21 =	vsel vm2, $0x1, v1  }
0xdf: {  	v19 =	vadd.s32 v21, v19;
	v21 =	vsel vm1, $0x1, v1  }
0xe0: {  	vm1 =	vne.s32 v23, $0x0;
	v19 =	vadd.s32 v21, v19  }
0xe1: {  	v21 =	vsel vm1, $0x1, v1;
	vm1 =	vne.s32 v18, $0x0;
	vm2 =	vne.s32 v20, $0x0  }
0xe2: {  	v18 =	vsel vm1, $0x1, v1;
	v19 =	vadd.s32 v21, v19;
	vm1 =	vmand vm2, vm0  }
0xe3: {  	v18 =	vadd.s32 v18, v19;
	v19 =	vsel vm1, $0x1, v1  }
0xe4: {  	v18 =	vadd.s32 v19, v18  }
0xe5: {  	(xrf0) =	vadd.scan.msk.s32 $0xffff, v18  }
0xe6: {  	v18 =	vmov s29  }
0xe7: {  	v18 =	vand.u32 $0xFFFFFFFE, v18  }
0xe8: {  	v18 =	vbroadcast v18, $0x0;
	_ =	sdelay $0x2  }
0xe9: {  	s1 =	sadd.s32 s3, s29;
	v19, _, _ =	vpop (xrf0)  }
0xea: {  	s0 =	smul.u32 $0x320, s1;
	v19 =	vbroadcast v19, $0xF;
	_ =	sdelay $0x1  }
0xeb: {  	p1 =	seq.s32 s26, $0x3F;
	s0 =	sadd.s32 s2, s0;
	[tilespmem:v18+s20+$0x0] =	vst.idx.msk $0x1, v19  }
0xec: {  	[hbm4b:s0+s4] =	stream.linear.scatter [tilespmem:s19], [sflag:$0x3], $0x1900, $0x38;
	[tilespmem:$0xD500] =	vst v63  }
0xed: {  	s30 =	simm.s32 @!p1 $0x6400;
	s1 =	simm.s32 @!p1 $0x68;
	s0 =	sadd.s32 @!p1 $0x190, s28  }
0xee: {  	[tilespmem:s30], [sflag:$0x1] =	stream.indirect.gather @!p1 [hbm4b:s5+s1], $0x28, s0, s1, $0xb8;
	[tilespmem:$0xD500] =	vst v63  }
0xef: {  	s0 =	sadd.s32 @!p1 $0x1F8, s28;
	s1 =	simm.s32 @!p1 $0x60;
	s30 =	simm.s32 @!p1 $0x7440  }
0xf0: {  	[tilespmem:s30], [sflag:$0x1] =	stream.indirect.gather @!p1 [hbm4b:s5+s1], $0x28, s0, s1, $0xb8;
	[tilespmem:$0xD500] =	vst v63  }
0xf1: {  	s11 =	simm.s32 $0x0;
	_ =	swait.ge [sflag:s21], $0x1F40  }
0xf2: {  	v18 =	vmov s11;
	[sflag:s21] =	ssyncset.done $0x0  }
0xf3: {  	v18 =	vshrl.u32 v18, $0x3;
	s0 =	simm.s32 @!p0 $0x4;
	[sflag:s21] =	ssyncadd.s32 $0xFFFFE0C0  }
0xf4: {  	v18 =	vshll.u32 v18, v2;
	_ =	swait.ge @!p0 [sflag:s0], $0x1900  }
0xf5: {  	v18 =	vbroadcast v18, $0x0;
	[sflag:s0] =	ssyncset.done @!p0 $0x0  }
0xf6: {  	s30 =	simm.s32 $0x83E0;
	[sflag:s0] =	ssyncadd.s32 @!p0 $0xFFFFE700  }
0xf7: {  	v20 =	vadd.s32 v0, v18;
	v19 =	vld [tilespmem:s30+$0xFFFFFF60]  }
0xf8: {  	v18 =	vadd.s32 v3, v18;
	s1 =	simm.s32 $0x1;
	v21 =	vld [tilespmem:s30+$0xFFFFFF70]  }
0xf9: {  	v22 =	vmov s1  }
0xfa: {  	v22 =	vshrl.u32 v22, $0x3  }
0xfb: {  	v22 =	vshll.u32 v22, v2  }
0xfc: {  	[tilespmem:v20+s22+$0x0] =	vst.idx.msk $0xffff, v19;
	v19 =	vbroadcast v22, $0x0  }
0xfd: {  	[tilespmem:v18+s22+$0x0] =	vst.idx.msk $0xffff, v21  }
0xfe: {  	v18 =	vld [tilespmem:s30+$0xFFFFFF88];
	v20 =	vadd.s32 v4, v19  }
0xff: {  	s11 =	simm.s32 $0x2;
	v21 =	vld [tilespmem:s30+$0xFFFFFF98];
	v19 =	vadd.s32 v5, v19  }
0x100: {  	v22 =	vmov s11  }
0x101: {  	v22 =	vshrl.u32 v22, $0x3  }
0x102: {  	v22 =	vshll.u32 v22, v2  }
0x103: {  	[tilespmem:v20+s22+$0x0] =	vst.idx.msk $0xffff, v18;
	v18 =	vbroadcast v22, $0x0  }
0x104: {  	[tilespmem:v19+s22+$0x0] =	vst.idx.msk $0xffff, v21  }
0x105: {  	v19 =	vld [tilespmem:s30+$0xFFFFFFB0];
	v20 =	vadd.s32 v6, v18  }
0x106: {  	s1 =	simm.s32 $0x3;
	v21 =	vld [tilespmem:s30+$0xFFFFFFC0];
	v18 =	vadd.s32 v7, v18  }
0x107: {  	v22 =	vmov s1  }
0x108: {  	v22 =	vshrl.u32 v22, $0x3  }
0x109: {  	v22 =	vshll.u32 v22, v2  }
0x10a: {  	[tilespmem:v20+s22+$0x0] =	vst.idx.msk $0xffff, v19;
	v19 =	vbroadcast v22, $0x0  }
0x10b: {  	[tilespmem:v18+s22+$0x0] =	vst.idx.msk $0xffff, v21  }
0x10c: {  	v18 =	vld [tilespmem:s30+$0xFFFFFFD8];
	v20 =	vadd.s32 v8, v19  }
0x10d: {  	s11 =	simm.s32 $0x4;
	v21 =	vld [tilespmem:s30+$0xFFFFFFE8];
	v19 =	vadd.s32 v9, v19  }
0x10e: {  	v22 =	vmov s11  }
0x10f: {  	v22 =	vshrl.u32 v22, $0x3  }
0x110: {  	v22 =	vshll.u32 v22, v2  }
0x111: {  	[tilespmem:v20+s22+$0x0] =	vst.idx.msk $0xffff, v18;
	v18 =	vbroadcast v22, $0x0  }
0x112: {  	[tilespmem:v19+s22+$0x0] =	vst.idx.msk $0xffff, v21  }
0x113: {  	v19 =	vld [tilespmem:s30+$0x0];
	v20 =	vadd.s32 v10, v18  }
0x114: {  	s1 =	simm.s32 $0x5;
	v21 =	vld [tilespmem:s30+$0x10];
	v18 =	vadd.s32 v11, v18  }
0x115: {  	v22 =	vmov s1  }
0x116: {  	v22 =	vshrl.u32 v22, $0x3  }
0x117: {  	v22 =	vshll.u32 v22, v2  }
0x118: {  	[tilespmem:v20+s22+$0x0] =	vst.idx.msk $0xffff, v19;
	v19 =	vbroadcast v22, $0x0  }
0x119: {  	[tilespmem:v18+s22+$0x0] =	vst.idx.msk $0xffff, v21  }
0x11a: {  	v18 =	vld [tilespmem:s30+$0x28];
	v20 =	vadd.s32 v12, v19  }
0x11b: {  	s11 =	simm.s32 $0x6;
	v21 =	vld [tilespmem:s30+$0x38];
	v19 =	vadd.s32 v13, v19  }
0x11c: {  	v22 =	vmov s11  }
0x11d: {  	v22 =	vshrl.u32 v22, $0x3  }
0x11e: {  	v22 =	vshll.u32 v22, v2  }
0x11f: {  	[tilespmem:v20+s22+$0x0] =	vst.idx.msk $0xffff, v18;
	v18 =	vbroadcast v22, $0x0  }
0x120: {  	[tilespmem:v19+s22+$0x0] =	vst.idx.msk $0xffff, v21  }
0x121: {  	v19 =	vld [tilespmem:s30+$0x50];
	v20 =	vadd.s32 v14, v18  }
0x122: {  	s1 =	simm.s32 $0x7;
	v21 =	vld [tilespmem:s30+$0x60];
	v18 =	vadd.s32 v15, v18  }
0x123: {  	v22 =	vmov s1  }
0x124: {  	v22 =	vshrl.u32 v22, $0x3  }
0x125: {  	v22 =	vshll.u32 v22, v2  }
0x126: {  	[tilespmem:v20+s22+$0x0] =	vst.idx.msk $0xffff, v19;
	v19 =	vbroadcast v22, $0x0  }
0x127: {  	s11 =	simm.s32 $0x8;
	[tilespmem:v18+s22+$0x0] =	vst.idx.msk $0xffff, v21  }
0x128: {  	v18 =	vmov s11;
	v21 =	vld [tilespmem:s30+$0x78];
	v22 =	vadd.s32 v16, v19  }
0x129: {  	v20 =	vshrl.u32 v18, $0x3  }
0x12a: {  	v18 =	vld [tilespmem:s30+$0x88];
	v23 =	vshll.u32 v20, v2;
	v20 =	vadd.s32 v17, v19;
	_ =	sdelay $0x2  }
0x12b: {  	s31 =	simm.s32 $0xF;
	s29 =	sor.u32 $0x1, s29;
	s1 =	simm.s32 $0x17;
	v19 =	vbroadcast v23, $0x0;
	[tilespmem:v22+s22+$0x0] =	vst.idx.msk $0xffff, v21  }
.LBB2_5:
0x12c: {  	p0 =	sne.s32 s1, $0xC7  }
0x12d: {  	[tilespmem:v20+s22+$0x0] =	vst.idx.msk $0xffff, v18;
	s30 =	sadd.s32 $0x140, s30;
	s0 =	smov.u32 s1;
	s1 =	sadd.s32 $0x8, s1  }
0x12e: {  	v18 =	vld [tilespmem:s30+$0xFFFFFF60];
	v20 =	vadd.s32 v0, v19  }
0x12f: {  	s11 =	sadd.s32 $0xFFFFFFFA, s31;
	v19 =	vadd.s32 v3, v19;
	v21 =	vld [tilespmem:s30+$0xFFFFFF70]  }
0x130: {  	v22 =	vmov s11  }
0x131: {  	v22 =	vshrl.u32 v22, $0x3  }
0x132: {  	v22 =	vshll.u32 v22, v2  }
0x133: {  	[tilespmem:v20+s22+$0x0] =	vst.idx.msk $0xffff, v18;
	v18 =	vbroadcast v22, $0x0  }
0x134: {  	[tilespmem:v19+s22+$0x0] =	vst.idx.msk $0xffff, v21  }
0x135: {  	v19 =	vld [tilespmem:s30+$0xFFFFFF88];
	v20 =	vadd.s32 v4, v18  }
0x136: {  	s11 =	sadd.s32 $0xFFFFFFFB, s31;
	v18 =	vadd.s32 v5, v18;
	v21 =	vld [tilespmem:s30+$0xFFFFFF98]  }
0x137: {  	v22 =	vmov s11  }
0x138: {  	v22 =	vshrl.u32 v22, $0x3  }
0x139: {  	v22 =	vshll.u32 v22, v2  }
0x13a: {  	[tilespmem:v20+s22+$0x0] =	vst.idx.msk $0xffff, v19;
	v19 =	vbroadcast v22, $0x0  }
0x13b: {  	[tilespmem:v18+s22+$0x0] =	vst.idx.msk $0xffff, v21  }
0x13c: {  	v18 =	vld [tilespmem:s30+$0xFFFFFFB0];
	v20 =	vadd.s32 v6, v19  }
0x13d: {  	s11 =	sadd.s32 $0xFFFFFFFC, s31;
	v19 =	vadd.s32 v7, v19;
	v21 =	vld [tilespmem:s30+$0xFFFFFFC0]  }
0x13e: {  	v22 =	vmov s11  }
0x13f: {  	v22 =	vshrl.u32 v22, $0x3  }
0x140: {  	v22 =	vshll.u32 v22, v2  }
0x141: {  	[tilespmem:v20+s22+$0x0] =	vst.idx.msk $0xffff, v18;
	v18 =	vbroadcast v22, $0x0  }
0x142: {  	[tilespmem:v19+s22+$0x0] =	vst.idx.msk $0xffff, v21  }
0x143: {  	v19 =	vld [tilespmem:s30+$0xFFFFFFD8];
	v20 =	vadd.s32 v8, v18  }
0x144: {  	s11 =	sadd.s32 $0xFFFFFFFD, s31;
	v18 =	vadd.s32 v9, v18;
	v21 =	vld [tilespmem:s30+$0xFFFFFFE8]  }
0x145: {  	v22 =	vmov s11  }
0x146: {  	v22 =	vshrl.u32 v22, $0x3  }
0x147: {  	v22 =	vshll.u32 v22, v2  }
0x148: {  	[tilespmem:v20+s22+$0x0] =	vst.idx.msk $0xffff, v19;
	v19 =	vbroadcast v22, $0x0  }
0x149: {  	[tilespmem:v18+s22+$0x0] =	vst.idx.msk $0xffff, v21  }
0x14a: {  	v18 =	vld [tilespmem:s30+$0x0];
	v20 =	vadd.s32 v10, v19  }
0x14b: {  	s11 =	sadd.s32 $0xFFFFFFFE, s31;
	v19 =	vadd.s32 v11, v19;
	v21 =	vld [tilespmem:s30+$0x10]  }
0x14c: {  	v22 =	vmov s11  }
0x14d: {  	v22 =	vshrl.u32 v22, $0x3  }
0x14e: {  	v22 =	vshll.u32 v22, v2  }
0x14f: {  	[tilespmem:v20+s22+$0x0] =	vst.idx.msk $0xffff, v18;
	v18 =	vbroadcast v22, $0x0  }
0x150: {  	[tilespmem:v19+s22+$0x0] =	vst.idx.msk $0xffff, v21  }
0x151: {  	v19 =	vld [tilespmem:s30+$0x28];
	v20 =	vadd.s32 v12, v18  }
0x152: {  	s11 =	sadd.s32 $0xFFFFFFFF, s31;
	v18 =	vadd.s32 v13, v18;
	v21 =	vld [tilespmem:s30+$0x38]  }
0x153: {  	v22 =	vmov s11  }
0x154: {  	v22 =	vshrl.u32 v22, $0x3  }
0x155: {  	v22 =	vshll.u32 v22, v2  }
0x156: {  	[tilespmem:v20+s22+$0x0] =	vst.idx.msk $0xffff, v19;
	v19 =	vbroadcast v22, $0x0  }
0x157: {  	[tilespmem:v18+s22+$0x0] =	vst.idx.msk $0xffff, v21  }
0x158: {  	v18 =	vld [tilespmem:s30+$0x50];
	v20 =	vadd.s32 v14, v19  }
0x159: {  	v19 =	vadd.s32 v15, v19;
	v21 =	vld [tilespmem:s30+$0x60]  }
0x15a: {  	v22 =	vmov s31;
	s31 =	smov.u32 s0  }
0x15b: {  	v22 =	vshrl.u32 v22, $0x3  }
0x15c: {  	v22 =	vshll.u32 v22, v2  }
0x15d: {  	[tilespmem:v20+s22+$0x0] =	vst.idx.msk $0xffff, v18;
	v20 =	vbroadcast v22, $0x0  }
0x15e: {  	[tilespmem:v19+s22+$0x0] =	vst.idx.msk $0xffff, v21  }
0x15f: {  	v21 =	vld [tilespmem:s30+$0x78];
	v22 =	vadd.s32 v16, v20  }
.Ltmp3:
0x160: {  	s0 =	sadd.s32 $0xFFFFFFF9, s31;
	v20 =	vadd.s32 v17, v20;
	v18 =	vld [tilespmem:s30+$0x88];
	(pc) =	sbr.rel @p0 .LBB2_5-.Ltmp3, $4  }
0x161: {  	v19 =	vmov s0  }
0x162: {  	v19 =	vshrl.u32 v19, $0x3  }
0x163: {  	v19 =	vshll.u32 v19, v2  }
0x164: {  	v19 =	vbroadcast v19, $0x0;
	[tilespmem:v22+s22+$0x0] =	vst.idx.msk $0xffff, v21  }
0x165: {  	_ =	sdelay $0x3  }
0x166: {  	[tilespmem:v20+s22+$0x0] =	vst.idx.msk $0xffff, v18;
	s0 =	sadd.s32 $0x140, s30  }
0x167: {  	v18 =	vld [tilespmem:s0+$0xFFFFFF60];
	v35 =	vadd.s32 v0, v19  }
0x168: {  	s1 =	sadd.s32 $0xFFFFFFFA, s31;
	v21 =	vld [tilespmem:s0+$0xFFFFFF70];
	v19 =	vadd.s32 v3, v19  }
0x169: {  	v22 =	vmov s1  }
0x16a: {  	v22 =	vshrl.u32 v22, $0x3  }
0x16b: {  	v22 =	vshll.u32 v22, v2  }
0x16c: {  	[tilespmem:v35+s22+$0x0] =	vst.idx.msk $0xffff, v18;
	v18 =	vbroadcast v22, $0x0  }
0x16d: {  	[tilespmem:v19+s22+$0x0] =	vst.idx.msk $0xffff, v21  }
0x16e: {  	v19 =	vld [tilespmem:s0+$0xFFFFFF88];
	v36 =	vadd.s32 v4, v18  }
0x16f: {  	s11 =	sadd.s32 $0xFFFFFFFB, s31;
	v21 =	vld [tilespmem:s0+$0xFFFFFF98];
	v18 =	vadd.s32 v5, v18  }
0x170: {  	v37 =	vmov s11  }
0x171: {  	v22 =	vshrl.u32 v37, $0x3  }
0x172: {  	v22 =	vshll.u32 v22, v2  }
0x173: {  	[tilespmem:v36+s22+$0x0] =	vst.idx.msk $0xffff, v19;
	v19 =	vbroadcast v22, $0x0  }
0x174: {  	[tilespmem:v18+s22+$0x0] =	vst.idx.msk $0xffff, v21  }
0x175: {  	v18 =	vld [tilespmem:s0+$0xFFFFFFB0];
	v38 =	vadd.s32 v6, v19  }
0x176: {  	s30 =	sadd.s32 $0xFFFFFFFC, s31;
	v21 =	vld [tilespmem:s0+$0xFFFFFFC0];
	v19 =	vadd.s32 v7, v19  }
0x177: {  	v39 =	vmov s30  }
0x178: {  	v22 =	vshrl.u32 v39, $0x3  }
0x179: {  	v22 =	vshll.u32 v22, v2  }
0x17a: {  	[tilespmem:v38+s22+$0x0] =	vst.idx.msk $0xffff, v18;
	v18 =	vbroadcast v22, $0x0  }
0x17b: {  	[tilespmem:v19+s22+$0x0] =	vst.idx.msk $0xffff, v21  }
0x17c: {  	v19 =	vld [tilespmem:s0+$0xFFFFFFD8];
	v40 =	vadd.s32 v8, v18  }
0x17d: {  	s11 =	sadd.s32 $0xFFFFFFFD, s31;
	v21 =	vld [tilespmem:s0+$0xFFFFFFE8];
	v18 =	vadd.s32 v9, v18  }
0x17e: {  	v41 =	vmov s11  }
0x17f: {  	v22 =	vshrl.u32 v41, $0x3  }
0x180: {  	v22 =	vshll.u32 v22, v2  }
0x181: {  	[tilespmem:v40+s22+$0x0] =	vst.idx.msk $0xffff, v19;
	v19 =	vbroadcast v22, $0x0  }
0x182: {  	[tilespmem:v18+s22+$0x0] =	vst.idx.msk $0xffff, v21  }
0x183: {  	v18 =	vld [tilespmem:s0+$0x0];
	v42 =	vadd.s32 v10, v19  }
0x184: {  	s30 =	sadd.s32 $0xFFFFFFFE, s31;
	v21 =	vld [tilespmem:s0+$0x10];
	v19 =	vadd.s32 v11, v19  }
0x185: {  	v43 =	vmov s30  }
0x186: {  	v22 =	vshrl.u32 v43, $0x3  }
0x187: {  	v22 =	vshll.u32 v22, v2  }
0x188: {  	[tilespmem:v42+s22+$0x0] =	vst.idx.msk $0xffff, v18;
	v18 =	vbroadcast v22, $0x0  }
0x189: {  	[tilespmem:v19+s22+$0x0] =	vst.idx.msk $0xffff, v21  }
0x18a: {  	v19 =	vld [tilespmem:s0+$0x28];
	v44 =	vadd.s32 v12, v18  }
0x18b: {  	s11 =	sadd.s32 $0xFFFFFFFF, s31;
	v21 =	vld [tilespmem:s0+$0x38];
	v18 =	vadd.s32 v13, v18  }
0x18c: {  	v45 =	vmov s11  }
0x18d: {  	v22 =	vshrl.u32 v45, $0x3  }
0x18e: {  	v22 =	vshll.u32 v22, v2  }
0x18f: {  	[tilespmem:v44+s22+$0x0] =	vst.idx.msk $0xffff, v19;
	v19 =	vbroadcast v22, $0x0  }
0x190: {  	[tilespmem:v18+s22+$0x0] =	vst.idx.msk $0xffff, v21  }
0x191: {  	v18 =	vld [tilespmem:s0+$0x50];
	v46 =	vadd.s32 v14, v19  }
0x192: {  	v21 =	vld [tilespmem:s0+$0x60];
	v19 =	vadd.s32 v15, v19  }
0x193: {  	v47 =	vmov s31  }
0x194: {  	v22 =	vshrl.u32 v47, $0x3  }
0x195: {  	v22 =	vshll.u32 v22, v2  }
0x196: {  	[tilespmem:v46+s22+$0x0] =	vst.idx.msk $0xffff, v18;
	v18 =	vbroadcast v22, $0x0  }
0x197: {  	[tilespmem:v19+s22+$0x0] =	vst.idx.msk $0xffff, v21  }
0x198: {  	v19 =	vld [tilespmem:s0+$0x78];
	v48 =	vadd.s32 v16, v18  }
0x199: {  	v21 =	vld [tilespmem:s0+$0x88];
	v18 =	vadd.s32 v17, v18;
	_ =	sdelay $0x2  }
0x19a: {  	s30 =	smul.u32 $0x320, s29  }
0x19b: {  	[tilespmem:v48+s22+$0x0] =	vst.idx.msk $0xffff, v19  }
0x19c: {  	s0 =	sshra.s32 s30, $0x2;
	[tilespmem:v18+s22+$0x0] =	vst.idx.msk $0xffff, v21  }
0x19d: {  	v18 =	vld [tilespmem:s0+$0x0]  }
0x19e: {  	v19 =	vld [tilespmem:s0+$0x10]  }
0x19f: {  	v20 =	vld [tilespmem:s0+$0x20]  }
0x1a0: {  	v52 =	vld [tilespmem:s0+$0x80]  }
0x1a1: {  	v21 =	vld [tilespmem:s0+$0x30]  }
0x1a2: {  	v49 =	vld [tilespmem:s0+$0x40]  }
0x1a3: {  	v23 =	vld [tilespmem:s0+$0x50];
	vm1 =	vne.s32 v18, $0x0  }
0x1a4: {  	vm2 =	vne.s32 v19, $0x0;
	v18 =	vld [tilespmem:s0+$0x60];
	v19 =	vsel vm1, $0x1, v1  }
0x1a5: {  	v50 =	vld [tilespmem:s0+$0x70];
	v24 =	vsel vm2, $0x1, v1;
	vm1 =	vne.s32 v20, $0x0;
	vm2 =	vne.s32 v52, $0x0  }
0x1a6: {  	v54 =	vld [tilespmem:s0+$0x90];
	v19 =	vadd.s32 v19, v24;
	v51 =	vsel vm1, $0x1, v1;
	vm1 =	vne.s32 v21, $0x0  }
0x1a7: {  	v59 =	vld [tilespmem:s0+$0xB8];
	v19 =	vadd.s32 v51, v19;
	v53 =	vsel vm1, $0x1, v1;
	vm1 =	vne.s32 v49, $0x0  }
0x1a8: {  	v56 =	vld [tilespmem:s0+$0xA0];
	v19 =	vadd.s32 v53, v19;
	v55 =	vsel vm1, $0x1, v1;
	vm1 =	vne.s32 v23, $0x0  }
0x1a9: {  	v19 =	vadd.s32 v55, v19;
	v57 =	vsel vm1, $0x1, v1;
	vm1 =	vne.s32 v18, $0x0;
	v18 =	vld [tilespmem:s0+$0xB0]  }
0x1aa: {  	v19 =	vadd.s32 v57, v19;
	v58 =	vsel vm1, $0x1, v1;
	vm1 =	vne.s32 v50, $0x0  }
0x1ab: {  	v61 =	vsel vm2, $0x1, v1;
	v19 =	vadd.s32 v58, v19;
	v60 =	vsel vm1, $0x1, v1  }
0x1ac: {  	vm2 =	vne.s32 v59, $0x0;
	vm1 =	vne.s32 v54, $0x0;
	v19 =	vadd.s32 v60, v19  }
0x1ad: {  	v62 =	vsel vm1, $0x1, v1;
	vm1 =	vne.s32 v56, $0x0;
	v19 =	vadd.s32 v61, v19  }
0x1ae: {  	v63 =	vsel vm1, $0x1, v1;
	v19 =	vadd.s32 v62, v19;
	vm1 =	vne.s32 v18, $0x0  }
0x1af: {  	v18 =	vsel vm1, $0x1, v1;
	v19 =	vadd.s32 v63, v19;
	vm1 =	vmand vm2, vm0  }
0x1b0: {  	v18 =	vadd.s32 v18, v19;
	v19 =	vsel vm1, $0x1, v1  }
0x1b1: {  	v18 =	vadd.s32 v19, v18  }
0x1b2: {  	(xrf0) =	vadd.scan.msk.s32 $0xffff, v18;
	_ =	sdelay $0x3  }
0x1b3: {  	v18 =	vmov s29;
	_ =	sdelay $0x1  }
.Ltmp4:
0x1b4: {  	s31 =	sadd.s32 s3, s29;
	v19, _, _ =	vpop (xrf0);
	(pc) =	sbr.rel @p1 .LBB2_8-.Ltmp4, $3  }
0x1b5: {  	s0 =	smul.u32 $0x320, s31;
	v19 =	vbroadcast v19, $0xF;
	_ =	sdelay $0x1  }
0x1b6: {  	s0 =	sadd.s32 s2, s0;
	[tilespmem:v18+s20+$0x0] =	vst.idx.msk $0x1, v19  }
0x1b7: {  	[hbm4b:s0+s4] =	stream.linear.scatter [tilespmem:s22], [sflag:$0x4], $0x1900, $0x38;
	[tilespmem:$0xD500] =	vst v63  }
.Ltmp5:
0x1b8: {  	(pc) =	sbr.rel .LBB2_2-.Ltmp5, $4  }
0x1b9: {  	s0 =	sadd.s32 $0x258, s28  }
0x1ba: {  	[tilespmem:s15], [sflag:$0x2] =	stream.indirect.gather [hbm4b:s5+s10], $0x28, s0, s10, $0xb8;
	[tilespmem:$0xD500] =	vst v63  }
0x1bb: {  	s31 =	sadd.s32 $0x2C0, s28;
	s26 =	sadd.s32 $0x1, s26  }
0x1bc: {  	[tilespmem:s17], [sflag:$0x2] =	stream.indirect.gather [hbm4b:s5+s12], $0x28, s31, s12, $0xb8;
	[tilespmem:$0xD500] =	vst v63  }
.LBB2_9:
0x1bd: {  	_ =	sfence.sel $0x180000  }
0x1be: {  	[bflag:$0x0] =	sbarrier.arrive $0xFFFF  }
0x1bf: {  	_ =	strace $0x9000004A  }
0x1c0: {  	s0 =	stileid.u32;
	[bflag:$0x2] =	sbarrier.arrive $0xFFFF  }
0x1c1: {  	p0 =	sne.s32 s0, $0x0;
	s0 =	rddreg [dreg:$0x3]  }
0x1c2: {  	s0 =	sadd.s32 @!p0 $0x100000, s0  }
0x1c3: {  	[sflag:s0] =	ssyncadd.tile.s32 @!p0 $0x1;
	_ =	shalt  }
.Lfunc_end2:
_tile_overlayer_lowered:
.L_overlay_start_2:
0x1c4: {  	(tag) =	ssettag $0x2  }
0x1c5: {  	s0 =	rddreg [dreg:$0x0];
	s2 =	stileid.u32  }
0x1c6: {  	s1 =	rddreg [dreg:$0x1];
	p0 =	sne.s32 s2, $0x0  }
0x1c7: {  	s3 =	rddreg [dreg:$0x2];
	[bflag:$0x3] =	sbarrier.arrive $0xFFFF;
	s2 =	simm.s32 @!p0 $0x1C05  }
0x1c8: {  	[timem:s3], [sflag:s2] =	dma.local @!p0 [hbm:s0], s1  }
0x1c9: {  	s0 =	simm.s32 @!p0 $0x5  }
0x1ca: {  	_ =	swait.ge @!p0 [sflag:s0], s1  }
0x1cb: {  	s1 =	ssub.s32 @!p0 $0x0, s1;
	[sflag:s0] =	ssyncset.done @!p0 $0x0  }
0x1cc: {  	[sflag:s0] =	ssyncadd.s32 @!p0 s1  }
0x1cd: {  	[bflag:$0x3] =	sbarrier.arrive $0xFFFF  }
0x1ce: {  	_ =	shalt  }

// kernel: sparse-core-data-format-call.cloned.1.call-start
scs
called_computation_lowered:
.L_overlay_start_0:
0x0: {  	s2 =	sld [smem:$0x3FD9]  }
0x1: {  	s3 =	sld [smem:$0x3FFE];
	_ =	sdelay $0x1  }
0x2: {  	s1 =	srdreg.scid  }
0x3: {  	s0 =	sand.u32 $0x1, s1  }
0x4: {  	s15 =	sshll.u32 s0, $0xA;
	s2 =	sadd.s32 s3, s2  }
0x5: {  	s2 =	sadd.s32 s2, s15  }
0x6: {  	[smem:$0x3FC6] =	sst s2  }
0x7: {  	_ = 	snop  }
0x8: {  	s2 =	sld [smem:$0x3FD0];
	_ =	sdelay $0x2  }
0x9: {  	s16 =	simm.s32 $0xA;
	s4 =	simm.s32 $0x10  }
0xa: {  	[smem:s4], [sflag:s16] =	dma.local [hbm:s2], $0x1  }
0xb: {  	_ =	swait.eq [sflag:s16], $0x1  }
0xc: {  	[sflag:s16] =	ssyncset.done $0x0  }
0xd: {  	[sflag:s16] =	ssyncadd.s32 $0xFFFFFFFF  }
0xe: {  	s17 =	sld [smem:$0x10];
	(tm) =	ssettm $0x1  }
0xf: {  	s18 =	sld [smem:$0x3FFB];
	_ =	sdelay $0x3  }
0x10: {  	_ =	strace s18  }
0x11: {  	s3 =	sld [smem:$0x3FFC];
	_ =	sdelay $0x3  }
0x12: {  	_ =	strace s3  }
0x13: {  	s3 =	sld [smem:$0x3FFD];
	_ =	sdelay $0x3  }
0x14: {  	_ =	strace s3  }
0x15: {  	_ =	strace $0x8FFFFFFF  }
0x16: {  	s19 =	sld [smem:$0x3FDB];
	_ =	sdelay $0x1  }
0x17: {  	s20 =	simm.s32 $_scs_section_size  }
0x18: {  	s5 =	simm.s32 $_size__tile_overlayer_lowered;
	s6 =	simm.s32 $_tile_overlayer_lowered  }
0x19: {  	s23 =	simm.s32 $0x1BFF;
	s22 =	sshll.u32 s6, $0x1;
	s3 =	sadd.s32 s20, s19  }
0x1a: {  	s7 =	simm.s32 $0x0;
	s21 =	sshll.u32 s5, $0x1;
	s5 =	sadd.s32 s22, s3  }
0x1b: {  	[timem:s7], [sflag:s23] =	dma.local [hbm:s5], s21  }
0x1c: {  	_ =	swait.ge [sflag:s23], s21  }
0x1d: {  	s4 =	ssub.s32 $0x0, s21;
	[sflag:s23] =	ssyncset.done $0x0  }
0x1e: {  	[sflag:s23] =	ssyncadd.s32 s4;
	_ =	sdelay $0x1  }
0x1f: {  	s24 =	simm.s32 $0x1B8B  }
0x20: {  	_ =	swait.ge [sflag:s24], $0x1  }
0x21: {  	[sflag:s24] =	ssyncset.done $0x0  }
0x22: {  	s26 =	simm.s32 $0x1B8E;
	s25 =	sld [smem:$0x3FFE];
	[sflag:s24] =	ssyncadd.s32 $0xFFFFFFFF  }
0x23: {  	s27 =	simm.s32 $execute0_lowered;
	[smem:$0x3FD2] =	sst s26  }
0x24: {  	s5 =	sshll.u32 s27, $0x1;
	_ =	strace $0x8000004C;
	[dreg:$0x1] =	wrdreg $0xFFFFFFFF  }
0x25: {  	s28 =	simm.s32 $_size_execute0_lowered;
	s3 =	sadd.s32 s3, s5;
	[dreg:$0x0] =	wrdreg $0x0  }
0x26: {  	s5 =	sshll.u32 s28, $0x1;
	[dreg:$0x2] =	wrdreg s3  }
0x27: {  	[dreg:$0x3] =	wrdreg s5  }
0x28: {  	[dreg:$0x4] =	wrdreg $0xC0  }
0x29: {  	_ =	task [dreg:s7], $0x5FFFF  }
0x2a: {  	[dreg:$0x1] =	wrdreg $0xFFFFFFFF  }
0x2b: {  	[dreg:$0x0] =	wrdreg $0x60  }
0x2c: {  	[dreg:$0x2] =	wrdreg s25  }
0x2d: {  	[dreg:$0x3] =	wrdreg s17  }
0x2e: {  	[dreg:$0x4] =	wrdreg $0x9  }
0x2f: {  	_ =	task.clear_ibuf [dreg:s7], $0x5FFFF;
	_ =	strace $0x9000004C  }
0x30: {  	s29 =	simm.s32 $0x9;
	_ =	strace $0x8000004E  }
0x31: {  	_ =	swait.ge [sflag:s29], $0x1  }
0x32: {  	[sflag:s29] =	ssyncadd.s32 $0xFFFFFFFF  }
0x33: {  	_ =	strace $0x9000004E  }
0x34: {  	_ =	sfence  }
0x35: {  	s30 =	sld [smem:$0x0];
	_ =	sdelay $0x2  }
0x36: {  	s31 =	sshll.u32 s1, $0xD;
	s1 =	sshrl.u32 s1, $0x2  }
0x37: {  	s3 =	sand.u32 $0x4000, s31;
	s1 =	sadd.s32 s1, s30  }
0x38: {  	s0 =	sor.u32 s3, s0;
	s1 =	sshll.u32 s1, $0x11  }
0x39: {  	s0 =	sor.u32 s1, s0  }
0x3a: {  	s0 =	sadd.s32 $0x8F2B, s0  }
0x3b: {  	[sflag:s0] =	ssyncadd.remote.s32 $0x1  }
0x3c: {  	_ =	sfence.sel $0xFFFF  }
0x3d: {  	[dreg:$0x0] =	wrdreg $0xFFFFFFFF;
	(pc) =	sbr.abs _section_cstart, $3  }
0x3e: {  	[dreg:$0x1] =	wrdreg $0xFFFFFFFF  }
0x3f: {  	_ =	task.clear_ibuf [dreg:s7], $0x2FFFF;
	_ =	strace $0x9FFFFFFF  }
0x40: {  	(tm) =	ssettm $0x7FFFFFFF  }
0x41: {  	_ =	shalt  }
tec
execute0_lowered:
.L_overlay_start_1:
0x0: {  	(tag) =	ssettag $0x1  }
0x1: {  	s5 =	rddreg [dreg:$0x0]  }
0x2: {  	s0 =	srdreg.scid;
	s3 =	rddreg [dreg:$0x1];
	s7 =	simm.s32 $0x1  }
0x3: {  	s8 =	simm.s32 $0x2;
	s16 =	simm.s32 $0x0;
	s1 =	sshll.u32 s0, $0x4  }
0x4: {  	s18 =	simm.s32 $0x0;
	s0 =	stileid.u32;
	s1 =	sand.u32 $0x10, s1  }
0x5: {  	s17 =	simm.s32 $0x0;
	s9 =	simm.s32 $0x0;
	s1 =	sor.u32 s0, s1  }
0x6: {  	s10 =	simm.s32 $0x0;
	s11 =	simm.s32 $0x0;
	s2 =	sshll.u32 s1, $0x7  }
0x7: {  	s12 =	simm.s32 $0x0;
	s13 =	simm.s32 $0x0;
	s6 =	ssub.s32 $0x1000, s2  }
0x8: {  	s15 =	simm.s32 $0x0;
	s5 =	sadd.s32 $0x1200, s5;
	s4 =	sand.u32 $0xF80, s6  }
.Ltmp0:
0x9: {  	s1 =	rddreg [dreg:$0x2];
	p0 =	sne.s32 s4, $0x0;
	(pc) =	sbr.rel .LBB1_1-.Ltmp0, $4  }
0xa: {  	_ =	strace $0x8000004D;
	s6 =	sshrl.u32 s6, $0xC;
	s7 =	simm.s32 @!p0 $0x0  }
0xb: {  	s14 =	smov.u32 s2;
	s4 =	simm.s32 $0x1;
	s6 =	sadd.s32 s7, s6  }
0xc: {  	[sflag:s4] =	ssyncpa.u1 $0x0;
	p0 =	por $0x0, $0x0;
	s6 =	sshll.u32 s6, $0x6  }
0xd: {  	[sflag:s8] =	ssyncpa.u1 $0x0;
	s8 =	simm.s32 $0x8000;
	s7 =	sor.u32 $0x1, s6  }
.LBB1_4:
0xe: {  	s23 =	sshra.s32 s23, $0x2;
	s30 =	sshll.u32 s9, $0xC  }
0xf: {  	p1 =	sgt.s32 s10, $0x1F;
	s24 =	smov.u32 s10;
	s25 =	sshra.s32 s10, $0x1F  }
0x10: {  	s26 =	sshll.u32 s11, $0x3;
	s28 =	smov.u32 s11;
	s29 =	sshra.s32 s11, $0x1F  }
0x11: {  	s22 =	sadd.s32 s23, s22;
	s24 =	simm.s32 @!p1 $0x1F;
	s25 =	sand.u32 s25, s10  }
0x12: {  	s23 =	sand.u32 $0xFFFF8000, s30;
	s27 =	sand.u32 $0xFFFFFC00, s26;
	p1 =	sgt.s32 s9, $0x48  }
0x13: {  	s31 =	sand.u32 s29, s11;
	s29 =	sshll.u32 s9, $0x7;
	s30 =	sshra.s32 s9, $0x1F  }
0x14: {  	[tilespmem:s21+$0x2040 ss:$0x81] =	vst.msk $0xffff, v4;
	s24 =	ssub.s32 s24, s25;
	s23 =	sadd.s32 s27, s23;
	s27 =	smov.u32 s9  }
0x15: {  	[tilespmem:s21+$0x2850 ss:$0x81] =	vst.msk $0xffff, v3;
	s29 =	sand.u32 $0x380, s29;
	s25 =	sadd.s32 $0xFFFFFFE1, s24;
	s27 =	simm.s32 @!p1 $0x48  }
0x16: {  	v5 =	vld [tilespmem:s20+$0xFFFFFFD0];
	[tilespmem:s21+$0x3060 ss:$0x81] =	vst.msk $0xffff, v2;
	p1 =	sgt.s32 s11, $0xF80;
	s23 =	sshrl.u32 s23, $0xC;
	s24 =	ssub.s32 $0x20, s24  }
0x17: {  	v58 =	vld [tilespmem:s20+$0xFFFFFFE0];
	[tilespmem:s21+$0x0 ss:$0x81] =	vst.msk $0xffff, v1;
	s28 =	simm.s32 @!p1 $0xF80;
	p1 =	sgt.s32 s25, $0x0;
	s21 =	smulhi.u32 $0x147AE15, s23  }
0x18: {  	v59 =	vld [tilespmem:s20+$0xFFFFFFF0];
	s25 =	ssub.s32 s28, s31;
	s28 =	sand.u32 s30, s9;
	s24 =	simm.s32 @p1 $0x0  }
0x19: {  	v60 =	vld [tilespmem:s20+$0x0];
	s27 =	ssub.s32 s27, s28;
	s31 =	sadd.s32 $0xFFFFF080, s25;
	s25 =	ssub.s32 $0x1000, s25  }
0x1a: {  	v61 =	vld [tilespmem:s20+$0x10];
	[tilespmem:s22+$0x3870 ss:$0x81] =	vst.msk $0xffff, v0;
	s21 =	smul.u32 $0xC8, s21;
	s28 =	sand.u32 $0x7, s11;
	p1 =	sgt.s32 s31, $0x7F  }
0x1b: {  	v62 =	vld [tilespmem:s20+$0x20];
	[tilespmem:s22+$0x810 ss:$0x81] =	vst.msk $0xffff, v5;
	s30 =	sadd.s32 $0xFFFFFFB8, s27;
	s31 =	sand.u32 $0x78, s11;
	s25 =	simm.s32 @p1 $0x0  }
0x1c: {  	v63 =	vld [tilespmem:s20+$0xFFFFFFC0];
	[tilespmem:s22+$0x1020 ss:$0x81] =	vst.msk $0xffff, v58;
	p1 =	sgt.s32 s30, $0x7F;
	s30 =	sand.u32 $0xC00, s26;
	s24 =	smul.u32 s25, s24  }
0x1d: {  	[tilespmem:s22+$0x1830 ss:$0x81] =	vst.msk $0xffff, v59;
	s26 =	ssub.s32 $0xC8, s27;
	s20 =	sor.u32 s31, s30;
	s31 =	smul.u32 $0x19000, s10  }
0x1e: {  	[tilespmem:s22+$0x2040 ss:$0x81] =	vst.msk $0xffff, v60;
	s21 =	ssub.s32 s23, s21;
	s26 =	simm.s32 @p1 $0x0;
	s20 =	sor.u32 s29, s20  }
0x1f: {  	[tilespmem:s22+$0x2850 ss:$0x81] =	vst.msk $0xffff, v61;
	s26 =	smul.u32 s26, s24;
	s20 =	sshrl.u32 s20, $0x3;
	s27 =	sadd.s32 s3, s31  }
0x20: {  	[tilespmem:s22+$0x3060 ss:$0x81] =	vst.msk $0xffff, v62;
	s21 =	sshll.u32 s21, $0x9;
	s29 =	sshll.u32 s28, $0x12;
	s20 =	sadd.s32 s20, s27  }
0x21: {  	[tilespmem:s22+$0x0 ss:$0x81] =	vst.msk $0xffff, v63;
	s31 =	sor.u32 $0x400, s29;
	s30 =	sand.u32 $0x3FFFFFFF, s26;
	s20 =	sadd.s32 s21, s20  }
0x22: {  	[hbm4b:s20+s31] =	stream.strided.scatter [tilespmem:s19], [sflag:$0x2], s30, s8, s31, $0x20;
	[tilespmem:$0x10100] =	vst v63  }
.LBB1_5:
0x23: {  	p1 =	slt.u32 s15, $0x2  }
0x24: {  	p2 =	sgt.s32 @!p1 s18, $0x1F  }
0x25: {  	s19 =	smov.u32 s18;
	s20 =	sshra.s32 @!p1 s18, $0x1F;
	p2 =	por !p2, p1  }
0x26: {  	s18 =	sand.u32 @!p1 s20, s18;
	s19 =	simm.s32 @p2 $0x1F  }
0x27: {  	p3 =	sgt.s32 @!p1 s16, $0x48;
	s18 =	ssub.s32 @!p1 s19, s18  }
0x28: {  	p4 =	sgt.s32 @!p1 s17, $0xF80;
	s21 =	sshra.s32 @!p1 s17, $0x1F;
	s19 =	sadd.s32 @!p1 $0xFFFFFFE1, s18  }
0x29: {  	s20 =	smov.u32 s16;
	p2 =	sgt.s32 @!p1 s19, $0x0;
	s19 =	sshra.s32 @!p1 s16, $0x1F  }
0x2a: {  	p4 =	por !p4, p1;
	s16 =	sand.u32 @!p1 s19, s16;
	s19 =	smov.u32 s17  }
0x2b: {  	p3 =	por !p3, p1;
	s17 =	sand.u32 @!p1 s21, s17;
	s19 =	simm.s32 @p4 $0xF80  }
0x2c: {  	s20 =	simm.s32 @p3 $0x48;
	s18 =	ssub.s32 @!p1 $0x20, s18;
	s17 =	ssub.s32 @!p1 s19, s17  }
0x2d: {  	p2 =	por !p2, p1;
	s16 =	ssub.s32 @!p1 s20, s16;
	s20 =	sadd.s32 @!p1 $0xFFFFF080, s17  }
0x2e: {  	s18 =	simm.s32 @!p2 $0x0;
	p3 =	sgt.s32 @!p1 s20, $0x7F  }
0x2f: {  	s19 =	sadd.s32 @!p1 $0xFFFFFFB8, s16;
	s17 =	ssub.s32 @!p1 $0x1000, s17;
	p3 =	por !p3, p1  }
0x30: {  	p2 =	sgt.s32 @!p1 s19, $0x7F;
	s19 =	sadd.s32 $0x80, s12;
	s17 =	simm.s32 @!p3 $0x0  }
0x31: {  	p3 =	sgt.s32 s19, $0xC7;
	s17 =	smul.u32 @!p1 s17, s18;
	s18 =	simm.s32 $0x1  }
0x32: {  	s16 =	ssub.s32 @!p1 $0xC8, s16;
	p2 =	por !p2, p1;
	s18 =	simm.s32 @!p3 $0x0  }
0x33: {  	s21 =	smov.u32 s14;
	s16 =	simm.s32 @!p2 $0x0;
	s20 =	sadd.s32 s18, s13  }
0x34: {  	s16 =	smul.u32 @!p1 s16, s17;
	s17 =	sadd.s32 $0x1000, s14;
	p2 =	sgt.s32 s20, $0x1F  }
0x35: {  	p0 =	por !p0, !p0;
	s22 =	simm.s32 @!p1 $0x2;
	s21 =	smov.u32 @p2 s17  }
0x36: {  	s19 =	simm.s32 @p3 $0x0;
	s20 =	simm.s32 @p2 $0x0;
	p2 =	sgt.s32 s21, $0xFFF  }
0x37: {  	s18 =	smov.u32 s10;
	s21 =	smov.u32 @p2 s2;
	p2 =	sne.s32 s15, s7  }
.Ltmp1:
0x38: {  	s10 =	smov.u32 s13;
	s16 =	sand.u32 @!p1 $0x3FFFFFFF, s16;
	(pc) =	sbr.rel @!p2 .LBB1_6-.Ltmp1, $4  }
0x39: {  	s17 =	smov.u32 s11;
	s11 =	smov.u32 s14;
	_ =	swait.ge @!p1 [sflag:s22], s16  }
0x3a: {  	s23 =	ssub.s32 @!p1 $0x0, s16;
	s16 =	smov.u32 s9;
	s9 =	smov.u32 s12  }
0x3b: {  	s12 =	smov.u32 s19;
	s13 =	smov.u32 s20;
	[sflag:s22] =	ssyncset.done @!p1 $0x0  }
0x3c: {  	s15 =	sadd.s32 $0x1, s15;
	[sflag:s22] =	ssyncadd.s32 @!p1 s23;
	s14 =	smov.u32 s21  }
.LBB1_1:
0x3d: {  	p1 =	sge.u32 s15, s6  }
0x3e: {  	s31 =	sadd.s32 $0xFFFFFFFF, s15;
	s19 =	sxor.u32 @!p1 $0xFFFFFFFF, s15  }
0x3f: {  	s20 =	sshll.u32 @!p1 s13, $0x8;
	s21 =	sshll.u32 @!p1 s12, $0x3;
	s22 =	sshll.u32 @!p1 s13, $0x7  }
0x40: {  	s23 =	sand.u32 @!p1 $0x78, s12;
	s20 =	sand.u32 @!p1 $0x1800, s20;
	s21 =	sand.u32 @!p1 $0x1C00, s21  }
0x41: {  	s19 =	sshll.u32 @!p1 s19, $0xE;
	s20 =	sadd.s32 @!p1 s20, s21;
	s21 =	sand.u32 @!p1 $0x300, s22  }
0x42: {  	s19 =	sand.u32 @!p1 $0x4000, s19;
	s20 =	sor.u32 @!p1 s21, s20;
	s21 =	sand.u32 @!p1 $0x80, s22  }
0x43: {  	s22 =	sshll.u32 @!p1 s14, $0xA;
	s21 =	sor.u32 @!p1 s23, s21;
	s20 =	sshrl.u32 @!p1 s20, $0x3  }
0x44: {  	s22 =	sadd.s32 @!p1 s5, s22;
	s23 =	sand.u32 @!p1 $0x7, s12;
	s21 =	sshrl.u32 @!p1 s21, $0x3  }
0x45: {  	s20 =	sand.u32 @!p1 $0x3E0, s20;
	s21 =	sadd.s32 @!p1 s21, s22;
	s22 =	sshll.u32 @!p1 s23, $0x12  }
0x46: {  	s20 =	sadd.s32 @!p1 s20, s21;
	s21 =	sor.u32 @!p1 $0x80, s22;
	s22 =	simm.s32 @!p1 $0x2000  }
0x47: {  	[tilespmem:s19], [sflag:$0x1] =	stream.strided.gather @!p1 [hbm4b:s20+s21], $0x4000, s22, s21, $0x38;
	[tilespmem:$0x10100] =	vst v63  }
0x48: {  	p1 =	sge.u32 s31, s6  }
.Ltmp2:
0x49: {  	_ = 	snop;
	(pc) =	sbr.rel @p1 .LBB1_5-.Ltmp2, $1  }
0x4a: {  	_ =	sdelay $0x3  }
0x4b: {  	s19 =	simm.s32 $0x1  }
0x4c: {  	_ =	swait.ge [sflag:s4], $0x4000;
	s19 =	simm.s32 @!p0 $0x0  }
0x4d: {  	[sflag:s4] =	ssyncset.done $0x0;
	s20 =	sshll.u32 s19, $0xE  }
0x4e: {  	[sflag:s4] =	ssyncadd.s32 $0xFFFFC000;
	s20 =	sor.u32 $0x40, s20  }
0x4f: {  	s19 =	smul.u32 $0x10200, s19;
	v0 =	vld [tilespmem:s20+$0x30]  }
0x50: {  	v1 =	vld [tilespmem:s20+$0xFFFFFFD0]  }
0x51: {  	s19 =	sshrl.u32 s19, $0x2;
	v5 =	vld [tilespmem:s20+$0xFFFFFFE0]  }
0x52: {  	v6 =	vld [tilespmem:s20+$0xFFFFFFF0];
	s22 =	sor.u32 $0x8000, s19  }
0x53: {  	s31 =	sand.u32 $0x1, s15;
	v4 =	vld [tilespmem:s20+$0x0];
	s21 =	sadd.s32 $0x0, s22  }
0x54: {  	v3 =	vld [tilespmem:s20+$0x10];
	s19 =	smul.u32 $0x10200, s31;
	[tilespmem:s21+$0x3870 ss:$0x81] =	vst.msk $0xffff, v0  }
0x55: {  	v2 =	vld [tilespmem:s20+$0x20];
	[tilespmem:s21+$0x810 ss:$0x81] =	vst.msk $0xffff, v1  }
0x56: {  	s19 =	sshrl.u32 s19, $0x2;
	v1 =	vld [tilespmem:s20+$0xFFFFFFC0];
	[tilespmem:s21+$0x1020 ss:$0x81] =	vst.msk $0xffff, v5;
	s20 =	sadd.s32 $0x80, s20  }
0x57: {  	s23 =	simm.s32 $0x4;
	s24 =	simm.s32 $0x8;
	s19 =	sor.u32 $0x8000, s19;
	[tilespmem:s21+$0x1830 ss:$0x81] =	vst.msk $0xffff, v6;
	v0 =	vld [tilespmem:s20+$0x30]  }
.LBB1_3:
0x58: {  	p1 =	sne.s32 s24, $0x1FC;
	v5 =	vld [tilespmem:s20+$0xFFFFFFD0];
	[tilespmem:s21+$0x2040 ss:$0x81] =	vst.msk $0xffff, v4  }
0x59: {  	v6 =	vld [tilespmem:s20+$0xFFFFFFE0];
	[tilespmem:s21+$0x2850 ss:$0x81] =	vst.msk $0xffff, v3  }
0x5a: {  	s25 =	sshra.s32 s23, $0x2;
	s23 =	smov.u32 s24;
	v7 =	vld [tilespmem:s20+$0xFFFFFFF0];
	[tilespmem:s21+$0x3060 ss:$0x81] =	vst.msk $0xffff, v2  }
.Ltmp3:
0x5b: {  	v4 =	vld [tilespmem:s20+$0x0];
	[tilespmem:s21+$0x0 ss:$0x81] =	vst.msk $0xffff, v1;
	s21 =	sadd.s32 s25, s22;
	(pc) =	sbr.rel @p1 .LBB1_3-.Ltmp3, $4  }
0x5c: {  	v3 =	vld [tilespmem:s20+$0x10];
	[tilespmem:s21+$0x3870 ss:$0x81] =	vst.msk $0xffff, v0  }
0x5d: {  	[tilespmem:s21+$0x810 ss:$0x81] =	vst.msk $0xffff, v5;
	v2 =	vld [tilespmem:s20+$0x20]  }
0x5e: {  	v1 =	vld [tilespmem:s20+$0xFFFFFFC0];
	[tilespmem:s21+$0x1020 ss:$0x81] =	vst.msk $0xffff, v6;
	s20 =	sadd.s32 $0x80, s20  }
0x5f: {  	s24 =	sadd.s32 $0x4, s24;
	v0 =	vld [tilespmem:s20+$0x30];
	[tilespmem:s21+$0x1830 ss:$0x81] =	vst.msk $0xffff, v7  }
.Ltmp4:
0x60: {  	_ = 	snop;
	(pc) =	sbr.rel .LBB1_4-.Ltmp4, $1  }
0x61: {  	_ =	sdelay $0x3  }
.LBB1_6:
0x62: {  	_ =	sfence.sel $0x180000  }
0x63: {  	s2 =	simm.s32 $0x1;
	[bflag:$0x0] =	sbarrier.arrive $0xFFFF  }
0x64: {  	s31 =	simm.s32 $0x2;
	[sflag:s2] =	ssyncpa.u1 $0x1  }
0x65: {  	[sflag:s31] =	ssyncpa.u1 $0x1  }
0x66: {  	p0 =	sne.s32 s0, $0x0;
	_ =	strace $0x9000004D  }
0x67: {  	s0 =	sadd.s32 @!p0 $0x100000, s1;
	[bflag:$0x2] =	sbarrier.arrive $0xFFFF  }
0x68: {  	[sflag:s0] =	ssyncadd.tile.s32 @!p0 $0x1;
	_ =	shalt  }
.Lfunc_end1:
_tile_overlayer_lowered:
.L_overlay_start_2:
0x69: {  	(tag) =	ssettag $0x2  }
0x6a: {  	s0 =	rddreg [dreg:$0x0];
	s2 =	stileid.u32  }
0x6b: {  	s1 =	rddreg [dreg:$0x1];
	p0 =	sne.s32 s2, $0x0  }
0x6c: {  	s3 =	rddreg [dreg:$0x2];
	[bflag:$0x3] =	sbarrier.arrive $0xFFFF;
	s2 =	simm.s32 @!p0 $0x1C01  }
0x6d: {  	[timem:s3], [sflag:s2] =	dma.local @!p0 [hbm:s0], s1  }
0x6e: {  	s0 =	simm.s32 @!p0 $0x1  }
0x6f: {  	_ =	swait.ge @!p0 [sflag:s0], s1  }
0x70: {  	s1 =	ssub.s32 @!p0 $0x0, s1;
	[sflag:s0] =	ssyncset.done @!p0 $0x0  }
0x71: {  	[sflag:s0] =	ssyncadd.s32 @!p0 s1  }
0x72: {  	[bflag:$0x3] =	sbarrier.arrive $0xFFFF  }
0x73: {  	_ =	shalt  }

</sc_bundles>
